<compile_context>
chip_gen: v7x
topology: tpu7x:2x2x1
jax: 0.10.2.dev20260603
libtpu: 0.0.44.dev20260713+nightly
codegen_flags: <defaults>
</compile_context>

<pallas_src>
import functools

import numpy as np

import jax
import jax.numpy as jnp
from jax import lax
from jax.experimental import pallas as pl
from jax.experimental.pallas import tpu as pltpu
from jax.experimental.pallas import tpu_sc as plsc

_B = 16384
_H = 200
_D = 1910
_HID = 256
_EPS = 1e-5
_NW = 32
_RW = _B // _NW
_GROUP = 8
_F32 = jnp.float32

_PERM = np.concatenate([np.arange(0, 922), np.arange(954, 1110),
                        np.arange(1142, 1910), np.arange(922, 954),
                        np.arange(1110, 1142)]).astype(np.int32)



_SCH = 64
_SW = (16, 8, 8, 16, 32, 32, 8, 16, 32, 64)


def _sc_small_body(idxs, eye16, tg, tp, ta, tl, tu, tnt, tt1, tt2, tt3,
                   o_qft, o_g, o_p, o_a, o_l, o_u, o_nt, o_t1, o_t2, o_t3,
                   sidx, b_qft, b_g, b_p, b_a, b_l, b_u, b_nt, b_t1, b_t2,
                   b_t3, gsem, ssem):
    wid = lax.axis_index("s") * 2 + lax.axis_index("c")
    tabs = (eye16, tg, tp, ta, tl, tu, tnt, tt1, tt2, tt3)
    bufs = (b_qft, b_g, b_p, b_a, b_l, b_u, b_nt, b_t1, b_t2, b_t3)
    outs = (o_qft, o_g, o_p, o_a, o_l, o_u, o_nt, o_t1, o_t2, o_t3)

    def small_chunk(c, _):
        base = wid * _RW + c * _SCH
        row = base // 128
        col = base % 128
        pltpu.sync_copy(idxs.at[:, pl.ds(row, 1), pl.ds(col, _SCH)], sidx)

        @pl.when(c > 0)
        def _():
            for t in range(10):
                pltpu.make_async_copy(bufs[t], outs[t].at[pl.ds(0, _SCH)],
                                      ssem).wait()

        cps = [pltpu.async_copy(tabs[t].at[sidx.at[t, 0]], bufs[t], gsem)
               for t in range(10)]
        for cp in cps:
            cp.wait()
        for t in range(10):
            pltpu.async_copy(bufs[t], outs[t].at[pl.ds(base, _SCH)], ssem)
        return 0

    lax.fori_loop(0, _RW // _SCH, small_chunk, 0)
    for t in range(10):
        pltpu.make_async_copy(bufs[t], outs[t].at[pl.ds(0, _SCH)], ssem).wait()


def _sc_small(idxs, eye16, tg, tp, ta, tl, tu, tnt, tt1, tt2, tt3):
    mesh = plsc.VectorSubcoreMesh(core_axis_name="c", subcore_axis_name="s")
    out_type = [jax.ShapeDtypeStruct((_B, w), _F32) for w in _SW]
    scratch_types = (
        [pltpu.VMEM((10, 1, _SCH), jnp.int32)]
        + [pltpu.VMEM((_SCH, w), _F32) for w in _SW]
        + [pltpu.SemaphoreType.DMA] * 2
    )
    fn = functools.partial(
        pl.kernel, mesh=mesh, out_type=out_type,
        scratch_types=scratch_types,
        compiler_params=pltpu.CompilerParams(use_tc_tiling_on_sc=False),
    )(_sc_small_body)
    return fn(idxs, eye16, tg, tp, ta, tl, tu, tnt, tt1, tt2, tt3)


def _sc_hist_body(tab, hist128, note1d, o_hist, o_note,
                  nidx, nrows, hidxP, hrowsA, hrowsB, haccA, haccB,
                  gsem, ssem, hsemA, hsemB, stsemA, stsemB):
    wid = lax.axis_index("s") * 2 + lax.axis_index("c")

    def stage(i):
        rowb = (wid * 32 + i) * 25
        pltpu.sync_copy(hist128.at[pl.ds(rowb, 25)], hidxP)

    def fire_a(hsem):
        for j in range(12):
            pltpu.async_copy(tab.at[hidxP.at[j]],
                             hrowsA.at[pl.ds(j * 128, 128)], hsem)
        pltpu.async_copy(tab.at[hidxP.at[12, pl.ds(0, 64)]],
                         hrowsA.at[pl.ds(1536, 64)], hsem)

    def fire_b(hsem):
        pltpu.async_copy(tab.at[hidxP.at[12, pl.ds(64, 64)]],
                         hrowsB.at[pl.ds(0, 64)], hsem)
        for j in range(12):
            pltpu.async_copy(tab.at[hidxP.at[13 + j]],
                             hrowsB.at[pl.ds(64 + j * 128, 128)], hsem)

    def drain_gathers(hrows, hsem):
        pltpu.make_async_copy(tab.at[pl.ds(0, _GROUP * _H)], hrows,
                              hsem).wait()

    def accumulate(hrows, hacc):
        def row_acc(r, _):
            base = r * _H
            zero = jnp.zeros((16,), _F32)

            def step(k, carry):
                a0, a1, b0, b1 = carry
                o = base + k * 8
                for u in range(8):
                    lo = hrows[o + u, pl.ds(0, 16)]
                    hi = hrows[o + u, pl.ds(16, 16)]
                    if u % 2 == 0:
                        a0 = a0 + lo
                        a1 = a1 + hi
                    else:
                        b0 = b0 + lo
                        b1 = b1 + hi
                return (a0, a1, b0, b1)

            a0, a1, b0, b1 = lax.fori_loop(0, _H // 8, step,
                                           (zero, zero, zero, zero))
            hacc[r, pl.ds(0, 16)] = (a0 + b0) * (1.0 / _H)
            hacc[r, pl.ds(16, 16)] = (a1 + b1) * (1.0 / _H)
            return 0

        lax.fori_loop(0, _GROUP, row_acc, 0)

    def fire_store(g, hacc, stsem):
        r0 = wid * _RW + g * _GROUP
        pltpu.async_copy(hacc, o_hist.at[pl.ds(r0, _GROUP)], stsem)

    def drain_store(hacc, stsem):
        pltpu.make_async_copy(hacc, o_hist.at[pl.ds(0, _GROUP)], stsem).wait()

    stage(0)
    fire_a(hsemA)
    fire_b(hsemB)

    def note_chunk(c, _):
        base = wid * _RW + c * 128
        pltpu.sync_copy(note1d.at[pl.ds(base, 128)], nidx)

        @pl.when(c > 0)
        def _():
            pltpu.make_async_copy(nrows, o_note.at[pl.ds(0, 128)],
                                  ssem).wait()

        pltpu.async_copy(tab.at[nidx], nrows, gsem).wait()
        pltpu.async_copy(nrows, o_note.at[pl.ds(base, 128)], ssem)
        return 0

    lax.fori_loop(0, _RW // 128, note_chunk, 0)
    pltpu.make_async_copy(nrows, o_note.at[pl.ds(0, 128)], ssem).wait()

    n_pairs = _RW // (2 * _GROUP)

    def pair(i, _):
        drain_gathers(hrowsA, hsemA)

        @pl.when(i > 0)
        def _():
            drain_store(haccA, stsemA)

        accumulate(hrowsA, haccA)
        fire_store(2 * i, haccA, stsemA)
        drain_gathers(hrowsB, hsemB)

        @pl.when(i < n_pairs - 1)
        def _():
            stage(i + 1)
            fire_a(hsemA)

        @pl.when(i > 0)
        def _():
            drain_store(haccB, stsemB)

        accumulate(hrowsB, haccB)
        fire_store(2 * i + 1, haccB, stsemB)

        @pl.when(i < n_pairs - 1)
        def _():
            fire_b(hsemB)

        return 0

    lax.fori_loop(0, n_pairs, pair, 0)
    drain_store(haccA, stsemA)
    drain_store(haccB, stsemB)


def _sc_hist(tab, hist128, note1d):
    mesh = plsc.VectorSubcoreMesh(core_axis_name="c", subcore_axis_name="s")
    out_type = [
        jax.ShapeDtypeStruct((_B, 32), _F32),
        jax.ShapeDtypeStruct((_B, 32), _F32),
    ]
    scratch_types = (
        [pltpu.VMEM((128,), jnp.int32),
         pltpu.VMEM((128, 32), _F32),
         pltpu.VMEM((25, 128), jnp.int32),
         pltpu.VMEM((_GROUP * _H, 32), _F32),
         pltpu.VMEM((_GROUP * _H, 32), _F32),
         pltpu.VMEM((_GROUP, 32), _F32),
         pltpu.VMEM((_GROUP, 32), _F32)]
        + [pltpu.SemaphoreType.DMA] * 6
    )
    fn = functools.partial(
        pl.kernel, mesh=mesh, out_type=out_type,
        scratch_types=scratch_types,
        compiler_params=pltpu.CompilerParams(use_tc_tiling_on_sc=False),
    )(_sc_hist_body)
    return fn(tab, hist128, note1d)



_TILE = 512
_NT = _B // _TILE


def _cp():
    return pltpu.CompilerParams(dimension_semantics=("arbitrary",))


def _k0_body(c2_ref, hist_ref, note_ref, w1_ref, w0_ref, x0_ref, y1_ref,
             mom_ref, ys_ref, xw0_ref):
    x0 = jnp.concatenate([c2_ref[...], hist_ref[...], note_ref[...]], axis=1)
    x0_ref[...] = x0
    xw0 = jnp.dot(x0, w0_ref[...], preferred_element_type=_F32)
    y1 = jnp.dot(x0, w1_ref[...], preferred_element_type=_F32)
    y1_ref[...] = y1
    x2 = x0 * x0
    m1 = jnp.sum(x0, 0, keepdims=True)
    m2 = jnp.sum(x0 * xw0, 0, keepdims=True)
    p11 = jnp.sum(x2, 0, keepdims=True)
    p12 = jnp.sum(x2 * xw0, 0, keepdims=True)
    p22 = jnp.sum(x2 * (xw0 * xw0), 0, keepdims=True)
    mom_ref[...] = jnp.concatenate([m1, m2, p11, p12, p22], 0)[None]
    ys_ref[...] = jnp.concatenate([jnp.sum(y1, 0, keepdims=True),
                                   jnp.sum(y1 * y1, 0, keepdims=True)],
                                  0)[None]
    xw0_ref[...] = xw0


_DC2 = _D - 64


def _k0(c2, hist, note, W1, w0):
    return pl.pallas_call(
        _k0_body,
        grid=(_NT,),
        in_specs=[
            pl.BlockSpec((_TILE, _DC2), lambda i: (i, 0)),
            pl.BlockSpec((_TILE, 32), lambda i: (i, 0)),
            pl.BlockSpec((_TILE, 32), lambda i: (i, 0)),
            pl.BlockSpec((_D, _HID), lambda i: (0, 0)),
            pl.BlockSpec((_D, 1), lambda i: (0, 0)),
        ],
        out_specs=[
            pl.BlockSpec((_TILE, _D), lambda i: (i, 0)),
            pl.BlockSpec((_TILE, _HID), lambda i: (i, 0)),
            pl.BlockSpec((1, 5, _D), lambda i: (i, 0, 0)),
            pl.BlockSpec((1, 2, _HID), lambda i: (i, 0, 0)),
            pl.BlockSpec((_TILE, 1), lambda i: (i, 0)),
        ],
        out_shape=[
            jax.ShapeDtypeStruct((_B, _D), _F32),
            jax.ShapeDtypeStruct((_B, _HID), _F32),
            jax.ShapeDtypeStruct((_NT, 5, _D), _F32),
            jax.ShapeDtypeStruct((_NT, 2, _HID), _F32),
            jax.ShapeDtypeStruct((_B, 1), _F32),
        ],
        compiler_params=_cp(),
    )(c2, hist, note, W1, w0)


def _k1_body(x0_ref, y1_ref, xw0_ref, v_ref, c_ref, gb_ref, bb_ref, w2_ref,
             y2_ref, mom_ref, ys_ref, xw1_ref):
    x0 = x0_ref[...]
    xw0 = xw0_ref[...]
    e = jnp.dot(x0, v_ref[...], preferred_element_type=_F32)
    xw1 = e * (1.0 + xw0) + c_ref[0, 0]
    h1 = jnp.maximum(y1_ref[...] * gb_ref[...] + bb_ref[...], 0.0)
    y2 = jnp.dot(h1, w2_ref[...], preferred_element_type=_F32)
    y2_ref[...] = y2
    x2 = x0 * x0
    m3 = jnp.sum(x0 * xw1, 0, keepdims=True)
    p13 = jnp.sum(x2 * xw1, 0, keepdims=True)
    p23 = jnp.sum(x2 * (xw0 * xw1), 0, keepdims=True)
    p33 = jnp.sum(x2 * (xw1 * xw1), 0, keepdims=True)
    mom_ref[...] = jnp.concatenate([m3, p13, p23, p33], 0)[None]
    ys_ref[...] = jnp.concatenate([jnp.sum(y2, 0, keepdims=True),
                                   jnp.sum(y2 * y2, 0, keepdims=True)],
                                  0)[None]
    xw1_ref[...] = xw1


def _k1(x0, Y1p, xw0, v, c, gb, bb, W2):
    return pl.pallas_call(
        _k1_body,
        grid=(_NT,),
        in_specs=[
            pl.BlockSpec((_TILE, _D), lambda i: (i, 0)),
            pl.BlockSpec((_TILE, _HID), lambda i: (i, 0)),
            pl.BlockSpec((_TILE, 1), lambda i: (i, 0)),
            pl.BlockSpec((_D, 1), lambda i: (0, 0)),
            pl.BlockSpec((1, 1), lambda i: (0, 0)),
            pl.BlockSpec((1, _HID), lambda i: (0, 0)),
            pl.BlockSpec((1, _HID), lambda i: (0, 0)),
            pl.BlockSpec((_HID, _HID), lambda i: (0, 0)),
        ],
        out_specs=[
            pl.BlockSpec((_TILE, _HID), lambda i: (i, 0)),
            pl.BlockSpec((1, 4, _D), lambda i: (i, 0, 0)),
            pl.BlockSpec((1, 2, _HID), lambda i: (i, 0, 0)),
            pl.BlockSpec((_TILE, 1), lambda i: (i, 0)),
        ],
        out_shape=[
            jax.ShapeDtypeStruct((_B, _HID), _F32),
            jax.ShapeDtypeStruct((_NT, 4, _D), _F32),
            jax.ShapeDtypeStruct((_NT, 2, _HID), _F32),
            jax.ShapeDtypeStruct((_B, 1), _F32),
        ],
        compiler_params=_cp(),
    )(x0, Y1p, xw0, v, c, gb, bb, W2)


def _k2_body(x0_ref, y2_ref, xw0_ref, xw1_ref, v_ref, c_ref, gb_ref, bb_ref,
             wb_ref, zh_ref, mom_ref, xw2_ref):
    x0 = x0_ref[...]
    xw0 = xw0_ref[...]
    xw1 = xw1_ref[...]
    dd = jnp.dot(x0, v_ref[...], preferred_element_type=_F32)
    xw2 = dd[:, 0:1] * (1.0 + xw0) + dd[:, 1:2] * xw1 + c_ref[0, 0]
    h2 = jnp.maximum(y2_ref[...] * gb_ref[...] + bb_ref[...], 0.0)
    zh = jnp.dot(h2, wb_ref[...], preferred_element_type=_F32)
    zh_ref[...] = zh
    x2 = x0 * x0
    m4 = jnp.sum(x0 * xw2, 0, keepdims=True)
    p14 = jnp.sum(x2 * xw2, 0, keepdims=True)
    p24 = jnp.sum(x2 * (xw0 * xw2), 0, keepdims=True)
    p34 = jnp.sum(x2 * (xw1 * xw2), 0, keepdims=True)
    p44 = jnp.sum(x2 * (xw2 * xw2), 0, keepdims=True)
    mom_ref[...] = jnp.concatenate([m4, p14, p24, p34, p44], 0)[None]
    xw2_ref[...] = xw2


def _k2(x0, Y2p, xw0, xw1, v, c, gb, bb, wb):
    return pl.pallas_call(
        _k2_body,
        grid=(_NT,),
        in_specs=[
            pl.BlockSpec((_TILE, _D), lambda i: (i, 0)),
            pl.BlockSpec((_TILE, _HID), lambda i: (i, 0)),
            pl.BlockSpec((_TILE, 1), lambda i: (i, 0)),
            pl.BlockSpec((_TILE, 1), lambda i: (i, 0)),
            pl.BlockSpec((_D, 2), lambda i: (0, 0)),
            pl.BlockSpec((1, 1), lambda i: (0, 0)),
            pl.BlockSpec((1, _HID), lambda i: (0, 0)),
            pl.BlockSpec((1, _HID), lambda i: (0, 0)),
            pl.BlockSpec((_HID, 1), lambda i: (0, 0)),
        ],
        out_specs=[
            pl.BlockSpec((_TILE, 1), lambda i: (i, 0)),
            pl.BlockSpec((1, 5, _D), lambda i: (i, 0, 0)),
            pl.BlockSpec((_TILE, 1), lambda i: (i, 0)),
        ],
        out_shape=[
            jax.ShapeDtypeStruct((_B, 1), _F32),
            jax.ShapeDtypeStruct((_NT, 5, _D), _F32),
            jax.ShapeDtypeStruct((_B, 1), _F32),
        ],
        compiler_params=_cp(),
    )(x0, Y2p, xw0, xw1, v, c, gb, bb, wb)


def _k3_body(x0_ref, xw0_ref, xw1_ref, xw2_ref, zh_ref, f_ref, c_ref,
             z_ref, zs_ref):
    x0 = x0_ref[...]
    f = jnp.dot(x0, f_ref[...], preferred_element_type=_F32)
    z = (f[:, 0:1] * (1.0 + xw0_ref[...]) + f[:, 1:2] * xw1_ref[...]
         + f[:, 2:3] * xw2_ref[...] + zh_ref[...] + c_ref[0, 0])
    z_ref[...] = z
    zs_ref[...] = jnp.concatenate(
        [jnp.broadcast_to(jnp.sum(z), (1, 1, 128)),
         jnp.broadcast_to(jnp.sum(z * z), (1, 1, 128))], axis=1)


def _k3(x0, xw0, xw1, xw2, zh, fmat, c):
    return pl.pallas_call(
        _k3_body,
        grid=(_NT,),
        in_specs=[
            pl.BlockSpec((_TILE, _D), lambda i: (i, 0)),
            pl.BlockSpec((_TILE, 1), lambda i: (i, 0)),
            pl.BlockSpec((_TILE, 1), lambda i: (i, 0)),
            pl.BlockSpec((_TILE, 1), lambda i: (i, 0)),
            pl.BlockSpec((_TILE, 1), lambda i: (i, 0)),
            pl.BlockSpec((_D, 3), lambda i: (0, 0)),
            pl.BlockSpec((1, 1), lambda i: (0, 0)),
        ],
        out_specs=[
            pl.BlockSpec((_TILE, 1), lambda i: (i, 0)),
            pl.BlockSpec((1, 2, 128), lambda i: (i, 0, 0)),
        ],
        out_shape=[
            jax.ShapeDtypeStruct((_B, 1), _F32),
            jax.ShapeDtypeStruct((_NT, 2, 128), _F32),
        ],
        compiler_params=_cp(),
    )(x0, xw0, xw1, xw2, zh, fmat, c)


def _k4_body(z_ref, ab_ref, out_ref):
    out_ref[...] = z_ref[...] * ab_ref[0, 0] + ab_ref[0, 1]


def _k4(z, ab):
    return pl.pallas_call(
        _k4_body,
        grid=(_NT,),
        in_specs=[
            pl.BlockSpec((_TILE, 1), lambda i: (i, 0)),
            pl.BlockSpec((1, 2), lambda i: (0, 0)),
        ],
        out_specs=pl.BlockSpec((_TILE, 1), lambda i: (i, 0)),
        out_shape=jax.ShapeDtypeStruct((_B, 1), _F32),
        compiler_params=_cp(),
    )(z, ab)


def _dense_forward(c2, hist, note, cross_w, cross_b, cross_g, cross_beta,
                   W1, b1, g1, beta1, W2, b2, g2, beta2, Wout, bout, gout,
                   betaout):
    Bf = float(_B)
    wa = Wout[:_D, 0]
    wb = Wout[_D:, :]

    x0, Y1p, mom0, y1s, xw0 = _k0(c2, hist, note, W1,
                                  cross_w[0].reshape(_D, 1))
    mom0 = jnp.sum(mom0, 0) / Bf
    M1, M2, P11, P12, P22 = (mom0[0], mom0[1], mom0[2], mom0[3], mom0[4])
    y1s = jnp.sum(y1s, 0) / Bf

    t0p = cross_b[0]
    m0 = M1 + M2 + t0p
    Q0 = P11 + 2.0 * P12 + P22
    v0 = Q0 + 2.0 * t0p * (m0 - t0p) + t0p * t0p - m0 * m0
    G0 = cross_g[0] / jnp.sqrt(v0 + _EPS)
    t1 = (t0p - m0) * G0 + cross_beta[0]
    m1bn = y1s[0] + b1
    v1bn = y1s[1] - y1s[0] * y1s[0]
    Gb1 = g1 / jnp.sqrt(v1bn + _EPS)
    Bb1 = beta1 + (b1 - m1bn) * Gb1

    c1 = jnp.dot(t1, cross_w[1]).reshape(1, 1)
    Y2p, mom1, y2s, xw1 = _k1(x0, Y1p, xw0, (G0 * cross_w[1]).reshape(_D, 1),
                              c1, Gb1.reshape(1, _HID), Bb1.reshape(1, _HID),
                              W2)
    mom1 = jnp.sum(mom1, 0) / Bf
    M3, P13, P23, P33 = (mom1[0], mom1[1], mom1[2], mom1[3])
    y2s = jnp.sum(y2s, 0) / Bf

    t1p = t1 + cross_b[1]
    m1 = G0 * (M1 + M2) + M3 + t1p
    Q1 = (G0 * G0 * (P11 + 2.0 * P12 + P22) + 2.0 * G0 * (P13 + P23) + P33)
    v1 = Q1 + 2.0 * t1p * (m1 - t1p) + t1p * t1p - m1 * m1
    G1 = cross_g[1] / jnp.sqrt(v1 + _EPS)
    t2 = (t1p - m1) * G1 + cross_beta[1]
    m2bn = y2s[0] + b2
    v2bn = y2s[1] - y2s[0] * y2s[0]
    Gb2 = g2 / jnp.sqrt(v2bn + _EPS)
    Bb2 = beta2 + (b2 - m2bn) * Gb2

    c2 = jnp.dot(t2, cross_w[2]).reshape(1, 1)
    v2mat = jnp.stack([G0 * G1 * cross_w[2], G1 * cross_w[2]], axis=1)
    zh, mom2, xw2 = _k2(x0, Y2p, xw0, xw1, v2mat, c2, Gb2.reshape(1, _HID),
                        Bb2.reshape(1, _HID), wb)
    mom2 = jnp.sum(mom2, 0) / Bf
    M4, P14, P24, P34, P44 = (mom2[0], mom2[1], mom2[2], mom2[3], mom2[4])

    t2p = t2 + cross_b[2]
    a_, b_ = G0 * G1, G1
    m2 = a_ * (M1 + M2) + b_ * M3 + M4 + t2p
    Q2 = (a_ * a_ * (P11 + 2.0 * P12 + P22) + 2.0 * a_ * b_ * (P13 + P23)
          + b_ * b_ * P33 + 2.0 * a_ * (P14 + P24) + 2.0 * b_ * P34 + P44)
    v2 = Q2 + 2.0 * t2p * (m2 - t2p) + t2p * t2p - m2 * m2
    G2 = cross_g[2] / jnp.sqrt(v2 + _EPS)
    t3 = (t2p - m2) * G2 + cross_beta[2]

    c3 = (jnp.dot(t3, wa) + bout[0]).reshape(1, 1)
    fmat = jnp.stack([G0 * G1 * G2 * wa, G1 * G2 * wa, G2 * wa], axis=1)
    z, zs = _k3(x0, xw0, xw1, xw2, zh, fmat, c3)
    zs = jnp.sum(zs, 0)
    mz = zs[0, 0] / Bf
    vz = zs[1, 0] / Bf - mz * mz
    az = gout[0] / jnp.sqrt(vz + _EPS)
    ab = jnp.stack([az, betaout[0] - mz * az]).reshape(1, 2)
    return _k4(z, ab).reshape(_B)



def kernel(question_embedding, query_from_type, user_dense, gender, platform,
           age, location, user_idx, recent_clicked_note_idxs, note_embedding,
           note_dense, note_type, taxonomy1_id, taxonomy2_id, taxonomy3_id,
           note_idx, emb_gender, emb_platform, emb_age, emb_location,
           emb_user_idx, emb_note_type, emb_tax1, emb_tax2, emb_tax3,
           emb_note_idx, cross_w, cross_b, cross_g, cross_beta,
           W1, b1, g1, beta1, W2, b2, g2, beta2, Wout, bout, gout, betaout):
    i32 = jnp.int32
    eye16 = jnp.eye(16, dtype=_F32)
    idxs = jnp.stack([query_from_type, gender, platform, age, location,
                      user_idx, note_type, taxonomy1_id, taxonomy2_id,
                      taxonomy3_id]).astype(i32).reshape(10, _B // 128, 128)
    (qftoh, g_, p_, a_, loc_, u_, nt_, t1_, t2_, t3_) = _sc_small(
        idxs, eye16, emb_gender, emb_platform, emb_age, emb_location,
        emb_user_idx, emb_note_type, emb_tax1, emb_tax2, emb_tax3)
    hist, noterow = _sc_hist(
        emb_note_idx,
        recent_clicked_note_idxs.astype(i32).reshape(_B * _H // 128, 128),
        note_idx.astype(i32))
    c2 = jnp.concatenate(
        [question_embedding, qftoh, user_dense, g_, p_, a_, loc_, u_,
         note_dense, nt_, t1_, t2_, t3_, note_embedding], axis=1)
    return _dense_forward(c2, hist, noterow, cross_w[:, _PERM],
                          cross_b[:, _PERM], cross_g[:, _PERM],
                          cross_beta[:, _PERM], W1[_PERM], b1, g1, beta1,
                          W2, b2, g2, beta2,
                          jnp.concatenate([Wout[:_D][_PERM], Wout[_D:]], 0),
                          bout, gout, betaout)

# --- scband reference (transcript-rebuilt; emitter-appended) ---
"""Pipeline reference for scband-dcnmodel-32117765439583 (READ-ONLY COPY).

The authoritative reference and input builder live on the scoring server;
editing this copy changes nothing except your own understanding.
"""

import jax, jax.numpy as jnp
import numpy as np

B = 16384
H = 200
D = 1910
HID = 256
EPS = 1e-5


def bn(x, g, b):
    m = jnp.mean(x, axis=0, keepdims=True)
    v = jnp.var(x, axis=0, keepdims=True)
    return (x - m) / jnp.sqrt(v + EPS) * g + b


def setup_inputs(seed: int = 0):
    key = jax.random.key(seed)
    ks = jax.random.split(key, 48)
    inp = {}
    inp['question_embedding'] = jax.random.normal(ks[0], (B, 768), jnp.float32)
    inp['query_from_type'] = jax.random.randint(ks[1], (B,), 0, 16)
    inp['user_dense'] = jax.random.normal(ks[2], (B, 42), jnp.float32)
    inp['gender'] = jax.random.randint(ks[3], (B,), 0, 3)
    inp['platform'] = jax.random.randint(ks[4], (B,), 0, 4)
    inp['age'] = jax.random.randint(ks[5], (B,), 0, 10)
    inp['location'] = jax.random.randint(ks[6], (B,), 0, 1096)
    inp['user_idx'] = jax.random.randint(ks[7], (B,), 0, 15483)
    inp['recent_clicked_note_idxs'] = jax.random.randint(ks[8], (B, H), 0, 1983940)
    inp['note_embedding'] = jax.random.normal(ks[9], (B, 768), jnp.float32)
    inp['note_dense'] = jax.random.normal(ks[10], (B, 36), jnp.float32)
    inp['note_type'] = jax.random.randint(ks[11], (B,), 0, 8)
    inp['taxonomy1_id'] = jax.random.randint(ks[12], (B,), 0, 43)
    inp['taxonomy2_id'] = jax.random.randint(ks[13], (B,), 0, 311)
    inp['taxonomy3_id'] = jax.random.randint(ks[14], (B,), 0, 548)
    inp['note_idx'] = jax.random.randint(ks[15], (B,), 0, 1983940)
    inp['emb_gender'] = jax.random.normal(ks[16], (3, 8), jnp.float32)
    inp['emb_platform'] = jax.random.normal(ks[17], (4, 8), jnp.float32)
    inp['emb_age'] = jax.random.normal(ks[18], (10, 16), jnp.float32)
    inp['emb_location'] = jax.random.normal(ks[19], (1096, 32), jnp.float32)
    inp['emb_user_idx'] = jax.random.normal(ks[20], (15483, 32), jnp.float32)
    inp['emb_note_type'] = jax.random.normal(ks[21], (8, 8), jnp.float32)
    inp['emb_tax1'] = jax.random.normal(ks[22], (43, 16), jnp.float32)
    inp['emb_tax2'] = jax.random.normal(ks[23], (311, 32), jnp.float32)
    inp['emb_tax3'] = jax.random.normal(ks[24], (548, 64), jnp.float32)
    inp['emb_note_idx'] = jax.random.normal(ks[25], (1983940, 32), jnp.float32)
    inp['cross_w'] = jax.random.normal(ks[26], (3, D), jnp.float32)
    inp['cross_b'] = jnp.zeros((3, D), jnp.float32)
    inp['cross_g'] = jnp.ones((3, D), jnp.float32)
    inp['cross_beta'] = jnp.zeros((3, D), jnp.float32)
    inp['W1'] = jax.random.normal(ks[27], (D, HID), jnp.float32) * 0.02
    inp['b1'] = jnp.zeros((HID,), jnp.float32)
    inp['g1'] = jnp.ones((HID,), jnp.float32)
    inp['beta1'] = jnp.zeros((HID,), jnp.float32)
    inp['W2'] = jax.random.normal(ks[28], (HID, HID), jnp.float32) * 0.05
    inp['b2'] = jnp.zeros((HID,), jnp.float32)
    inp['g2'] = jnp.ones((HID,), jnp.float32)
    inp['beta2'] = jnp.zeros((HID,), jnp.float32)
    inp['Wout'] = jax.random.normal(ks[29], (HID + D, 1), jnp.float32) * 0.02
    inp['bout'] = jnp.zeros((1,), jnp.float32)
    inp['gout'] = jnp.ones((1,), jnp.float32)
    inp['betaout'] = jnp.zeros((1,), jnp.float32)
    return inp


def _forward(question_embedding, user_dense, note_dense, note_embedding,
             emb_gender, emb_platform, emb_age, emb_location, emb_user_idx,
             emb_note_type, emb_tax1, emb_tax2, emb_tax3, emb_note_idx,
             cross_w, cross_b, cross_g, cross_beta,
             W1, b1, g1, beta1, W2, b2, g2, beta2, Wout, bout, gout, betaout,
             query_from_type, gender, platform, age, location, user_idx,
             recent_clicked_note_idxs, note_type, taxonomy1_id, taxonomy2_id,
             taxonomy3_id, note_idx):
    qft = jax.nn.one_hot(query_from_type, 16, dtype=jnp.float32)
    query_vector = jnp.concatenate([question_embedding, qft], axis=-1)
    user_sparse = jnp.concatenate([
        jnp.take(emb_gender, gender, axis=0),
        jnp.take(emb_platform, platform, axis=0),
        jnp.take(emb_age, age, axis=0),
        jnp.take(emb_location, location, axis=0),
        jnp.take(emb_user_idx, user_idx, axis=0)], axis=-1)
    history = jnp.mean(jnp.take(emb_note_idx, recent_clicked_note_idxs, axis=0), axis=1)
    note_sparse = jnp.concatenate([
        jnp.take(emb_note_type, note_type, axis=0),
        jnp.take(emb_tax1, taxonomy1_id, axis=0),
        jnp.take(emb_tax2, taxonomy2_id, axis=0),
        jnp.take(emb_tax3, taxonomy3_id, axis=0),
        jnp.take(emb_note_idx, note_idx, axis=0)], axis=-1)
    combined = jnp.concatenate([query_vector, user_dense, user_sparse, history,
                                note_dense, note_sparse, note_embedding], axis=-1)
    x0 = combined
    xi = combined
    for i in range(3):
        xw = jnp.sum(xi * cross_w[i], axis=-1, keepdims=True)
        xi = x0 * xw + cross_b[i] + xi
        xi = bn(xi, cross_g[i], cross_beta[i])
    h = jax.nn.relu(bn(combined @ W1 + b1, g1, beta1))
    h = jax.nn.relu(bn(h @ W2 + b2, g2, beta2))
    final = jnp.concatenate([xi, h], axis=-1)
    logits = bn(final @ Wout + bout, gout, betaout)
    return logits.squeeze(-1)


def reference(question_embedding, query_from_type, user_dense, gender, platform,
              age, location, user_idx, recent_clicked_note_idxs, note_embedding,
              note_dense, note_type, taxonomy1_id, taxonomy2_id, taxonomy3_id,
              note_idx, emb_gender, emb_platform, emb_age, emb_location,
              emb_user_idx, emb_note_type, emb_tax1, emb_tax2, emb_tax3,
              emb_note_idx, cross_w, cross_b, cross_g, cross_beta,
              W1, b1, g1, beta1, W2, b2, g2, beta2, Wout, bout, gout, betaout):
    return _forward(
        question_embedding, user_dense, note_dense, note_embedding,
        emb_gender, emb_platform, emb_age, emb_location, emb_user_idx,
        emb_note_type, emb_tax1, emb_tax2, emb_tax3, emb_note_idx,
        cross_w, cross_b, cross_g, cross_beta,
        W1, b1, g1, beta1,
        W2, b2, g2, beta2,
        Wout, bout, gout, betaout,
        query_from_type, gender, platform, age, location, user_idx,
        recent_clicked_note_idxs, note_type, taxonomy1_id, taxonomy2_id,
        taxonomy3_id, note_idx)

if __name__ == "__main__":
    import jax
    _d = setup_inputs()
    print(jax.jit(kernel)(*tuple(_d.values())))

</pallas_src>

<mosaic_0001>
#map = affine_map<(d0, d1) -> (0, 0, 0)>
#map1 = affine_map<(d0, d1) -> (0, 0)>
module attributes {stable_mosaic.version = 14 : i64} {
  func.func @_sc_small_body(%arg0: i32, %arg1: i32, %arg2: memref<10x128x128xi32, #tpu.memory_space<hbm>>, %arg3: memref<16x16xf32, #tpu.memory_space<hbm>>, %arg4: memref<3x8xf32, #tpu.memory_space<hbm>>, %arg5: memref<4x8xf32, #tpu.memory_space<hbm>>, %arg6: memref<10x16xf32, #tpu.memory_space<hbm>>, %arg7: memref<1096x32xf32, #tpu.memory_space<hbm>>, %arg8: memref<15483x32xf32, #tpu.memory_space<hbm>>, %arg9: memref<8x8xf32, #tpu.memory_space<hbm>>, %arg10: memref<43x16xf32, #tpu.memory_space<hbm>>, %arg11: memref<311x32xf32, #tpu.memory_space<hbm>>, %arg12: memref<548x64xf32, #tpu.memory_space<hbm>>, %arg13: memref<16384x16xf32, #tpu.memory_space<hbm>>, %arg14: memref<16384x8xf32, #tpu.memory_space<hbm>>, %arg15: memref<16384x8xf32, #tpu.memory_space<hbm>>, %arg16: memref<16384x16xf32, #tpu.memory_space<hbm>>, %arg17: memref<16384x32xf32, #tpu.memory_space<hbm>>, %arg18: memref<16384x32xf32, #tpu.memory_space<hbm>>, %arg19: memref<16384x8xf32, #tpu.memory_space<hbm>>, %arg20: memref<16384x16xf32, #tpu.memory_space<hbm>>, %arg21: memref<16384x32xf32, #tpu.memory_space<hbm>>, %arg22: memref<16384x64xf32, #tpu.memory_space<hbm>>, %arg23: memref<10x1x64xi32, #tpu.memory_space<vmem>>, %arg24: memref<64x16xf32, #tpu.memory_space<vmem>>, %arg25: memref<64x8xf32, #tpu.memory_space<vmem>>, %arg26: memref<64x8xf32, #tpu.memory_space<vmem>>, %arg27: memref<64x16xf32, #tpu.memory_space<vmem>>, %arg28: memref<64x32xf32, #tpu.memory_space<vmem>>, %arg29: memref<64x32xf32, #tpu.memory_space<vmem>>, %arg30: memref<64x8xf32, #tpu.memory_space<vmem>>, %arg31: memref<64x16xf32, #tpu.memory_space<vmem>>, %arg32: memref<64x32xf32, #tpu.memory_space<vmem>>, %arg33: memref<64x64xf32, #tpu.memory_space<vmem>>, %arg34: memref<!tpu.dma_semaphore, #tpu.memory_space<semaphore_mem>>, %arg35: memref<!tpu.dma_semaphore, #tpu.memory_space<semaphore_mem>>) attributes {dimension_semantics = [#tpu.dimension_semantics<core_parallel>, #tpu.dimension_semantics<subcore_parallel>], iteration_bounds = array<i64: 2, 16>, scalar_prefetch = 0 : i64, scratch_operands = 13 : i64, tpu.core_type = #tpu.core_type<sc_vector_subcore>, window_params = [{transform_indices = #map}, {transform_indices = #map1}, {transform_indices = #map1}, {transform_indices = #map1}, {transform_indices = #map1}, {transform_indices = #map1}, {transform_indices = #map1}, {transform_indices = #map1}, {transform_indices = #map1}, {transform_indices = #map1}, {transform_indices = #map1}, {transform_indices = #map1}, {transform_indices = #map1}, {transform_indices = #map1}, {transform_indices = #map1}, {transform_indices = #map1}, {transform_indices = #map1}, {transform_indices = #map1}, {transform_indices = #map1}, {transform_indices = #map1}, {transform_indices = #map1}]} {
    %mul3A = arith.constant 2 : i32
    %mul3A_0 = arith.muli %arg1, %mul3A : i32
    %add3A = arith.addi %mul3A_0, %arg0 : i32
    %scan3A = arith.constant 0 : i32
    %scan3A_1 = arith.constant 0 : i32
    %scan3A_2 = arith.constant 8 : i32
    %scan3A_3 = arith.addi %scan3A_1, %scan3A_2 : i32
    %scan3A_4 = arith.constant 1 : i32
    %scan3A_5 = scf.for %scan3A_66 = %scan3A_1 to %scan3A_3 step %scan3A_4 iter_args(%scan3A_67 = %scan3A) -> (i32)  : i32 {
      %mul3A_68 = arith.constant 512 : i32
      %mul3A_69 = arith.muli %add3A, %mul3A_68 : i32
      %mul3A_70 = arith.constant 64 : i32
      %mul3A_71 = arith.muli %scan3A_66, %mul3A_70 : i32
      %add3A_72 = arith.addi %mul3A_69, %mul3A_71 : i32
      %jit3A = arith.constant 128 : i32
      %div3A = arith.divsi %add3A_72, %jit3A : i32
      %sign3A = arith.constant 0 : i32
      %sign3A_73 = arith.cmpi sgt, %add3A_72, %sign3A : i32
      %sign3A_74 = arith.extui %sign3A_73 : i1 to i32
      %sign3A_75 = arith.constant 0 : i32
      %sign3A_76 = arith.cmpi slt, %add3A_72, %sign3A_75 : i32
      %sign3A_77 = arith.extui %sign3A_76 : i1 to i32
      %sign3A_78 = arith.subi %sign3A_74, %sign3A_77 : i32
      %sign3A_79 = arith.constant 0 : i32
      %sign3A_80 = arith.cmpi sgt, %jit3A, %sign3A_79 : i32
      %sign3A_81 = arith.extui %sign3A_80 : i1 to i32
      %sign3A_82 = arith.constant 0 : i32
      %sign3A_83 = arith.cmpi slt, %jit3A, %sign3A_82 : i32
      %sign3A_84 = arith.extui %sign3A_83 : i1 to i32
      %sign3A_85 = arith.subi %sign3A_81, %sign3A_84 : i32
      %ne3A = arith.cmpi ne, %sign3A_78, %sign3A_85 : i32
      %rem3A = arith.remsi %add3A_72, %jit3A : i32
      %ne3A_86 = arith.constant 0 : i32
      %ne3A_87 = arith.cmpi ne, %rem3A, %ne3A_86 : i32
      %and3A = arith.andi %ne3A, %ne3A_87 : i1
      %sub3A = arith.constant 1 : i32
      %sub3A_88 = arith.subi %div3A, %sub3A : i32
      %select_n3A = arith.select %and3A, %sub3A_88, %div3A : i32
      %jit3A_89 = arith.constant 128 : i32
      %eq3A = arith.constant 0 : i32
      %eq3A_90 = arith.cmpi eq, %jit3A_89, %eq3A : i32
      %jit3A_91 = arith.constant 1 : i32
      %select_n3A_92 = arith.select %eq3A_90, %jit3A_91, %jit3A_89 : i32
      %rem3A_93 = arith.remsi %add3A_72, %select_n3A_92 : i32
      %ne3A_94 = arith.constant 0 : i32
      %ne3A_95 = arith.cmpi ne, %rem3A_93, %ne3A_94 : i32
      %lt3A = arith.constant 0 : i32
      %lt3A_96 = arith.cmpi slt, %rem3A_93, %lt3A : i32
      %lt3A_97 = arith.constant 0 : i32
      %lt3A_98 = arith.cmpi slt, %select_n3A_92, %lt3A_97 : i32
      %ne3A_99 = arith.xori %lt3A_96, %lt3A_98 : i1
      %and3A_100 = arith.andi %ne3A_99, %ne3A_95 : i1
      %add3A_101 = arith.addi %rem3A_93, %select_n3A_92 : i32
      %select_n3A_102 = arith.select %and3A_100, %add3A_101, %rem3A_93 : i32
      "tpu.region"() ({
        %run_scoped3A = tpu.sem_alloc : memref<!tpu.dma_semaphore, #tpu.memory_space<semaphore_mem>>
        %dma_start3A_305 = arith.constant 0 : i32
        %dma_start3A_306 = tpu.memref_slice %arg2[%dma_start3A_305, %select_n3A, %select_n3A_102] : memref<10x128x128xi32, #tpu.memory_space<hbm>> -> memref<10x1x64xi32, #tpu.memory_space<hbm>>
        %dma_start3A_307 = arith.constant 0 : i32
        %dma_start3A_308 = tpu.memref_slice %arg2[%dma_start3A_307, %select_n3A, %select_n3A_102] : memref<10x128x128xi32, #tpu.memory_space<hbm>> -> memref<10x1x64xi32, #tpu.memory_space<hbm>>
        tpu.enqueue_dma source(%dma_start3A_308 : memref<10x1x64xi32, #tpu.memory_space<hbm>>) target(%arg23 : memref<10x1x64xi32, #tpu.memory_space<vmem>>) target_semaphore(%run_scoped3A : memref<!tpu.dma_semaphore, #tpu.memory_space<semaphore_mem>>)
        %dma_wait3A_309 = arith.constant 0 : i32
        %dma_wait3A_310 = tpu.memref_slice %arg2[%dma_wait3A_309, %select_n3A, %select_n3A_102] : memref<10x128x128xi32, #tpu.memory_space<hbm>> -> memref<10x1x64xi32, #tpu.memory_space<hbm>>
        %dma_wait3A_311 = arith.constant 0 : i32
        %dma_wait3A_312 = tpu.memref_slice %arg2[%dma_wait3A_311, %select_n3A, %select_n3A_102] : memref<10x128x128xi32, #tpu.memory_space<hbm>> -> memref<10x1x64xi32, #tpu.memory_space<hbm>>
        tpu.wait_dma2 semaphore(%run_scoped3A : memref<!tpu.dma_semaphore, #tpu.memory_space<semaphore_mem>>) src(%dma_wait3A_312 : memref<10x1x64xi32, #tpu.memory_space<hbm>>) dst(%arg23 : memref<10x1x64xi32, #tpu.memory_space<vmem>>)
        tpu.yield
      }) : () -> ()
      %gt3A = arith.constant 0 : i32
      %gt3A_103 = arith.cmpi sgt, %scan3A_66, %gt3A : i32
      %convert_element_type3A = arith.extui %gt3A_103 : i1 to i32
      %cond3A = arith.constant 0 : i32
      %cond3A_104 = arith.cmpi ne, %convert_element_type3A, %cond3A : i32
      scf.if %cond3A_104 {
        %dma_wait3A_305 = arith.constant 0 : i32
        %dma_wait3A_306 = arith.constant 0 : i32
        %dma_wait3A_307 = tpu.memref_slice %arg13[%dma_wait3A_305, %dma_wait3A_306] : memref<16384x16xf32, #tpu.memory_space<hbm>> -> memref<64x16xf32, #tpu.memory_space<hbm>>
        %dma_wait3A_308 = arith.constant 0 : i32
        %dma_wait3A_309 = arith.constant 0 : i32
        %dma_wait3A_310 = tpu.memref_slice %arg13[%dma_wait3A_308, %dma_wait3A_309] : memref<16384x16xf32, #tpu.memory_space<hbm>> -> memref<64x16xf32, #tpu.memory_space<hbm>>
        tpu.wait_dma2 semaphore(%arg35 : memref<!tpu.dma_semaphore, #tpu.memory_space<semaphore_mem>>) src(%arg24 : memref<64x16xf32, #tpu.memory_space<vmem>>) dst(%dma_wait3A_310 : memref<64x16xf32, #tpu.memory_space<hbm>>)
        %dma_wait3A_311 = arith.constant 0 : i32
        %dma_wait3A_312 = arith.constant 0 : i32
        %dma_wait3A_313 = tpu.memref_slice %arg14[%dma_wait3A_311, %dma_wait3A_312] : memref<16384x8xf32, #tpu.memory_space<hbm>> -> memref<64x8xf32, #tpu.memory_space<hbm>>
        %dma_wait3A_314 = arith.constant 0 : i32
        %dma_wait3A_315 = arith.constant 0 : i32
        %dma_wait3A_316 = tpu.memref_slice %arg14[%dma_wait3A_314, %dma_wait3A_315] : memref<16384x8xf32, #tpu.memory_space<hbm>> -> memref<64x8xf32, #tpu.memory_space<hbm>>
        tpu.wait_dma2 semaphore(%arg35 : memref<!tpu.dma_semaphore, #tpu.memory_space<semaphore_mem>>) src(%arg25 : memref<64x8xf32, #tpu.memory_space<vmem>>) dst(%dma_wait3A_316 : memref<64x8xf32, #tpu.memory_space<hbm>>)
        %dma_wait3A_317 = arith.constant 0 : i32
        %dma_wait3A_318 = arith.constant 0 : i32
        %dma_wait3A_319 = tpu.memref_slice %arg15[%dma_wait3A_317, %dma_wait3A_318] : memref<16384x8xf32, #tpu.memory_space<hbm>> -> memref<64x8xf32, #tpu.memory_space<hbm>>
        %dma_wait3A_320 = arith.constant 0 : i32
        %dma_wait3A_321 = arith.constant 0 : i32
        %dma_wait3A_322 = tpu.memref_slice %arg15[%dma_wait3A_320, %dma_wait3A_321] : memref<16384x8xf32, #tpu.memory_space<hbm>> -> memref<64x8xf32, #tpu.memory_space<hbm>>
        tpu.wait_dma2 semaphore(%arg35 : memref<!tpu.dma_semaphore, #tpu.memory_space<semaphore_mem>>) src(%arg26 : memref<64x8xf32, #tpu.memory_space<vmem>>) dst(%dma_wait3A_322 : memref<64x8xf32, #tpu.memory_space<hbm>>)
        %dma_wait3A_323 = arith.constant 0 : i32
        %dma_wait3A_324 = arith.constant 0 : i32
        %dma_wait3A_325 = tpu.memref_slice %arg16[%dma_wait3A_323, %dma_wait3A_324] : memref<16384x16xf32, #tpu.memory_space<hbm>> -> memref<64x16xf32, #tpu.memory_space<hbm>>
        %dma_wait3A_326 = arith.constant 0 : i32
        %dma_wait3A_327 = arith.constant 0 : i32
        %dma_wait3A_328 = tpu.memref_slice %arg16[%dma_wait3A_326, %dma_wait3A_327] : memref<16384x16xf32, #tpu.memory_space<hbm>> -> memref<64x16xf32, #tpu.memory_space<hbm>>
        tpu.wait_dma2 semaphore(%arg35 : memref<!tpu.dma_semaphore, #tpu.memory_space<semaphore_mem>>) src(%arg27 : memref<64x16xf32, #tpu.memory_space<vmem>>) dst(%dma_wait3A_328 : memref<64x16xf32, #tpu.memory_space<hbm>>)
        %dma_wait3A_329 = arith.constant 0 : i32
        %dma_wait3A_330 = arith.constant 0 : i32
        %dma_wait3A_331 = tpu.memref_slice %arg17[%dma_wait3A_329, %dma_wait3A_330] : memref<16384x32xf32, #tpu.memory_space<hbm>> -> memref<64x32xf32, #tpu.memory_space<hbm>>
        %dma_wait3A_332 = arith.constant 0 : i32
        %dma_wait3A_333 = arith.constant 0 : i32
        %dma_wait3A_334 = tpu.memref_slice %arg17[%dma_wait3A_332, %dma_wait3A_333] : memref<16384x32xf32, #tpu.memory_space<hbm>> -> memref<64x32xf32, #tpu.memory_space<hbm>>
        tpu.wait_dma2 semaphore(%arg35 : memref<!tpu.dma_semaphore, #tpu.memory_space<semaphore_mem>>) src(%arg28 : memref<64x32xf32, #tpu.memory_space<vmem>>) dst(%dma_wait3A_334 : memref<64x32xf32, #tpu.memory_space<hbm>>)
        %dma_wait3A_335 = arith.constant 0 : i32
        %dma_wait3A_336 = arith.constant 0 : i32
        %dma_wait3A_337 = tpu.memref_slice %arg18[%dma_wait3A_335, %dma_wait3A_336] : memref<16384x32xf32, #tpu.memory_space<hbm>> -> memref<64x32xf32, #tpu.memory_space<hbm>>
        %dma_wait3A_338 = arith.constant 0 : i32
        %dma_wait3A_339 = arith.constant 0 : i32
        %dma_wait3A_340 = tpu.memref_slice %arg18[%dma_wait3A_338, %dma_wait3A_339] : memref<16384x32xf32, #tpu.memory_space<hbm>> -> memref<64x32xf32, #tpu.memory_space<hbm>>
        tpu.wait_dma2 semaphore(%arg35 : memref<!tpu.dma_semaphore, #tpu.memory_space<semaphore_mem>>) src(%arg29 : memref<64x32xf32, #tpu.memory_space<vmem>>) dst(%dma_wait3A_340 : memref<64x32xf32, #tpu.memory_space<hbm>>)
        %dma_wait3A_341 = arith.constant 0 : i32
        %dma_wait3A_342 = arith.constant 0 : i32
        %dma_wait3A_343 = tpu.memref_slice %arg19[%dma_wait3A_341, %dma_wait3A_342] : memref<16384x8xf32, #tpu.memory_space<hbm>> -> memref<64x8xf32, #tpu.memory_space<hbm>>
        %dma_wait3A_344 = arith.constant 0 : i32
        %dma_wait3A_345 = arith.constant 0 : i32
        %dma_wait3A_346 = tpu.memref_slice %arg19[%dma_wait3A_344, %dma_wait3A_345] : memref<16384x8xf32, #tpu.memory_space<hbm>> -> memref<64x8xf32, #tpu.memory_space<hbm>>
        tpu.wait_dma2 semaphore(%arg35 : memref<!tpu.dma_semaphore, #tpu.memory_space<semaphore_mem>>) src(%arg30 : memref<64x8xf32, #tpu.memory_space<vmem>>) dst(%dma_wait3A_346 : memref<64x8xf32, #tpu.memory_space<hbm>>)
        %dma_wait3A_347 = arith.constant 0 : i32
        %dma_wait3A_348 = arith.constant 0 : i32
        %dma_wait3A_349 = tpu.memref_slice %arg20[%dma_wait3A_347, %dma_wait3A_348] : memref<16384x16xf32, #tpu.memory_space<hbm>> -> memref<64x16xf32, #tpu.memory_space<hbm>>
        %dma_wait3A_350 = arith.constant 0 : i32
        %dma_wait3A_351 = arith.constant 0 : i32
        %dma_wait3A_352 = tpu.memref_slice %arg20[%dma_wait3A_350, %dma_wait3A_351] : memref<16384x16xf32, #tpu.memory_space<hbm>> -> memref<64x16xf32, #tpu.memory_space<hbm>>
        tpu.wait_dma2 semaphore(%arg35 : memref<!tpu.dma_semaphore, #tpu.memory_space<semaphore_mem>>) src(%arg31 : memref<64x16xf32, #tpu.memory_space<vmem>>) dst(%dma_wait3A_352 : memref<64x16xf32, #tpu.memory_space<hbm>>)
        %dma_wait3A_353 = arith.constant 0 : i32
        %dma_wait3A_354 = arith.constant 0 : i32
        %dma_wait3A_355 = tpu.memref_slice %arg21[%dma_wait3A_353, %dma_wait3A_354] : memref<16384x32xf32, #tpu.memory_space<hbm>> -> memref<64x32xf32, #tpu.memory_space<hbm>>
        %dma_wait3A_356 = arith.constant 0 : i32
        %dma_wait3A_357 = arith.constant 0 : i32
        %dma_wait3A_358 = tpu.memref_slice %arg21[%dma_wait3A_356, %dma_wait3A_357] : memref<16384x32xf32, #tpu.memory_space<hbm>> -> memref<64x32xf32, #tpu.memory_space<hbm>>
        tpu.wait_dma2 semaphore(%arg35 : memref<!tpu.dma_semaphore, #tpu.memory_space<semaphore_mem>>) src(%arg32 : memref<64x32xf32, #tpu.memory_space<vmem>>) dst(%dma_wait3A_358 : memref<64x32xf32, #tpu.memory_space<hbm>>)
        %dma_wait3A_359 = arith.constant 0 : i32
        %dma_wait3A_360 = arith.constant 0 : i32
        %dma_wait3A_361 = tpu.memref_slice %arg22[%dma_wait3A_359, %dma_wait3A_360] : memref<16384x64xf32, #tpu.memory_space<hbm>> -> memref<64x64xf32, #tpu.memory_space<hbm>>
        %dma_wait3A_362 = arith.constant 0 : i32
        %dma_wait3A_363 = arith.constant 0 : i32
        %dma_wait3A_364 = tpu.memref_slice %arg22[%dma_wait3A_362, %dma_wait3A_363] : memref<16384x64xf32, #tpu.memory_space<hbm>> -> memref<64x64xf32, #tpu.memory_space<hbm>>
        tpu.wait_dma2 semaphore(%arg35 : memref<!tpu.dma_semaphore, #tpu.memory_space<semaphore_mem>>) src(%arg33 : memref<64x64xf32, #tpu.memory_space<vmem>>) dst(%dma_wait3A_364 : memref<64x64xf32, #tpu.memory_space<hbm>>)
      } else {
      }
      %dma_start3A = arith.constant 0 : i32
      %dma_start3A_105 = arith.constant 0 : i32
      %dma_start3A_106 = arith.constant 0 : i32
      %dma_start3A_107 = tpu.memref_slice %arg23[%dma_start3A, %dma_start3A_105, %dma_start3A_106] : memref<10x1x64xi32, #tpu.memory_space<vmem>> -> memref<1x1x64xi32, #tpu.memory_space<vmem>>
      %dma_start3A_108 = tpu.memref_squeeze %dma_start3A_107 : memref<1x1x64xi32, #tpu.memory_space<vmem>> -> memref<64xi32, #tpu.memory_space<vmem>>
      %dma_start3A_109 = arith.constant 0 : i32
      %dma_start3A_110 = arith.constant 0 : i32
      %dma_start3A_111 = tpu.memref_slice %arg3[%dma_start3A_109, %dma_start3A_110] : memref<16x16xf32, #tpu.memory_space<hbm>> -> memref<16x16xf32, #tpu.memory_space<hbm>>
      tpu.enqueue_indirect_dma source(%dma_start3A_111 : memref<16x16xf32, #tpu.memory_space<hbm>>) target(%arg24 : memref<64x16xf32, #tpu.memory_space<vmem>>) offsets(%dma_start3A_108 : memref<64xi32, #tpu.memory_space<vmem>>) semaphore(%arg34 : memref<!tpu.dma_semaphore, #tpu.memory_space<semaphore_mem>>)
      %dma_start3A_112 = arith.constant 1 : i32
      %dma_start3A_113 = arith.constant 0 : i32
      %dma_start3A_114 = arith.constant 0 : i32
      %dma_start3A_115 = tpu.memref_slice %arg23[%dma_start3A_112, %dma_start3A_113, %dma_start3A_114] : memref<10x1x64xi32, #tpu.memory_space<vmem>> -> memref<1x1x64xi32, #tpu.memory_space<vmem>>
      %dma_start3A_116 = tpu.memref_squeeze %dma_start3A_115 : memref<1x1x64xi32, #tpu.memory_space<vmem>> -> memref<64xi32, #tpu.memory_space<vmem>>
      %dma_start3A_117 = arith.constant 0 : i32
      %dma_start3A_118 = arith.constant 0 : i32
      %dma_start3A_119 = tpu.memref_slice %arg4[%dma_start3A_117, %dma_start3A_118] : memref<3x8xf32, #tpu.memory_space<hbm>> -> memref<3x8xf32, #tpu.memory_space<hbm>>
      tpu.enqueue_indirect_dma source(%dma_start3A_119 : memref<3x8xf32, #tpu.memory_space<hbm>>) target(%arg25 : memref<64x8xf32, #tpu.memory_space<vmem>>) offsets(%dma_start3A_116 : memref<64xi32, #tpu.memory_space<vmem>>) semaphore(%arg34 : memref<!tpu.dma_semaphore, #tpu.memory_space<semaphore_mem>>)
      %dma_start3A_120 = arith.constant 2 : i32
      %dma_start3A_121 = arith.constant 0 : i32
      %dma_start3A_122 = arith.constant 0 : i32
      %dma_start3A_123 = tpu.memref_slice %arg23[%dma_start3A_120, %dma_start3A_121, %dma_start3A_122] : memref<10x1x64xi32, #tpu.memory_space<vmem>> -> memref<1x1x64xi32, #tpu.memory_space<vmem>>
      %dma_start3A_124 = tpu.memref_squeeze %dma_start3A_123 : memref<1x1x64xi32, #tpu.memory_space<vmem>> -> memref<64xi32, #tpu.memory_space<vmem>>
      %dma_start3A_125 = arith.constant 0 : i32
      %dma_start3A_126 = arith.constant 0 : i32
      %dma_start3A_127 = tpu.memref_slice %arg5[%dma_start3A_125, %dma_start3A_126] : memref<4x8xf32, #tpu.memory_space<hbm>> -> memref<4x8xf32, #tpu.memory_space<hbm>>
      tpu.enqueue_indirect_dma source(%dma_start3A_127 : memref<4x8xf32, #tpu.memory_space<hbm>>) target(%arg26 : memref<64x8xf32, #tpu.memory_space<vmem>>) offsets(%dma_start3A_124 : memref<64xi32, #tpu.memory_space<vmem>>) semaphore(%arg34 : memref<!tpu.dma_semaphore, #tpu.memory_space<semaphore_mem>>)
      %dma_start3A_128 = arith.constant 3 : i32
      %dma_start3A_129 = arith.constant 0 : i32
      %dma_start3A_130 = arith.constant 0 : i32
      %dma_start3A_131 = tpu.memref_slice %arg23[%dma_start3A_128, %dma_start3A_129, %dma_start3A_130] : memref<10x1x64xi32, #tpu.memory_space<vmem>> -> memref<1x1x64xi32, #tpu.memory_space<vmem>>
      %dma_start3A_132 = tpu.memref_squeeze %dma_start3A_131 : memref<1x1x64xi32, #tpu.memory_space<vmem>> -> memref<64xi32, #tpu.memory_space<vmem>>
      %dma_start3A_133 = arith.constant 0 : i32
      %dma_start3A_134 = arith.constant 0 : i32
      %dma_start3A_135 = tpu.memref_slice %arg6[%dma_start3A_133, %dma_start3A_134] : memref<10x16xf32, #tpu.memory_space<hbm>> -> memref<10x16xf32, #tpu.memory_space<hbm>>
      tpu.enqueue_indirect_dma source(%dma_start3A_135 : memref<10x16xf32, #tpu.memory_space<hbm>>) target(%arg27 : memref<64x16xf32, #tpu.memory_space<vmem>>) offsets(%dma_start3A_132 : memref<64xi32, #tpu.memory_space<vmem>>) semaphore(%arg34 : memref<!tpu.dma_semaphore, #tpu.memory_space<semaphore_mem>>)
      %dma_start3A_136 = arith.constant 4 : i32
      %dma_start3A_137 = arith.constant 0 : i32
      %dma_start3A_138 = arith.constant 0 : i32
      %dma_start3A_139 = tpu.memref_slice %arg23[%dma_start3A_136, %dma_start3A_137, %dma_start3A_138] : memref<10x1x64xi32, #tpu.memory_space<vmem>> -> memref<1x1x64xi32, #tpu.memory_space<vmem>>
      %dma_start3A_140 = tpu.memref_squeeze %dma_start3A_139 : memref<1x1x64xi32, #tpu.memory_space<vmem>> -> memref<64xi32, #tpu.memory_space<vmem>>
      %dma_start3A_141 = arith.constant 0 : i32
      %dma_start3A_142 = arith.constant 0 : i32
      %dma_start3A_143 = tpu.memref_slice %arg7[%dma_start3A_141, %dma_start3A_142] : memref<1096x32xf32, #tpu.memory_space<hbm>> -> memref<1096x32xf32, #tpu.memory_space<hbm>>
      tpu.enqueue_indirect_dma source(%dma_start3A_143 : memref<1096x32xf32, #tpu.memory_space<hbm>>) target(%arg28 : memref<64x32xf32, #tpu.memory_space<vmem>>) offsets(%dma_start3A_140 : memref<64xi32, #tpu.memory_space<vmem>>) semaphore(%arg34 : memref<!tpu.dma_semaphore, #tpu.memory_space<semaphore_mem>>)
      %dma_start3A_144 = arith.constant 5 : i32
      %dma_start3A_145 = arith.constant 0 : i32
      %dma_start3A_146 = arith.constant 0 : i32
      %dma_start3A_147 = tpu.memref_slice %arg23[%dma_start3A_144, %dma_start3A_145, %dma_start3A_146] : memref<10x1x64xi32, #tpu.memory_space<vmem>> -> memref<1x1x64xi32, #tpu.memory_space<vmem>>
      %dma_start3A_148 = tpu.memref_squeeze %dma_start3A_147 : memref<1x1x64xi32, #tpu.memory_space<vmem>> -> memref<64xi32, #tpu.memory_space<vmem>>
      %dma_start3A_149 = arith.constant 0 : i32
      %dma_start3A_150 = arith.constant 0 : i32
      %dma_start3A_151 = tpu.memref_slice %arg8[%dma_start3A_149, %dma_start3A_150] : memref<15483x32xf32, #tpu.memory_space<hbm>> -> memref<15483x32xf32, #tpu.memory_space<hbm>>
      tpu.enqueue_indirect_dma source(%dma_start3A_151 : memref<15483x32xf32, #tpu.memory_space<hbm>>) target(%arg29 : memref<64x32xf32, #tpu.memory_space<vmem>>) offsets(%dma_start3A_148 : memref<64xi32, #tpu.memory_space<vmem>>) semaphore(%arg34 : memref<!tpu.dma_semaphore, #tpu.memory_space<semaphore_mem>>)
      %dma_start3A_152 = arith.constant 6 : i32
      %dma_start3A_153 = arith.constant 0 : i32
      %dma_start3A_154 = arith.constant 0 : i32
      %dma_start3A_155 = tpu.memref_slice %arg23[%dma_start3A_152, %dma_start3A_153, %dma_start3A_154] : memref<10x1x64xi32, #tpu.memory_space<vmem>> -> memref<1x1x64xi32, #tpu.memory_space<vmem>>
      %dma_start3A_156 = tpu.memref_squeeze %dma_start3A_155 : memref<1x1x64xi32, #tpu.memory_space<vmem>> -> memref<64xi32, #tpu.memory_space<vmem>>
      %dma_start3A_157 = arith.constant 0 : i32
      %dma_start3A_158 = arith.constant 0 : i32
      %dma_start3A_159 = tpu.memref_slice %arg9[%dma_start3A_157, %dma_start3A_158] : memref<8x8xf32, #tpu.memory_space<hbm>> -> memref<8x8xf32, #tpu.memory_space<hbm>>
      tpu.enqueue_indirect_dma source(%dma_start3A_159 : memref<8x8xf32, #tpu.memory_space<hbm>>) target(%arg30 : memref<64x8xf32, #tpu.memory_space<vmem>>) offsets(%dma_start3A_156 : memref<64xi32, #tpu.memory_space<vmem>>) semaphore(%arg34 : memref<!tpu.dma_semaphore, #tpu.memory_space<semaphore_mem>>)
      %dma_start3A_160 = arith.constant 7 : i32
      %dma_start3A_161 = arith.constant 0 : i32
      %dma_start3A_162 = arith.constant 0 : i32
      %dma_start3A_163 = tpu.memref_slice %arg23[%dma_start3A_160, %dma_start3A_161, %dma_start3A_162] : memref<10x1x64xi32, #tpu.memory_space<vmem>> -> memref<1x1x64xi32, #tpu.memory_space<vmem>>
      %dma_start3A_164 = tpu.memref_squeeze %dma_start3A_163 : memref<1x1x64xi32, #tpu.memory_space<vmem>> -> memref<64xi32, #tpu.memory_space<vmem>>
      %dma_start3A_165 = arith.constant 0 : i32
      %dma_start3A_166 = arith.constant 0 : i32
      %dma_start3A_167 = tpu.memref_slice %arg10[%dma_start3A_165, %dma_start3A_166] : memref<43x16xf32, #tpu.memory_space<hbm>> -> memref<43x16xf32, #tpu.memory_space<hbm>>
      tpu.enqueue_indirect_dma source(%dma_start3A_167 : memref<43x16xf32, #tpu.memory_space<hbm>>) target(%arg31 : memref<64x16xf32, #tpu.memory_space<vmem>>) offsets(%dma_start3A_164 : memref<64xi32, #tpu.memory_space<vmem>>) semaphore(%arg34 : memref<!tpu.dma_semaphore, #tpu.memory_space<semaphore_mem>>)
      %dma_start3A_168 = arith.constant 8 : i32
      %dma_start3A_169 = arith.constant 0 : i32
      %dma_start3A_170 = arith.constant 0 : i32
      %dma_start3A_171 = tpu.memref_slice %arg23[%dma_start3A_168, %dma_start3A_169, %dma_start3A_170] : memref<10x1x64xi32, #tpu.memory_space<vmem>> -> memref<1x1x64xi32, #tpu.memory_space<vmem>>
      %dma_start3A_172 = tpu.memref_squeeze %dma_start3A_171 : memref<1x1x64xi32, #tpu.memory_space<vmem>> -> memref<64xi32, #tpu.memory_space<vmem>>
      %dma_start3A_173 = arith.constant 0 : i32
      %dma_start3A_174 = arith.constant 0 : i32
      %dma_start3A_175 = tpu.memref_slice %arg11[%dma_start3A_173, %dma_start3A_174] : memref<311x32xf32, #tpu.memory_space<hbm>> -> memref<311x32xf32, #tpu.memory_space<hbm>>
      tpu.enqueue_indirect_dma source(%dma_start3A_175 : memref<311x32xf32, #tpu.memory_space<hbm>>) target(%arg32 : memref<64x32xf32, #tpu.memory_space<vmem>>) offsets(%dma_start3A_172 : memref<64xi32, #tpu.memory_space<vmem>>) semaphore(%arg34 : memref<!tpu.dma_semaphore, #tpu.memory_space<semaphore_mem>>)
      %dma_start3A_176 = arith.constant 9 : i32
      %dma_start3A_177 = arith.constant 0 : i32
      %dma_start3A_178 = arith.constant 0 : i32
      %dma_start3A_179 = tpu.memref_slice %arg23[%dma_start3A_176, %dma_start3A_177, %dma_start3A_178] : memref<10x1x64xi32, #tpu.memory_space<vmem>> -> memref<1x1x64xi32, #tpu.memory_space<vmem>>
      %dma_start3A_180 = tpu.memref_squeeze %dma_start3A_179 : memref<1x1x64xi32, #tpu.memory_space<vmem>> -> memref<64xi32, #tpu.memory_space<vmem>>
      %dma_start3A_181 = arith.constant 0 : i32
      %dma_start3A_182 = arith.constant 0 : i32
      %dma_start3A_183 = tpu.memref_slice %arg12[%dma_start3A_181, %dma_start3A_182] : memref<548x64xf32, #tpu.memory_space<hbm>> -> memref<548x64xf32, #tpu.memory_space<hbm>>
      tpu.enqueue_indirect_dma source(%dma_start3A_183 : memref<548x64xf32, #tpu.memory_space<hbm>>) target(%arg33 : memref<64x64xf32, #tpu.memory_space<vmem>>) offsets(%dma_start3A_180 : memref<64xi32, #tpu.memory_space<vmem>>) semaphore(%arg34 : memref<!tpu.dma_semaphore, #tpu.memory_space<semaphore_mem>>)
      %dma_wait3A_184 = arith.constant 0 : i32
      %dma_wait3A_185 = arith.constant 0 : i32
      %dma_wait3A_186 = arith.constant 0 : i32
      %dma_wait3A_187 = tpu.memref_slice %arg23[%dma_wait3A_184, %dma_wait3A_185, %dma_wait3A_186] : memref<10x1x64xi32, #tpu.memory_space<vmem>> -> memref<1x1x64xi32, #tpu.memory_space<vmem>>
      %dma_wait3A_188 = tpu.memref_squeeze %dma_wait3A_187 : memref<1x1x64xi32, #tpu.memory_space<vmem>> -> memref<64xi32, #tpu.memory_space<vmem>>
      %dma_wait3A_189 = arith.constant 0 : i32
      %dma_wait3A_190 = arith.constant 0 : i32
      %dma_wait3A_191 = tpu.memref_slice %arg3[%dma_wait3A_189, %dma_wait3A_190] : memref<16x16xf32, #tpu.memory_space<hbm>> -> memref<16x16xf32, #tpu.memory_space<hbm>>
      tpu.wait_indirect_dma semaphore(%arg34 : memref<!tpu.dma_semaphore, #tpu.memory_space<semaphore_mem>>) src(%dma_wait3A_191 : memref<16x16xf32, #tpu.memory_space<hbm>>) dst(%arg24 : memref<64x16xf32, #tpu.memory_space<vmem>>)
      %dma_wait3A_192 = arith.constant 1 : i32
      %dma_wait3A_193 = arith.constant 0 : i32
      %dma_wait3A_194 = arith.constant 0 : i32
      %dma_wait3A_195 = tpu.memref_slice %arg23[%dma_wait3A_192, %dma_wait3A_193, %dma_wait3A_194] : memref<10x1x64xi32, #tpu.memory_space<vmem>> -> memref<1x1x64xi32, #tpu.memory_space<vmem>>
      %dma_wait3A_196 = tpu.memref_squeeze %dma_wait3A_195 : memref<1x1x64xi32, #tpu.memory_space<vmem>> -> memref<64xi32, #tpu.memory_space<vmem>>
      %dma_wait3A_197 = arith.constant 0 : i32
      %dma_wait3A_198 = arith.constant 0 : i32
      %dma_wait3A_199 = tpu.memref_slice %arg4[%dma_wait3A_197, %dma_wait3A_198] : memref<3x8xf32, #tpu.memory_space<hbm>> -> memref<3x8xf32, #tpu.memory_space<hbm>>
      tpu.wait_indirect_dma semaphore(%arg34 : memref<!tpu.dma_semaphore, #tpu.memory_space<semaphore_mem>>) src(%dma_wait3A_199 : memref<3x8xf32, #tpu.memory_space<hbm>>) dst(%arg25 : memref<64x8xf32, #tpu.memory_space<vmem>>)
      %dma_wait3A_200 = arith.constant 2 : i32
      %dma_wait3A_201 = arith.constant 0 : i32
      %dma_wait3A_202 = arith.constant 0 : i32
      %dma_wait3A_203 = tpu.memref_slice %arg23[%dma_wait3A_200, %dma_wait3A_201, %dma_wait3A_202] : memref<10x1x64xi32, #tpu.memory_space<vmem>> -> memref<1x1x64xi32, #tpu.memory_space<vmem>>
      %dma_wait3A_204 = tpu.memref_squeeze %dma_wait3A_203 : memref<1x1x64xi32, #tpu.memory_space<vmem>> -> memref<64xi32, #tpu.memory_space<vmem>>
      %dma_wait3A_205 = arith.constant 0 : i32
      %dma_wait3A_206 = arith.constant 0 : i32
      %dma_wait3A_207 = tpu.memref_slice %arg5[%dma_wait3A_205, %dma_wait3A_206] : memref<4x8xf32, #tpu.memory_space<hbm>> -> memref<4x8xf32, #tpu.memory_space<hbm>>
      tpu.wait_indirect_dma semaphore(%arg34 : memref<!tpu.dma_semaphore, #tpu.memory_space<semaphore_mem>>) src(%dma_wait3A_207 : memref<4x8xf32, #tpu.memory_space<hbm>>) dst(%arg26 : memref<64x8xf32, #tpu.memory_space<vmem>>)
      %dma_wait3A_208 = arith.constant 3 : i32
      %dma_wait3A_209 = arith.constant 0 : i32
      %dma_wait3A_210 = arith.constant 0 : i32
      %dma_wait3A_211 = tpu.memref_slice %arg23[%dma_wait3A_208, %dma_wait3A_209, %dma_wait3A_210] : memref<10x1x64xi32, #tpu.memory_space<vmem>> -> memref<1x1x64xi32, #tpu.memory_space<vmem>>
      %dma_wait3A_212 = tpu.memref_squeeze %dma_wait3A_211 : memref<1x1x64xi32, #tpu.memory_space<vmem>> -> memref<64xi32, #tpu.memory_space<vmem>>
      %dma_wait3A_213 = arith.constant 0 : i32
      %dma_wait3A_214 = arith.constant 0 : i32
      %dma_wait3A_215 = tpu.memref_slice %arg6[%dma_wait3A_213, %dma_wait3A_214] : memref<10x16xf32, #tpu.memory_space<hbm>> -> memref<10x16xf32, #tpu.memory_space<hbm>>
      tpu.wait_indirect_dma semaphore(%arg34 : memref<!tpu.dma_semaphore, #tpu.memory_space<semaphore_mem>>) src(%dma_wait3A_215 : memref<10x16xf32, #tpu.memory_space<hbm>>) dst(%arg27 : memref<64x16xf32, #tpu.memory_space<vmem>>)
      %dma_wait3A_216 = arith.constant 4 : i32
      %dma_wait3A_217 = arith.constant 0 : i32
      %dma_wait3A_218 = arith.constant 0 : i32
      %dma_wait3A_219 = tpu.memref_slice %arg23[%dma_wait3A_216, %dma_wait3A_217, %dma_wait3A_218] : memref<10x1x64xi32, #tpu.memory_space<vmem>> -> memref<1x1x64xi32, #tpu.memory_space<vmem>>
      %dma_wait3A_220 = tpu.memref_squeeze %dma_wait3A_219 : memref<1x1x64xi32, #tpu.memory_space<vmem>> -> memref<64xi32, #tpu.memory_space<vmem>>
      %dma_wait3A_221 = arith.constant 0 : i32
      %dma_wait3A_222 = arith.constant 0 : i32
      %dma_wait3A_223 = tpu.memref_slice %arg7[%dma_wait3A_221, %dma_wait3A_222] : memref<1096x32xf32, #tpu.memory_space<hbm>> -> memref<1096x32xf32, #tpu.memory_space<hbm>>
      tpu.wait_indirect_dma semaphore(%arg34 : memref<!tpu.dma_semaphore, #tpu.memory_space<semaphore_mem>>) src(%dma_wait3A_223 : memref<1096x32xf32, #tpu.memory_space<hbm>>) dst(%arg28 : memref<64x32xf32, #tpu.memory_space<vmem>>)
      %dma_wait3A_224 = arith.constant 5 : i32
      %dma_wait3A_225 = arith.constant 0 : i32
      %dma_wait3A_226 = arith.constant 0 : i32
      %dma_wait3A_227 = tpu.memref_slice %arg23[%dma_wait3A_224, %dma_wait3A_225, %dma_wait3A_226] : memref<10x1x64xi32, #tpu.memory_space<vmem>> -> memref<1x1x64xi32, #tpu.memory_space<vmem>>
      %dma_wait3A_228 = tpu.memref_squeeze %dma_wait3A_227 : memref<1x1x64xi32, #tpu.memory_space<vmem>> -> memref<64xi32, #tpu.memory_space<vmem>>
      %dma_wait3A_229 = arith.constant 0 : i32
      %dma_wait3A_230 = arith.constant 0 : i32
      %dma_wait3A_231 = tpu.memref_slice %arg8[%dma_wait3A_229, %dma_wait3A_230] : memref<15483x32xf32, #tpu.memory_space<hbm>> -> memref<15483x32xf32, #tpu.memory_space<hbm>>
      tpu.wait_indirect_dma semaphore(%arg34 : memref<!tpu.dma_semaphore, #tpu.memory_space<semaphore_mem>>) src(%dma_wait3A_231 : memref<15483x32xf32, #tpu.memory_space<hbm>>) dst(%arg29 : memref<64x32xf32, #tpu.memory_space<vmem>>)
      %dma_wait3A_232 = arith.constant 6 : i32
      %dma_wait3A_233 = arith.constant 0 : i32
      %dma_wait3A_234 = arith.constant 0 : i32
      %dma_wait3A_235 = tpu.memref_slice %arg23[%dma_wait3A_232, %dma_wait3A_233, %dma_wait3A_234] : memref<10x1x64xi32, #tpu.memory_space<vmem>> -> memref<1x1x64xi32, #tpu.memory_space<vmem>>
      %dma_wait3A_236 = tpu.memref_squeeze %dma_wait3A_235 : memref<1x1x64xi32, #tpu.memory_space<vmem>> -> memref<64xi32, #tpu.memory_space<vmem>>
      %dma_wait3A_237 = arith.constant 0 : i32
      %dma_wait3A_238 = arith.constant 0 : i32
      %dma_wait3A_239 = tpu.memref_slice %arg9[%dma_wait3A_237, %dma_wait3A_238] : memref<8x8xf32, #tpu.memory_space<hbm>> -> memref<8x8xf32, #tpu.memory_space<hbm>>
      tpu.wait_indirect_dma semaphore(%arg34 : memref<!tpu.dma_semaphore, #tpu.memory_space<semaphore_mem>>) src(%dma_wait3A_239 : memref<8x8xf32, #tpu.memory_space<hbm>>) dst(%arg30 : memref<64x8xf32, #tpu.memory_space<vmem>>)
      %dma_wait3A_240 = arith.constant 7 : i32
      %dma_wait3A_241 = arith.constant 0 : i32
      %dma_wait3A_242 = arith.constant 0 : i32
      %dma_wait3A_243 = tpu.memref_slice %arg23[%dma_wait3A_240, %dma_wait3A_241, %dma_wait3A_242] : memref<10x1x64xi32, #tpu.memory_space<vmem>> -> memref<1x1x64xi32, #tpu.memory_space<vmem>>
      %dma_wait3A_244 = tpu.memref_squeeze %dma_wait3A_243 : memref<1x1x64xi32, #tpu.memory_space<vmem>> -> memref<64xi32, #tpu.memory_space<vmem>>
      %dma_wait3A_245 = arith.constant 0 : i32
      %dma_wait3A_246 = arith.constant 0 : i32
      %dma_wait3A_247 = tpu.memref_slice %arg10[%dma_wait3A_245, %dma_wait3A_246] : memref<43x16xf32, #tpu.memory_space<hbm>> -> memref<43x16xf32, #tpu.memory_space<hbm>>
      tpu.wait_indirect_dma semaphore(%arg34 : memref<!tpu.dma_semaphore, #tpu.memory_space<semaphore_mem>>) src(%dma_wait3A_247 : memref<43x16xf32, #tpu.memory_space<hbm>>) dst(%arg31 : memref<64x16xf32, #tpu.memory_space<vmem>>)
      %dma_wait3A_248 = arith.constant 8 : i32
      %dma_wait3A_249 = arith.constant 0 : i32
      %dma_wait3A_250 = arith.constant 0 : i32
      %dma_wait3A_251 = tpu.memref_slice %arg23[%dma_wait3A_248, %dma_wait3A_249, %dma_wait3A_250] : memref<10x1x64xi32, #tpu.memory_space<vmem>> -> memref<1x1x64xi32, #tpu.memory_space<vmem>>
      %dma_wait3A_252 = tpu.memref_squeeze %dma_wait3A_251 : memref<1x1x64xi32, #tpu.memory_space<vmem>> -> memref<64xi32, #tpu.memory_space<vmem>>
      %dma_wait3A_253 = arith.constant 0 : i32
      %dma_wait3A_254 = arith.constant 0 : i32
      %dma_wait3A_255 = tpu.memref_slice %arg11[%dma_wait3A_253, %dma_wait3A_254] : memref<311x32xf32, #tpu.memory_space<hbm>> -> memref<311x32xf32, #tpu.memory_space<hbm>>
      tpu.wait_indirect_dma semaphore(%arg34 : memref<!tpu.dma_semaphore, #tpu.memory_space<semaphore_mem>>) src(%dma_wait3A_255 : memref<311x32xf32, #tpu.memory_space<hbm>>) dst(%arg32 : memref<64x32xf32, #tpu.memory_space<vmem>>)
      %dma_wait3A_256 = arith.constant 9 : i32
      %dma_wait3A_257 = arith.constant 0 : i32
      %dma_wait3A_258 = arith.constant 0 : i32
      %dma_wait3A_259 = tpu.memref_slice %arg23[%dma_wait3A_256, %dma_wait3A_257, %dma_wait3A_258] : memref<10x1x64xi32, #tpu.memory_space<vmem>> -> memref<1x1x64xi32, #tpu.memory_space<vmem>>
      %dma_wait3A_260 = tpu.memref_squeeze %dma_wait3A_259 : memref<1x1x64xi32, #tpu.memory_space<vmem>> -> memref<64xi32, #tpu.memory_space<vmem>>
      %dma_wait3A_261 = arith.constant 0 : i32
      %dma_wait3A_262 = arith.constant 0 : i32
      %dma_wait3A_263 = tpu.memref_slice %arg12[%dma_wait3A_261, %dma_wait3A_262] : memref<548x64xf32, #tpu.memory_space<hbm>> -> memref<548x64xf32, #tpu.memory_space<hbm>>
      tpu.wait_indirect_dma semaphore(%arg34 : memref<!tpu.dma_semaphore, #tpu.memory_space<semaphore_mem>>) src(%dma_wait3A_263 : memref<548x64xf32, #tpu.memory_space<hbm>>) dst(%arg33 : memref<64x64xf32, #tpu.memory_space<vmem>>)
      %dma_start3A_264 = arith.constant 0 : i32
      %dma_start3A_265 = tpu.memref_slice %arg13[%add3A_72, %dma_start3A_264] : memref<16384x16xf32, #tpu.memory_space<hbm>> -> memref<64x16xf32, #tpu.memory_space<hbm>>
      %dma_start3A_266 = arith.constant 0 : i32
      %dma_start3A_267 = tpu.memref_slice %arg13[%add3A_72, %dma_start3A_266] : memref<16384x16xf32, #tpu.memory_space<hbm>> -> memref<64x16xf32, #tpu.memory_space<hbm>>
      tpu.enqueue_dma source(%arg24 : memref<64x16xf32, #tpu.memory_space<vmem>>) target(%dma_start3A_267 : memref<64x16xf32, #tpu.memory_space<hbm>>) target_semaphore(%arg35 : memref<!tpu.dma_semaphore, #tpu.memory_space<semaphore_mem>>)
      %dma_start3A_268 = arith.constant 0 : i32
      %dma_start3A_269 = tpu.memref_slice %arg14[%add3A_72, %dma_start3A_268] : memref<16384x8xf32, #tpu.memory_space<hbm>> -> memref<64x8xf32, #tpu.memory_space<hbm>>
      %dma_start3A_270 = arith.constant 0 : i32
      %dma_start3A_271 = tpu.memref_slice %arg14[%add3A_72, %dma_start3A_270] : memref<16384x8xf32, #tpu.memory_space<hbm>> -> memref<64x8xf32, #tpu.memory_space<hbm>>
      tpu.enqueue_dma source(%arg25 : memref<64x8xf32, #tpu.memory_space<vmem>>) target(%dma_start3A_271 : memref<64x8xf32, #tpu.memory_space<hbm>>) target_semaphore(%arg35 : memref<!tpu.dma_semaphore, #tpu.memory_space<semaphore_mem>>)
      %dma_start3A_272 = arith.constant 0 : i32
      %dma_start3A_273 = tpu.memref_slice %arg15[%add3A_72, %dma_start3A_272] : memref<16384x8xf32, #tpu.memory_space<hbm>> -> memref<64x8xf32, #tpu.memory_space<hbm>>
      %dma_start3A_274 = arith.constant 0 : i32
      %dma_start3A_275 = tpu.memref_slice %arg15[%add3A_72, %dma_start3A_274] : memref<16384x8xf32, #tpu.memory_space<hbm>> -> memref<64x8xf32, #tpu.memory_space<hbm>>
      tpu.enqueue_dma source(%arg26 : memref<64x8xf32, #tpu.memory_space<vmem>>) target(%dma_start3A_275 : memref<64x8xf32, #tpu.memory_space<hbm>>) target_semaphore(%arg35 : memref<!tpu.dma_semaphore, #tpu.memory_space<semaphore_mem>>)
      %dma_start3A_276 = arith.constant 0 : i32
      %dma_start3A_277 = tpu.memref_slice %arg16[%add3A_72, %dma_start3A_276] : memref<16384x16xf32, #tpu.memory_space<hbm>> -> memref<64x16xf32, #tpu.memory_space<hbm>>
      %dma_start3A_278 = arith.constant 0 : i32
      %dma_start3A_279 = tpu.memref_slice %arg16[%add3A_72, %dma_start3A_278] : memref<16384x16xf32, #tpu.memory_space<hbm>> -> memref<64x16xf32, #tpu.memory_space<hbm>>
      tpu.enqueue_dma source(%arg27 : memref<64x16xf32, #tpu.memory_space<vmem>>) target(%dma_start3A_279 : memref<64x16xf32, #tpu.memory_space<hbm>>) target_semaphore(%arg35 : memref<!tpu.dma_semaphore, #tpu.memory_space<semaphore_mem>>)
      %dma_start3A_280 = arith.constant 0 : i32
      %dma_start3A_281 = tpu.memref_slice %arg17[%add3A_72, %dma_start3A_280] : memref<16384x32xf32, #tpu.memory_space<hbm>> -> memref<64x32xf32, #tpu.memory_space<hbm>>
      %dma_start3A_282 = arith.constant 0 : i32
      %dma_start3A_283 = tpu.memref_slice %arg17[%add3A_72, %dma_start3A_282] : memref<16384x32xf32, #tpu.memory_space<hbm>> -> memref<64x32xf32, #tpu.memory_space<hbm>>
      tpu.enqueue_dma source(%arg28 : memref<64x32xf32, #tpu.memory_space<vmem>>) target(%dma_start3A_283 : memref<64x32xf32, #tpu.memory_space<hbm>>) target_semaphore(%arg35 : memref<!tpu.dma_semaphore, #tpu.memory_space<semaphore_mem>>)
      %dma_start3A_284 = arith.constant 0 : i32
      %dma_start3A_285 = tpu.memref_slice %arg18[%add3A_72, %dma_start3A_284] : memref<16384x32xf32, #tpu.memory_space<hbm>> -> memref<64x32xf32, #tpu.memory_space<hbm>>
      %dma_start3A_286 = arith.constant 0 : i32
      %dma_start3A_287 = tpu.memref_slice %arg18[%add3A_72, %dma_start3A_286] : memref<16384x32xf32, #tpu.memory_space<hbm>> -> memref<64x32xf32, #tpu.memory_space<hbm>>
      tpu.enqueue_dma source(%arg29 : memref<64x32xf32, #tpu.memory_space<vmem>>) target(%dma_start3A_287 : memref<64x32xf32, #tpu.memory_space<hbm>>) target_semaphore(%arg35 : memref<!tpu.dma_semaphore, #tpu.memory_space<semaphore_mem>>)
      %dma_start3A_288 = arith.constant 0 : i32
      %dma_start3A_289 = tpu.memref_slice %arg19[%add3A_72, %dma_start3A_288] : memref<16384x8xf32, #tpu.memory_space<hbm>> -> memref<64x8xf32, #tpu.memory_space<hbm>>
      %dma_start3A_290 = arith.constant 0 : i32
      %dma_start3A_291 = tpu.memref_slice %arg19[%add3A_72, %dma_start3A_290] : memref<16384x8xf32, #tpu.memory_space<hbm>> -> memref<64x8xf32, #tpu.memory_space<hbm>>
      tpu.enqueue_dma source(%arg30 : memref<64x8xf32, #tpu.memory_space<vmem>>) target(%dma_start3A_291 : memref<64x8xf32, #tpu.memory_space<hbm>>) target_semaphore(%arg35 : memref<!tpu.dma_semaphore, #tpu.memory_space<semaphore_mem>>)
      %dma_start3A_292 = arith.constant 0 : i32
      %dma_start3A_293 = tpu.memref_slice %arg20[%add3A_72, %dma_start3A_292] : memref<16384x16xf32, #tpu.memory_space<hbm>> -> memref<64x16xf32, #tpu.memory_space<hbm>>
      %dma_start3A_294 = arith.constant 0 : i32
      %dma_start3A_295 = tpu.memref_slice %arg20[%add3A_72, %dma_start3A_294] : memref<16384x16xf32, #tpu.memory_space<hbm>> -> memref<64x16xf32, #tpu.memory_space<hbm>>
      tpu.enqueue_dma source(%arg31 : memref<64x16xf32, #tpu.memory_space<vmem>>) target(%dma_start3A_295 : memref<64x16xf32, #tpu.memory_space<hbm>>) target_semaphore(%arg35 : memref<!tpu.dma_semaphore, #tpu.memory_space<semaphore_mem>>)
      %dma_start3A_296 = arith.constant 0 : i32
      %dma_start3A_297 = tpu.memref_slice %arg21[%add3A_72, %dma_start3A_296] : memref<16384x32xf32, #tpu.memory_space<hbm>> -> memref<64x32xf32, #tpu.memory_space<hbm>>
      %dma_start3A_298 = arith.constant 0 : i32
      %dma_start3A_299 = tpu.memref_slice %arg21[%add3A_72, %dma_start3A_298] : memref<16384x32xf32, #tpu.memory_space<hbm>> -> memref<64x32xf32, #tpu.memory_space<hbm>>
      tpu.enqueue_dma source(%arg32 : memref<64x32xf32, #tpu.memory_space<vmem>>) target(%dma_start3A_299 : memref<64x32xf32, #tpu.memory_space<hbm>>) target_semaphore(%arg35 : memref<!tpu.dma_semaphore, #tpu.memory_space<semaphore_mem>>)
      %dma_start3A_300 = arith.constant 0 : i32
      %dma_start3A_301 = tpu.memref_slice %arg22[%add3A_72, %dma_start3A_300] : memref<16384x64xf32, #tpu.memory_space<hbm>> -> memref<64x64xf32, #tpu.memory_space<hbm>>
      %dma_start3A_302 = arith.constant 0 : i32
      %dma_start3A_303 = tpu.memref_slice %arg22[%add3A_72, %dma_start3A_302] : memref<16384x64xf32, #tpu.memory_space<hbm>> -> memref<64x64xf32, #tpu.memory_space<hbm>>
      tpu.enqueue_dma source(%arg33 : memref<64x64xf32, #tpu.memory_space<vmem>>) target(%dma_start3A_303 : memref<64x64xf32, #tpu.memory_space<hbm>>) target_semaphore(%arg35 : memref<!tpu.dma_semaphore, #tpu.memory_space<semaphore_mem>>)
      %scan3A_304 = arith.constant 0 : i32
      scf.yield %scan3A_304 : i32
    }
    %scan3A_6 = arith.constant 8 : i32
    %dma_wait3A = arith.constant 0 : i32
    %dma_wait3A_7 = arith.constant 0 : i32
    %dma_wait3A_8 = tpu.memref_slice %arg13[%dma_wait3A, %dma_wait3A_7] : memref<16384x16xf32, #tpu.memory_space<hbm>> -> memref<64x16xf32, #tpu.memory_space<hbm>>
    %dma_wait3A_9 = arith.constant 0 : i32
    %dma_wait3A_10 = arith.constant 0 : i32
    %dma_wait3A_11 = tpu.memref_slice %arg13[%dma_wait3A_9, %dma_wait3A_10] : memref<16384x16xf32, #tpu.memory_space<hbm>> -> memref<64x16xf32, #tpu.memory_space<hbm>>
    tpu.wait_dma2 semaphore(%arg35 : memref<!tpu.dma_semaphore, #tpu.memory_space<semaphore_mem>>) src(%arg24 : memref<64x16xf32, #tpu.memory_space<vmem>>) dst(%dma_wait3A_11 : memref<64x16xf32, #tpu.memory_space<hbm>>)
    %dma_wait3A_12 = arith.constant 0 : i32
    %dma_wait3A_13 = arith.constant 0 : i32
    %dma_wait3A_14 = tpu.memref_slice %arg14[%dma_wait3A_12, %dma_wait3A_13] : memref<16384x8xf32, #tpu.memory_space<hbm>> -> memref<64x8xf32, #tpu.memory_space<hbm>>
    %dma_wait3A_15 = arith.constant 0 : i32
    %dma_wait3A_16 = arith.constant 0 : i32
    %dma_wait3A_17 = tpu.memref_slice %arg14[%dma_wait3A_15, %dma_wait3A_16] : memref<16384x8xf32, #tpu.memory_space<hbm>> -> memref<64x8xf32, #tpu.memory_space<hbm>>
    tpu.wait_dma2 semaphore(%arg35 : memref<!tpu.dma_semaphore, #tpu.memory_space<semaphore_mem>>) src(%arg25 : memref<64x8xf32, #tpu.memory_space<vmem>>) dst(%dma_wait3A_17 : memref<64x8xf32, #tpu.memory_space<hbm>>)
    %dma_wait3A_18 = arith.constant 0 : i32
    %dma_wait3A_19 = arith.constant 0 : i32
    %dma_wait3A_20 = tpu.memref_slice %arg15[%dma_wait3A_18, %dma_wait3A_19] : memref<16384x8xf32, #tpu.memory_space<hbm>> -> memref<64x8xf32, #tpu.memory_space<hbm>>
    %dma_wait3A_21 = arith.constant 0 : i32
    %dma_wait3A_22 = arith.constant 0 : i32
    %dma_wait3A_23 = tpu.memref_slice %arg15[%dma_wait3A_21, %dma_wait3A_22] : memref<16384x8xf32, #tpu.memory_space<hbm>> -> memref<64x8xf32, #tpu.memory_space<hbm>>
    tpu.wait_dma2 semaphore(%arg35 : memref<!tpu.dma_semaphore, #tpu.memory_space<semaphore_mem>>) src(%arg26 : memref<64x8xf32, #tpu.memory_space<vmem>>) dst(%dma_wait3A_23 : memref<64x8xf32, #tpu.memory_space<hbm>>)
    %dma_wait3A_24 = arith.constant 0 : i32
    %dma_wait3A_25 = arith.constant 0 : i32
    %dma_wait3A_26 = tpu.memref_slice %arg16[%dma_wait3A_24, %dma_wait3A_25] : memref<16384x16xf32, #tpu.memory_space<hbm>> -> memref<64x16xf32, #tpu.memory_space<hbm>>
    %dma_wait3A_27 = arith.constant 0 : i32
    %dma_wait3A_28 = arith.constant 0 : i32
    %dma_wait3A_29 = tpu.memref_slice %arg16[%dma_wait3A_27, %dma_wait3A_28] : memref<16384x16xf32, #tpu.memory_space<hbm>> -> memref<64x16xf32, #tpu.memory_space<hbm>>
    tpu.wait_dma2 semaphore(%arg35 : memref<!tpu.dma_semaphore, #tpu.memory_space<semaphore_mem>>) src(%arg27 : memref<64x16xf32, #tpu.memory_space<vmem>>) dst(%dma_wait3A_29 : memref<64x16xf32, #tpu.memory_space<hbm>>)
    %dma_wait3A_30 = arith.constant 0 : i32
    %dma_wait3A_31 = arith.constant 0 : i32
    %dma_wait3A_32 = tpu.memref_slice %arg17[%dma_wait3A_30, %dma_wait3A_31] : memref<16384x32xf32, #tpu.memory_space<hbm>> -> memref<64x32xf32, #tpu.memory_space<hbm>>
    %dma_wait3A_33 = arith.constant 0 : i32
    %dma_wait3A_34 = arith.constant 0 : i32
    %dma_wait3A_35 = tpu.memref_slice %arg17[%dma_wait3A_33, %dma_wait3A_34] : memref<16384x32xf32, #tpu.memory_space<hbm>> -> memref<64x32xf32, #tpu.memory_space<hbm>>
    tpu.wait_dma2 semaphore(%arg35 : memref<!tpu.dma_semaphore, #tpu.memory_space<semaphore_mem>>) src(%arg28 : memref<64x32xf32, #tpu.memory_space<vmem>>) dst(%dma_wait3A_35 : memref<64x32xf32, #tpu.memory_space<hbm>>)
    %dma_wait3A_36 = arith.constant 0 : i32
    %dma_wait3A_37 = arith.constant 0 : i32
    %dma_wait3A_38 = tpu.memref_slice %arg18[%dma_wait3A_36, %dma_wait3A_37] : memref<16384x32xf32, #tpu.memory_space<hbm>> -> memref<64x32xf32, #tpu.memory_space<hbm>>
    %dma_wait3A_39 = arith.constant 0 : i32
    %dma_wait3A_40 = arith.constant 0 : i32
    %dma_wait3A_41 = tpu.memref_slice %arg18[%dma_wait3A_39, %dma_wait3A_40] : memref<16384x32xf32, #tpu.memory_space<hbm>> -> memref<64x32xf32, #tpu.memory_space<hbm>>
    tpu.wait_dma2 semaphore(%arg35 : memref<!tpu.dma_semaphore, #tpu.memory_space<semaphore_mem>>) src(%arg29 : memref<64x32xf32, #tpu.memory_space<vmem>>) dst(%dma_wait3A_41 : memref<64x32xf32, #tpu.memory_space<hbm>>)
    %dma_wait3A_42 = arith.constant 0 : i32
    %dma_wait3A_43 = arith.constant 0 : i32
    %dma_wait3A_44 = tpu.memref_slice %arg19[%dma_wait3A_42, %dma_wait3A_43] : memref<16384x8xf32, #tpu.memory_space<hbm>> -> memref<64x8xf32, #tpu.memory_space<hbm>>
    %dma_wait3A_45 = arith.constant 0 : i32
    %dma_wait3A_46 = arith.constant 0 : i32
    %dma_wait3A_47 = tpu.memref_slice %arg19[%dma_wait3A_45, %dma_wait3A_46] : memref<16384x8xf32, #tpu.memory_space<hbm>> -> memref<64x8xf32, #tpu.memory_space<hbm>>
    tpu.wait_dma2 semaphore(%arg35 : memref<!tpu.dma_semaphore, #tpu.memory_space<semaphore_mem>>) src(%arg30 : memref<64x8xf32, #tpu.memory_space<vmem>>) dst(%dma_wait3A_47 : memref<64x8xf32, #tpu.memory_space<hbm>>)
    %dma_wait3A_48 = arith.constant 0 : i32
    %dma_wait3A_49 = arith.constant 0 : i32
    %dma_wait3A_50 = tpu.memref_slice %arg20[%dma_wait3A_48, %dma_wait3A_49] : memref<16384x16xf32, #tpu.memory_space<hbm>> -> memref<64x16xf32, #tpu.memory_space<hbm>>
    %dma_wait3A_51 = arith.constant 0 : i32
    %dma_wait3A_52 = arith.constant 0 : i32
    %dma_wait3A_53 = tpu.memref_slice %arg20[%dma_wait3A_51, %dma_wait3A_52] : memref<16384x16xf32, #tpu.memory_space<hbm>> -> memref<64x16xf32, #tpu.memory_space<hbm>>
    tpu.wait_dma2 semaphore(%arg35 : memref<!tpu.dma_semaphore, #tpu.memory_space<semaphore_mem>>) src(%arg31 : memref<64x16xf32, #tpu.memory_space<vmem>>) dst(%dma_wait3A_53 : memref<64x16xf32, #tpu.memory_space<hbm>>)
    %dma_wait3A_54 = arith.constant 0 : i32
    %dma_wait3A_55 = arith.constant 0 : i32
    %dma_wait3A_56 = tpu.memref_slice %arg21[%dma_wait3A_54, %dma_wait3A_55] : memref<16384x32xf32, #tpu.memory_space<hbm>> -> memref<64x32xf32, #tpu.memory_space<hbm>>
    %dma_wait3A_57 = arith.constant 0 : i32
    %dma_wait3A_58 = arith.constant 0 : i32
    %dma_wait3A_59 = tpu.memref_slice %arg21[%dma_wait3A_57, %dma_wait3A_58] : memref<16384x32xf32, #tpu.memory_space<hbm>> -> memref<64x32xf32, #tpu.memory_space<hbm>>
    tpu.wait_dma2 semaphore(%arg35 : memref<!tpu.dma_semaphore, #tpu.memory_space<semaphore_mem>>) src(%arg32 : memref<64x32xf32, #tpu.memory_space<vmem>>) dst(%dma_wait3A_59 : memref<64x32xf32, #tpu.memory_space<hbm>>)
    %dma_wait3A_60 = arith.constant 0 : i32
    %dma_wait3A_61 = arith.constant 0 : i32
    %dma_wait3A_62 = tpu.memref_slice %arg22[%dma_wait3A_60, %dma_wait3A_61] : memref<16384x64xf32, #tpu.memory_space<hbm>> -> memref<64x64xf32, #tpu.memory_space<hbm>>
    %dma_wait3A_63 = arith.constant 0 : i32
    %dma_wait3A_64 = arith.constant 0 : i32
    %dma_wait3A_65 = tpu.memref_slice %arg22[%dma_wait3A_63, %dma_wait3A_64] : memref<16384x64xf32, #tpu.memory_space<hbm>> -> memref<64x64xf32, #tpu.memory_space<hbm>>
    tpu.wait_dma2 semaphore(%arg35 : memref<!tpu.dma_semaphore, #tpu.memory_space<semaphore_mem>>) src(%arg33 : memref<64x64xf32, #tpu.memory_space<vmem>>) dst(%dma_wait3A_65 : memref<64x64xf32, #tpu.memory_space<hbm>>)
    return
  }
}

#map = affine_map<(d0, d1) -> (0, 0)>
#map1 = affine_map<(d0, d1) -> (0)>
module attributes {stable_mosaic.version = 14 : i64} {
  func.func @_sc_hist_body(%arg0: i32, %arg1: i32, %arg2: memref<1983940x32xf32, #tpu.memory_space<hbm>>, %arg3: memref<25600x128xi32, #tpu.memory_space<hbm>>, %arg4: memref<16384xi32, #tpu.memory_space<hbm>>, %arg5: memref<16384x32xf32, #tpu.memory_space<hbm>>, %arg6: memref<16384x32xf32, #tpu.memory_space<hbm>>, %arg7: memref<128xi32, #tpu.memory_space<vmem>>, %arg8: memref<128x32xf32, #tpu.memory_space<vmem>>, %arg9: memref<25x128xi32, #tpu.memory_space<vmem>>, %arg10: memref<1600x32xf32, #tpu.memory_space<vmem>>, %arg11: memref<1600x32xf32, #tpu.memory_space<vmem>>, %arg12: memref<8x32xf32, #tpu.memory_space<vmem>>, %arg13: memref<8x32xf32, #tpu.memory_space<vmem>>, %arg14: memref<!tpu.dma_semaphore, #tpu.memory_space<semaphore_mem>>, %arg15: memref<!tpu.dma_semaphore, #tpu.memory_space<semaphore_mem>>, %arg16: memref<!tpu.dma_semaphore, #tpu.memory_space<semaphore_mem>>, %arg17: memref<!tpu.dma_semaphore, #tpu.memory_space<semaphore_mem>>, %arg18: memref<!tpu.dma_semaphore, #tpu.memory_space<semaphore_mem>>, %arg19: memref<!tpu.dma_semaphore, #tpu.memory_space<semaphore_mem>>) attributes {dimension_semantics = [#tpu.dimension_semantics<core_parallel>, #tpu.dimension_semantics<subcore_parallel>], iteration_bounds = array<i64: 2, 16>, scalar_prefetch = 0 : i64, scratch_operands = 13 : i64, tpu.core_type = #tpu.core_type<sc_vector_subcore>, window_params = [{transform_indices = #map}, {transform_indices = #map}, {transform_indices = #map1}, {transform_indices = #map}, {transform_indices = #map}]} {
    %mul3A = arith.constant 2 : i32
    %mul3A_0 = arith.muli %arg1, %mul3A : i32
    %add3A = arith.addi %mul3A_0, %arg0 : i32
    %mul3A_1 = arith.constant 32 : i32
    %mul3A_2 = arith.muli %add3A, %mul3A_1 : i32
    %add3A_3 = arith.constant 0 : i32
    %add3A_4 = arith.addi %mul3A_2, %add3A_3 : i32
    %mul3A_5 = arith.constant 25 : i32
    %mul3A_6 = arith.muli %add3A_4, %mul3A_5 : i32
    "tpu.region"() ({
      %run_scoped3A = tpu.sem_alloc : memref<!tpu.dma_semaphore, #tpu.memory_space<semaphore_mem>>
      %dma_start3A_296 = arith.constant 0 : i32
      %dma_start3A_297 = tpu.memref_slice %arg3[%mul3A_6, %dma_start3A_296] : memref<25600x128xi32, #tpu.memory_space<hbm>> -> memref<25x128xi32, #tpu.memory_space<hbm>>
      %dma_start3A_298 = arith.constant 0 : i32
      %dma_start3A_299 = tpu.memref_slice %arg3[%mul3A_6, %dma_start3A_298] : memref<25600x128xi32, #tpu.memory_space<hbm>> -> memref<25x128xi32, #tpu.memory_space<hbm>>
      tpu.enqueue_dma source(%dma_start3A_299 : memref<25x128xi32, #tpu.memory_space<hbm>>) target(%arg9 : memref<25x128xi32, #tpu.memory_space<vmem>>) target_semaphore(%run_scoped3A : memref<!tpu.dma_semaphore, #tpu.memory_space<semaphore_mem>>)
      %dma_wait3A_300 = arith.constant 0 : i32
      %dma_wait3A_301 = tpu.memref_slice %arg3[%mul3A_6, %dma_wait3A_300] : memref<25600x128xi32, #tpu.memory_space<hbm>> -> memref<25x128xi32, #tpu.memory_space<hbm>>
      %dma_wait3A_302 = arith.constant 0 : i32
      %dma_wait3A_303 = tpu.memref_slice %arg3[%mul3A_6, %dma_wait3A_302] : memref<25600x128xi32, #tpu.memory_space<hbm>> -> memref<25x128xi32, #tpu.memory_space<hbm>>
      tpu.wait_dma2 semaphore(%run_scoped3A : memref<!tpu.dma_semaphore, #tpu.memory_space<semaphore_mem>>) src(%dma_wait3A_303 : memref<25x128xi32, #tpu.memory_space<hbm>>) dst(%arg9 : memref<25x128xi32, #tpu.memory_space<vmem>>)
      tpu.yield
    }) : () -> ()
    %dma_start3A = arith.constant 0 : i32
    %dma_start3A_7 = arith.constant 0 : i32
    %dma_start3A_8 = arith.constant 0 : i32
    %dma_start3A_9 = tpu.memref_slice %arg10[%dma_start3A_7, %dma_start3A_8] : memref<1600x32xf32, #tpu.memory_space<vmem>> -> memref<128x32xf32, #tpu.memory_space<vmem>>
    %dma_start3A_10 = arith.constant 0 : i32
    %dma_start3A_11 = tpu.memref_slice %arg9[%dma_start3A, %dma_start3A_10] : memref<25x128xi32, #tpu.memory_space<vmem>> -> memref<1x128xi32, #tpu.memory_space<vmem>>
    %dma_start3A_12 = tpu.memref_squeeze %dma_start3A_11 : memref<1x128xi32, #tpu.memory_space<vmem>> -> memref<128xi32, #tpu.memory_space<vmem>>
    %dma_start3A_13 = arith.constant 0 : i32
    %dma_start3A_14 = arith.constant 0 : i32
    %dma_start3A_15 = tpu.memref_slice %arg2[%dma_start3A_13, %dma_start3A_14] : memref<1983940x32xf32, #tpu.memory_space<hbm>> -> memref<1983940x32xf32, #tpu.memory_space<hbm>>
    tpu.enqueue_indirect_dma source(%dma_start3A_15 : memref<1983940x32xf32, #tpu.memory_space<hbm>>) target(%dma_start3A_9 : memref<128x32xf32, #tpu.memory_space<vmem>>) offsets(%dma_start3A_12 : memref<128xi32, #tpu.memory_space<vmem>>) semaphore(%arg16 : memref<!tpu.dma_semaphore, #tpu.memory_space<semaphore_mem>>)
    %dma_start3A_16 = arith.constant 1 : i32
    %dma_start3A_17 = arith.constant 128 : i32
    %dma_start3A_18 = arith.constant 0 : i32
    %dma_start3A_19 = tpu.memref_slice %arg10[%dma_start3A_17, %dma_start3A_18] : memref<1600x32xf32, #tpu.memory_space<vmem>> -> memref<128x32xf32, #tpu.memory_space<vmem>>
    %dma_start3A_20 = arith.constant 0 : i32
    %dma_start3A_21 = tpu.memref_slice %arg9[%dma_start3A_16, %dma_start3A_20] : memref<25x128xi32, #tpu.memory_space<vmem>> -> memref<1x128xi32, #tpu.memory_space<vmem>>
    %dma_start3A_22 = tpu.memref_squeeze %dma_start3A_21 : memref<1x128xi32, #tpu.memory_space<vmem>> -> memref<128xi32, #tpu.memory_space<vmem>>
    %dma_start3A_23 = arith.constant 0 : i32
    %dma_start3A_24 = arith.constant 0 : i32
    %dma_start3A_25 = tpu.memref_slice %arg2[%dma_start3A_23, %dma_start3A_24] : memref<1983940x32xf32, #tpu.memory_space<hbm>> -> memref<1983940x32xf32, #tpu.memory_space<hbm>>
    tpu.enqueue_indirect_dma source(%dma_start3A_25 : memref<1983940x32xf32, #tpu.memory_space<hbm>>) target(%dma_start3A_19 : memref<128x32xf32, #tpu.memory_space<vmem>>) offsets(%dma_start3A_22 : memref<128xi32, #tpu.memory_space<vmem>>) semaphore(%arg16 : memref<!tpu.dma_semaphore, #tpu.memory_space<semaphore_mem>>)
    %dma_start3A_26 = arith.constant 2 : i32
    %dma_start3A_27 = arith.constant 256 : i32
    %dma_start3A_28 = arith.constant 0 : i32
    %dma_start3A_29 = tpu.memref_slice %arg10[%dma_start3A_27, %dma_start3A_28] : memref<1600x32xf32, #tpu.memory_space<vmem>> -> memref<128x32xf32, #tpu.memory_space<vmem>>
    %dma_start3A_30 = arith.constant 0 : i32
    %dma_start3A_31 = tpu.memref_slice %arg9[%dma_start3A_26, %dma_start3A_30] : memref<25x128xi32, #tpu.memory_space<vmem>> -> memref<1x128xi32, #tpu.memory_space<vmem>>
    %dma_start3A_32 = tpu.memref_squeeze %dma_start3A_31 : memref<1x128xi32, #tpu.memory_space<vmem>> -> memref<128xi32, #tpu.memory_space<vmem>>
    %dma_start3A_33 = arith.constant 0 : i32
    %dma_start3A_34 = arith.constant 0 : i32
    %dma_start3A_35 = tpu.memref_slice %arg2[%dma_start3A_33, %dma_start3A_34] : memref<1983940x32xf32, #tpu.memory_space<hbm>> -> memref<1983940x32xf32, #tpu.memory_space<hbm>>
    tpu.enqueue_indirect_dma source(%dma_start3A_35 : memref<1983940x32xf32, #tpu.memory_space<hbm>>) target(%dma_start3A_29 : memref<128x32xf32, #tpu.memory_space<vmem>>) offsets(%dma_start3A_32 : memref<128xi32, #tpu.memory_space<vmem>>) semaphore(%arg16 : memref<!tpu.dma_semaphore, #tpu.memory_space<semaphore_mem>>)
    %dma_start3A_36 = arith.constant 3 : i32
    %dma_start3A_37 = arith.constant 384 : i32
    %dma_start3A_38 = arith.constant 0 : i32
    %dma_start3A_39 = tpu.memref_slice %arg10[%dma_start3A_37, %dma_start3A_38] : memref<1600x32xf32, #tpu.memory_space<vmem>> -> memref<128x32xf32, #tpu.memory_space<vmem>>
    %dma_start3A_40 = arith.constant 0 : i32
    %dma_start3A_41 = tpu.memref_slice %arg9[%dma_start3A_36, %dma_start3A_40] : memref<25x128xi32, #tpu.memory_space<vmem>> -> memref<1x128xi32, #tpu.memory_space<vmem>>
    %dma_start3A_42 = tpu.memref_squeeze %dma_start3A_41 : memref<1x128xi32, #tpu.memory_space<vmem>> -> memref<128xi32, #tpu.memory_space<vmem>>
    %dma_start3A_43 = arith.constant 0 : i32
    %dma_start3A_44 = arith.constant 0 : i32
    %dma_start3A_45 = tpu.memref_slice %arg2[%dma_start3A_43, %dma_start3A_44] : memref<1983940x32xf32, #tpu.memory_space<hbm>> -> memref<1983940x32xf32, #tpu.memory_space<hbm>>
    tpu.enqueue_indirect_dma source(%dma_start3A_45 : memref<1983940x32xf32, #tpu.memory_space<hbm>>) target(%dma_start3A_39 : memref<128x32xf32, #tpu.memory_space<vmem>>) offsets(%dma_start3A_42 : memref<128xi32, #tpu.memory_space<vmem>>) semaphore(%arg16 : memref<!tpu.dma_semaphore, #tpu.memory_space<semaphore_mem>>)
    %dma_start3A_46 = arith.constant 4 : i32
    %dma_start3A_47 = arith.constant 512 : i32
    %dma_start3A_48 = arith.constant 0 : i32
    %dma_start3A_49 = tpu.memref_slice %arg10[%dma_start3A_47, %dma_start3A_48] : memref<1600x32xf32, #tpu.memory_space<vmem>> -> memref<128x32xf32, #tpu.memory_space<vmem>>
    %dma_start3A_50 = arith.constant 0 : i32
    %dma_start3A_51 = tpu.memref_slice %arg9[%dma_start3A_46, %dma_start3A_50] : memref<25x128xi32, #tpu.memory_space<vmem>> -> memref<1x128xi32, #tpu.memory_space<vmem>>
    %dma_start3A_52 = tpu.memref_squeeze %dma_start3A_51 : memref<1x128xi32, #tpu.memory_space<vmem>> -> memref<128xi32, #tpu.memory_space<vmem>>
    %dma_start3A_53 = arith.constant 0 : i32
    %dma_start3A_54 = arith.constant 0 : i32
    %dma_start3A_55 = tpu.memref_slice %arg2[%dma_start3A_53, %dma_start3A_54] : memref<1983940x32xf32, #tpu.memory_space<hbm>> -> memref<1983940x32xf32, #tpu.memory_space<hbm>>
    tpu.enqueue_indirect_dma source(%dma_start3A_55 : memref<1983940x32xf32, #tpu.memory_space<hbm>>) target(%dma_start3A_49 : memref<128x32xf32, #tpu.memory_space<vmem>>) offsets(%dma_start3A_52 : memref<128xi32, #tpu.memory_space<vmem>>) semaphore(%arg16 : memref<!tpu.dma_semaphore, #tpu.memory_space<semaphore_mem>>)
    %dma_start3A_56 = arith.constant 5 : i32
    %dma_start3A_57 = arith.constant 640 : i32
    %dma_start3A_58 = arith.constant 0 : i32
    %dma_start3A_59 = tpu.memref_slice %arg10[%dma_start3A_57, %dma_start3A_58] : memref<1600x32xf32, #tpu.memory_space<vmem>> -> memref<128x32xf32, #tpu.memory_space<vmem>>
    %dma_start3A_60 = arith.constant 0 : i32
    %dma_start3A_61 = tpu.memref_slice %arg9[%dma_start3A_56, %dma_start3A_60] : memref<25x128xi32, #tpu.memory_space<vmem>> -> memref<1x128xi32, #tpu.memory_space<vmem>>
    %dma_start3A_62 = tpu.memref_squeeze %dma_start3A_61 : memref<1x128xi32, #tpu.memory_space<vmem>> -> memref<128xi32, #tpu.memory_space<vmem>>
    %dma_start3A_63 = arith.constant 0 : i32
    %dma_start3A_64 = arith.constant 0 : i32
    %dma_start3A_65 = tpu.memref_slice %arg2[%dma_start3A_63, %dma_start3A_64] : memref<1983940x32xf32, #tpu.memory_space<hbm>> -> memref<1983940x32xf32, #tpu.memory_space<hbm>>
    tpu.enqueue_indirect_dma source(%dma_start3A_65 : memref<1983940x32xf32, #tpu.memory_space<hbm>>) target(%dma_start3A_59 : memref<128x32xf32, #tpu.memory_space<vmem>>) offsets(%dma_start3A_62 : memref<128xi32, #tpu.memory_space<vmem>>) semaphore(%arg16 : memref<!tpu.dma_semaphore, #tpu.memory_space<semaphore_mem>>)
    %dma_start3A_66 = arith.constant 6 : i32
    %dma_start3A_67 = arith.constant 768 : i32
    %dma_start3A_68 = arith.constant 0 : i32
    %dma_start3A_69 = tpu.memref_slice %arg10[%dma_start3A_67, %dma_start3A_68] : memref<1600x32xf32, #tpu.memory_space<vmem>> -> memref<128x32xf32, #tpu.memory_space<vmem>>
    %dma_start3A_70 = arith.constant 0 : i32
    %dma_start3A_71 = tpu.memref_slice %arg9[%dma_start3A_66, %dma_start3A_70] : memref<25x128xi32, #tpu.memory_space<vmem>> -> memref<1x128xi32, #tpu.memory_space<vmem>>
    %dma_start3A_72 = tpu.memref_squeeze %dma_start3A_71 : memref<1x128xi32, #tpu.memory_space<vmem>> -> memref<128xi32, #tpu.memory_space<vmem>>
    %dma_start3A_73 = arith.constant 0 : i32
    %dma_start3A_74 = arith.constant 0 : i32
    %dma_start3A_75 = tpu.memref_slice %arg2[%dma_start3A_73, %dma_start3A_74] : memref<1983940x32xf32, #tpu.memory_space<hbm>> -> memref<1983940x32xf32, #tpu.memory_space<hbm>>
    tpu.enqueue_indirect_dma source(%dma_start3A_75 : memref<1983940x32xf32, #tpu.memory_space<hbm>>) target(%dma_start3A_69 : memref<128x32xf32, #tpu.memory_space<vmem>>) offsets(%dma_start3A_72 : memref<128xi32, #tpu.memory_space<vmem>>) semaphore(%arg16 : memref<!tpu.dma_semaphore, #tpu.memory_space<semaphore_mem>>)
    %dma_start3A_76 = arith.constant 7 : i32
    %dma_start3A_77 = arith.constant 896 : i32
    %dma_start3A_78 = arith.constant 0 : i32
    %dma_start3A_79 = tpu.memref_slice %arg10[%dma_start3A_77, %dma_start3A_78] : memref<1600x32xf32, #tpu.memory_space<vmem>> -> memref<128x32xf32, #tpu.memory_space<vmem>>
    %dma_start3A_80 = arith.constant 0 : i32
    %dma_start3A_81 = tpu.memref_slice %arg9[%dma_start3A_76, %dma_start3A_80] : memref<25x128xi32, #tpu.memory_space<vmem>> -> memref<1x128xi32, #tpu.memory_space<vmem>>
    %dma_start3A_82 = tpu.memref_squeeze %dma_start3A_81 : memref<1x128xi32, #tpu.memory_space<vmem>> -> memref<128xi32, #tpu.memory_space<vmem>>
    %dma_start3A_83 = arith.constant 0 : i32
    %dma_start3A_84 = arith.constant 0 : i32
    %dma_start3A_85 = tpu.memref_slice %arg2[%dma_start3A_83, %dma_start3A_84] : memref<1983940x32xf32, #tpu.memory_space<hbm>> -> memref<1983940x32xf32, #tpu.memory_space<hbm>>
    tpu.enqueue_indirect_dma source(%dma_start3A_85 : memref<1983940x32xf32, #tpu.memory_space<hbm>>) target(%dma_start3A_79 : memref<128x32xf32, #tpu.memory_space<vmem>>) offsets(%dma_start3A_82 : memref<128xi32, #tpu.memory_space<vmem>>) semaphore(%arg16 : memref<!tpu.dma_semaphore, #tpu.memory_space<semaphore_mem>>)
    %dma_start3A_86 = arith.constant 8 : i32
    %dma_start3A_87 = arith.constant 1024 : i32
    %dma_start3A_88 = arith.constant 0 : i32
    %dma_start3A_89 = tpu.memref_slice %arg10[%dma_start3A_87, %dma_start3A_88] : memref<1600x32xf32, #tpu.memory_space<vmem>> -> memref<128x32xf32, #tpu.memory_space<vmem>>
    %dma_start3A_90 = arith.constant 0 : i32
    %dma_start3A_91 = tpu.memref_slice %arg9[%dma_start3A_86, %dma_start3A_90] : memref<25x128xi32, #tpu.memory_space<vmem>> -> memref<1x128xi32, #tpu.memory_space<vmem>>
    %dma_start3A_92 = tpu.memref_squeeze %dma_start3A_91 : memref<1x128xi32, #tpu.memory_space<vmem>> -> memref<128xi32, #tpu.memory_space<vmem>>
    %dma_start3A_93 = arith.constant 0 : i32
    %dma_start3A_94 = arith.constant 0 : i32
    %dma_start3A_95 = tpu.memref_slice %arg2[%dma_start3A_93, %dma_start3A_94] : memref<1983940x32xf32, #tpu.memory_space<hbm>> -> memref<1983940x32xf32, #tpu.memory_space<hbm>>
    tpu.enqueue_indirect_dma source(%dma_start3A_95 : memref<1983940x32xf32, #tpu.memory_space<hbm>>) target(%dma_start3A_89 : memref<128x32xf32, #tpu.memory_space<vmem>>) offsets(%dma_start3A_92 : memref<128xi32, #tpu.memory_space<vmem>>) semaphore(%arg16 : memref<!tpu.dma_semaphore, #tpu.memory_space<semaphore_mem>>)
    %dma_start3A_96 = arith.constant 9 : i32
    %dma_start3A_97 = arith.constant 1152 : i32
    %dma_start3A_98 = arith.constant 0 : i32
    %dma_start3A_99 = tpu.memref_slice %arg10[%dma_start3A_97, %dma_start3A_98] : memref<1600x32xf32, #tpu.memory_space<vmem>> -> memref<128x32xf32, #tpu.memory_space<vmem>>
    %dma_start3A_100 = arith.constant 0 : i32
    %dma_start3A_101 = tpu.memref_slice %arg9[%dma_start3A_96, %dma_start3A_100] : memref<25x128xi32, #tpu.memory_space<vmem>> -> memref<1x128xi32, #tpu.memory_space<vmem>>
    %dma_start3A_102 = tpu.memref_squeeze %dma_start3A_101 : memref<1x128xi32, #tpu.memory_space<vmem>> -> memref<128xi32, #tpu.memory_space<vmem>>
    %dma_start3A_103 = arith.constant 0 : i32
    %dma_start3A_104 = arith.constant 0 : i32
    %dma_start3A_105 = tpu.memref_slice %arg2[%dma_start3A_103, %dma_start3A_104] : memref<1983940x32xf32, #tpu.memory_space<hbm>> -> memref<1983940x32xf32, #tpu.memory_space<hbm>>
    tpu.enqueue_indirect_dma source(%dma_start3A_105 : memref<1983940x32xf32, #tpu.memory_space<hbm>>) target(%dma_start3A_99 : memref<128x32xf32, #tpu.memory_space<vmem>>) offsets(%dma_start3A_102 : memref<128xi32, #tpu.memory_space<vmem>>) semaphore(%arg16 : memref<!tpu.dma_semaphore, #tpu.memory_space<semaphore_mem>>)
    %dma_start3A_106 = arith.constant 10 : i32
    %dma_start3A_107 = arith.constant 1280 : i32
    %dma_start3A_108 = arith.constant 0 : i32
    %dma_start3A_109 = tpu.memref_slice %arg10[%dma_start3A_107, %dma_start3A_108] : memref<1600x32xf32, #tpu.memory_space<vmem>> -> memref<128x32xf32, #tpu.memory_space<vmem>>
    %dma_start3A_110 = arith.constant 0 : i32
    %dma_start3A_111 = tpu.memref_slice %arg9[%dma_start3A_106, %dma_start3A_110] : memref<25x128xi32, #tpu.memory_space<vmem>> -> memref<1x128xi32, #tpu.memory_space<vmem>>
    %dma_start3A_112 = tpu.memref_squeeze %dma_start3A_111 : memref<1x128xi32, #tpu.memory_space<vmem>> -> memref<128xi32, #tpu.memory_space<vmem>>
    %dma_start3A_113 = arith.constant 0 : i32
    %dma_start3A_114 = arith.constant 0 : i32
    %dma_start3A_115 = tpu.memref_slice %arg2[%dma_start3A_113, %dma_start3A_114] : memref<1983940x32xf32, #tpu.memory_space<hbm>> -> memref<1983940x32xf32, #tpu.memory_space<hbm>>
    tpu.enqueue_indirect_dma source(%dma_start3A_115 : memref<1983940x32xf32, #tpu.memory_space<hbm>>) target(%dma_start3A_109 : memref<128x32xf32, #tpu.memory_space<vmem>>) offsets(%dma_start3A_112 : memref<128xi32, #tpu.memory_space<vmem>>) semaphore(%arg16 : memref<!tpu.dma_semaphore, #tpu.memory_space<semaphore_mem>>)
    %dma_start3A_116 = arith.constant 11 : i32
    %dma_start3A_117 = arith.constant 1408 : i32
    %dma_start3A_118 = arith.constant 0 : i32
    %dma_start3A_119 = tpu.memref_slice %arg10[%dma_start3A_117, %dma_start3A_118] : memref<1600x32xf32, #tpu.memory_space<vmem>> -> memref<128x32xf32, #tpu.memory_space<vmem>>
    %dma_start3A_120 = arith.constant 0 : i32
    %dma_start3A_121 = tpu.memref_slice %arg9[%dma_start3A_116, %dma_start3A_120] : memref<25x128xi32, #tpu.memory_space<vmem>> -> memref<1x128xi32, #tpu.memory_space<vmem>>
    %dma_start3A_122 = tpu.memref_squeeze %dma_start3A_121 : memref<1x128xi32, #tpu.memory_space<vmem>> -> memref<128xi32, #tpu.memory_space<vmem>>
    %dma_start3A_123 = arith.constant 0 : i32
    %dma_start3A_124 = arith.constant 0 : i32
    %dma_start3A_125 = tpu.memref_slice %arg2[%dma_start3A_123, %dma_start3A_124] : memref<1983940x32xf32, #tpu.memory_space<hbm>> -> memref<1983940x32xf32, #tpu.memory_space<hbm>>
    tpu.enqueue_indirect_dma source(%dma_start3A_125 : memref<1983940x32xf32, #tpu.memory_space<hbm>>) target(%dma_start3A_119 : memref<128x32xf32, #tpu.memory_space<vmem>>) offsets(%dma_start3A_122 : memref<128xi32, #tpu.memory_space<vmem>>) semaphore(%arg16 : memref<!tpu.dma_semaphore, #tpu.memory_space<semaphore_mem>>)
    %dma_start3A_126 = arith.constant 12 : i32
    %dma_start3A_127 = arith.constant 1536 : i32
    %dma_start3A_128 = arith.constant 0 : i32
    %dma_start3A_129 = tpu.memref_slice %arg10[%dma_start3A_127, %dma_start3A_128] : memref<1600x32xf32, #tpu.memory_space<vmem>> -> memref<64x32xf32, #tpu.memory_space<vmem>>
    %dma_start3A_130 = arith.constant 0 : i32
    %dma_start3A_131 = tpu.memref_slice %arg9[%dma_start3A_126, %dma_start3A_130] : memref<25x128xi32, #tpu.memory_space<vmem>> -> memref<1x64xi32, #tpu.memory_space<vmem>>
    %dma_start3A_132 = tpu.memref_squeeze %dma_start3A_131 : memref<1x64xi32, #tpu.memory_space<vmem>> -> memref<64xi32, #tpu.memory_space<vmem>>
    %dma_start3A_133 = arith.constant 0 : i32
    %dma_start3A_134 = arith.constant 0 : i32
    %dma_start3A_135 = tpu.memref_slice %arg2[%dma_start3A_133, %dma_start3A_134] : memref<1983940x32xf32, #tpu.memory_space<hbm>> -> memref<1983940x32xf32, #tpu.memory_space<hbm>>
    tpu.enqueue_indirect_dma source(%dma_start3A_135 : memref<1983940x32xf32, #tpu.memory_space<hbm>>) target(%dma_start3A_129 : memref<64x32xf32, #tpu.memory_space<vmem>>) offsets(%dma_start3A_132 : memref<64xi32, #tpu.memory_space<vmem>>) semaphore(%arg16 : memref<!tpu.dma_semaphore, #tpu.memory_space<semaphore_mem>>)
    %dma_start3A_136 = arith.constant 12 : i32
    %dma_start3A_137 = arith.constant 0 : i32
    %dma_start3A_138 = arith.constant 0 : i32
    %dma_start3A_139 = tpu.memref_slice %arg11[%dma_start3A_137, %dma_start3A_138] : memref<1600x32xf32, #tpu.memory_space<vmem>> -> memref<64x32xf32, #tpu.memory_space<vmem>>
    %dma_start3A_140 = arith.constant 64 : i32
    %dma_start3A_141 = tpu.memref_slice %arg9[%dma_start3A_136, %dma_start3A_140] : memref<25x128xi32, #tpu.memory_space<vmem>> -> memref<1x64xi32, #tpu.memory_space<vmem>>
    %dma_start3A_142 = tpu.memref_squeeze %dma_start3A_141 : memref<1x64xi32, #tpu.memory_space<vmem>> -> memref<64xi32, #tpu.memory_space<vmem>>
    %dma_start3A_143 = arith.constant 0 : i32
    %dma_start3A_144 = arith.constant 0 : i32
    %dma_start3A_145 = tpu.memref_slice %arg2[%dma_start3A_143, %dma_start3A_144] : memref<1983940x32xf32, #tpu.memory_space<hbm>> -> memref<1983940x32xf32, #tpu.memory_space<hbm>>
    tpu.enqueue_indirect_dma source(%dma_start3A_145 : memref<1983940x32xf32, #tpu.memory_space<hbm>>) target(%dma_start3A_139 : memref<64x32xf32, #tpu.memory_space<vmem>>) offsets(%dma_start3A_142 : memref<64xi32, #tpu.memory_space<vmem>>) semaphore(%arg17 : memref<!tpu.dma_semaphore, #tpu.memory_space<semaphore_mem>>)
    %dma_start3A_146 = arith.constant 13 : i32
    %dma_start3A_147 = arith.constant 64 : i32
    %dma_start3A_148 = arith.constant 0 : i32
    %dma_start3A_149 = tpu.memref_slice %arg11[%dma_start3A_147, %dma_start3A_148] : memref<1600x32xf32, #tpu.memory_space<vmem>> -> memref<128x32xf32, #tpu.memory_space<vmem>>
    %dma_start3A_150 = arith.constant 0 : i32
    %dma_start3A_151 = tpu.memref_slice %arg9[%dma_start3A_146, %dma_start3A_150] : memref<25x128xi32, #tpu.memory_space<vmem>> -> memref<1x128xi32, #tpu.memory_space<vmem>>
    %dma_start3A_152 = tpu.memref_squeeze %dma_start3A_151 : memref<1x128xi32, #tpu.memory_space<vmem>> -> memref<128xi32, #tpu.memory_space<vmem>>
    %dma_start3A_153 = arith.constant 0 : i32
    %dma_start3A_154 = arith.constant 0 : i32
    %dma_start3A_155 = tpu.memref_slice %arg2[%dma_start3A_153, %dma_start3A_154] : memref<1983940x32xf32, #tpu.memory_space<hbm>> -> memref<1983940x32xf32, #tpu.memory_space<hbm>>
    tpu.enqueue_indirect_dma source(%dma_start3A_155 : memref<1983940x32xf32, #tpu.memory_space<hbm>>) target(%dma_start3A_149 : memref<128x32xf32, #tpu.memory_space<vmem>>) offsets(%dma_start3A_152 : memref<128xi32, #tpu.memory_space<vmem>>) semaphore(%arg17 : memref<!tpu.dma_semaphore, #tpu.memory_space<semaphore_mem>>)
    %dma_start3A_156 = arith.constant 14 : i32
    %dma_start3A_157 = arith.constant 192 : i32
    %dma_start3A_158 = arith.constant 0 : i32
    %dma_start3A_159 = tpu.memref_slice %arg11[%dma_start3A_157, %dma_start3A_158] : memref<1600x32xf32, #tpu.memory_space<vmem>> -> memref<128x32xf32, #tpu.memory_space<vmem>>
    %dma_start3A_160 = arith.constant 0 : i32
    %dma_start3A_161 = tpu.memref_slice %arg9[%dma_start3A_156, %dma_start3A_160] : memref<25x128xi32, #tpu.memory_space<vmem>> -> memref<1x128xi32, #tpu.memory_space<vmem>>
    %dma_start3A_162 = tpu.memref_squeeze %dma_start3A_161 : memref<1x128xi32, #tpu.memory_space<vmem>> -> memref<128xi32, #tpu.memory_space<vmem>>
    %dma_start3A_163 = arith.constant 0 : i32
    %dma_start3A_164 = arith.constant 0 : i32
    %dma_start3A_165 = tpu.memref_slice %arg2[%dma_start3A_163, %dma_start3A_164] : memref<1983940x32xf32, #tpu.memory_space<hbm>> -> memref<1983940x32xf32, #tpu.memory_space<hbm>>
    tpu.enqueue_indirect_dma source(%dma_start3A_165 : memref<1983940x32xf32, #tpu.memory_space<hbm>>) target(%dma_start3A_159 : memref<128x32xf32, #tpu.memory_space<vmem>>) offsets(%dma_start3A_162 : memref<128xi32, #tpu.memory_space<vmem>>) semaphore(%arg17 : memref<!tpu.dma_semaphore, #tpu.memory_space<semaphore_mem>>)
    %dma_start3A_166 = arith.constant 15 : i32
    %dma_start3A_167 = arith.constant 320 : i32
    %dma_start3A_168 = arith.constant 0 : i32
    %dma_start3A_169 = tpu.memref_slice %arg11[%dma_start3A_167, %dma_start3A_168] : memref<1600x32xf32, #tpu.memory_space<vmem>> -> memref<128x32xf32, #tpu.memory_space<vmem>>
    %dma_start3A_170 = arith.constant 0 : i32
    %dma_start3A_171 = tpu.memref_slice %arg9[%dma_start3A_166, %dma_start3A_170] : memref<25x128xi32, #tpu.memory_space<vmem>> -> memref<1x128xi32, #tpu.memory_space<vmem>>
    %dma_start3A_172 = tpu.memref_squeeze %dma_start3A_171 : memref<1x128xi32, #tpu.memory_space<vmem>> -> memref<128xi32, #tpu.memory_space<vmem>>
    %dma_start3A_173 = arith.constant 0 : i32
    %dma_start3A_174 = arith.constant 0 : i32
    %dma_start3A_175 = tpu.memref_slice %arg2[%dma_start3A_173, %dma_start3A_174] : memref<1983940x32xf32, #tpu.memory_space<hbm>> -> memref<1983940x32xf32, #tpu.memory_space<hbm>>
    tpu.enqueue_indirect_dma source(%dma_start3A_175 : memref<1983940x32xf32, #tpu.memory_space<hbm>>) target(%dma_start3A_169 : memref<128x32xf32, #tpu.memory_space<vmem>>) offsets(%dma_start3A_172 : memref<128xi32, #tpu.memory_space<vmem>>) semaphore(%arg17 : memref<!tpu.dma_semaphore, #tpu.memory_space<semaphore_mem>>)
    %dma_start3A_176 = arith.constant 16 : i32
    %dma_start3A_177 = arith.constant 448 : i32
    %dma_start3A_178 = arith.constant 0 : i32
    %dma_start3A_179 = tpu.memref_slice %arg11[%dma_start3A_177, %dma_start3A_178] : memref<1600x32xf32, #tpu.memory_space<vmem>> -> memref<128x32xf32, #tpu.memory_space<vmem>>
    %dma_start3A_180 = arith.constant 0 : i32
    %dma_start3A_181 = tpu.memref_slice %arg9[%dma_start3A_176, %dma_start3A_180] : memref<25x128xi32, #tpu.memory_space<vmem>> -> memref<1x128xi32, #tpu.memory_space<vmem>>
    %dma_start3A_182 = tpu.memref_squeeze %dma_start3A_181 : memref<1x128xi32, #tpu.memory_space<vmem>> -> memref<128xi32, #tpu.memory_space<vmem>>
    %dma_start3A_183 = arith.constant 0 : i32
    %dma_start3A_184 = arith.constant 0 : i32
    %dma_start3A_185 = tpu.memref_slice %arg2[%dma_start3A_183, %dma_start3A_184] : memref<1983940x32xf32, #tpu.memory_space<hbm>> -> memref<1983940x32xf32, #tpu.memory_space<hbm>>
    tpu.enqueue_indirect_dma source(%dma_start3A_185 : memref<1983940x32xf32, #tpu.memory_space<hbm>>) target(%dma_start3A_179 : memref<128x32xf32, #tpu.memory_space<vmem>>) offsets(%dma_start3A_182 : memref<128xi32, #tpu.memory_space<vmem>>) semaphore(%arg17 : memref<!tpu.dma_semaphore, #tpu.memory_space<semaphore_mem>>)
    %dma_start3A_186 = arith.constant 17 : i32
    %dma_start3A_187 = arith.constant 576 : i32
    %dma_start3A_188 = arith.constant 0 : i32
    %dma_start3A_189 = tpu.memref_slice %arg11[%dma_start3A_187, %dma_start3A_188] : memref<1600x32xf32, #tpu.memory_space<vmem>> -> memref<128x32xf32, #tpu.memory_space<vmem>>
    %dma_start3A_190 = arith.constant 0 : i32
    %dma_start3A_191 = tpu.memref_slice %arg9[%dma_start3A_186, %dma_start3A_190] : memref<25x128xi32, #tpu.memory_space<vmem>> -> memref<1x128xi32, #tpu.memory_space<vmem>>
    %dma_start3A_192 = tpu.memref_squeeze %dma_start3A_191 : memref<1x128xi32, #tpu.memory_space<vmem>> -> memref<128xi32, #tpu.memory_space<vmem>>
    %dma_start3A_193 = arith.constant 0 : i32
    %dma_start3A_194 = arith.constant 0 : i32
    %dma_start3A_195 = tpu.memref_slice %arg2[%dma_start3A_193, %dma_start3A_194] : memref<1983940x32xf32, #tpu.memory_space<hbm>> -> memref<1983940x32xf32, #tpu.memory_space<hbm>>
    tpu.enqueue_indirect_dma source(%dma_start3A_195 : memref<1983940x32xf32, #tpu.memory_space<hbm>>) target(%dma_start3A_189 : memref<128x32xf32, #tpu.memory_space<vmem>>) offsets(%dma_start3A_192 : memref<128xi32, #tpu.memory_space<vmem>>) semaphore(%arg17 : memref<!tpu.dma_semaphore, #tpu.memory_space<semaphore_mem>>)
    %dma_start3A_196 = arith.constant 18 : i32
    %dma_start3A_197 = arith.constant 704 : i32
    %dma_start3A_198 = arith.constant 0 : i32
    %dma_start3A_199 = tpu.memref_slice %arg11[%dma_start3A_197, %dma_start3A_198] : memref<1600x32xf32, #tpu.memory_space<vmem>> -> memref<128x32xf32, #tpu.memory_space<vmem>>
    %dma_start3A_200 = arith.constant 0 : i32
    %dma_start3A_201 = tpu.memref_slice %arg9[%dma_start3A_196, %dma_start3A_200] : memref<25x128xi32, #tpu.memory_space<vmem>> -> memref<1x128xi32, #tpu.memory_space<vmem>>
    %dma_start3A_202 = tpu.memref_squeeze %dma_start3A_201 : memref<1x128xi32, #tpu.memory_space<vmem>> -> memref<128xi32, #tpu.memory_space<vmem>>
    %dma_start3A_203 = arith.constant 0 : i32
    %dma_start3A_204 = arith.constant 0 : i32
    %dma_start3A_205 = tpu.memref_slice %arg2[%dma_start3A_203, %dma_start3A_204] : memref<1983940x32xf32, #tpu.memory_space<hbm>> -> memref<1983940x32xf32, #tpu.memory_space<hbm>>
    tpu.enqueue_indirect_dma source(%dma_start3A_205 : memref<1983940x32xf32, #tpu.memory_space<hbm>>) target(%dma_start3A_199 : memref<128x32xf32, #tpu.memory_space<vmem>>) offsets(%dma_start3A_202 : memref<128xi32, #tpu.memory_space<vmem>>) semaphore(%arg17 : memref<!tpu.dma_semaphore, #tpu.memory_space<semaphore_mem>>)
    %dma_start3A_206 = arith.constant 19 : i32
    %dma_start3A_207 = arith.constant 832 : i32
    %dma_start3A_208 = arith.constant 0 : i32
    %dma_start3A_209 = tpu.memref_slice %arg11[%dma_start3A_207, %dma_start3A_208] : memref<1600x32xf32, #tpu.memory_space<vmem>> -> memref<128x32xf32, #tpu.memory_space<vmem>>
    %dma_start3A_210 = arith.constant 0 : i32
    %dma_start3A_211 = tpu.memref_slice %arg9[%dma_start3A_206, %dma_start3A_210] : memref<25x128xi32, #tpu.memory_space<vmem>> -> memref<1x128xi32, #tpu.memory_space<vmem>>
    %dma_start3A_212 = tpu.memref_squeeze %dma_start3A_211 : memref<1x128xi32, #tpu.memory_space<vmem>> -> memref<128xi32, #tpu.memory_space<vmem>>
    %dma_start3A_213 = arith.constant 0 : i32
    %dma_start3A_214 = arith.constant 0 : i32
    %dma_start3A_215 = tpu.memref_slice %arg2[%dma_start3A_213, %dma_start3A_214] : memref<1983940x32xf32, #tpu.memory_space<hbm>> -> memref<1983940x32xf32, #tpu.memory_space<hbm>>
    tpu.enqueue_indirect_dma source(%dma_start3A_215 : memref<1983940x32xf32, #tpu.memory_space<hbm>>) target(%dma_start3A_209 : memref<128x32xf32, #tpu.memory_space<vmem>>) offsets(%dma_start3A_212 : memref<128xi32, #tpu.memory_space<vmem>>) semaphore(%arg17 : memref<!tpu.dma_semaphore, #tpu.memory_space<semaphore_mem>>)
    %dma_start3A_216 = arith.constant 20 : i32
    %dma_start3A_217 = arith.constant 960 : i32
    %dma_start3A_218 = arith.constant 0 : i32
    %dma_start3A_219 = tpu.memref_slice %arg11[%dma_start3A_217, %dma_start3A_218] : memref<1600x32xf32, #tpu.memory_space<vmem>> -> memref<128x32xf32, #tpu.memory_space<vmem>>
    %dma_start3A_220 = arith.constant 0 : i32
    %dma_start3A_221 = tpu.memref_slice %arg9[%dma_start3A_216, %dma_start3A_220] : memref<25x128xi32, #tpu.memory_space<vmem>> -> memref<1x128xi32, #tpu.memory_space<vmem>>
    %dma_start3A_222 = tpu.memref_squeeze %dma_start3A_221 : memref<1x128xi32, #tpu.memory_space<vmem>> -> memref<128xi32, #tpu.memory_space<vmem>>
    %dma_start3A_223 = arith.constant 0 : i32
    %dma_start3A_224 = arith.constant 0 : i32
    %dma_start3A_225 = tpu.memref_slice %arg2[%dma_start3A_223, %dma_start3A_224] : memref<1983940x32xf32, #tpu.memory_space<hbm>> -> memref<1983940x32xf32, #tpu.memory_space<hbm>>
    tpu.enqueue_indirect_dma source(%dma_start3A_225 : memref<1983940x32xf32, #tpu.memory_space<hbm>>) target(%dma_start3A_219 : memref<128x32xf32, #tpu.memory_space<vmem>>) offsets(%dma_start3A_222 : memref<128xi32, #tpu.memory_space<vmem>>) semaphore(%arg17 : memref<!tpu.dma_semaphore, #tpu.memory_space<semaphore_mem>>)
    %dma_start3A_226 = arith.constant 21 : i32
    %dma_start3A_227 = arith.constant 1088 : i32
    %dma_start3A_228 = arith.constant 0 : i32
    %dma_start3A_229 = tpu.memref_slice %arg11[%dma_start3A_227, %dma_start3A_228] : memref<1600x32xf32, #tpu.memory_space<vmem>> -> memref<128x32xf32, #tpu.memory_space<vmem>>
    %dma_start3A_230 = arith.constant 0 : i32
    %dma_start3A_231 = tpu.memref_slice %arg9[%dma_start3A_226, %dma_start3A_230] : memref<25x128xi32, #tpu.memory_space<vmem>> -> memref<1x128xi32, #tpu.memory_space<vmem>>
    %dma_start3A_232 = tpu.memref_squeeze %dma_start3A_231 : memref<1x128xi32, #tpu.memory_space<vmem>> -> memref<128xi32, #tpu.memory_space<vmem>>
    %dma_start3A_233 = arith.constant 0 : i32
    %dma_start3A_234 = arith.constant 0 : i32
    %dma_start3A_235 = tpu.memref_slice %arg2[%dma_start3A_233, %dma_start3A_234] : memref<1983940x32xf32, #tpu.memory_space<hbm>> -> memref<1983940x32xf32, #tpu.memory_space<hbm>>
    tpu.enqueue_indirect_dma source(%dma_start3A_235 : memref<1983940x32xf32, #tpu.memory_space<hbm>>) target(%dma_start3A_229 : memref<128x32xf32, #tpu.memory_space<vmem>>) offsets(%dma_start3A_232 : memref<128xi32, #tpu.memory_space<vmem>>) semaphore(%arg17 : memref<!tpu.dma_semaphore, #tpu.memory_space<semaphore_mem>>)
    %dma_start3A_236 = arith.constant 22 : i32
    %dma_start3A_237 = arith.constant 1216 : i32
    %dma_start3A_238 = arith.constant 0 : i32
    %dma_start3A_239 = tpu.memref_slice %arg11[%dma_start3A_237, %dma_start3A_238] : memref<1600x32xf32, #tpu.memory_space<vmem>> -> memref<128x32xf32, #tpu.memory_space<vmem>>
    %dma_start3A_240 = arith.constant 0 : i32
    %dma_start3A_241 = tpu.memref_slice %arg9[%dma_start3A_236, %dma_start3A_240] : memref<25x128xi32, #tpu.memory_space<vmem>> -> memref<1x128xi32, #tpu.memory_space<vmem>>
    %dma_start3A_242 = tpu.memref_squeeze %dma_start3A_241 : memref<1x128xi32, #tpu.memory_space<vmem>> -> memref<128xi32, #tpu.memory_space<vmem>>
    %dma_start3A_243 = arith.constant 0 : i32
    %dma_start3A_244 = arith.constant 0 : i32
    %dma_start3A_245 = tpu.memref_slice %arg2[%dma_start3A_243, %dma_start3A_244] : memref<1983940x32xf32, #tpu.memory_space<hbm>> -> memref<1983940x32xf32, #tpu.memory_space<hbm>>
    tpu.enqueue_indirect_dma source(%dma_start3A_245 : memref<1983940x32xf32, #tpu.memory_space<hbm>>) target(%dma_start3A_239 : memref<128x32xf32, #tpu.memory_space<vmem>>) offsets(%dma_start3A_242 : memref<128xi32, #tpu.memory_space<vmem>>) semaphore(%arg17 : memref<!tpu.dma_semaphore, #tpu.memory_space<semaphore_mem>>)
    %dma_start3A_246 = arith.constant 23 : i32
    %dma_start3A_247 = arith.constant 1344 : i32
    %dma_start3A_248 = arith.constant 0 : i32
    %dma_start3A_249 = tpu.memref_slice %arg11[%dma_start3A_247, %dma_start3A_248] : memref<1600x32xf32, #tpu.memory_space<vmem>> -> memref<128x32xf32, #tpu.memory_space<vmem>>
    %dma_start3A_250 = arith.constant 0 : i32
    %dma_start3A_251 = tpu.memref_slice %arg9[%dma_start3A_246, %dma_start3A_250] : memref<25x128xi32, #tpu.memory_space<vmem>> -> memref<1x128xi32, #tpu.memory_space<vmem>>
    %dma_start3A_252 = tpu.memref_squeeze %dma_start3A_251 : memref<1x128xi32, #tpu.memory_space<vmem>> -> memref<128xi32, #tpu.memory_space<vmem>>
    %dma_start3A_253 = arith.constant 0 : i32
    %dma_start3A_254 = arith.constant 0 : i32
    %dma_start3A_255 = tpu.memref_slice %arg2[%dma_start3A_253, %dma_start3A_254] : memref<1983940x32xf32, #tpu.memory_space<hbm>> -> memref<1983940x32xf32, #tpu.memory_space<hbm>>
    tpu.enqueue_indirect_dma source(%dma_start3A_255 : memref<1983940x32xf32, #tpu.memory_space<hbm>>) target(%dma_start3A_249 : memref<128x32xf32, #tpu.memory_space<vmem>>) offsets(%dma_start3A_252 : memref<128xi32, #tpu.memory_space<vmem>>) semaphore(%arg17 : memref<!tpu.dma_semaphore, #tpu.memory_space<semaphore_mem>>)
    %dma_start3A_256 = arith.constant 24 : i32
    %dma_start3A_257 = arith.constant 1472 : i32
    %dma_start3A_258 = arith.constant 0 : i32
    %dma_start3A_259 = tpu.memref_slice %arg11[%dma_start3A_257, %dma_start3A_258] : memref<1600x32xf32, #tpu.memory_space<vmem>> -> memref<128x32xf32, #tpu.memory_space<vmem>>
    %dma_start3A_260 = arith.constant 0 : i32
    %dma_start3A_261 = tpu.memref_slice %arg9[%dma_start3A_256, %dma_start3A_260] : memref<25x128xi32, #tpu.memory_space<vmem>> -> memref<1x128xi32, #tpu.memory_space<vmem>>
    %dma_start3A_262 = tpu.memref_squeeze %dma_start3A_261 : memref<1x128xi32, #tpu.memory_space<vmem>> -> memref<128xi32, #tpu.memory_space<vmem>>
    %dma_start3A_263 = arith.constant 0 : i32
    %dma_start3A_264 = arith.constant 0 : i32
    %dma_start3A_265 = tpu.memref_slice %arg2[%dma_start3A_263, %dma_start3A_264] : memref<1983940x32xf32, #tpu.memory_space<hbm>> -> memref<1983940x32xf32, #tpu.memory_space<hbm>>
    tpu.enqueue_indirect_dma source(%dma_start3A_265 : memref<1983940x32xf32, #tpu.memory_space<hbm>>) target(%dma_start3A_259 : memref<128x32xf32, #tpu.memory_space<vmem>>) offsets(%dma_start3A_262 : memref<128xi32, #tpu.memory_space<vmem>>) semaphore(%arg17 : memref<!tpu.dma_semaphore, #tpu.memory_space<semaphore_mem>>)
    %scan3A = arith.constant 0 : i32
    %scan3A_266 = arith.constant 0 : i32
    %scan3A_267 = arith.constant 4 : i32
    %scan3A_268 = arith.addi %scan3A_266, %scan3A_267 : i32
    %scan3A_269 = arith.constant 1 : i32
    %scan3A_270 = scf.for %scan3A_296 = %scan3A_266 to %scan3A_268 step %scan3A_269 iter_args(%scan3A_297 = %scan3A) -> (i32)  : i32 {
      %mul3A_298 = arith.constant 512 : i32
      %mul3A_299 = arith.muli %add3A, %mul3A_298 : i32
      %mul3A_300 = arith.constant 128 : i32
      %mul3A_301 = arith.muli %scan3A_296, %mul3A_300 : i32
      %add3A_302 = arith.addi %mul3A_299, %mul3A_301 : i32
      "tpu.region"() ({
        %run_scoped3A = tpu.sem_alloc : memref<!tpu.dma_semaphore, #tpu.memory_space<semaphore_mem>>
        %dma_start3A_316 = tpu.memref_slice %arg4[%add3A_302] : memref<16384xi32, #tpu.memory_space<hbm>> -> memref<128xi32, #tpu.memory_space<hbm>>
        %dma_start3A_317 = tpu.memref_slice %arg4[%add3A_302] : memref<16384xi32, #tpu.memory_space<hbm>> -> memref<128xi32, #tpu.memory_space<hbm>>
        tpu.enqueue_dma source(%dma_start3A_317 : memref<128xi32, #tpu.memory_space<hbm>>) target(%arg7 : memref<128xi32, #tpu.memory_space<vmem>>) target_semaphore(%run_scoped3A : memref<!tpu.dma_semaphore, #tpu.memory_space<semaphore_mem>>)
        %dma_wait3A_318 = tpu.memref_slice %arg4[%add3A_302] : memref<16384xi32, #tpu.memory_space<hbm>> -> memref<128xi32, #tpu.memory_space<hbm>>
        %dma_wait3A_319 = tpu.memref_slice %arg4[%add3A_302] : memref<16384xi32, #tpu.memory_space<hbm>> -> memref<128xi32, #tpu.memory_space<hbm>>
        tpu.wait_dma2 semaphore(%run_scoped3A : memref<!tpu.dma_semaphore, #tpu.memory_space<semaphore_mem>>) src(%dma_wait3A_319 : memref<128xi32, #tpu.memory_space<hbm>>) dst(%arg7 : memref<128xi32, #tpu.memory_space<vmem>>)
        tpu.yield
      }) : () -> ()
      %gt3A = arith.constant 0 : i32
      %gt3A_303 = arith.cmpi sgt, %scan3A_296, %gt3A : i32
      %convert_element_type3A = arith.extui %gt3A_303 : i1 to i32
      %cond3A = arith.constant 0 : i32
      %cond3A_304 = arith.cmpi ne, %convert_element_type3A, %cond3A : i32
      scf.if %cond3A_304 {
        %dma_wait3A_316 = arith.constant 0 : i32
        %dma_wait3A_317 = arith.constant 0 : i32
        %dma_wait3A_318 = tpu.memref_slice %arg6[%dma_wait3A_316, %dma_wait3A_317] : memref<16384x32xf32, #tpu.memory_space<hbm>> -> memref<128x32xf32, #tpu.memory_space<hbm>>
        %dma_wait3A_319 = arith.constant 0 : i32
        %dma_wait3A_320 = arith.constant 0 : i32
        %dma_wait3A_321 = tpu.memref_slice %arg6[%dma_wait3A_319, %dma_wait3A_320] : memref<16384x32xf32, #tpu.memory_space<hbm>> -> memref<128x32xf32, #tpu.memory_space<hbm>>
        tpu.wait_dma2 semaphore(%arg15 : memref<!tpu.dma_semaphore, #tpu.memory_space<semaphore_mem>>) src(%arg8 : memref<128x32xf32, #tpu.memory_space<vmem>>) dst(%dma_wait3A_321 : memref<128x32xf32, #tpu.memory_space<hbm>>)
      } else {
      }
      %dma_start3A_305 = arith.constant 0 : i32
      %dma_start3A_306 = arith.constant 0 : i32
      %dma_start3A_307 = tpu.memref_slice %arg2[%dma_start3A_305, %dma_start3A_306] : memref<1983940x32xf32, #tpu.memory_space<hbm>> -> memref<1983940x32xf32, #tpu.memory_space<hbm>>
      tpu.enqueue_indirect_dma source(%dma_start3A_307 : memref<1983940x32xf32, #tpu.memory_space<hbm>>) target(%arg8 : memref<128x32xf32, #tpu.memory_space<vmem>>) offsets(%arg7 : memref<128xi32, #tpu.memory_space<vmem>>) semaphore(%arg14 : memref<!tpu.dma_semaphore, #tpu.memory_space<semaphore_mem>>)
      %dma_wait3A_308 = arith.constant 0 : i32
      %dma_wait3A_309 = arith.constant 0 : i32
      %dma_wait3A_310 = tpu.memref_slice %arg2[%dma_wait3A_308, %dma_wait3A_309] : memref<1983940x32xf32, #tpu.memory_space<hbm>> -> memref<1983940x32xf32, #tpu.memory_space<hbm>>
      tpu.wait_indirect_dma semaphore(%arg14 : memref<!tpu.dma_semaphore, #tpu.memory_space<semaphore_mem>>) src(%dma_wait3A_310 : memref<1983940x32xf32, #tpu.memory_space<hbm>>) dst(%arg8 : memref<128x32xf32, #tpu.memory_space<vmem>>)
      %dma_start3A_311 = arith.constant 0 : i32
      %dma_start3A_312 = tpu.memref_slice %arg6[%add3A_302, %dma_start3A_311] : memref<16384x32xf32, #tpu.memory_space<hbm>> -> memref<128x32xf32, #tpu.memory_space<hbm>>
      %dma_start3A_313 = arith.constant 0 : i32
      %dma_start3A_314 = tpu.memref_slice %arg6[%add3A_302, %dma_start3A_313] : memref<16384x32xf32, #tpu.memory_space<hbm>> -> memref<128x32xf32, #tpu.memory_space<hbm>>
      tpu.enqueue_dma source(%arg8 : memref<128x32xf32, #tpu.memory_space<vmem>>) target(%dma_start3A_314 : memref<128x32xf32, #tpu.memory_space<hbm>>) target_semaphore(%arg15 : memref<!tpu.dma_semaphore, #tpu.memory_space<semaphore_mem>>)
      %scan3A_315 = arith.constant 0 : i32
      scf.yield %scan3A_315 : i32
    }
    %scan3A_271 = arith.constant 4 : i32
    %dma_wait3A = arith.constant 0 : i32
    %dma_wait3A_272 = arith.constant 0 : i32
    %dma_wait3A_273 = tpu.memref_slice %arg6[%dma_wait3A, %dma_wait3A_272] : memref<16384x32xf32, #tpu.memory_space<hbm>> -> memref<128x32xf32, #tpu.memory_space<hbm>>
    %dma_wait3A_274 = arith.constant 0 : i32
    %dma_wait3A_275 = arith.constant 0 : i32
    %dma_wait3A_276 = tpu.memref_slice %arg6[%dma_wait3A_274, %dma_wait3A_275] : memref<16384x32xf32, #tpu.memory_space<hbm>> -> memref<128x32xf32, #tpu.memory_space<hbm>>
    tpu.wait_dma2 semaphore(%arg15 : memref<!tpu.dma_semaphore, #tpu.memory_space<semaphore_mem>>) src(%arg8 : memref<128x32xf32, #tpu.memory_space<vmem>>) dst(%dma_wait3A_276 : memref<128x32xf32, #tpu.memory_space<hbm>>)
    %scan3A_277 = arith.constant 0 : i32
    %scan3A_278 = arith.constant 0 : i32
    %scan3A_279 = arith.constant 32 : i32
    %scan3A_280 = arith.addi %scan3A_278, %scan3A_279 : i32
    %scan3A_281 = arith.constant 1 : i32
    %scan3A_282 = scf.for %scan3A_296 = %scan3A_278 to %scan3A_280 step %scan3A_281 iter_args(%scan3A_297 = %scan3A_277) -> (i32)  : i32 {
      %dma_wait3A_298 = arith.constant 0 : i32
      %dma_wait3A_299 = arith.constant 0 : i32
      %dma_wait3A_300 = tpu.memref_slice %arg2[%dma_wait3A_298, %dma_wait3A_299] : memref<1983940x32xf32, #tpu.memory_space<hbm>> -> memref<1600x32xf32, #tpu.memory_space<hbm>>
      %dma_wait3A_301 = arith.constant 0 : i32
      %dma_wait3A_302 = arith.constant 0 : i32
      %dma_wait3A_303 = tpu.memref_slice %arg2[%dma_wait3A_301, %dma_wait3A_302] : memref<1983940x32xf32, #tpu.memory_space<hbm>> -> memref<1600x32xf32, #tpu.memory_space<hbm>>
      tpu.wait_dma2 semaphore(%arg16 : memref<!tpu.dma_semaphore, #tpu.memory_space<semaphore_mem>>) src(%dma_wait3A_303 : memref<1600x32xf32, #tpu.memory_space<hbm>>) dst(%arg10 : memref<1600x32xf32, #tpu.memory_space<vmem>>)
      %gt3A = arith.constant 0 : i32
      %gt3A_304 = arith.cmpi sgt, %scan3A_296, %gt3A : i32
      %convert_element_type3A = arith.extui %gt3A_304 : i1 to i32
      %cond3A = arith.constant 0 : i32
      %cond3A_305 = arith.cmpi ne, %convert_element_type3A, %cond3A : i32
      scf.if %cond3A_305 {
        %dma_wait3A_365 = arith.constant 0 : i32
        %dma_wait3A_366 = arith.constant 0 : i32
        %dma_wait3A_367 = tpu.memref_slice %arg5[%dma_wait3A_365, %dma_wait3A_366] : memref<16384x32xf32, #tpu.memory_space<hbm>> -> memref<8x32xf32, #tpu.memory_space<hbm>>
        %dma_wait3A_368 = arith.constant 0 : i32
        %dma_wait3A_369 = arith.constant 0 : i32
        %dma_wait3A_370 = tpu.memref_slice %arg5[%dma_wait3A_368, %dma_wait3A_369] : memref<16384x32xf32, #tpu.memory_space<hbm>> -> memref<8x32xf32, #tpu.memory_space<hbm>>
        tpu.wait_dma2 semaphore(%arg18 : memref<!tpu.dma_semaphore, #tpu.memory_space<semaphore_mem>>) src(%arg12 : memref<8x32xf32, #tpu.memory_space<vmem>>) dst(%dma_wait3A_370 : memref<8x32xf32, #tpu.memory_space<hbm>>)
      } else {
      }
      %scan3A_306 = arith.constant 0 : i32
      %scan3A_307 = arith.constant 0 : i32
      %scan3A_308 = arith.constant 8 : i32
      %scan3A_309 = arith.addi %scan3A_307, %scan3A_308 : i32
      %scan3A_310 = arith.constant 1 : i32
      %scan3A_311 = scf.for %scan3A_365 = %scan3A_307 to %scan3A_309 step %scan3A_310 iter_args(%scan3A_366 = %scan3A_306) -> (i32)  : i32 {
        %mul3A_367 = arith.constant 200 : i32
        %mul3A_368 = arith.muli %scan3A_365, %mul3A_367 : i32
        %broadcast_in_dim3A = arith.constant 0.000000e+00 : f32
        %broadcast_in_dim3A_369 = vector.broadcast %broadcast_in_dim3A : f32 to vector<16xf32>
        %scan3A_370 = arith.constant 0 : i32
        %scan3A_371 = arith.constant 25 : i32
        %scan3A_372 = arith.addi %scan3A_370, %scan3A_371 : i32
        %scan3A_373 = arith.constant 1 : i32
        %scan3A_374:4 = scf.for %scan3A_394 = %scan3A_370 to %scan3A_372 step %scan3A_373 iter_args(%scan3A_395 = %broadcast_in_dim3A_369, %scan3A_396 = %broadcast_in_dim3A_369, %scan3A_397 = %broadcast_in_dim3A_369, %scan3A_398 = %broadcast_in_dim3A_369) -> (vector<16xf32>, vector<16xf32>, vector<16xf32>, vector<16xf32>)  : i32 {
          %mul3A_399 = arith.constant 8 : i32
          %mul3A_400 = arith.muli %scan3A_394, %mul3A_399 : i32
          %add3A_401 = arith.addi %mul3A_368, %mul3A_400 : i32
          %add3A_402 = arith.constant 0 : i32
          %add3A_403 = arith.addi %add3A_401, %add3A_402 : i32
          %get3A = arith.index_cast %add3A_403 : i32 to index
          %get3A_404 = arith.constant 0 : index
          %get3A_405 = tpu.vector_load %arg10[%get3A, %get3A_404] {strides = array<i32>} : memref<1600x32xf32, #tpu.memory_space<vmem>>, vector<1x16xf32>,
          %get3A_406 = vector.shape_cast %get3A_405 : vector<1x16xf32> to vector<16xf32>
          %add3A_407 = arith.constant 0 : i32
          %add3A_408 = arith.addi %add3A_401, %add3A_407 : i32
          %get3A_409 = arith.index_cast %add3A_408 : i32 to index
          %get3A_410 = arith.constant 16 : index
          %get3A_411 = tpu.vector_load %arg10[%get3A_409, %get3A_410] {strides = array<i32>} : memref<1600x32xf32, #tpu.memory_space<vmem>>, vector<1x16xf32>,
          %get3A_412 = vector.shape_cast %get3A_411 : vector<1x16xf32> to vector<16xf32>
          %add3A_413 = arith.addf %scan3A_395, %get3A_406 : vector<16xf32>
          %add3A_414 = arith.addf %scan3A_396, %get3A_412 : vector<16xf32>
          %add3A_415 = arith.constant 1 : i32
          %add3A_416 = arith.addi %add3A_401, %add3A_415 : i32
          %get3A_417 = arith.index_cast %add3A_416 : i32 to index
          %get3A_418 = arith.constant 0 : index
          %get3A_419 = tpu.vector_load %arg10[%get3A_417, %get3A_418] {strides = array<i32>} : memref<1600x32xf32, #tpu.memory_space<vmem>>, vector<1x16xf32>,
          %get3A_420 = vector.shape_cast %get3A_419 : vector<1x16xf32> to vector<16xf32>
          %add3A_421 = arith.constant 1 : i32
          %add3A_422 = arith.addi %add3A_401, %add3A_421 : i32
          %get3A_423 = arith.index_cast %add3A_422 : i32 to index
          %get3A_424 = arith.constant 16 : index
          %get3A_425 = tpu.vector_load %arg10[%get3A_423, %get3A_424] {strides = array<i32>} : memref<1600x32xf32, #tpu.memory_space<vmem>>, vector<1x16xf32>,
          %get3A_426 = vector.shape_cast %get3A_425 : vector<1x16xf32> to vector<16xf32>
          %add3A_427 = arith.addf %scan3A_397, %get3A_420 : vector<16xf32>
          %add3A_428 = arith.addf %scan3A_398, %get3A_426 : vector<16xf32>
          %add3A_429 = arith.constant 2 : i32
          %add3A_430 = arith.addi %add3A_401, %add3A_429 : i32
          %get3A_431 = arith.index_cast %add3A_430 : i32 to index
          %get3A_432 = arith.constant 0 : index
          %get3A_433 = tpu.vector_load %arg10[%get3A_431, %get3A_432] {strides = array<i32>} : memref<1600x32xf32, #tpu.memory_space<vmem>>, vector<1x16xf32>,
          %get3A_434 = vector.shape_cast %get3A_433 : vector<1x16xf32> to vector<16xf32>
          %add3A_435 = arith.constant 2 : i32
          %add3A_436 = arith.addi %add3A_401, %add3A_435 : i32
          %get3A_437 = arith.index_cast %add3A_436 : i32 to index
          %get3A_438 = arith.constant 16 : index
          %get3A_439 = tpu.vector_load %arg10[%get3A_437, %get3A_438] {strides = array<i32>} : memref<1600x32xf32, #tpu.memory_space<vmem>>, vector<1x16xf32>,
          %get3A_440 = vector.shape_cast %get3A_439 : vector<1x16xf32> to vector<16xf32>
          %add3A_441 = arith.addf %add3A_413, %get3A_434 : vector<16xf32>
          %add3A_442 = arith.addf %add3A_414, %get3A_440 : vector<16xf32>
          %add3A_443 = arith.constant 3 : i32
          %add3A_444 = arith.addi %add3A_401, %add3A_443 : i32
          %get3A_445 = arith.index_cast %add3A_444 : i32 to index
          %get3A_446 = arith.constant 0 : index
          %get3A_447 = tpu.vector_load %arg10[%get3A_445, %get3A_446] {strides = array<i32>} : memref<1600x32xf32, #tpu.memory_space<vmem>>, vector<1x16xf32>,
          %get3A_448 = vector.shape_cast %get3A_447 : vector<1x16xf32> to vector<16xf32>
          %add3A_449 = arith.constant 3 : i32
          %add3A_450 = arith.addi %add3A_401, %add3A_449 : i32
          %get3A_451 = arith.index_cast %add3A_450 : i32 to index
          %get3A_452 = arith.constant 16 : index
          %get3A_453 = tpu.vector_load %arg10[%get3A_451, %get3A_452] {strides = array<i32>} : memref<1600x32xf32, #tpu.memory_space<vmem>>, vector<1x16xf32>,
          %get3A_454 = vector.shape_cast %get3A_453 : vector<1x16xf32> to vector<16xf32>
          %add3A_455 = arith.addf %add3A_427, %get3A_448 : vector<16xf32>
          %add3A_456 = arith.addf %add3A_428, %get3A_454 : vector<16xf32>
          %add3A_457 = arith.constant 4 : i32
          %add3A_458 = arith.addi %add3A_401, %add3A_457 : i32
          %get3A_459 = arith.index_cast %add3A_458 : i32 to index
          %get3A_460 = arith.constant 0 : index
          %get3A_461 = tpu.vector_load %arg10[%get3A_459, %get3A_460] {strides = array<i32>} : memref<1600x32xf32, #tpu.memory_space<vmem>>, vector<1x16xf32>,
          %get3A_462 = vector.shape_cast %get3A_461 : vector<1x16xf32> to vector<16xf32>
          %add3A_463 = arith.constant 4 : i32
          %add3A_464 = arith.addi %add3A_401, %add3A_463 : i32
          %get3A_465 = arith.index_cast %add3A_464 : i32 to index
          %get3A_466 = arith.constant 16 : index
          %get3A_467 = tpu.vector_load %arg10[%get3A_465, %get3A_466] {strides = array<i32>} : memref<1600x32xf32, #tpu.memory_space<vmem>>, vector<1x16xf32>,
          %get3A_468 = vector.shape_cast %get3A_467 : vector<1x16xf32> to vector<16xf32>
          %add3A_469 = arith.addf %add3A_441, %get3A_462 : vector<16xf32>
          %add3A_470 = arith.addf %add3A_442, %get3A_468 : vector<16xf32>
          %add3A_471 = arith.constant 5 : i32
          %add3A_472 = arith.addi %add3A_401, %add3A_471 : i32
          %get3A_473 = arith.index_cast %add3A_472 : i32 to index
          %get3A_474 = arith.constant 0 : index
          %get3A_475 = tpu.vector_load %arg10[%get3A_473, %get3A_474] {strides = array<i32>} : memref<1600x32xf32, #tpu.memory_space<vmem>>, vector<1x16xf32>,
          %get3A_476 = vector.shape_cast %get3A_475 : vector<1x16xf32> to vector<16xf32>
          %add3A_477 = arith.constant 5 : i32
          %add3A_478 = arith.addi %add3A_401, %add3A_477 : i32
          %get3A_479 = arith.index_cast %add3A_478 : i32 to index
          %get3A_480 = arith.constant 16 : index
          %get3A_481 = tpu.vector_load %arg10[%get3A_479, %get3A_480] {strides = array<i32>} : memref<1600x32xf32, #tpu.memory_space<vmem>>, vector<1x16xf32>,
          %get3A_482 = vector.shape_cast %get3A_481 : vector<1x16xf32> to vector<16xf32>
          %add3A_483 = arith.addf %add3A_455, %get3A_476 : vector<16xf32>
          %add3A_484 = arith.addf %add3A_456, %get3A_482 : vector<16xf32>
          %add3A_485 = arith.constant 6 : i32
          %add3A_486 = arith.addi %add3A_401, %add3A_485 : i32
          %get3A_487 = arith.index_cast %add3A_486 : i32 to index
          %get3A_488 = arith.constant 0 : index
          %get3A_489 = tpu.vector_load %arg10[%get3A_487, %get3A_488] {strides = array<i32>} : memref<1600x32xf32, #tpu.memory_space<vmem>>, vector<1x16xf32>,
          %get3A_490 = vector.shape_cast %get3A_489 : vector<1x16xf32> to vector<16xf32>
          %add3A_491 = arith.constant 6 : i32
          %add3A_492 = arith.addi %add3A_401, %add3A_491 : i32
          %get3A_493 = arith.index_cast %add3A_492 : i32 to index
          %get3A_494 = arith.constant 16 : index
          %get3A_495 = tpu.vector_load %arg10[%get3A_493, %get3A_494] {strides = array<i32>} : memref<1600x32xf32, #tpu.memory_space<vmem>>, vector<1x16xf32>,
          %get3A_496 = vector.shape_cast %get3A_495 : vector<1x16xf32> to vector<16xf32>
          %add3A_497 = arith.addf %add3A_469, %get3A_490 : vector<16xf32>
          %add3A_498 = arith.addf %add3A_470, %get3A_496 : vector<16xf32>
          %add3A_499 = arith.constant 7 : i32
          %add3A_500 = arith.addi %add3A_401, %add3A_499 : i32
          %get3A_501 = arith.index_cast %add3A_500 : i32 to index
          %get3A_502 = arith.constant 0 : index
          %get3A_503 = tpu.vector_load %arg10[%get3A_501, %get3A_502] {strides = array<i32>} : memref<1600x32xf32, #tpu.memory_space<vmem>>, vector<1x16xf32>,
          %get3A_504 = vector.shape_cast %get3A_503 : vector<1x16xf32> to vector<16xf32>
          %add3A_505 = arith.constant 7 : i32
          %add3A_506 = arith.addi %add3A_401, %add3A_505 : i32
          %get3A_507 = arith.index_cast %add3A_506 : i32 to index
          %get3A_508 = arith.constant 16 : index
          %get3A_509 = tpu.vector_load %arg10[%get3A_507, %get3A_508] {strides = array<i32>} : memref<1600x32xf32, #tpu.memory_space<vmem>>, vector<1x16xf32>,
          %get3A_510 = vector.shape_cast %get3A_509 : vector<1x16xf32> to vector<16xf32>
          %add3A_511 = arith.addf %add3A_483, %get3A_504 : vector<16xf32>
          %add3A_512 = arith.addf %add3A_484, %get3A_510 : vector<16xf32>
          scf.yield %add3A_497, %add3A_498, %add3A_511, %add3A_512 : vector<16xf32>, vector<16xf32>, vector<16xf32>, vector<16xf32>
        }
        %scan3A_375 = arith.constant 25 : i32
        %add3A_376 = arith.addf %scan3A_374#0, %scan3A_374#2 : vector<16xf32>
        %mul3A_377 = arith.constant 5.000000e-03 : f32
        %mul3A_378 = vector.broadcast %mul3A_377 : f32 to vector<16xf32>
        %mul3A_379 = arith.mulf %add3A_376, %mul3A_378 : vector<16xf32>
        %swap3A = arith.index_cast %scan3A_365 : i32 to index
        %swap3A_380 = arith.constant 0 : index
        %swap3A_381 = tpu.vector_load %arg12[%swap3A, %swap3A_380] {strides = array<i32>} : memref<8x32xf32, #tpu.memory_space<vmem>>, vector<1x16xf32>,
        %swap3A_382 = vector.shape_cast %swap3A_381 : vector<1x16xf32> to vector<16xf32>
        %swap3A_383 = vector.shape_cast %mul3A_379 : vector<16xf32> to vector<1x16xf32>
        tpu.vector_store %arg12[%swap3A, %swap3A_380], %swap3A_383 {strides = array<i32>} : memref<8x32xf32, #tpu.memory_space<vmem>>, vector<1x16xf32>,
        %add3A_384 = arith.addf %scan3A_374#1, %scan3A_374#3 : vector<16xf32>
        %mul3A_385 = arith.constant 5.000000e-03 : f32
        %mul3A_386 = vector.broadcast %mul3A_385 : f32 to vector<16xf32>
        %mul3A_387 = arith.mulf %add3A_384, %mul3A_386 : vector<16xf32>
        %swap3A_388 = arith.index_cast %scan3A_365 : i32 to index
        %swap3A_389 = arith.constant 16 : index
        %swap3A_390 = tpu.vector_load %arg12[%swap3A_388, %swap3A_389] {strides = array<i32>} : memref<8x32xf32, #tpu.memory_space<vmem>>, vector<1x16xf32>,
        %swap3A_391 = vector.shape_cast %swap3A_390 : vector<1x16xf32> to vector<16xf32>
        %swap3A_392 = vector.shape_cast %mul3A_387 : vector<16xf32> to vector<1x16xf32>
        tpu.vector_store %arg12[%swap3A_388, %swap3A_389], %swap3A_392 {strides = array<i32>} : memref<8x32xf32, #tpu.memory_space<vmem>>, vector<1x16xf32>,
        %scan3A_393 = arith.constant 0 : i32
        scf.yield %scan3A_393 : i32
      }
      %scan3A_312 = arith.constant 8 : i32
      %mul3A_313 = arith.constant 2 : i32
      %mul3A_314 = arith.muli %mul3A_313, %scan3A_296 : i32
      %mul3A_315 = arith.constant 512 : i32
      %mul3A_316 = arith.muli %add3A, %mul3A_315 : i32
      %mul3A_317 = arith.constant 8 : i32
      %mul3A_318 = arith.muli %mul3A_314, %mul3A_317 : i32
      %add3A_319 = arith.addi %mul3A_316, %mul3A_318 : i32
      %dma_start3A_320 = arith.constant 0 : i32
      %dma_start3A_321 = tpu.memref_slice %arg5[%add3A_319, %dma_start3A_320] : memref<16384x32xf32, #tpu.memory_space<hbm>> -> memref<8x32xf32, #tpu.memory_space<hbm>>
      %dma_start3A_322 = arith.constant 0 : i32
      %dma_start3A_323 = tpu.memref_slice %arg5[%add3A_319, %dma_start3A_322] : memref<16384x32xf32, #tpu.memory_space<hbm>> -> memref<8x32xf32, #tpu.memory_space<hbm>>
      tpu.enqueue_dma source(%arg12 : memref<8x32xf32, #tpu.memory_space<vmem>>) target(%dma_start3A_323 : memref<8x32xf32, #tpu.memory_space<hbm>>) target_semaphore(%arg18 : memref<!tpu.dma_semaphore, #tpu.memory_space<semaphore_mem>>)
      %dma_wait3A_324 = arith.constant 0 : i32
      %dma_wait3A_325 = arith.constant 0 : i32
      %dma_wait3A_326 = tpu.memref_slice %arg2[%dma_wait3A_324, %dma_wait3A_325] : memref<1983940x32xf32, #tpu.memory_space<hbm>> -> memref<1600x32xf32, #tpu.memory_space<hbm>>
      %dma_wait3A_327 = arith.constant 0 : i32
      %dma_wait3A_328 = arith.constant 0 : i32
      %dma_wait3A_329 = tpu.memref_slice %arg2[%dma_wait3A_327, %dma_wait3A_328] : memref<1983940x32xf32, #tpu.memory_space<hbm>> -> memref<1600x32xf32, #tpu.memory_space<hbm>>
      tpu.wait_dma2 semaphore(%arg17 : memref<!tpu.dma_semaphore, #tpu.memory_space<semaphore_mem>>) src(%dma_wait3A_329 : memref<1600x32xf32, #tpu.memory_space<hbm>>) dst(%arg11 : memref<1600x32xf32, #tpu.memory_space<vmem>>)
      %lt3A = arith.constant 31 : i32
      %lt3A_330 = arith.cmpi slt, %scan3A_296, %lt3A : i32
      %convert_element_type3A_331 = arith.extui %lt3A_330 : i1 to i32
      %cond3A_332 = arith.constant 0 : i32
      %cond3A_333 = arith.cmpi ne, %convert_element_type3A_331, %cond3A_332 : i32
      scf.if %cond3A_333 {
        %add3A_365 = arith.constant 1 : i32
        %add3A_366 = arith.addi %scan3A_296, %add3A_365 : i32
        %mul3A_367 = arith.constant 32 : i32
        %mul3A_368 = arith.muli %add3A, %mul3A_367 : i32
        %add3A_369 = arith.addi %mul3A_368, %add3A_366 : i32
        %mul3A_370 = arith.constant 25 : i32
        %mul3A_371 = arith.muli %add3A_369, %mul3A_370 : i32
        "tpu.region"() ({
          %run_scoped3A = tpu.sem_alloc : memref<!tpu.dma_semaphore, #tpu.memory_space<semaphore_mem>>
          %dma_start3A_502 = arith.constant 0 : i32
          %dma_start3A_503 = tpu.memref_slice %arg3[%mul3A_371, %dma_start3A_502] : memref<25600x128xi32, #tpu.memory_space<hbm>> -> memref<25x128xi32, #tpu.memory_space<hbm>>
          %dma_start3A_504 = arith.constant 0 : i32
          %dma_start3A_505 = tpu.memref_slice %arg3[%mul3A_371, %dma_start3A_504] : memref<25600x128xi32, #tpu.memory_space<hbm>> -> memref<25x128xi32, #tpu.memory_space<hbm>>
          tpu.enqueue_dma source(%dma_start3A_505 : memref<25x128xi32, #tpu.memory_space<hbm>>) target(%arg9 : memref<25x128xi32, #tpu.memory_space<vmem>>) target_semaphore(%run_scoped3A : memref<!tpu.dma_semaphore, #tpu.memory_space<semaphore_mem>>)
          %dma_wait3A_506 = arith.constant 0 : i32
          %dma_wait3A_507 = tpu.memref_slice %arg3[%mul3A_371, %dma_wait3A_506] : memref<25600x128xi32, #tpu.memory_space<hbm>> -> memref<25x128xi32, #tpu.memory_space<hbm>>
          %dma_wait3A_508 = arith.constant 0 : i32
          %dma_wait3A_509 = tpu.memref_slice %arg3[%mul3A_371, %dma_wait3A_508] : memref<25600x128xi32, #tpu.memory_space<hbm>> -> memref<25x128xi32, #tpu.memory_space<hbm>>
          tpu.wait_dma2 semaphore(%run_scoped3A : memref<!tpu.dma_semaphore, #tpu.memory_space<semaphore_mem>>) src(%dma_wait3A_509 : memref<25x128xi32, #tpu.memory_space<hbm>>) dst(%arg9 : memref<25x128xi32, #tpu.memory_space<vmem>>)
          tpu.yield
        }) : () -> ()
        %dma_start3A_372 = arith.constant 0 : i32
        %dma_start3A_373 = arith.constant 0 : i32
        %dma_start3A_374 = arith.constant 0 : i32
        %dma_start3A_375 = tpu.memref_slice %arg10[%dma_start3A_373, %dma_start3A_374] : memref<1600x32xf32, #tpu.memory_space<vmem>> -> memref<128x32xf32, #tpu.memory_space<vmem>>
        %dma_start3A_376 = arith.constant 0 : i32
        %dma_start3A_377 = tpu.memref_slice %arg9[%dma_start3A_372, %dma_start3A_376] : memref<25x128xi32, #tpu.memory_space<vmem>> -> memref<1x128xi32, #tpu.memory_space<vmem>>
        %dma_start3A_378 = tpu.memref_squeeze %dma_start3A_377 : memref<1x128xi32, #tpu.memory_space<vmem>> -> memref<128xi32, #tpu.memory_space<vmem>>
        %dma_start3A_379 = arith.constant 0 : i32
        %dma_start3A_380 = arith.constant 0 : i32
        %dma_start3A_381 = tpu.memref_slice %arg2[%dma_start3A_379, %dma_start3A_380] : memref<1983940x32xf32, #tpu.memory_space<hbm>> -> memref<1983940x32xf32, #tpu.memory_space<hbm>>
        tpu.enqueue_indirect_dma source(%dma_start3A_381 : memref<1983940x32xf32, #tpu.memory_space<hbm>>) target(%dma_start3A_375 : memref<128x32xf32, #tpu.memory_space<vmem>>) offsets(%dma_start3A_378 : memref<128xi32, #tpu.memory_space<vmem>>) semaphore(%arg16 : memref<!tpu.dma_semaphore, #tpu.memory_space<semaphore_mem>>)
        %dma_start3A_382 = arith.constant 1 : i32
        %dma_start3A_383 = arith.constant 128 : i32
        %dma_start3A_384 = arith.constant 0 : i32
        %dma_start3A_385 = tpu.memref_slice %arg10[%dma_start3A_383, %dma_start3A_384] : memref<1600x32xf32, #tpu.memory_space<vmem>> -> memref<128x32xf32, #tpu.memory_space<vmem>>
        %dma_start3A_386 = arith.constant 0 : i32
        %dma_start3A_387 = tpu.memref_slice %arg9[%dma_start3A_382, %dma_start3A_386] : memref<25x128xi32, #tpu.memory_space<vmem>> -> memref<1x128xi32, #tpu.memory_space<vmem>>
        %dma_start3A_388 = tpu.memref_squeeze %dma_start3A_387 : memref<1x128xi32, #tpu.memory_space<vmem>> -> memref<128xi32, #tpu.memory_space<vmem>>
        %dma_start3A_389 = arith.constant 0 : i32
        %dma_start3A_390 = arith.constant 0 : i32
        %dma_start3A_391 = tpu.memref_slice %arg2[%dma_start3A_389, %dma_start3A_390] : memref<1983940x32xf32, #tpu.memory_space<hbm>> -> memref<1983940x32xf32, #tpu.memory_space<hbm>>
        tpu.enqueue_indirect_dma source(%dma_start3A_391 : memref<1983940x32xf32, #tpu.memory_space<hbm>>) target(%dma_start3A_385 : memref<128x32xf32, #tpu.memory_space<vmem>>) offsets(%dma_start3A_388 : memref<128xi32, #tpu.memory_space<vmem>>) semaphore(%arg16 : memref<!tpu.dma_semaphore, #tpu.memory_space<semaphore_mem>>)
        %dma_start3A_392 = arith.constant 2 : i32
        %dma_start3A_393 = arith.constant 256 : i32
        %dma_start3A_394 = arith.constant 0 : i32
        %dma_start3A_395 = tpu.memref_slice %arg10[%dma_start3A_393, %dma_start3A_394] : memref<1600x32xf32, #tpu.memory_space<vmem>> -> memref<128x32xf32, #tpu.memory_space<vmem>>
        %dma_start3A_396 = arith.constant 0 : i32
        %dma_start3A_397 = tpu.memref_slice %arg9[%dma_start3A_392, %dma_start3A_396] : memref<25x128xi32, #tpu.memory_space<vmem>> -> memref<1x128xi32, #tpu.memory_space<vmem>>
        %dma_start3A_398 = tpu.memref_squeeze %dma_start3A_397 : memref<1x128xi32, #tpu.memory_space<vmem>> -> memref<128xi32, #tpu.memory_space<vmem>>
        %dma_start3A_399 = arith.constant 0 : i32
        %dma_start3A_400 = arith.constant 0 : i32
        %dma_start3A_401 = tpu.memref_slice %arg2[%dma_start3A_399, %dma_start3A_400] : memref<1983940x32xf32, #tpu.memory_space<hbm>> -> memref<1983940x32xf32, #tpu.memory_space<hbm>>
        tpu.enqueue_indirect_dma source(%dma_start3A_401 : memref<1983940x32xf32, #tpu.memory_space<hbm>>) target(%dma_start3A_395 : memref<128x32xf32, #tpu.memory_space<vmem>>) offsets(%dma_start3A_398 : memref<128xi32, #tpu.memory_space<vmem>>) semaphore(%arg16 : memref<!tpu.dma_semaphore, #tpu.memory_space<semaphore_mem>>)
        %dma_start3A_402 = arith.constant 3 : i32
        %dma_start3A_403 = arith.constant 384 : i32
        %dma_start3A_404 = arith.constant 0 : i32
        %dma_start3A_405 = tpu.memref_slice %arg10[%dma_start3A_403, %dma_start3A_404] : memref<1600x32xf32, #tpu.memory_space<vmem>> -> memref<128x32xf32, #tpu.memory_space<vmem>>
        %dma_start3A_406 = arith.constant 0 : i32
        %dma_start3A_407 = tpu.memref_slice %arg9[%dma_start3A_402, %dma_start3A_406] : memref<25x128xi32, #tpu.memory_space<vmem>> -> memref<1x128xi32, #tpu.memory_space<vmem>>
        %dma_start3A_408 = tpu.memref_squeeze %dma_start3A_407 : memref<1x128xi32, #tpu.memory_space<vmem>> -> memref<128xi32, #tpu.memory_space<vmem>>
        %dma_start3A_409 = arith.constant 0 : i32
        %dma_start3A_410 = arith.constant 0 : i32
        %dma_start3A_411 = tpu.memref_slice %arg2[%dma_start3A_409, %dma_start3A_410] : memref<1983940x32xf32, #tpu.memory_space<hbm>> -> memref<1983940x32xf32, #tpu.memory_space<hbm>>
        tpu.enqueue_indirect_dma source(%dma_start3A_411 : memref<1983940x32xf32, #tpu.memory_space<hbm>>) target(%dma_start3A_405 : memref<128x32xf32, #tpu.memory_space<vmem>>) offsets(%dma_start3A_408 : memref<128xi32, #tpu.memory_space<vmem>>) semaphore(%arg16 : memref<!tpu.dma_semaphore, #tpu.memory_space<semaphore_mem>>)
        %dma_start3A_412 = arith.constant 4 : i32
        %dma_start3A_413 = arith.constant 512 : i32
        %dma_start3A_414 = arith.constant 0 : i32
        %dma_start3A_415 = tpu.memref_slice %arg10[%dma_start3A_413, %dma_start3A_414] : memref<1600x32xf32, #tpu.memory_space<vmem>> -> memref<128x32xf32, #tpu.memory_space<vmem>>
        %dma_start3A_416 = arith.constant 0 : i32
        %dma_start3A_417 = tpu.memref_slice %arg9[%dma_start3A_412, %dma_start3A_416] : memref<25x128xi32, #tpu.memory_space<vmem>> -> memref<1x128xi32, #tpu.memory_space<vmem>>
        %dma_start3A_418 = tpu.memref_squeeze %dma_start3A_417 : memref<1x128xi32, #tpu.memory_space<vmem>> -> memref<128xi32, #tpu.memory_space<vmem>>
        %dma_start3A_419 = arith.constant 0 : i32
        %dma_start3A_420 = arith.constant 0 : i32
        %dma_start3A_421 = tpu.memref_slice %arg2[%dma_start3A_419, %dma_start3A_420] : memref<1983940x32xf32, #tpu.memory_space<hbm>> -> memref<1983940x32xf32, #tpu.memory_space<hbm>>
        tpu.enqueue_indirect_dma source(%dma_start3A_421 : memref<1983940x32xf32, #tpu.memory_space<hbm>>) target(%dma_start3A_415 : memref<128x32xf32, #tpu.memory_space<vmem>>) offsets(%dma_start3A_418 : memref<128xi32, #tpu.memory_space<vmem>>) semaphore(%arg16 : memref<!tpu.dma_semaphore, #tpu.memory_space<semaphore_mem>>)
        %dma_start3A_422 = arith.constant 5 : i32
        %dma_start3A_423 = arith.constant 640 : i32
        %dma_start3A_424 = arith.constant 0 : i32
        %dma_start3A_425 = tpu.memref_slice %arg10[%dma_start3A_423, %dma_start3A_424] : memref<1600x32xf32, #tpu.memory_space<vmem>> -> memref<128x32xf32, #tpu.memory_space<vmem>>
        %dma_start3A_426 = arith.constant 0 : i32
        %dma_start3A_427 = tpu.memref_slice %arg9[%dma_start3A_422, %dma_start3A_426] : memref<25x128xi32, #tpu.memory_space<vmem>> -> memref<1x128xi32, #tpu.memory_space<vmem>>
        %dma_start3A_428 = tpu.memref_squeeze %dma_start3A_427 : memref<1x128xi32, #tpu.memory_space<vmem>> -> memref<128xi32, #tpu.memory_space<vmem>>
        %dma_start3A_429 = arith.constant 0 : i32
        %dma_start3A_430 = arith.constant 0 : i32
        %dma_start3A_431 = tpu.memref_slice %arg2[%dma_start3A_429, %dma_start3A_430] : memref<1983940x32xf32, #tpu.memory_space<hbm>> -> memref<1983940x32xf32, #tpu.memory_space<hbm>>
        tpu.enqueue_indirect_dma source(%dma_start3A_431 : memref<1983940x32xf32, #tpu.memory_space<hbm>>) target(%dma_start3A_425 : memref<128x32xf32, #tpu.memory_space<vmem>>) offsets(%dma_start3A_428 : memref<128xi32, #tpu.memory_space<vmem>>) semaphore(%arg16 : memref<!tpu.dma_semaphore, #tpu.memory_space<semaphore_mem>>)
        %dma_start3A_432 = arith.constant 6 : i32
        %dma_start3A_433 = arith.constant 768 : i32
        %dma_start3A_434 = arith.constant 0 : i32
        %dma_start3A_435 = tpu.memref_slice %arg10[%dma_start3A_433, %dma_start3A_434] : memref<1600x32xf32, #tpu.memory_space<vmem>> -> memref<128x32xf32, #tpu.memory_space<vmem>>
        %dma_start3A_436 = arith.constant 0 : i32
        %dma_start3A_437 = tpu.memref_slice %arg9[%dma_start3A_432, %dma_start3A_436] : memref<25x128xi32, #tpu.memory_space<vmem>> -> memref<1x128xi32, #tpu.memory_space<vmem>>
        %dma_start3A_438 = tpu.memref_squeeze %dma_start3A_437 : memref<1x128xi32, #tpu.memory_space<vmem>> -> memref<128xi32, #tpu.memory_space<vmem>>
        %dma_start3A_439 = arith.constant 0 : i32
        %dma_start3A_440 = arith.constant 0 : i32
        %dma_start3A_441 = tpu.memref_slice %arg2[%dma_start3A_439, %dma_start3A_440] : memref<1983940x32xf32, #tpu.memory_space<hbm>> -> memref<1983940x32xf32, #tpu.memory_space<hbm>>
        tpu.enqueue_indirect_dma source(%dma_start3A_441 : memref<1983940x32xf32, #tpu.memory_space<hbm>>) target(%dma_start3A_435 : memref<128x32xf32, #tpu.memory_space<vmem>>) offsets(%dma_start3A_438 : memref<128xi32, #tpu.memory_space<vmem>>) semaphore(%arg16 : memref<!tpu.dma_semaphore, #tpu.memory_space<semaphore_mem>>)
        %dma_start3A_442 = arith.constant 7 : i32
        %dma_start3A_443 = arith.constant 896 : i32
        %dma_start3A_444 = arith.constant 0 : i32
        %dma_start3A_445 = tpu.memref_slice %arg10[%dma_start3A_443, %dma_start3A_444] : memref<1600x32xf32, #tpu.memory_space<vmem>> -> memref<128x32xf32, #tpu.memory_space<vmem>>
        %dma_start3A_446 = arith.constant 0 : i32
        %dma_start3A_447 = tpu.memref_slice %arg9[%dma_start3A_442, %dma_start3A_446] : memref<25x128xi32, #tpu.memory_space<vmem>> -> memref<1x128xi32, #tpu.memory_space<vmem>>
        %dma_start3A_448 = tpu.memref_squeeze %dma_start3A_447 : memref<1x128xi32, #tpu.memory_space<vmem>> -> memref<128xi32, #tpu.memory_space<vmem>>
        %dma_start3A_449 = arith.constant 0 : i32
        %dma_start3A_450 = arith.constant 0 : i32
        %dma_start3A_451 = tpu.memref_slice %arg2[%dma_start3A_449, %dma_start3A_450] : memref<1983940x32xf32, #tpu.memory_space<hbm>> -> memref<1983940x32xf32, #tpu.memory_space<hbm>>
        tpu.enqueue_indirect_dma source(%dma_start3A_451 : memref<1983940x32xf32, #tpu.memory_space<hbm>>) target(%dma_start3A_445 : memref<128x32xf32, #tpu.memory_space<vmem>>) offsets(%dma_start3A_448 : memref<128xi32, #tpu.memory_space<vmem>>) semaphore(%arg16 : memref<!tpu.dma_semaphore, #tpu.memory_space<semaphore_mem>>)
        %dma_start3A_452 = arith.constant 8 : i32
        %dma_start3A_453 = arith.constant 1024 : i32
        %dma_start3A_454 = arith.constant 0 : i32
        %dma_start3A_455 = tpu.memref_slice %arg10[%dma_start3A_453, %dma_start3A_454] : memref<1600x32xf32, #tpu.memory_space<vmem>> -> memref<128x32xf32, #tpu.memory_space<vmem>>
        %dma_start3A_456 = arith.constant 0 : i32
        %dma_start3A_457 = tpu.memref_slice %arg9[%dma_start3A_452, %dma_start3A_456] : memref<25x128xi32, #tpu.memory_space<vmem>> -> memref<1x128xi32, #tpu.memory_space<vmem>>
        %dma_start3A_458 = tpu.memref_squeeze %dma_start3A_457 : memref<1x128xi32, #tpu.memory_space<vmem>> -> memref<128xi32, #tpu.memory_space<vmem>>
        %dma_start3A_459 = arith.constant 0 : i32
        %dma_start3A_460 = arith.constant 0 : i32
        %dma_start3A_461 = tpu.memref_slice %arg2[%dma_start3A_459, %dma_start3A_460] : memref<1983940x32xf32, #tpu.memory_space<hbm>> -> memref<1983940x32xf32, #tpu.memory_space<hbm>>
        tpu.enqueue_indirect_dma source(%dma_start3A_461 : memref<1983940x32xf32, #tpu.memory_space<hbm>>) target(%dma_start3A_455 : memref<128x32xf32, #tpu.memory_space<vmem>>) offsets(%dma_start3A_458 : memref<128xi32, #tpu.memory_space<vmem>>) semaphore(%arg16 : memref<!tpu.dma_semaphore, #tpu.memory_space<semaphore_mem>>)
        %dma_start3A_462 = arith.constant 9 : i32
        %dma_start3A_463 = arith.constant 1152 : i32
        %dma_start3A_464 = arith.constant 0 : i32
        %dma_start3A_465 = tpu.memref_slice %arg10[%dma_start3A_463, %dma_start3A_464] : memref<1600x32xf32, #tpu.memory_space<vmem>> -> memref<128x32xf32, #tpu.memory_space<vmem>>
        %dma_start3A_466 = arith.constant 0 : i32
        %dma_start3A_467 = tpu.memref_slice %arg9[%dma_start3A_462, %dma_start3A_466] : memref<25x128xi32, #tpu.memory_space<vmem>> -> memref<1x128xi32, #tpu.memory_space<vmem>>
        %dma_start3A_468 = tpu.memref_squeeze %dma_start3A_467 : memref<1x128xi32, #tpu.memory_space<vmem>> -> memref<128xi32, #tpu.memory_space<vmem>>
        %dma_start3A_469 = arith.constant 0 : i32
        %dma_start3A_470 = arith.constant 0 : i32
        %dma_start3A_471 = tpu.memref_slice %arg2[%dma_start3A_469, %dma_start3A_470] : memref<1983940x32xf32, #tpu.memory_space<hbm>> -> memref<1983940x32xf32, #tpu.memory_space<hbm>>
        tpu.enqueue_indirect_dma source(%dma_start3A_471 : memref<1983940x32xf32, #tpu.memory_space<hbm>>) target(%dma_start3A_465 : memref<128x32xf32, #tpu.memory_space<vmem>>) offsets(%dma_start3A_468 : memref<128xi32, #tpu.memory_space<vmem>>) semaphore(%arg16 : memref<!tpu.dma_semaphore, #tpu.memory_space<semaphore_mem>>)
        %dma_start3A_472 = arith.constant 10 : i32
        %dma_start3A_473 = arith.constant 1280 : i32
        %dma_start3A_474 = arith.constant 0 : i32
        %dma_start3A_475 = tpu.memref_slice %arg10[%dma_start3A_473, %dma_start3A_474] : memref<1600x32xf32, #tpu.memory_space<vmem>> -> memref<128x32xf32, #tpu.memory_space<vmem>>
        %dma_start3A_476 = arith.constant 0 : i32
        %dma_start3A_477 = tpu.memref_slice %arg9[%dma_start3A_472, %dma_start3A_476] : memref<25x128xi32, #tpu.memory_space<vmem>> -> memref<1x128xi32, #tpu.memory_space<vmem>>
        %dma_start3A_478 = tpu.memref_squeeze %dma_start3A_477 : memref<1x128xi32, #tpu.memory_space<vmem>> -> memref<128xi32, #tpu.memory_space<vmem>>
        %dma_start3A_479 = arith.constant 0 : i32
        %dma_start3A_480 = arith.constant 0 : i32
        %dma_start3A_481 = tpu.memref_slice %arg2[%dma_start3A_479, %dma_start3A_480] : memref<1983940x32xf32, #tpu.memory_space<hbm>> -> memref<1983940x32xf32, #tpu.memory_space<hbm>>
        tpu.enqueue_indirect_dma source(%dma_start3A_481 : memref<1983940x32xf32, #tpu.memory_space<hbm>>) target(%dma_start3A_475 : memref<128x32xf32, #tpu.memory_space<vmem>>) offsets(%dma_start3A_478 : memref<128xi32, #tpu.memory_space<vmem>>) semaphore(%arg16 : memref<!tpu.dma_semaphore, #tpu.memory_space<semaphore_mem>>)
        %dma_start3A_482 = arith.constant 11 : i32
        %dma_start3A_483 = arith.constant 1408 : i32
        %dma_start3A_484 = arith.constant 0 : i32
        %dma_start3A_485 = tpu.memref_slice %arg10[%dma_start3A_483, %dma_start3A_484] : memref<1600x32xf32, #tpu.memory_space<vmem>> -> memref<128x32xf32, #tpu.memory_space<vmem>>
        %dma_start3A_486 = arith.constant 0 : i32
        %dma_start3A_487 = tpu.memref_slice %arg9[%dma_start3A_482, %dma_start3A_486] : memref<25x128xi32, #tpu.memory_space<vmem>> -> memref<1x128xi32, #tpu.memory_space<vmem>>
        %dma_start3A_488 = tpu.memref_squeeze %dma_start3A_487 : memref<1x128xi32, #tpu.memory_space<vmem>> -> memref<128xi32, #tpu.memory_space<vmem>>
        %dma_start3A_489 = arith.constant 0 : i32
        %dma_start3A_490 = arith.constant 0 : i32
        %dma_start3A_491 = tpu.memref_slice %arg2[%dma_start3A_489, %dma_start3A_490] : memref<1983940x32xf32, #tpu.memory_space<hbm>> -> memref<1983940x32xf32, #tpu.memory_space<hbm>>
        tpu.enqueue_indirect_dma source(%dma_start3A_491 : memref<1983940x32xf32, #tpu.memory_space<hbm>>) target(%dma_start3A_485 : memref<128x32xf32, #tpu.memory_space<vmem>>) offsets(%dma_start3A_488 : memref<128xi32, #tpu.memory_space<vmem>>) semaphore(%arg16 : memref<!tpu.dma_semaphore, #tpu.memory_space<semaphore_mem>>)
        %dma_start3A_492 = arith.constant 12 : i32
        %dma_start3A_493 = arith.constant 1536 : i32
        %dma_start3A_494 = arith.constant 0 : i32
        %dma_start3A_495 = tpu.memref_slice %arg10[%dma_start3A_493, %dma_start3A_494] : memref<1600x32xf32, #tpu.memory_space<vmem>> -> memref<64x32xf32, #tpu.memory_space<vmem>>
        %dma_start3A_496 = arith.constant 0 : i32
        %dma_start3A_497 = tpu.memref_slice %arg9[%dma_start3A_492, %dma_start3A_496] : memref<25x128xi32, #tpu.memory_space<vmem>> -> memref<1x64xi32, #tpu.memory_space<vmem>>
        %dma_start3A_498 = tpu.memref_squeeze %dma_start3A_497 : memref<1x64xi32, #tpu.memory_space<vmem>> -> memref<64xi32, #tpu.memory_space<vmem>>
        %dma_start3A_499 = arith.constant 0 : i32
        %dma_start3A_500 = arith.constant 0 : i32
        %dma_start3A_501 = tpu.memref_slice %arg2[%dma_start3A_499, %dma_start3A_500] : memref<1983940x32xf32, #tpu.memory_space<hbm>> -> memref<1983940x32xf32, #tpu.memory_space<hbm>>
        tpu.enqueue_indirect_dma source(%dma_start3A_501 : memref<1983940x32xf32, #tpu.memory_space<hbm>>) target(%dma_start3A_495 : memref<64x32xf32, #tpu.memory_space<vmem>>) offsets(%dma_start3A_498 : memref<64xi32, #tpu.memory_space<vmem>>) semaphore(%arg16 : memref<!tpu.dma_semaphore, #tpu.memory_space<semaphore_mem>>)
      } else {
      }
      %gt3A_334 = arith.constant 0 : i32
      %gt3A_335 = arith.cmpi sgt, %scan3A_296, %gt3A_334 : i32
      %convert_element_type3A_336 = arith.extui %gt3A_335 : i1 to i32
      %cond3A_337 = arith.constant 0 : i32
      %cond3A_338 = arith.cmpi ne, %convert_element_type3A_336, %cond3A_337 : i32
      scf.if %cond3A_338 {
        %dma_wait3A_365 = arith.constant 0 : i32
        %dma_wait3A_366 = arith.constant 0 : i32
        %dma_wait3A_367 = tpu.memref_slice %arg5[%dma_wait3A_365, %dma_wait3A_366] : memref<16384x32xf32, #tpu.memory_space<hbm>> -> memref<8x32xf32, #tpu.memory_space<hbm>>
        %dma_wait3A_368 = arith.constant 0 : i32
        %dma_wait3A_369 = arith.constant 0 : i32
        %dma_wait3A_370 = tpu.memref_slice %arg5[%dma_wait3A_368, %dma_wait3A_369] : memref<16384x32xf32, #tpu.memory_space<hbm>> -> memref<8x32xf32, #tpu.memory_space<hbm>>
        tpu.wait_dma2 semaphore(%arg19 : memref<!tpu.dma_semaphore, #tpu.memory_space<semaphore_mem>>) src(%arg13 : memref<8x32xf32, #tpu.memory_space<vmem>>) dst(%dma_wait3A_370 : memref<8x32xf32, #tpu.memory_space<hbm>>)
      } else {
      }
      %scan3A_339 = arith.constant 0 : i32
      %scan3A_340 = arith.constant 0 : i32
      %scan3A_341 = arith.constant 8 : i32
      %scan3A_342 = arith.addi %scan3A_340, %scan3A_341 : i32
      %scan3A_343 = arith.constant 1 : i32
      %scan3A_344 = scf.for %scan3A_365 = %scan3A_340 to %scan3A_342 step %scan3A_343 iter_args(%scan3A_366 = %scan3A_339) -> (i32)  : i32 {
        %mul3A_367 = arith.constant 200 : i32
        %mul3A_368 = arith.muli %scan3A_365, %mul3A_367 : i32
        %broadcast_in_dim3A = arith.constant 0.000000e+00 : f32
        %broadcast_in_dim3A_369 = vector.broadcast %broadcast_in_dim3A : f32 to vector<16xf32>
        %scan3A_370 = arith.constant 0 : i32
        %scan3A_371 = arith.constant 25 : i32
        %scan3A_372 = arith.addi %scan3A_370, %scan3A_371 : i32
        %scan3A_373 = arith.constant 1 : i32
        %scan3A_374:4 = scf.for %scan3A_394 = %scan3A_370 to %scan3A_372 step %scan3A_373 iter_args(%scan3A_395 = %broadcast_in_dim3A_369, %scan3A_396 = %broadcast_in_dim3A_369, %scan3A_397 = %broadcast_in_dim3A_369, %scan3A_398 = %broadcast_in_dim3A_369) -> (vector<16xf32>, vector<16xf32>, vector<16xf32>, vector<16xf32>)  : i32 {
          %mul3A_399 = arith.constant 8 : i32
          %mul3A_400 = arith.muli %scan3A_394, %mul3A_399 : i32
          %add3A_401 = arith.addi %mul3A_368, %mul3A_400 : i32
          %add3A_402 = arith.constant 0 : i32
          %add3A_403 = arith.addi %add3A_401, %add3A_402 : i32
          %get3A = arith.index_cast %add3A_403 : i32 to index
          %get3A_404 = arith.constant 0 : index
          %get3A_405 = tpu.vector_load %arg11[%get3A, %get3A_404] {strides = array<i32>} : memref<1600x32xf32, #tpu.memory_space<vmem>>, vector<1x16xf32>,
          %get3A_406 = vector.shape_cast %get3A_405 : vector<1x16xf32> to vector<16xf32>
          %add3A_407 = arith.constant 0 : i32
          %add3A_408 = arith.addi %add3A_401, %add3A_407 : i32
          %get3A_409 = arith.index_cast %add3A_408 : i32 to index
          %get3A_410 = arith.constant 16 : index
          %get3A_411 = tpu.vector_load %arg11[%get3A_409, %get3A_410] {strides = array<i32>} : memref<1600x32xf32, #tpu.memory_space<vmem>>, vector<1x16xf32>,
          %get3A_412 = vector.shape_cast %get3A_411 : vector<1x16xf32> to vector<16xf32>
          %add3A_413 = arith.addf %scan3A_395, %get3A_406 : vector<16xf32>
          %add3A_414 = arith.addf %scan3A_396, %get3A_412 : vector<16xf32>
          %add3A_415 = arith.constant 1 : i32
          %add3A_416 = arith.addi %add3A_401, %add3A_415 : i32
          %get3A_417 = arith.index_cast %add3A_416 : i32 to index
          %get3A_418 = arith.constant 0 : index
          %get3A_419 = tpu.vector_load %arg11[%get3A_417, %get3A_418] {strides = array<i32>} : memref<1600x32xf32, #tpu.memory_space<vmem>>, vector<1x16xf32>,
          %get3A_420 = vector.shape_cast %get3A_419 : vector<1x16xf32> to vector<16xf32>
          %add3A_421 = arith.constant 1 : i32
          %add3A_422 = arith.addi %add3A_401, %add3A_421 : i32
          %get3A_423 = arith.index_cast %add3A_422 : i32 to index
          %get3A_424 = arith.constant 16 : index
          %get3A_425 = tpu.vector_load %arg11[%get3A_423, %get3A_424] {strides = array<i32>} : memref<1600x32xf32, #tpu.memory_space<vmem>>, vector<1x16xf32>,
          %get3A_426 = vector.shape_cast %get3A_425 : vector<1x16xf32> to vector<16xf32>
          %add3A_427 = arith.addf %scan3A_397, %get3A_420 : vector<16xf32>
          %add3A_428 = arith.addf %scan3A_398, %get3A_426 : vector<16xf32>
          %add3A_429 = arith.constant 2 : i32
          %add3A_430 = arith.addi %add3A_401, %add3A_429 : i32
          %get3A_431 = arith.index_cast %add3A_430 : i32 to index
          %get3A_432 = arith.constant 0 : index
          %get3A_433 = tpu.vector_load %arg11[%get3A_431, %get3A_432] {strides = array<i32>} : memref<1600x32xf32, #tpu.memory_space<vmem>>, vector<1x16xf32>,
          %get3A_434 = vector.shape_cast %get3A_433 : vector<1x16xf32> to vector<16xf32>
          %add3A_435 = arith.constant 2 : i32
          %add3A_436 = arith.addi %add3A_401, %add3A_435 : i32
          %get3A_437 = arith.index_cast %add3A_436 : i32 to index
          %get3A_438 = arith.constant 16 : index
          %get3A_439 = tpu.vector_load %arg11[%get3A_437, %get3A_438] {strides = array<i32>} : memref<1600x32xf32, #tpu.memory_space<vmem>>, vector<1x16xf32>,
          %get3A_440 = vector.shape_cast %get3A_439 : vector<1x16xf32> to vector<16xf32>
          %add3A_441 = arith.addf %add3A_413, %get3A_434 : vector<16xf32>
          %add3A_442 = arith.addf %add3A_414, %get3A_440 : vector<16xf32>
          %add3A_443 = arith.constant 3 : i32
          %add3A_444 = arith.addi %add3A_401, %add3A_443 : i32
          %get3A_445 = arith.index_cast %add3A_444 : i32 to index
          %get3A_446 = arith.constant 0 : index
          %get3A_447 = tpu.vector_load %arg11[%get3A_445, %get3A_446] {strides = array<i32>} : memref<1600x32xf32, #tpu.memory_space<vmem>>, vector<1x16xf32>,
          %get3A_448 = vector.shape_cast %get3A_447 : vector<1x16xf32> to vector<16xf32>
          %add3A_449 = arith.constant 3 : i32
          %add3A_450 = arith.addi %add3A_401, %add3A_449 : i32
          %get3A_451 = arith.index_cast %add3A_450 : i32 to index
          %get3A_452 = arith.constant 16 : index
          %get3A_453 = tpu.vector_load %arg11[%get3A_451, %get3A_452] {strides = array<i32>} : memref<1600x32xf32, #tpu.memory_space<vmem>>, vector<1x16xf32>,
          %get3A_454 = vector.shape_cast %get3A_453 : vector<1x16xf32> to vector<16xf32>
          %add3A_455 = arith.addf %add3A_427, %get3A_448 : vector<16xf32>
          %add3A_456 = arith.addf %add3A_428, %get3A_454 : vector<16xf32>
          %add3A_457 = arith.constant 4 : i32
          %add3A_458 = arith.addi %add3A_401, %add3A_457 : i32
          %get3A_459 = arith.index_cast %add3A_458 : i32 to index
          %get3A_460 = arith.constant 0 : index
          %get3A_461 = tpu.vector_load %arg11[%get3A_459, %get3A_460] {strides = array<i32>} : memref<1600x32xf32, #tpu.memory_space<vmem>>, vector<1x16xf32>,
          %get3A_462 = vector.shape_cast %get3A_461 : vector<1x16xf32> to vector<16xf32>
          %add3A_463 = arith.constant 4 : i32
          %add3A_464 = arith.addi %add3A_401, %add3A_463 : i32
          %get3A_465 = arith.index_cast %add3A_464 : i32 to index
          %get3A_466 = arith.constant 16 : index
          %get3A_467 = tpu.vector_load %arg11[%get3A_465, %get3A_466] {strides = array<i32>} : memref<1600x32xf32, #tpu.memory_space<vmem>>, vector<1x16xf32>,
          %get3A_468 = vector.shape_cast %get3A_467 : vector<1x16xf32> to vector<16xf32>
          %add3A_469 = arith.addf %add3A_441, %get3A_462 : vector<16xf32>
          %add3A_470 = arith.addf %add3A_442, %get3A_468 : vector<16xf32>
          %add3A_471 = arith.constant 5 : i32
          %add3A_472 = arith.addi %add3A_401, %add3A_471 : i32
          %get3A_473 = arith.index_cast %add3A_472 : i32 to index
          %get3A_474 = arith.constant 0 : index
          %get3A_475 = tpu.vector_load %arg11[%get3A_473, %get3A_474] {strides = array<i32>} : memref<1600x32xf32, #tpu.memory_space<vmem>>, vector<1x16xf32>,
          %get3A_476 = vector.shape_cast %get3A_475 : vector<1x16xf32> to vector<16xf32>
          %add3A_477 = arith.constant 5 : i32
          %add3A_478 = arith.addi %add3A_401, %add3A_477 : i32
          %get3A_479 = arith.index_cast %add3A_478 : i32 to index
          %get3A_480 = arith.constant 16 : index
          %get3A_481 = tpu.vector_load %arg11[%get3A_479, %get3A_480] {strides = array<i32>} : memref<1600x32xf32, #tpu.memory_space<vmem>>, vector<1x16xf32>,
          %get3A_482 = vector.shape_cast %get3A_481 : vector<1x16xf32> to vector<16xf32>
          %add3A_483 = arith.addf %add3A_455, %get3A_476 : vector<16xf32>
          %add3A_484 = arith.addf %add3A_456, %get3A_482 : vector<16xf32>
          %add3A_485 = arith.constant 6 : i32
          %add3A_486 = arith.addi %add3A_401, %add3A_485 : i32
          %get3A_487 = arith.index_cast %add3A_486 : i32 to index
          %get3A_488 = arith.constant 0 : index
          %get3A_489 = tpu.vector_load %arg11[%get3A_487, %get3A_488] {strides = array<i32>} : memref<1600x32xf32, #tpu.memory_space<vmem>>, vector<1x16xf32>,
          %get3A_490 = vector.shape_cast %get3A_489 : vector<1x16xf32> to vector<16xf32>
          %add3A_491 = arith.constant 6 : i32
          %add3A_492 = arith.addi %add3A_401, %add3A_491 : i32
          %get3A_493 = arith.index_cast %add3A_492 : i32 to index
          %get3A_494 = arith.constant 16 : index
          %get3A_495 = tpu.vector_load %arg11[%get3A_493, %get3A_494] {strides = array<i32>} : memref<1600x32xf32, #tpu.memory_space<vmem>>, vector<1x16xf32>,
          %get3A_496 = vector.shape_cast %get3A_495 : vector<1x16xf32> to vector<16xf32>
          %add3A_497 = arith.addf %add3A_469, %get3A_490 : vector<16xf32>
          %add3A_498 = arith.addf %add3A_470, %get3A_496 : vector<16xf32>
          %add3A_499 = arith.constant 7 : i32
          %add3A_500 = arith.addi %add3A_401, %add3A_499 : i32
          %get3A_501 = arith.index_cast %add3A_500 : i32 to index
          %get3A_502 = arith.constant 0 : index
          %get3A_503 = tpu.vector_load %arg11[%get3A_501, %get3A_502] {strides = array<i32>} : memref<1600x32xf32, #tpu.memory_space<vmem>>, vector<1x16xf32>,
          %get3A_504 = vector.shape_cast %get3A_503 : vector<1x16xf32> to vector<16xf32>
          %add3A_505 = arith.constant 7 : i32
          %add3A_506 = arith.addi %add3A_401, %add3A_505 : i32
          %get3A_507 = arith.index_cast %add3A_506 : i32 to index
          %get3A_508 = arith.constant 16 : index
          %get3A_509 = tpu.vector_load %arg11[%get3A_507, %get3A_508] {strides = array<i32>} : memref<1600x32xf32, #tpu.memory_space<vmem>>, vector<1x16xf32>,
          %get3A_510 = vector.shape_cast %get3A_509 : vector<1x16xf32> to vector<16xf32>
          %add3A_511 = arith.addf %add3A_483, %get3A_504 : vector<16xf32>
          %add3A_512 = arith.addf %add3A_484, %get3A_510 : vector<16xf32>
          scf.yield %add3A_497, %add3A_498, %add3A_511, %add3A_512 : vector<16xf32>, vector<16xf32>, vector<16xf32>, vector<16xf32>
        }
        %scan3A_375 = arith.constant 25 : i32
        %add3A_376 = arith.addf %scan3A_374#0, %scan3A_374#2 : vector<16xf32>
        %mul3A_377 = arith.constant 5.000000e-03 : f32
        %mul3A_378 = vector.broadcast %mul3A_377 : f32 to vector<16xf32>
        %mul3A_379 = arith.mulf %add3A_376, %mul3A_378 : vector<16xf32>
        %swap3A = arith.index_cast %scan3A_365 : i32 to index
        %swap3A_380 = arith.constant 0 : index
        %swap3A_381 = tpu.vector_load %arg13[%swap3A, %swap3A_380] {strides = array<i32>} : memref<8x32xf32, #tpu.memory_space<vmem>>, vector<1x16xf32>,
        %swap3A_382 = vector.shape_cast %swap3A_381 : vector<1x16xf32> to vector<16xf32>
        %swap3A_383 = vector.shape_cast %mul3A_379 : vector<16xf32> to vector<1x16xf32>
        tpu.vector_store %arg13[%swap3A, %swap3A_380], %swap3A_383 {strides = array<i32>} : memref<8x32xf32, #tpu.memory_space<vmem>>, vector<1x16xf32>,
        %add3A_384 = arith.addf %scan3A_374#1, %scan3A_374#3 : vector<16xf32>
        %mul3A_385 = arith.constant 5.000000e-03 : f32
        %mul3A_386 = vector.broadcast %mul3A_385 : f32 to vector<16xf32>
        %mul3A_387 = arith.mulf %add3A_384, %mul3A_386 : vector<16xf32>
        %swap3A_388 = arith.index_cast %scan3A_365 : i32 to index
        %swap3A_389 = arith.constant 16 : index
        %swap3A_390 = tpu.vector_load %arg13[%swap3A_388, %swap3A_389] {strides = array<i32>} : memref<8x32xf32, #tpu.memory_space<vmem>>, vector<1x16xf32>,
        %swap3A_391 = vector.shape_cast %swap3A_390 : vector<1x16xf32> to vector<16xf32>
        %swap3A_392 = vector.shape_cast %mul3A_387 : vector<16xf32> to vector<1x16xf32>
        tpu.vector_store %arg13[%swap3A_388, %swap3A_389], %swap3A_392 {strides = array<i32>} : memref<8x32xf32, #tpu.memory_space<vmem>>, vector<1x16xf32>,
        %scan3A_393 = arith.constant 0 : i32
        scf.yield %scan3A_393 : i32
      }
      %scan3A_345 = arith.constant 8 : i32
      %mul3A_346 = arith.constant 2 : i32
      %mul3A_347 = arith.muli %mul3A_346, %scan3A_296 : i32
      %add3A_348 = arith.constant 1 : i32
      %add3A_349 = arith.addi %mul3A_347, %add3A_348 : i32
      %mul3A_350 = arith.constant 512 : i32
      %mul3A_351 = arith.muli %add3A, %mul3A_350 : i32
      %mul3A_352 = arith.constant 8 : i32
      %mul3A_353 = arith.muli %add3A_349, %mul3A_352 : i32
      %add3A_354 = arith.addi %mul3A_351, %mul3A_353 : i32
      %dma_start3A_355 = arith.constant 0 : i32
      %dma_start3A_356 = tpu.memref_slice %arg5[%add3A_354, %dma_start3A_355] : memref<16384x32xf32, #tpu.memory_space<hbm>> -> memref<8x32xf32, #tpu.memory_space<hbm>>
      %dma_start3A_357 = arith.constant 0 : i32
      %dma_start3A_358 = tpu.memref_slice %arg5[%add3A_354, %dma_start3A_357] : memref<16384x32xf32, #tpu.memory_space<hbm>> -> memref<8x32xf32, #tpu.memory_space<hbm>>
      tpu.enqueue_dma source(%arg13 : memref<8x32xf32, #tpu.memory_space<vmem>>) target(%dma_start3A_358 : memref<8x32xf32, #tpu.memory_space<hbm>>) target_semaphore(%arg19 : memref<!tpu.dma_semaphore, #tpu.memory_space<semaphore_mem>>)
      %lt3A_359 = arith.constant 31 : i32
      %lt3A_360 = arith.cmpi slt, %scan3A_296, %lt3A_359 : i32
      %convert_element_type3A_361 = arith.extui %lt3A_360 : i1 to i32
      %cond3A_362 = arith.constant 0 : i32
      %cond3A_363 = arith.cmpi ne, %convert_element_type3A_361, %cond3A_362 : i32
      scf.if %cond3A_363 {
        %dma_start3A_365 = arith.constant 12 : i32
        %dma_start3A_366 = arith.constant 0 : i32
        %dma_start3A_367 = arith.constant 0 : i32
        %dma_start3A_368 = tpu.memref_slice %arg11[%dma_start3A_366, %dma_start3A_367] : memref<1600x32xf32, #tpu.memory_space<vmem>> -> memref<64x32xf32, #tpu.memory_space<vmem>>
        %dma_start3A_369 = arith.constant 64 : i32
        %dma_start3A_370 = tpu.memref_slice %arg9[%dma_start3A_365, %dma_start3A_369] : memref<25x128xi32, #tpu.memory_space<vmem>> -> memref<1x64xi32, #tpu.memory_space<vmem>>
        %dma_start3A_371 = tpu.memref_squeeze %dma_start3A_370 : memref<1x64xi32, #tpu.memory_space<vmem>> -> memref<64xi32, #tpu.memory_space<vmem>>
        %dma_start3A_372 = arith.constant 0 : i32
        %dma_start3A_373 = arith.constant 0 : i32
        %dma_start3A_374 = tpu.memref_slice %arg2[%dma_start3A_372, %dma_start3A_373] : memref<1983940x32xf32, #tpu.memory_space<hbm>> -> memref<1983940x32xf32, #tpu.memory_space<hbm>>
        tpu.enqueue_indirect_dma source(%dma_start3A_374 : memref<1983940x32xf32, #tpu.memory_space<hbm>>) target(%dma_start3A_368 : memref<64x32xf32, #tpu.memory_space<vmem>>) offsets(%dma_start3A_371 : memref<64xi32, #tpu.memory_space<vmem>>) semaphore(%arg17 : memref<!tpu.dma_semaphore, #tpu.memory_space<semaphore_mem>>)
        %dma_start3A_375 = arith.constant 13 : i32
        %dma_start3A_376 = arith.constant 64 : i32
        %dma_start3A_377 = arith.constant 0 : i32
        %dma_start3A_378 = tpu.memref_slice %arg11[%dma_start3A_376, %dma_start3A_377] : memref<1600x32xf32, #tpu.memory_space<vmem>> -> memref<128x32xf32, #tpu.memory_space<vmem>>
        %dma_start3A_379 = arith.constant 0 : i32
        %dma_start3A_380 = tpu.memref_slice %arg9[%dma_start3A_375, %dma_start3A_379] : memref<25x128xi32, #tpu.memory_space<vmem>> -> memref<1x128xi32, #tpu.memory_space<vmem>>
        %dma_start3A_381 = tpu.memref_squeeze %dma_start3A_380 : memref<1x128xi32, #tpu.memory_space<vmem>> -> memref<128xi32, #tpu.memory_space<vmem>>
        %dma_start3A_382 = arith.constant 0 : i32
        %dma_start3A_383 = arith.constant 0 : i32
        %dma_start3A_384 = tpu.memref_slice %arg2[%dma_start3A_382, %dma_start3A_383] : memref<1983940x32xf32, #tpu.memory_space<hbm>> -> memref<1983940x32xf32, #tpu.memory_space<hbm>>
        tpu.enqueue_indirect_dma source(%dma_start3A_384 : memref<1983940x32xf32, #tpu.memory_space<hbm>>) target(%dma_start3A_378 : memref<128x32xf32, #tpu.memory_space<vmem>>) offsets(%dma_start3A_381 : memref<128xi32, #tpu.memory_space<vmem>>) semaphore(%arg17 : memref<!tpu.dma_semaphore, #tpu.memory_space<semaphore_mem>>)
        %dma_start3A_385 = arith.constant 14 : i32
        %dma_start3A_386 = arith.constant 192 : i32
        %dma_start3A_387 = arith.constant 0 : i32
        %dma_start3A_388 = tpu.memref_slice %arg11[%dma_start3A_386, %dma_start3A_387] : memref<1600x32xf32, #tpu.memory_space<vmem>> -> memref<128x32xf32, #tpu.memory_space<vmem>>
        %dma_start3A_389 = arith.constant 0 : i32
        %dma_start3A_390 = tpu.memref_slice %arg9[%dma_start3A_385, %dma_start3A_389] : memref<25x128xi32, #tpu.memory_space<vmem>> -> memref<1x128xi32, #tpu.memory_space<vmem>>
        %dma_start3A_391 = tpu.memref_squeeze %dma_start3A_390 : memref<1x128xi32, #tpu.memory_space<vmem>> -> memref<128xi32, #tpu.memory_space<vmem>>
        %dma_start3A_392 = arith.constant 0 : i32
        %dma_start3A_393 = arith.constant 0 : i32
        %dma_start3A_394 = tpu.memref_slice %arg2[%dma_start3A_392, %dma_start3A_393] : memref<1983940x32xf32, #tpu.memory_space<hbm>> -> memref<1983940x32xf32, #tpu.memory_space<hbm>>
        tpu.enqueue_indirect_dma source(%dma_start3A_394 : memref<1983940x32xf32, #tpu.memory_space<hbm>>) target(%dma_start3A_388 : memref<128x32xf32, #tpu.memory_space<vmem>>) offsets(%dma_start3A_391 : memref<128xi32, #tpu.memory_space<vmem>>) semaphore(%arg17 : memref<!tpu.dma_semaphore, #tpu.memory_space<semaphore_mem>>)
        %dma_start3A_395 = arith.constant 15 : i32
        %dma_start3A_396 = arith.constant 320 : i32
        %dma_start3A_397 = arith.constant 0 : i32
        %dma_start3A_398 = tpu.memref_slice %arg11[%dma_start3A_396, %dma_start3A_397] : memref<1600x32xf32, #tpu.memory_space<vmem>> -> memref<128x32xf32, #tpu.memory_space<vmem>>
        %dma_start3A_399 = arith.constant 0 : i32
        %dma_start3A_400 = tpu.memref_slice %arg9[%dma_start3A_395, %dma_start3A_399] : memref<25x128xi32, #tpu.memory_space<vmem>> -> memref<1x128xi32, #tpu.memory_space<vmem>>
        %dma_start3A_401 = tpu.memref_squeeze %dma_start3A_400 : memref<1x128xi32, #tpu.memory_space<vmem>> -> memref<128xi32, #tpu.memory_space<vmem>>
        %dma_start3A_402 = arith.constant 0 : i32
        %dma_start3A_403 = arith.constant 0 : i32
        %dma_start3A_404 = tpu.memref_slice %arg2[%dma_start3A_402, %dma_start3A_403] : memref<1983940x32xf32, #tpu.memory_space<hbm>> -> memref<1983940x32xf32, #tpu.memory_space<hbm>>
        tpu.enqueue_indirect_dma source(%dma_start3A_404 : memref<1983940x32xf32, #tpu.memory_space<hbm>>) target(%dma_start3A_398 : memref<128x32xf32, #tpu.memory_space<vmem>>) offsets(%dma_start3A_401 : memref<128xi32, #tpu.memory_space<vmem>>) semaphore(%arg17 : memref<!tpu.dma_semaphore, #tpu.memory_space<semaphore_mem>>)
        %dma_start3A_405 = arith.constant 16 : i32
        %dma_start3A_406 = arith.constant 448 : i32
        %dma_start3A_407 = arith.constant 0 : i32
        %dma_start3A_408 = tpu.memref_slice %arg11[%dma_start3A_406, %dma_start3A_407] : memref<1600x32xf32, #tpu.memory_space<vmem>> -> memref<128x32xf32, #tpu.memory_space<vmem>>
        %dma_start3A_409 = arith.constant 0 : i32
        %dma_start3A_410 = tpu.memref_slice %arg9[%dma_start3A_405, %dma_start3A_409] : memref<25x128xi32, #tpu.memory_space<vmem>> -> memref<1x128xi32, #tpu.memory_space<vmem>>
        %dma_start3A_411 = tpu.memref_squeeze %dma_start3A_410 : memref<1x128xi32, #tpu.memory_space<vmem>> -> memref<128xi32, #tpu.memory_space<vmem>>
        %dma_start3A_412 = arith.constant 0 : i32
        %dma_start3A_413 = arith.constant 0 : i32
        %dma_start3A_414 = tpu.memref_slice %arg2[%dma_start3A_412, %dma_start3A_413] : memref<1983940x32xf32, #tpu.memory_space<hbm>> -> memref<1983940x32xf32, #tpu.memory_space<hbm>>
        tpu.enqueue_indirect_dma source(%dma_start3A_414 : memref<1983940x32xf32, #tpu.memory_space<hbm>>) target(%dma_start3A_408 : memref<128x32xf32, #tpu.memory_space<vmem>>) offsets(%dma_start3A_411 : memref<128xi32, #tpu.memory_space<vmem>>) semaphore(%arg17 : memref<!tpu.dma_semaphore, #tpu.memory_space<semaphore_mem>>)
        %dma_start3A_415 = arith.constant 17 : i32
        %dma_start3A_416 = arith.constant 576 : i32
        %dma_start3A_417 = arith.constant 0 : i32
        %dma_start3A_418 = tpu.memref_slice %arg11[%dma_start3A_416, %dma_start3A_417] : memref<1600x32xf32, #tpu.memory_space<vmem>> -> memref<128x32xf32, #tpu.memory_space<vmem>>
        %dma_start3A_419 = arith.constant 0 : i32
        %dma_start3A_420 = tpu.memref_slice %arg9[%dma_start3A_415, %dma_start3A_419] : memref<25x128xi32, #tpu.memory_space<vmem>> -> memref<1x128xi32, #tpu.memory_space<vmem>>
        %dma_start3A_421 = tpu.memref_squeeze %dma_start3A_420 : memref<1x128xi32, #tpu.memory_space<vmem>> -> memref<128xi32, #tpu.memory_space<vmem>>
        %dma_start3A_422 = arith.constant 0 : i32
        %dma_start3A_423 = arith.constant 0 : i32
        %dma_start3A_424 = tpu.memref_slice %arg2[%dma_start3A_422, %dma_start3A_423] : memref<1983940x32xf32, #tpu.memory_space<hbm>> -> memref<1983940x32xf32, #tpu.memory_space<hbm>>
        tpu.enqueue_indirect_dma source(%dma_start3A_424 : memref<1983940x32xf32, #tpu.memory_space<hbm>>) target(%dma_start3A_418 : memref<128x32xf32, #tpu.memory_space<vmem>>) offsets(%dma_start3A_421 : memref<128xi32, #tpu.memory_space<vmem>>) semaphore(%arg17 : memref<!tpu.dma_semaphore, #tpu.memory_space<semaphore_mem>>)
        %dma_start3A_425 = arith.constant 18 : i32
        %dma_start3A_426 = arith.constant 704 : i32
        %dma_start3A_427 = arith.constant 0 : i32
        %dma_start3A_428 = tpu.memref_slice %arg11[%dma_start3A_426, %dma_start3A_427] : memref<1600x32xf32, #tpu.memory_space<vmem>> -> memref<128x32xf32, #tpu.memory_space<vmem>>
        %dma_start3A_429 = arith.constant 0 : i32
        %dma_start3A_430 = tpu.memref_slice %arg9[%dma_start3A_425, %dma_start3A_429] : memref<25x128xi32, #tpu.memory_space<vmem>> -> memref<1x128xi32, #tpu.memory_space<vmem>>
        %dma_start3A_431 = tpu.memref_squeeze %dma_start3A_430 : memref<1x128xi32, #tpu.memory_space<vmem>> -> memref<128xi32, #tpu.memory_space<vmem>>
        %dma_start3A_432 = arith.constant 0 : i32
        %dma_start3A_433 = arith.constant 0 : i32
        %dma_start3A_434 = tpu.memref_slice %arg2[%dma_start3A_432, %dma_start3A_433] : memref<1983940x32xf32, #tpu.memory_space<hbm>> -> memref<1983940x32xf32, #tpu.memory_space<hbm>>
        tpu.enqueue_indirect_dma source(%dma_start3A_434 : memref<1983940x32xf32, #tpu.memory_space<hbm>>) target(%dma_start3A_428 : memref<128x32xf32, #tpu.memory_space<vmem>>) offsets(%dma_start3A_431 : memref<128xi32, #tpu.memory_space<vmem>>) semaphore(%arg17 : memref<!tpu.dma_semaphore, #tpu.memory_space<semaphore_mem>>)
        %dma_start3A_435 = arith.constant 19 : i32
        %dma_start3A_436 = arith.constant 832 : i32
        %dma_start3A_437 = arith.constant 0 : i32
        %dma_start3A_438 = tpu.memref_slice %arg11[%dma_start3A_436, %dma_start3A_437] : memref<1600x32xf32, #tpu.memory_space<vmem>> -> memref<128x32xf32, #tpu.memory_space<vmem>>
        %dma_start3A_439 = arith.constant 0 : i32
        %dma_start3A_440 = tpu.memref_slice %arg9[%dma_start3A_435, %dma_start3A_439] : memref<25x128xi32, #tpu.memory_space<vmem>> -> memref<1x128xi32, #tpu.memory_space<vmem>>
        %dma_start3A_441 = tpu.memref_squeeze %dma_start3A_440 : memref<1x128xi32, #tpu.memory_space<vmem>> -> memref<128xi32, #tpu.memory_space<vmem>>
        %dma_start3A_442 = arith.constant 0 : i32
        %dma_start3A_443 = arith.constant 0 : i32
        %dma_start3A_444 = tpu.memref_slice %arg2[%dma_start3A_442, %dma_start3A_443] : memref<1983940x32xf32, #tpu.memory_space<hbm>> -> memref<1983940x32xf32, #tpu.memory_space<hbm>>
        tpu.enqueue_indirect_dma source(%dma_start3A_444 : memref<1983940x32xf32, #tpu.memory_space<hbm>>) target(%dma_start3A_438 : memref<128x32xf32, #tpu.memory_space<vmem>>) offsets(%dma_start3A_441 : memref<128xi32, #tpu.memory_space<vmem>>) semaphore(%arg17 : memref<!tpu.dma_semaphore, #tpu.memory_space<semaphore_mem>>)
        %dma_start3A_445 = arith.constant 20 : i32
        %dma_start3A_446 = arith.constant 960 : i32
        %dma_start3A_447 = arith.constant 0 : i32
        %dma_start3A_448 = tpu.memref_slice %arg11[%dma_start3A_446, %dma_start3A_447] : memref<1600x32xf32, #tpu.memory_space<vmem>> -> memref<128x32xf32, #tpu.memory_space<vmem>>
        %dma_start3A_449 = arith.constant 0 : i32
        %dma_start3A_450 = tpu.memref_slice %arg9[%dma_start3A_445, %dma_start3A_449] : memref<25x128xi32, #tpu.memory_space<vmem>> -> memref<1x128xi32, #tpu.memory_space<vmem>>
        %dma_start3A_451 = tpu.memref_squeeze %dma_start3A_450 : memref<1x128xi32, #tpu.memory_space<vmem>> -> memref<128xi32, #tpu.memory_space<vmem>>
        %dma_start3A_452 = arith.constant 0 : i32
        %dma_start3A_453 = arith.constant 0 : i32
        %dma_start3A_454 = tpu.memref_slice %arg2[%dma_start3A_452, %dma_start3A_453] : memref<1983940x32xf32, #tpu.memory_space<hbm>> -> memref<1983940x32xf32, #tpu.memory_space<hbm>>
        tpu.enqueue_indirect_dma source(%dma_start3A_454 : memref<1983940x32xf32, #tpu.memory_space<hbm>>) target(%dma_start3A_448 : memref<128x32xf32, #tpu.memory_space<vmem>>) offsets(%dma_start3A_451 : memref<128xi32, #tpu.memory_space<vmem>>) semaphore(%arg17 : memref<!tpu.dma_semaphore, #tpu.memory_space<semaphore_mem>>)
        %dma_start3A_455 = arith.constant 21 : i32
        %dma_start3A_456 = arith.constant 1088 : i32
        %dma_start3A_457 = arith.constant 0 : i32
        %dma_start3A_458 = tpu.memref_slice %arg11[%dma_start3A_456, %dma_start3A_457] : memref<1600x32xf32, #tpu.memory_space<vmem>> -> memref<128x32xf32, #tpu.memory_space<vmem>>
        %dma_start3A_459 = arith.constant 0 : i32
        %dma_start3A_460 = tpu.memref_slice %arg9[%dma_start3A_455, %dma_start3A_459] : memref<25x128xi32, #tpu.memory_space<vmem>> -> memref<1x128xi32, #tpu.memory_space<vmem>>
        %dma_start3A_461 = tpu.memref_squeeze %dma_start3A_460 : memref<1x128xi32, #tpu.memory_space<vmem>> -> memref<128xi32, #tpu.memory_space<vmem>>
        %dma_start3A_462 = arith.constant 0 : i32
        %dma_start3A_463 = arith.constant 0 : i32
        %dma_start3A_464 = tpu.memref_slice %arg2[%dma_start3A_462, %dma_start3A_463] : memref<1983940x32xf32, #tpu.memory_space<hbm>> -> memref<1983940x32xf32, #tpu.memory_space<hbm>>
        tpu.enqueue_indirect_dma source(%dma_start3A_464 : memref<1983940x32xf32, #tpu.memory_space<hbm>>) target(%dma_start3A_458 : memref<128x32xf32, #tpu.memory_space<vmem>>) offsets(%dma_start3A_461 : memref<128xi32, #tpu.memory_space<vmem>>) semaphore(%arg17 : memref<!tpu.dma_semaphore, #tpu.memory_space<semaphore_mem>>)
        %dma_start3A_465 = arith.constant 22 : i32
        %dma_start3A_466 = arith.constant 1216 : i32
        %dma_start3A_467 = arith.constant 0 : i32
        %dma_start3A_468 = tpu.memref_slice %arg11[%dma_start3A_466, %dma_start3A_467] : memref<1600x32xf32, #tpu.memory_space<vmem>> -> memref<128x32xf32, #tpu.memory_space<vmem>>
        %dma_start3A_469 = arith.constant 0 : i32
        %dma_start3A_470 = tpu.memref_slice %arg9[%dma_start3A_465, %dma_start3A_469] : memref<25x128xi32, #tpu.memory_space<vmem>> -> memref<1x128xi32, #tpu.memory_space<vmem>>
        %dma_start3A_471 = tpu.memref_squeeze %dma_start3A_470 : memref<1x128xi32, #tpu.memory_space<vmem>> -> memref<128xi32, #tpu.memory_space<vmem>>
        %dma_start3A_472 = arith.constant 0 : i32
        %dma_start3A_473 = arith.constant 0 : i32
        %dma_start3A_474 = tpu.memref_slice %arg2[%dma_start3A_472, %dma_start3A_473] : memref<1983940x32xf32, #tpu.memory_space<hbm>> -> memref<1983940x32xf32, #tpu.memory_space<hbm>>
        tpu.enqueue_indirect_dma source(%dma_start3A_474 : memref<1983940x32xf32, #tpu.memory_space<hbm>>) target(%dma_start3A_468 : memref<128x32xf32, #tpu.memory_space<vmem>>) offsets(%dma_start3A_471 : memref<128xi32, #tpu.memory_space<vmem>>) semaphore(%arg17 : memref<!tpu.dma_semaphore, #tpu.memory_space<semaphore_mem>>)
        %dma_start3A_475 = arith.constant 23 : i32
        %dma_start3A_476 = arith.constant 1344 : i32
        %dma_start3A_477 = arith.constant 0 : i32
        %dma_start3A_478 = tpu.memref_slice %arg11[%dma_start3A_476, %dma_start3A_477] : memref<1600x32xf32, #tpu.memory_space<vmem>> -> memref<128x32xf32, #tpu.memory_space<vmem>>
        %dma_start3A_479 = arith.constant 0 : i32
        %dma_start3A_480 = tpu.memref_slice %arg9[%dma_start3A_475, %dma_start3A_479] : memref<25x128xi32, #tpu.memory_space<vmem>> -> memref<1x128xi32, #tpu.memory_space<vmem>>
        %dma_start3A_481 = tpu.memref_squeeze %dma_start3A_480 : memref<1x128xi32, #tpu.memory_space<vmem>> -> memref<128xi32, #tpu.memory_space<vmem>>
        %dma_start3A_482 = arith.constant 0 : i32
        %dma_start3A_483 = arith.constant 0 : i32
        %dma_start3A_484 = tpu.memref_slice %arg2[%dma_start3A_482, %dma_start3A_483] : memref<1983940x32xf32, #tpu.memory_space<hbm>> -> memref<1983940x32xf32, #tpu.memory_space<hbm>>
        tpu.enqueue_indirect_dma source(%dma_start3A_484 : memref<1983940x32xf32, #tpu.memory_space<hbm>>) target(%dma_start3A_478 : memref<128x32xf32, #tpu.memory_space<vmem>>) offsets(%dma_start3A_481 : memref<128xi32, #tpu.memory_space<vmem>>) semaphore(%arg17 : memref<!tpu.dma_semaphore, #tpu.memory_space<semaphore_mem>>)
        %dma_start3A_485 = arith.constant 24 : i32
        %dma_start3A_486 = arith.constant 1472 : i32
        %dma_start3A_487 = arith.constant 0 : i32
        %dma_start3A_488 = tpu.memref_slice %arg11[%dma_start3A_486, %dma_start3A_487] : memref<1600x32xf32, #tpu.memory_space<vmem>> -> memref<128x32xf32, #tpu.memory_space<vmem>>
        %dma_start3A_489 = arith.constant 0 : i32
        %dma_start3A_490 = tpu.memref_slice %arg9[%dma_start3A_485, %dma_start3A_489] : memref<25x128xi32, #tpu.memory_space<vmem>> -> memref<1x128xi32, #tpu.memory_space<vmem>>
        %dma_start3A_491 = tpu.memref_squeeze %dma_start3A_490 : memref<1x128xi32, #tpu.memory_space<vmem>> -> memref<128xi32, #tpu.memory_space<vmem>>
        %dma_start3A_492 = arith.constant 0 : i32
        %dma_start3A_493 = arith.constant 0 : i32
        %dma_start3A_494 = tpu.memref_slice %arg2[%dma_start3A_492, %dma_start3A_493] : memref<1983940x32xf32, #tpu.memory_space<hbm>> -> memref<1983940x32xf32, #tpu.memory_space<hbm>>
        tpu.enqueue_indirect_dma source(%dma_start3A_494 : memref<1983940x32xf32, #tpu.memory_space<hbm>>) target(%dma_start3A_488 : memref<128x32xf32, #tpu.memory_space<vmem>>) offsets(%dma_start3A_491 : memref<128xi32, #tpu.memory_space<vmem>>) semaphore(%arg17 : memref<!tpu.dma_semaphore, #tpu.memory_space<semaphore_mem>>)
      } else {
      }
      %scan3A_364 = arith.constant 0 : i32
      scf.yield %scan3A_364 : i32
    }
    %scan3A_283 = arith.constant 32 : i32
    %dma_wait3A_284 = arith.constant 0 : i32
    %dma_wait3A_285 = arith.constant 0 : i32
    %dma_wait3A_286 = tpu.memref_slice %arg5[%dma_wait3A_284, %dma_wait3A_285] : memref<16384x32xf32, #tpu.memory_space<hbm>> -> memref<8x32xf32, #tpu.memory_space<hbm>>
    %dma_wait3A_287 = arith.constant 0 : i32
    %dma_wait3A_288 = arith.constant 0 : i32
    %dma_wait3A_289 = tpu.memref_slice %arg5[%dma_wait3A_287, %dma_wait3A_288] : memref<16384x32xf32, #tpu.memory_space<hbm>> -> memref<8x32xf32, #tpu.memory_space<hbm>>
    tpu.wait_dma2 semaphore(%arg18 : memref<!tpu.dma_semaphore, #tpu.memory_space<semaphore_mem>>) src(%arg12 : memref<8x32xf32, #tpu.memory_space<vmem>>) dst(%dma_wait3A_289 : memref<8x32xf32, #tpu.memory_space<hbm>>)
    %dma_wait3A_290 = arith.constant 0 : i32
    %dma_wait3A_291 = arith.constant 0 : i32
    %dma_wait3A_292 = tpu.memref_slice %arg5[%dma_wait3A_290, %dma_wait3A_291] : memref<16384x32xf32, #tpu.memory_space<hbm>> -> memref<8x32xf32, #tpu.memory_space<hbm>>
    %dma_wait3A_293 = arith.constant 0 : i32
    %dma_wait3A_294 = arith.constant 0 : i32
    %dma_wait3A_295 = tpu.memref_slice %arg5[%dma_wait3A_293, %dma_wait3A_294] : memref<16384x32xf32, #tpu.memory_space<hbm>> -> memref<8x32xf32, #tpu.memory_space<hbm>>
    tpu.wait_dma2 semaphore(%arg19 : memref<!tpu.dma_semaphore, #tpu.memory_space<semaphore_mem>>) src(%arg13 : memref<8x32xf32, #tpu.memory_space<vmem>>) dst(%dma_wait3A_295 : memref<8x32xf32, #tpu.memory_space<hbm>>)
    return
  }
}

module attributes {stable_mosaic.version = 14 : i64} {
  func.func @_k0_body(%arg0: i32, %arg1: memref<512x1846xf32, #tpu.memory_space<vmem>>, %arg2: memref<512x32xf32, #tpu.memory_space<vmem>>, %arg3: memref<512x32xf32, #tpu.memory_space<vmem>>, %arg4: memref<1910x256xf32, #tpu.memory_space<vmem>>, %arg5: memref<1910x1xf32, #tpu.memory_space<vmem>>, %arg6: memref<512x1910xf32, #tpu.memory_space<vmem>>, %arg7: memref<512x256xf32, #tpu.memory_space<vmem>>, %arg8: memref<1x5x1910xf32, #tpu.memory_space<vmem>>, %arg9: memref<1x2x256xf32, #tpu.memory_space<vmem>>, %arg10: memref<512x1xf32, #tpu.memory_space<vmem>>) attributes {dimension_semantics = [#tpu.dimension_semantics<arbitrary>], iteration_bounds = array<i64: 32>, scalar_prefetch = 0 : i64, scratch_operands = 0 : i64, tpu.core_type = #tpu.core_type<tc>, window_params = [{transform_indices = @transform_0, window_bounds = array<i64: 512, 1846>}, {transform_indices = @transform_1, window_bounds = array<i64: 512, 32>}, {transform_indices = @transform_2, window_bounds = array<i64: 512, 32>}, {pipeline_mode = #tpu.pipeline_mode<synchronous>, transform_indices = @transform_3, window_bounds = array<i64: 1910, 256>}, {pipeline_mode = #tpu.pipeline_mode<synchronous>, transform_indices = @transform_4, window_bounds = array<i64: 1910, 1>}, {transform_indices = @transform_5, window_bounds = array<i64: 512, 1910>}, {transform_indices = @transform_6, window_bounds = array<i64: 512, 256>}, {transform_indices = @transform_7, window_bounds = array<i64: 1, 5, 1910>}, {transform_indices = @transform_8, window_bounds = array<i64: 1, 2, 256>}, {transform_indices = @transform_9, window_bounds = array<i64: 512, 1>}]} {
    %get3A = arith.constant 0 : index
    %get3A_0 = arith.constant 0 : index
    %get3A_1 = vector.load %arg1[%get3A, %get3A_0] : memref<512x1846xf32, #tpu.memory_space<vmem>>, vector<512x1846xf32>
    %get3A_2 = arith.constant 0 : index
    %get3A_3 = arith.constant 0 : index
    %get3A_4 = vector.load %arg2[%get3A_2, %get3A_3] : memref<512x32xf32, #tpu.memory_space<vmem>>, vector<512x32xf32>
    %get3A_5 = arith.constant 0 : index
    %get3A_6 = arith.constant 0 : index
    %get3A_7 = vector.load %arg3[%get3A_5, %get3A_6] : memref<512x32xf32, #tpu.memory_space<vmem>>, vector<512x32xf32>
    %concatenate3A = tpu.concatenate %get3A_1, %get3A_4, %get3A_7 in 1 : vector<512x1846xf32>, vector<512x32xf32>, vector<512x32xf32> -> vector<512x1910xf32>
    %swap3A = arith.constant 0 : index
    %swap3A_8 = arith.constant 0 : index
    %swap3A_9 = vector.load %arg6[%swap3A, %swap3A_8] : memref<512x1910xf32, #tpu.memory_space<vmem>>, vector<512x1910xf32>
    tpu.vector_store %arg6[%swap3A, %swap3A_8], %concatenate3A {strides = array<i32>} : memref<512x1910xf32, #tpu.memory_space<vmem>>, vector<512x1910xf32>,
    %get3A_10 = arith.constant 0 : index
    %get3A_11 = arith.constant 0 : index
    %get3A_12 = vector.load %arg5[%get3A_10, %get3A_11] : memref<1910x1xf32, #tpu.memory_space<vmem>>, vector<1910x1xf32>
    %dot_general3A = arith.constant dense<0.000000e+00> : vector<512x1xf32>
    %dot_general3A_13 = tpu.matmul %concatenate3A, %get3A_12, %dot_general3A {dimension_numbers = #tpu.dot_dimension_numbers<[1], [0], [0], [1], [0, 0, 1, 1], [], []>, transpose_lhs_hint = false} : vector<512x1910xf32>, vector<1910x1xf32>, vector<512x1xf32> -> vector<512x1xf32>
    %get3A_14 = arith.constant 0 : index
    %get3A_15 = arith.constant 0 : index
    %get3A_16 = vector.load %arg4[%get3A_14, %get3A_15] : memref<1910x256xf32, #tpu.memory_space<vmem>>, vector<1910x256xf32>
    %dot_general3A_17 = arith.constant dense<0.000000e+00> : vector<512x256xf32>
    %dot_general3A_18 = tpu.matmul %concatenate3A, %get3A_16, %dot_general3A_17 {dimension_numbers = #tpu.dot_dimension_numbers<[1], [0], [0], [1], [0, 0, 1, 1], [], []>, transpose_lhs_hint = false} : vector<512x1910xf32>, vector<1910x256xf32>, vector<512x256xf32> -> vector<512x256xf32>
    %swap3A_19 = arith.constant 0 : index
    %swap3A_20 = arith.constant 0 : index
    %swap3A_21 = vector.load %arg7[%swap3A_19, %swap3A_20] : memref<512x256xf32, #tpu.memory_space<vmem>>, vector<512x256xf32>
    tpu.vector_store %arg7[%swap3A_19, %swap3A_20], %dot_general3A_18 {strides = array<i32>} : memref<512x256xf32, #tpu.memory_space<vmem>>, vector<512x256xf32>,
    %mul3A = arith.mulf %concatenate3A, %concatenate3A : vector<512x1910xf32>
    %reduce_sum3A = arith.constant dense<0.000000e+00> : vector<1910xf32>
    %reduce_sum3A_22 = vector.multi_reduction <add>, %concatenate3A, %reduce_sum3A [0] : vector<512x1910xf32> to vector<1910xf32>
    %broadcast_in_dim3A = vector.shape_cast %reduce_sum3A_22 : vector<1910xf32> to vector<1x1910xf32>
    %mul3A_23 = vector.broadcast %dot_general3A_13 : vector<512x1xf32> to vector<512x1910xf32>
    %mul3A_24 = arith.mulf %concatenate3A, %mul3A_23 : vector<512x1910xf32>
    %reduce_sum3A_25 = arith.constant dense<0.000000e+00> : vector<1910xf32>
    %reduce_sum3A_26 = vector.multi_reduction <add>, %mul3A_24, %reduce_sum3A_25 [0] : vector<512x1910xf32> to vector<1910xf32>
    %broadcast_in_dim3A_27 = vector.shape_cast %reduce_sum3A_26 : vector<1910xf32> to vector<1x1910xf32>
    %reduce_sum3A_28 = arith.constant dense<0.000000e+00> : vector<1910xf32>
    %reduce_sum3A_29 = vector.multi_reduction <add>, %mul3A, %reduce_sum3A_28 [0] : vector<512x1910xf32> to vector<1910xf32>
    %broadcast_in_dim3A_30 = vector.shape_cast %reduce_sum3A_29 : vector<1910xf32> to vector<1x1910xf32>
    %mul3A_31 = vector.broadcast %dot_general3A_13 : vector<512x1xf32> to vector<512x1910xf32>
    %mul3A_32 = arith.mulf %mul3A, %mul3A_31 : vector<512x1910xf32>
    %reduce_sum3A_33 = arith.constant dense<0.000000e+00> : vector<1910xf32>
    %reduce_sum3A_34 = vector.multi_reduction <add>, %mul3A_32, %reduce_sum3A_33 [0] : vector<512x1910xf32> to vector<1910xf32>
    %broadcast_in_dim3A_35 = vector.shape_cast %reduce_sum3A_34 : vector<1910xf32> to vector<1x1910xf32>
    %mul3A_36 = arith.mulf %dot_general3A_13, %dot_general3A_13 : vector<512x1xf32>
    %mul3A_37 = vector.broadcast %mul3A_36 : vector<512x1xf32> to vector<512x1910xf32>
    %mul3A_38 = arith.mulf %mul3A, %mul3A_37 : vector<512x1910xf32>
    %reduce_sum3A_39 = arith.constant dense<0.000000e+00> : vector<1910xf32>
    %reduce_sum3A_40 = vector.multi_reduction <add>, %mul3A_38, %reduce_sum3A_39 [0] : vector<512x1910xf32> to vector<1910xf32>
    %broadcast_in_dim3A_41 = vector.shape_cast %reduce_sum3A_40 : vector<1910xf32> to vector<1x1910xf32>
    %concatenate3A_42 = tpu.concatenate %broadcast_in_dim3A, %broadcast_in_dim3A_27, %broadcast_in_dim3A_30, %broadcast_in_dim3A_35, %broadcast_in_dim3A_41 in 0 : vector<1x1910xf32>, vector<1x1910xf32>, vector<1x1910xf32>, vector<1x1910xf32>, vector<1x1910xf32> -> vector<5x1910xf32>
    %broadcast_in_dim3A_43 = vector.shape_cast %concatenate3A_42 : vector<5x1910xf32> to vector<1x5x1910xf32>
    %swap3A_44 = arith.constant 0 : index
    %swap3A_45 = arith.constant 0 : index
    %swap3A_46 = arith.constant 0 : index
    %swap3A_47 = vector.load %arg8[%swap3A_44, %swap3A_45, %swap3A_46] : memref<1x5x1910xf32, #tpu.memory_space<vmem>>, vector<1x5x1910xf32>
    tpu.vector_store %arg8[%swap3A_44, %swap3A_45, %swap3A_46], %broadcast_in_dim3A_43 {strides = array<i32>} : memref<1x5x1910xf32, #tpu.memory_space<vmem>>, vector<1x5x1910xf32>,
    %reduce_sum3A_48 = arith.constant dense<0.000000e+00> : vector<256xf32>
    %reduce_sum3A_49 = vector.multi_reduction <add>, %dot_general3A_18, %reduce_sum3A_48 [0] : vector<512x256xf32> to vector<256xf32>
    %broadcast_in_dim3A_50 = vector.shape_cast %reduce_sum3A_49 : vector<256xf32> to vector<1x256xf32>
    %mul3A_51 = arith.mulf %dot_general3A_18, %dot_general3A_18 : vector<512x256xf32>
    %reduce_sum3A_52 = arith.constant dense<0.000000e+00> : vector<256xf32>
    %reduce_sum3A_53 = vector.multi_reduction <add>, %mul3A_51, %reduce_sum3A_52 [0] : vector<512x256xf32> to vector<256xf32>
    %broadcast_in_dim3A_54 = vector.shape_cast %reduce_sum3A_53 : vector<256xf32> to vector<1x256xf32>
    %concatenate3A_55 = tpu.concatenate %broadcast_in_dim3A_50, %broadcast_in_dim3A_54 in 0 : vector<1x256xf32>, vector<1x256xf32> -> vector<2x256xf32>
    %broadcast_in_dim3A_56 = vector.shape_cast %concatenate3A_55 : vector<2x256xf32> to vector<1x2x256xf32>
    %swap3A_57 = arith.constant 0 : index
    %swap3A_58 = arith.constant 0 : index
    %swap3A_59 = arith.constant 0 : index
    %swap3A_60 = vector.load %arg9[%swap3A_57, %swap3A_58, %swap3A_59] : memref<1x2x256xf32, #tpu.memory_space<vmem>>, vector<1x2x256xf32>
    tpu.vector_store %arg9[%swap3A_57, %swap3A_58, %swap3A_59], %broadcast_in_dim3A_56 {strides = array<i32>} : memref<1x2x256xf32, #tpu.memory_space<vmem>>, vector<1x2x256xf32>,
    %swap3A_61 = arith.constant 0 : index
    %swap3A_62 = arith.constant 0 : index
    %swap3A_63 = vector.load %arg10[%swap3A_61, %swap3A_62] : memref<512x1xf32, #tpu.memory_space<vmem>>, vector<512x1xf32>
    tpu.vector_store %arg10[%swap3A_61, %swap3A_62], %dot_general3A_13 {strides = array<i32>} : memref<512x1xf32, #tpu.memory_space<vmem>>, vector<512x1xf32>,
    return
  }
  func.func @transform_0(%arg0: i32) -> (i32, i32) {
    %c0_i32 = arith.constant 0 : i32
    %c0_i32_0 = arith.constant 0 : i32
    return %arg0, %c0_i32 : i32, i32
  }
  func.func @transform_1(%arg0: i32) -> (i32, i32) {
    %c0_i32 = arith.constant 0 : i32
    %c0_i32_0 = arith.constant 0 : i32
    return %arg0, %c0_i32 : i32, i32
  }
  func.func @transform_2(%arg0: i32) -> (i32, i32) {
    %c0_i32 = arith.constant 0 : i32
    %c0_i32_0 = arith.constant 0 : i32
    return %arg0, %c0_i32 : i32, i32
  }
  func.func @transform_3(%arg0: i32) -> (i32, i32) {
    %c0_i32 = arith.constant 0 : i32
    %c0_i32_0 = arith.constant 0 : i32
    %c0_i32_1 = arith.constant 0 : i32
    return %c0_i32, %c0_i32_0 : i32, i32
  }
  func.func @transform_4(%arg0: i32) -> (i32, i32) {
    %c0_i32 = arith.constant 0 : i32
    %c0_i32_0 = arith.constant 0 : i32
    %c0_i32_1 = arith.constant 0 : i32
    return %c0_i32, %c0_i32_0 : i32, i32
  }
  func.func @transform_5(%arg0: i32) -> (i32, i32) {
    %c0_i32 = arith.constant 0 : i32
    %c0_i32_0 = arith.constant 0 : i32
    return %arg0, %c0_i32 : i32, i32
  }
  func.func @transform_6(%arg0: i32) -> (i32, i32) {
    %c0_i32 = arith.constant 0 : i32
    %c0_i32_0 = arith.constant 0 : i32
    return %arg0, %c0_i32 : i32, i32
  }
  func.func @transform_7(%arg0: i32) -> (i32, i32, i32) {
    %c0_i32 = arith.constant 0 : i32
    %c0_i32_0 = arith.constant 0 : i32
    %c0_i32_1 = arith.constant 0 : i32
    return %arg0, %c0_i32, %c0_i32_0 : i32, i32, i32
  }
  func.func @transform_8(%arg0: i32) -> (i32, i32, i32) {
    %c0_i32 = arith.constant 0 : i32
    %c0_i32_0 = arith.constant 0 : i32
    %c0_i32_1 = arith.constant 0 : i32
    return %arg0, %c0_i32, %c0_i32_0 : i32, i32, i32
  }
  func.func @transform_9(%arg0: i32) -> (i32, i32) {
    %c0_i32 = arith.constant 0 : i32
    %c0_i32_0 = arith.constant 0 : i32
    return %arg0, %c0_i32 : i32, i32
  }
}

module attributes {stable_mosaic.version = 14 : i64} {
  func.func @_k1_body(%arg0: i32, %arg1: memref<512x1910xf32, #tpu.memory_space<vmem>>, %arg2: memref<512x256xf32, #tpu.memory_space<vmem>>, %arg3: memref<512x1xf32, #tpu.memory_space<vmem>>, %arg4: memref<1910x1xf32, #tpu.memory_space<vmem>>, %arg5: memref<1x1xf32, #tpu.memory_space<vmem>>, %arg6: memref<1x256xf32, #tpu.memory_space<vmem>>, %arg7: memref<1x256xf32, #tpu.memory_space<vmem>>, %arg8: memref<256x256xf32, #tpu.memory_space<vmem>>, %arg9: memref<512x256xf32, #tpu.memory_space<vmem>>, %arg10: memref<1x4x1910xf32, #tpu.memory_space<vmem>>, %arg11: memref<1x2x256xf32, #tpu.memory_space<vmem>>, %arg12: memref<512x1xf32, #tpu.memory_space<vmem>>) attributes {dimension_semantics = [#tpu.dimension_semantics<arbitrary>], iteration_bounds = array<i64: 32>, scalar_prefetch = 0 : i64, scratch_operands = 0 : i64, tpu.core_type = #tpu.core_type<tc>, window_params = [{transform_indices = @transform_0, window_bounds = array<i64: 512, 1910>}, {transform_indices = @transform_1, window_bounds = array<i64: 512, 256>}, {transform_indices = @transform_2, window_bounds = array<i64: 512, 1>}, {pipeline_mode = #tpu.pipeline_mode<synchronous>, transform_indices = @transform_3, window_bounds = array<i64: 1910, 1>}, {pipeline_mode = #tpu.pipeline_mode<synchronous>, transform_indices = @transform_4, window_bounds = array<i64: 1, 1>}, {pipeline_mode = #tpu.pipeline_mode<synchronous>, transform_indices = @transform_5, window_bounds = array<i64: 1, 256>}, {pipeline_mode = #tpu.pipeline_mode<synchronous>, transform_indices = @transform_6, window_bounds = array<i64: 1, 256>}, {pipeline_mode = #tpu.pipeline_mode<synchronous>, transform_indices = @transform_7, window_bounds = array<i64: 256, 256>}, {transform_indices = @transform_8, window_bounds = array<i64: 512, 256>}, {transform_indices = @transform_9, window_bounds = array<i64: 1, 4, 1910>}, {transform_indices = @transform_10, window_bounds = array<i64: 1, 2, 256>}, {transform_indices = @transform_11, window_bounds = array<i64: 512, 1>}]} {
    %get3A = arith.constant 0 : index
    %get3A_0 = arith.constant 0 : index
    %get3A_1 = vector.load %arg1[%get3A, %get3A_0] : memref<512x1910xf32, #tpu.memory_space<vmem>>, vector<512x1910xf32>
    %get3A_2 = arith.constant 0 : index
    %get3A_3 = arith.constant 0 : index
    %get3A_4 = vector.load %arg3[%get3A_2, %get3A_3] : memref<512x1xf32, #tpu.memory_space<vmem>>, vector<512x1xf32>
    %get3A_5 = arith.constant 0 : index
    %get3A_6 = arith.constant 0 : index
    %get3A_7 = vector.load %arg4[%get3A_5, %get3A_6] : memref<1910x1xf32, #tpu.memory_space<vmem>>, vector<1910x1xf32>
    %dot_general3A = arith.constant dense<0.000000e+00> : vector<512x1xf32>
    %dot_general3A_8 = tpu.matmul %get3A_1, %get3A_7, %dot_general3A {dimension_numbers = #tpu.dot_dimension_numbers<[1], [0], [0], [1], [0, 0, 1, 1], [], []>, transpose_lhs_hint = false} : vector<512x1910xf32>, vector<1910x1xf32>, vector<512x1xf32> -> vector<512x1xf32>
    %add3A = arith.constant 1.000000e+00 : f32
    %add3A_9 = vector.broadcast %add3A : f32 to vector<512x1xf32>
    %add3A_10 = arith.addf %add3A_9, %get3A_4 : vector<512x1xf32>
    %mul3A = arith.mulf %dot_general3A_8, %add3A_10 : vector<512x1xf32>
    %get3A_11 = arith.constant 0 : index
    %get3A_12 = arith.constant 0 : index
    %get3A_13 = vector.load %arg5[%get3A_11, %get3A_12] : memref<1x1xf32, #tpu.memory_space<vmem>>, vector<1x1xf32>
    %get3A_14 = vector.extract %get3A_13[0, 0] : f32 from vector<1x1xf32>
    %add3A_15 = vector.broadcast %get3A_14 : f32 to vector<512x1xf32>
    %add3A_16 = arith.addf %mul3A, %add3A_15 : vector<512x1xf32>
    %get3A_17 = arith.constant 0 : index
    %get3A_18 = arith.constant 0 : index
    %get3A_19 = vector.load %arg2[%get3A_17, %get3A_18] : memref<512x256xf32, #tpu.memory_space<vmem>>, vector<512x256xf32>
    %get3A_20 = arith.constant 0 : index
    %get3A_21 = arith.constant 0 : index
    %get3A_22 = vector.load %arg6[%get3A_20, %get3A_21] : memref<1x256xf32, #tpu.memory_space<vmem>>, vector<1x256xf32>
    %mul3A_23 = vector.broadcast %get3A_22 : vector<1x256xf32> to vector<512x256xf32>
    %mul3A_24 = arith.mulf %get3A_19, %mul3A_23 : vector<512x256xf32>
    %get3A_25 = arith.constant 0 : index
    %get3A_26 = arith.constant 0 : index
    %get3A_27 = vector.load %arg7[%get3A_25, %get3A_26] : memref<1x256xf32, #tpu.memory_space<vmem>>, vector<1x256xf32>
    %add3A_28 = vector.broadcast %get3A_27 : vector<1x256xf32> to vector<512x256xf32>
    %add3A_29 = arith.addf %mul3A_24, %add3A_28 : vector<512x256xf32>
    %max3A = arith.constant 0.000000e+00 : f32
    %max3A_30 = vector.broadcast %max3A : f32 to vector<512x256xf32>
    %max3A_31 = arith.maximumf %add3A_29, %max3A_30 : vector<512x256xf32>
    %get3A_32 = arith.constant 0 : index
    %get3A_33 = arith.constant 0 : index
    %get3A_34 = vector.load %arg8[%get3A_32, %get3A_33] : memref<256x256xf32, #tpu.memory_space<vmem>>, vector<256x256xf32>
    %dot_general3A_35 = arith.constant dense<0.000000e+00> : vector<512x256xf32>
    %dot_general3A_36 = tpu.matmul %max3A_31, %get3A_34, %dot_general3A_35 {dimension_numbers = #tpu.dot_dimension_numbers<[1], [0], [0], [1], [0, 0, 1, 1], [], []>, transpose_lhs_hint = false} : vector<512x256xf32>, vector<256x256xf32>, vector<512x256xf32> -> vector<512x256xf32>
    %swap3A = arith.constant 0 : index
    %swap3A_37 = arith.constant 0 : index
    %swap3A_38 = vector.load %arg9[%swap3A, %swap3A_37] : memref<512x256xf32, #tpu.memory_space<vmem>>, vector<512x256xf32>
    tpu.vector_store %arg9[%swap3A, %swap3A_37], %dot_general3A_36 {strides = array<i32>} : memref<512x256xf32, #tpu.memory_space<vmem>>, vector<512x256xf32>,
    %mul3A_39 = arith.mulf %get3A_1, %get3A_1 : vector<512x1910xf32>
    %mul3A_40 = vector.broadcast %add3A_16 : vector<512x1xf32> to vector<512x1910xf32>
    %mul3A_41 = arith.mulf %get3A_1, %mul3A_40 : vector<512x1910xf32>
    %reduce_sum3A = arith.constant dense<0.000000e+00> : vector<1910xf32>
    %reduce_sum3A_42 = vector.multi_reduction <add>, %mul3A_41, %reduce_sum3A [0] : vector<512x1910xf32> to vector<1910xf32>
    %broadcast_in_dim3A = vector.shape_cast %reduce_sum3A_42 : vector<1910xf32> to vector<1x1910xf32>
    %mul3A_43 = vector.broadcast %add3A_16 : vector<512x1xf32> to vector<512x1910xf32>
    %mul3A_44 = arith.mulf %mul3A_39, %mul3A_43 : vector<512x1910xf32>
    %reduce_sum3A_45 = arith.constant dense<0.000000e+00> : vector<1910xf32>
    %reduce_sum3A_46 = vector.multi_reduction <add>, %mul3A_44, %reduce_sum3A_45 [0] : vector<512x1910xf32> to vector<1910xf32>
    %broadcast_in_dim3A_47 = vector.shape_cast %reduce_sum3A_46 : vector<1910xf32> to vector<1x1910xf32>
    %mul3A_48 = arith.mulf %get3A_4, %add3A_16 : vector<512x1xf32>
    %mul3A_49 = vector.broadcast %mul3A_48 : vector<512x1xf32> to vector<512x1910xf32>
    %mul3A_50 = arith.mulf %mul3A_39, %mul3A_49 : vector<512x1910xf32>
    %reduce_sum3A_51 = arith.constant dense<0.000000e+00> : vector<1910xf32>
    %reduce_sum3A_52 = vector.multi_reduction <add>, %mul3A_50, %reduce_sum3A_51 [0] : vector<512x1910xf32> to vector<1910xf32>
    %broadcast_in_dim3A_53 = vector.shape_cast %reduce_sum3A_52 : vector<1910xf32> to vector<1x1910xf32>
    %mul3A_54 = arith.mulf %add3A_16, %add3A_16 : vector<512x1xf32>
    %mul3A_55 = vector.broadcast %mul3A_54 : vector<512x1xf32> to vector<512x1910xf32>
    %mul3A_56 = arith.mulf %mul3A_39, %mul3A_55 : vector<512x1910xf32>
    %reduce_sum3A_57 = arith.constant dense<0.000000e+00> : vector<1910xf32>
    %reduce_sum3A_58 = vector.multi_reduction <add>, %mul3A_56, %reduce_sum3A_57 [0] : vector<512x1910xf32> to vector<1910xf32>
    %broadcast_in_dim3A_59 = vector.shape_cast %reduce_sum3A_58 : vector<1910xf32> to vector<1x1910xf32>
    %concatenate3A = tpu.concatenate %broadcast_in_dim3A, %broadcast_in_dim3A_47, %broadcast_in_dim3A_53, %broadcast_in_dim3A_59 in 0 : vector<1x1910xf32>, vector<1x1910xf32>, vector<1x1910xf32>, vector<1x1910xf32> -> vector<4x1910xf32>
    %broadcast_in_dim3A_60 = vector.shape_cast %concatenate3A : vector<4x1910xf32> to vector<1x4x1910xf32>
    %swap3A_61 = arith.constant 0 : index
    %swap3A_62 = arith.constant 0 : index
    %swap3A_63 = arith.constant 0 : index
    %swap3A_64 = vector.load %arg10[%swap3A_61, %swap3A_62, %swap3A_63] : memref<1x4x1910xf32, #tpu.memory_space<vmem>>, vector<1x4x1910xf32>
    tpu.vector_store %arg10[%swap3A_61, %swap3A_62, %swap3A_63], %broadcast_in_dim3A_60 {strides = array<i32>} : memref<1x4x1910xf32, #tpu.memory_space<vmem>>, vector<1x4x1910xf32>,
    %reduce_sum3A_65 = arith.constant dense<0.000000e+00> : vector<256xf32>
    %reduce_sum3A_66 = vector.multi_reduction <add>, %dot_general3A_36, %reduce_sum3A_65 [0] : vector<512x256xf32> to vector<256xf32>
    %broadcast_in_dim3A_67 = vector.shape_cast %reduce_sum3A_66 : vector<256xf32> to vector<1x256xf32>
    %mul3A_68 = arith.mulf %dot_general3A_36, %dot_general3A_36 : vector<512x256xf32>
    %reduce_sum3A_69 = arith.constant dense<0.000000e+00> : vector<256xf32>
    %reduce_sum3A_70 = vector.multi_reduction <add>, %mul3A_68, %reduce_sum3A_69 [0] : vector<512x256xf32> to vector<256xf32>
    %broadcast_in_dim3A_71 = vector.shape_cast %reduce_sum3A_70 : vector<256xf32> to vector<1x256xf32>
    %concatenate3A_72 = tpu.concatenate %broadcast_in_dim3A_67, %broadcast_in_dim3A_71 in 0 : vector<1x256xf32>, vector<1x256xf32> -> vector<2x256xf32>
    %broadcast_in_dim3A_73 = vector.shape_cast %concatenate3A_72 : vector<2x256xf32> to vector<1x2x256xf32>
    %swap3A_74 = arith.constant 0 : index
    %swap3A_75 = arith.constant 0 : index
    %swap3A_76 = arith.constant 0 : index
    %swap3A_77 = vector.load %arg11[%swap3A_74, %swap3A_75, %swap3A_76] : memref<1x2x256xf32, #tpu.memory_space<vmem>>, vector<1x2x256xf32>
    tpu.vector_store %arg11[%swap3A_74, %swap3A_75, %swap3A_76], %broadcast_in_dim3A_73 {strides = array<i32>} : memref<1x2x256xf32, #tpu.memory_space<vmem>>, vector<1x2x256xf32>,
    %swap3A_78 = arith.constant 0 : index
    %swap3A_79 = arith.constant 0 : index
    %swap3A_80 = vector.load %arg12[%swap3A_78, %swap3A_79] : memref<512x1xf32, #tpu.memory_space<vmem>>, vector<512x1xf32>
    tpu.vector_store %arg12[%swap3A_78, %swap3A_79], %add3A_16 {strides = array<i32>} : memref<512x1xf32, #tpu.memory_space<vmem>>, vector<512x1xf32>,
    return
  }
  func.func @transform_0(%arg0: i32) -> (i32, i32) {
    %c0_i32 = arith.constant 0 : i32
    %c0_i32_0 = arith.constant 0 : i32
    return %arg0, %c0_i32 : i32, i32
  }
  func.func @transform_1(%arg0: i32) -> (i32, i32) {
    %c0_i32 = arith.constant 0 : i32
    %c0_i32_0 = arith.constant 0 : i32
    return %arg0, %c0_i32 : i32, i32
  }
  func.func @transform_2(%arg0: i32) -> (i32, i32) {
    %c0_i32 = arith.constant 0 : i32
    %c0_i32_0 = arith.constant 0 : i32
    return %arg0, %c0_i32 : i32, i32
  }
  func.func @transform_3(%arg0: i32) -> (i32, i32) {
    %c0_i32 = arith.constant 0 : i32
    %c0_i32_0 = arith.constant 0 : i32
    %c0_i32_1 = arith.constant 0 : i32
    return %c0_i32, %c0_i32_0 : i32, i32
  }
  func.func @transform_4(%arg0: i32) -> (i32, i32) {
    %c0_i32 = arith.constant 0 : i32
    %c0_i32_0 = arith.constant 0 : i32
    %c0_i32_1 = arith.constant 0 : i32
    return %c0_i32, %c0_i32_0 : i32, i32
  }
  func.func @transform_5(%arg0: i32) -> (i32, i32) {
    %c0_i32 = arith.constant 0 : i32
    %c0_i32_0 = arith.constant 0 : i32
    %c0_i32_1 = arith.constant 0 : i32
    return %c0_i32, %c0_i32_0 : i32, i32
  }
  func.func @transform_6(%arg0: i32) -> (i32, i32) {
    %c0_i32 = arith.constant 0 : i32
    %c0_i32_0 = arith.constant 0 : i32
    %c0_i32_1 = arith.constant 0 : i32
    return %c0_i32, %c0_i32_0 : i32, i32
  }
  func.func @transform_7(%arg0: i32) -> (i32, i32) {
    %c0_i32 = arith.constant 0 : i32
    %c0_i32_0 = arith.constant 0 : i32
    %c0_i32_1 = arith.constant 0 : i32
    return %c0_i32, %c0_i32_0 : i32, i32
  }
  func.func @transform_8(%arg0: i32) -> (i32, i32) {
    %c0_i32 = arith.constant 0 : i32
    %c0_i32_0 = arith.constant 0 : i32
    return %arg0, %c0_i32 : i32, i32
  }
  func.func @transform_9(%arg0: i32) -> (i32, i32, i32) {
    %c0_i32 = arith.constant 0 : i32
    %c0_i32_0 = arith.constant 0 : i32
    %c0_i32_1 = arith.constant 0 : i32
    return %arg0, %c0_i32, %c0_i32_0 : i32, i32, i32
  }
  func.func @transform_10(%arg0: i32) -> (i32, i32, i32) {
    %c0_i32 = arith.constant 0 : i32
    %c0_i32_0 = arith.constant 0 : i32
    %c0_i32_1 = arith.constant 0 : i32
    return %arg0, %c0_i32, %c0_i32_0 : i32, i32, i32
  }
  func.func @transform_11(%arg0: i32) -> (i32, i32) {
    %c0_i32 = arith.constant 0 : i32
    %c0_i32_0 = arith.constant 0 : i32
    return %arg0, %c0_i32 : i32, i32
  }
}

module attributes {stable_mosaic.version = 14 : i64} {
  func.func @_k2_body(%arg0: i32, %arg1: memref<512x1910xf32, #tpu.memory_space<vmem>>, %arg2: memref<512x256xf32, #tpu.memory_space<vmem>>, %arg3: memref<512x1xf32, #tpu.memory_space<vmem>>, %arg4: memref<512x1xf32, #tpu.memory_space<vmem>>, %arg5: memref<1910x2xf32, #tpu.memory_space<vmem>>, %arg6: memref<1x1xf32, #tpu.memory_space<vmem>>, %arg7: memref<1x256xf32, #tpu.memory_space<vmem>>, %arg8: memref<1x256xf32, #tpu.memory_space<vmem>>, %arg9: memref<256x1xf32, #tpu.memory_space<vmem>>, %arg10: memref<512x1xf32, #tpu.memory_space<vmem>>, %arg11: memref<1x5x1910xf32, #tpu.memory_space<vmem>>, %arg12: memref<512x1xf32, #tpu.memory_space<vmem>>) attributes {dimension_semantics = [#tpu.dimension_semantics<arbitrary>], iteration_bounds = array<i64: 32>, scalar_prefetch = 0 : i64, scratch_operands = 0 : i64, tpu.core_type = #tpu.core_type<tc>, window_params = [{transform_indices = @transform_0, window_bounds = array<i64: 512, 1910>}, {transform_indices = @transform_1, window_bounds = array<i64: 512, 256>}, {transform_indices = @transform_2, window_bounds = array<i64: 512, 1>}, {transform_indices = @transform_3, window_bounds = array<i64: 512, 1>}, {pipeline_mode = #tpu.pipeline_mode<synchronous>, transform_indices = @transform_4, window_bounds = array<i64: 1910, 2>}, {pipeline_mode = #tpu.pipeline_mode<synchronous>, transform_indices = @transform_5, window_bounds = array<i64: 1, 1>}, {pipeline_mode = #tpu.pipeline_mode<synchronous>, transform_indices = @transform_6, window_bounds = array<i64: 1, 256>}, {pipeline_mode = #tpu.pipeline_mode<synchronous>, transform_indices = @transform_7, window_bounds = array<i64: 1, 256>}, {pipeline_mode = #tpu.pipeline_mode<synchronous>, transform_indices = @transform_8, window_bounds = array<i64: 256, 1>}, {transform_indices = @transform_9, window_bounds = array<i64: 512, 1>}, {transform_indices = @transform_10, window_bounds = array<i64: 1, 5, 1910>}, {transform_indices = @transform_11, window_bounds = array<i64: 512, 1>}]} {
    %get3A = arith.constant 0 : index
    %get3A_0 = arith.constant 0 : index
    %get3A_1 = vector.load %arg1[%get3A, %get3A_0] : memref<512x1910xf32, #tpu.memory_space<vmem>>, vector<512x1910xf32>
    %get3A_2 = arith.constant 0 : index
    %get3A_3 = arith.constant 0 : index
    %get3A_4 = vector.load %arg3[%get3A_2, %get3A_3] : memref<512x1xf32, #tpu.memory_space<vmem>>, vector<512x1xf32>
    %get3A_5 = arith.constant 0 : index
    %get3A_6 = arith.constant 0 : index
    %get3A_7 = vector.load %arg4[%get3A_5, %get3A_6] : memref<512x1xf32, #tpu.memory_space<vmem>>, vector<512x1xf32>
    %get3A_8 = arith.constant 0 : index
    %get3A_9 = arith.constant 0 : index
    %get3A_10 = vector.load %arg5[%get3A_8, %get3A_9] : memref<1910x2xf32, #tpu.memory_space<vmem>>, vector<1910x2xf32>
    %dot_general3A = arith.constant dense<0.000000e+00> : vector<512x2xf32>
    %dot_general3A_11 = tpu.matmul %get3A_1, %get3A_10, %dot_general3A {dimension_numbers = #tpu.dot_dimension_numbers<[1], [0], [0], [1], [0, 0, 1, 1], [], []>, transpose_lhs_hint = false} : vector<512x1910xf32>, vector<1910x2xf32>, vector<512x2xf32> -> vector<512x2xf32>
    %slice3A = vector.extract_strided_slice %dot_general3A_11 {offsets = [0, 0], sizes = [512, 1], strides = [1, 1]} : vector<512x2xf32> to vector<512x1xf32>
    %add3A = arith.constant 1.000000e+00 : f32
    %add3A_12 = vector.broadcast %add3A : f32 to vector<512x1xf32>
    %add3A_13 = arith.addf %add3A_12, %get3A_4 : vector<512x1xf32>
    %mul3A = arith.mulf %slice3A, %add3A_13 : vector<512x1xf32>
    %slice3A_14 = vector.extract_strided_slice %dot_general3A_11 {offsets = [0, 1], sizes = [512, 1], strides = [1, 1]} : vector<512x2xf32> to vector<512x1xf32>
    %mul3A_15 = arith.mulf %slice3A_14, %get3A_7 : vector<512x1xf32>
    %add3A_16 = arith.addf %mul3A, %mul3A_15 : vector<512x1xf32>
    %get3A_17 = arith.constant 0 : index
    %get3A_18 = arith.constant 0 : index
    %get3A_19 = vector.load %arg6[%get3A_17, %get3A_18] : memref<1x1xf32, #tpu.memory_space<vmem>>, vector<1x1xf32>
    %get3A_20 = vector.extract %get3A_19[0, 0] : f32 from vector<1x1xf32>
    %add3A_21 = vector.broadcast %get3A_20 : f32 to vector<512x1xf32>
    %add3A_22 = arith.addf %add3A_16, %add3A_21 : vector<512x1xf32>
    %get3A_23 = arith.constant 0 : index
    %get3A_24 = arith.constant 0 : index
    %get3A_25 = vector.load %arg2[%get3A_23, %get3A_24] : memref<512x256xf32, #tpu.memory_space<vmem>>, vector<512x256xf32>
    %get3A_26 = arith.constant 0 : index
    %get3A_27 = arith.constant 0 : index
    %get3A_28 = vector.load %arg7[%get3A_26, %get3A_27] : memref<1x256xf32, #tpu.memory_space<vmem>>, vector<1x256xf32>
    %mul3A_29 = vector.broadcast %get3A_28 : vector<1x256xf32> to vector<512x256xf32>
    %mul3A_30 = arith.mulf %get3A_25, %mul3A_29 : vector<512x256xf32>
    %get3A_31 = arith.constant 0 : index
    %get3A_32 = arith.constant 0 : index
    %get3A_33 = vector.load %arg8[%get3A_31, %get3A_32] : memref<1x256xf32, #tpu.memory_space<vmem>>, vector<1x256xf32>
    %add3A_34 = vector.broadcast %get3A_33 : vector<1x256xf32> to vector<512x256xf32>
    %add3A_35 = arith.addf %mul3A_30, %add3A_34 : vector<512x256xf32>
    %max3A = arith.constant 0.000000e+00 : f32
    %max3A_36 = vector.broadcast %max3A : f32 to vector<512x256xf32>
    %max3A_37 = arith.maximumf %add3A_35, %max3A_36 : vector<512x256xf32>
    %get3A_38 = arith.constant 0 : index
    %get3A_39 = arith.constant 0 : index
    %get3A_40 = vector.load %arg9[%get3A_38, %get3A_39] : memref<256x1xf32, #tpu.memory_space<vmem>>, vector<256x1xf32>
    %dot_general3A_41 = arith.constant dense<0.000000e+00> : vector<512x1xf32>
    %dot_general3A_42 = tpu.matmul %max3A_37, %get3A_40, %dot_general3A_41 {dimension_numbers = #tpu.dot_dimension_numbers<[1], [0], [0], [1], [0, 0, 1, 1], [], []>, transpose_lhs_hint = false} : vector<512x256xf32>, vector<256x1xf32>, vector<512x1xf32> -> vector<512x1xf32>
    %swap3A = arith.constant 0 : index
    %swap3A_43 = arith.constant 0 : index
    %swap3A_44 = vector.load %arg10[%swap3A, %swap3A_43] : memref<512x1xf32, #tpu.memory_space<vmem>>, vector<512x1xf32>
    tpu.vector_store %arg10[%swap3A, %swap3A_43], %dot_general3A_42 {strides = array<i32>} : memref<512x1xf32, #tpu.memory_space<vmem>>, vector<512x1xf32>,
    %mul3A_45 = arith.mulf %get3A_1, %get3A_1 : vector<512x1910xf32>
    %mul3A_46 = vector.broadcast %add3A_22 : vector<512x1xf32> to vector<512x1910xf32>
    %mul3A_47 = arith.mulf %get3A_1, %mul3A_46 : vector<512x1910xf32>
    %reduce_sum3A = arith.constant dense<0.000000e+00> : vector<1910xf32>
    %reduce_sum3A_48 = vector.multi_reduction <add>, %mul3A_47, %reduce_sum3A [0] : vector<512x1910xf32> to vector<1910xf32>
    %broadcast_in_dim3A = vector.shape_cast %reduce_sum3A_48 : vector<1910xf32> to vector<1x1910xf32>
    %mul3A_49 = vector.broadcast %add3A_22 : vector<512x1xf32> to vector<512x1910xf32>
    %mul3A_50 = arith.mulf %mul3A_45, %mul3A_49 : vector<512x1910xf32>
    %reduce_sum3A_51 = arith.constant dense<0.000000e+00> : vector<1910xf32>
    %reduce_sum3A_52 = vector.multi_reduction <add>, %mul3A_50, %reduce_sum3A_51 [0] : vector<512x1910xf32> to vector<1910xf32>
    %broadcast_in_dim3A_53 = vector.shape_cast %reduce_sum3A_52 : vector<1910xf32> to vector<1x1910xf32>
    %mul3A_54 = arith.mulf %get3A_4, %add3A_22 : vector<512x1xf32>
    %mul3A_55 = vector.broadcast %mul3A_54 : vector<512x1xf32> to vector<512x1910xf32>
    %mul3A_56 = arith.mulf %mul3A_45, %mul3A_55 : vector<512x1910xf32>
    %reduce_sum3A_57 = arith.constant dense<0.000000e+00> : vector<1910xf32>
    %reduce_sum3A_58 = vector.multi_reduction <add>, %mul3A_56, %reduce_sum3A_57 [0] : vector<512x1910xf32> to vector<1910xf32>
    %broadcast_in_dim3A_59 = vector.shape_cast %reduce_sum3A_58 : vector<1910xf32> to vector<1x1910xf32>
    %mul3A_60 = arith.mulf %get3A_7, %add3A_22 : vector<512x1xf32>
    %mul3A_61 = vector.broadcast %mul3A_60 : vector<512x1xf32> to vector<512x1910xf32>
    %mul3A_62 = arith.mulf %mul3A_45, %mul3A_61 : vector<512x1910xf32>
    %reduce_sum3A_63 = arith.constant dense<0.000000e+00> : vector<1910xf32>
    %reduce_sum3A_64 = vector.multi_reduction <add>, %mul3A_62, %reduce_sum3A_63 [0] : vector<512x1910xf32> to vector<1910xf32>
    %broadcast_in_dim3A_65 = vector.shape_cast %reduce_sum3A_64 : vector<1910xf32> to vector<1x1910xf32>
    %mul3A_66 = arith.mulf %add3A_22, %add3A_22 : vector<512x1xf32>
    %mul3A_67 = vector.broadcast %mul3A_66 : vector<512x1xf32> to vector<512x1910xf32>
    %mul3A_68 = arith.mulf %mul3A_45, %mul3A_67 : vector<512x1910xf32>
    %reduce_sum3A_69 = arith.constant dense<0.000000e+00> : vector<1910xf32>
    %reduce_sum3A_70 = vector.multi_reduction <add>, %mul3A_68, %reduce_sum3A_69 [0] : vector<512x1910xf32> to vector<1910xf32>
    %broadcast_in_dim3A_71 = vector.shape_cast %reduce_sum3A_70 : vector<1910xf32> to vector<1x1910xf32>
    %concatenate3A = tpu.concatenate %broadcast_in_dim3A, %broadcast_in_dim3A_53, %broadcast_in_dim3A_59, %broadcast_in_dim3A_65, %broadcast_in_dim3A_71 in 0 : vector<1x1910xf32>, vector<1x1910xf32>, vector<1x1910xf32>, vector<1x1910xf32>, vector<1x1910xf32> -> vector<5x1910xf32>
    %broadcast_in_dim3A_72 = vector.shape_cast %concatenate3A : vector<5x1910xf32> to vector<1x5x1910xf32>
    %swap3A_73 = arith.constant 0 : index
    %swap3A_74 = arith.constant 0 : index
    %swap3A_75 = arith.constant 0 : index
    %swap3A_76 = vector.load %arg11[%swap3A_73, %swap3A_74, %swap3A_75] : memref<1x5x1910xf32, #tpu.memory_space<vmem>>, vector<1x5x1910xf32>
    tpu.vector_store %arg11[%swap3A_73, %swap3A_74, %swap3A_75], %broadcast_in_dim3A_72 {strides = array<i32>} : memref<1x5x1910xf32, #tpu.memory_space<vmem>>, vector<1x5x1910xf32>,
    %swap3A_77 = arith.constant 0 : index
    %swap3A_78 = arith.constant 0 : index
    %swap3A_79 = vector.load %arg12[%swap3A_77, %swap3A_78] : memref<512x1xf32, #tpu.memory_space<vmem>>, vector<512x1xf32>
    tpu.vector_store %arg12[%swap3A_77, %swap3A_78], %add3A_22 {strides = array<i32>} : memref<512x1xf32, #tpu.memory_space<vmem>>, vector<512x1xf32>,
    return
  }
  func.func @transform_0(%arg0: i32) -> (i32, i32) {
    %c0_i32 = arith.constant 0 : i32
    %c0_i32_0 = arith.constant 0 : i32
    return %arg0, %c0_i32 : i32, i32
  }
  func.func @transform_1(%arg0: i32) -> (i32, i32) {
    %c0_i32 = arith.constant 0 : i32
    %c0_i32_0 = arith.constant 0 : i32
    return %arg0, %c0_i32 : i32, i32
  }
  func.func @transform_2(%arg0: i32) -> (i32, i32) {
    %c0_i32 = arith.constant 0 : i32
    %c0_i32_0 = arith.constant 0 : i32
    return %arg0, %c0_i32 : i32, i32
  }
  func.func @transform_3(%arg0: i32) -> (i32, i32) {
    %c0_i32 = arith.constant 0 : i32
    %c0_i32_0 = arith.constant 0 : i32
    return %arg0, %c0_i32 : i32, i32
  }
  func.func @transform_4(%arg0: i32) -> (i32, i32) {
    %c0_i32 = arith.constant 0 : i32
    %c0_i32_0 = arith.constant 0 : i32
    %c0_i32_1 = arith.constant 0 : i32
    return %c0_i32, %c0_i32_0 : i32, i32
  }
  func.func @transform_5(%arg0: i32) -> (i32, i32) {
    %c0_i32 = arith.constant 0 : i32
    %c0_i32_0 = arith.constant 0 : i32
    %c0_i32_1 = arith.constant 0 : i32
    return %c0_i32, %c0_i32_0 : i32, i32
  }
  func.func @transform_6(%arg0: i32) -> (i32, i32) {
    %c0_i32 = arith.constant 0 : i32
    %c0_i32_0 = arith.constant 0 : i32
    %c0_i32_1 = arith.constant 0 : i32
    return %c0_i32, %c0_i32_0 : i32, i32
  }
  func.func @transform_7(%arg0: i32) -> (i32, i32) {
    %c0_i32 = arith.constant 0 : i32
    %c0_i32_0 = arith.constant 0 : i32
    %c0_i32_1 = arith.constant 0 : i32
    return %c0_i32, %c0_i32_0 : i32, i32
  }
  func.func @transform_8(%arg0: i32) -> (i32, i32) {
    %c0_i32 = arith.constant 0 : i32
    %c0_i32_0 = arith.constant 0 : i32
    %c0_i32_1 = arith.constant 0 : i32
    return %c0_i32, %c0_i32_0 : i32, i32
  }
  func.func @transform_9(%arg0: i32) -> (i32, i32) {
    %c0_i32 = arith.constant 0 : i32
    %c0_i32_0 = arith.constant 0 : i32
    return %arg0, %c0_i32 : i32, i32
  }
  func.func @transform_10(%arg0: i32) -> (i32, i32, i32) {
    %c0_i32 = arith.constant 0 : i32
    %c0_i32_0 = arith.constant 0 : i32
    %c0_i32_1 = arith.constant 0 : i32
    return %arg0, %c0_i32, %c0_i32_0 : i32, i32, i32
  }
  func.func @transform_11(%arg0: i32) -> (i32, i32) {
    %c0_i32 = arith.constant 0 : i32
    %c0_i32_0 = arith.constant 0 : i32
    return %arg0, %c0_i32 : i32, i32
  }
}

module attributes {stable_mosaic.version = 14 : i64} {
  func.func @_k3_body(%arg0: i32, %arg1: memref<512x1910xf32, #tpu.memory_space<vmem>>, %arg2: memref<512x1xf32, #tpu.memory_space<vmem>>, %arg3: memref<512x1xf32, #tpu.memory_space<vmem>>, %arg4: memref<512x1xf32, #tpu.memory_space<vmem>>, %arg5: memref<512x1xf32, #tpu.memory_space<vmem>>, %arg6: memref<1910x3xf32, #tpu.memory_space<vmem>>, %arg7: memref<1x1xf32, #tpu.memory_space<vmem>>, %arg8: memref<512x1xf32, #tpu.memory_space<vmem>>, %arg9: memref<1x2x128xf32, #tpu.memory_space<vmem>>) attributes {dimension_semantics = [#tpu.dimension_semantics<arbitrary>], iteration_bounds = array<i64: 32>, scalar_prefetch = 0 : i64, scratch_operands = 0 : i64, tpu.core_type = #tpu.core_type<tc>, window_params = [{transform_indices = @transform_0, window_bounds = array<i64: 512, 1910>}, {transform_indices = @transform_1, window_bounds = array<i64: 512, 1>}, {transform_indices = @transform_2, window_bounds = array<i64: 512, 1>}, {transform_indices = @transform_3, window_bounds = array<i64: 512, 1>}, {transform_indices = @transform_4, window_bounds = array<i64: 512, 1>}, {pipeline_mode = #tpu.pipeline_mode<synchronous>, transform_indices = @transform_5, window_bounds = array<i64: 1910, 3>}, {pipeline_mode = #tpu.pipeline_mode<synchronous>, transform_indices = @transform_6, window_bounds = array<i64: 1, 1>}, {transform_indices = @transform_7, window_bounds = array<i64: 512, 1>}, {transform_indices = @transform_8, window_bounds = array<i64: 1, 2, 128>}]} {
    %get3A = arith.constant 0 : index
    %get3A_0 = arith.constant 0 : index
    %get3A_1 = vector.load %arg1[%get3A, %get3A_0] : memref<512x1910xf32, #tpu.memory_space<vmem>>, vector<512x1910xf32>
    %get3A_2 = arith.constant 0 : index
    %get3A_3 = arith.constant 0 : index
    %get3A_4 = vector.load %arg6[%get3A_2, %get3A_3] : memref<1910x3xf32, #tpu.memory_space<vmem>>, vector<1910x3xf32>
    %dot_general3A = arith.constant dense<0.000000e+00> : vector<512x3xf32>
    %dot_general3A_5 = tpu.matmul %get3A_1, %get3A_4, %dot_general3A {dimension_numbers = #tpu.dot_dimension_numbers<[1], [0], [0], [1], [0, 0, 1, 1], [], []>, transpose_lhs_hint = false} : vector<512x1910xf32>, vector<1910x3xf32>, vector<512x3xf32> -> vector<512x3xf32>
    %slice3A = vector.extract_strided_slice %dot_general3A_5 {offsets = [0, 0], sizes = [512, 1], strides = [1, 1]} : vector<512x3xf32> to vector<512x1xf32>
    %get3A_6 = arith.constant 0 : index
    %get3A_7 = arith.constant 0 : index
    %get3A_8 = vector.load %arg2[%get3A_6, %get3A_7] : memref<512x1xf32, #tpu.memory_space<vmem>>, vector<512x1xf32>
    %add3A = arith.constant 1.000000e+00 : f32
    %add3A_9 = vector.broadcast %add3A : f32 to vector<512x1xf32>
    %add3A_10 = arith.addf %add3A_9, %get3A_8 : vector<512x1xf32>
    %mul3A = arith.mulf %slice3A, %add3A_10 : vector<512x1xf32>
    %slice3A_11 = vector.extract_strided_slice %dot_general3A_5 {offsets = [0, 1], sizes = [512, 1], strides = [1, 1]} : vector<512x3xf32> to vector<512x1xf32>
    %get3A_12 = arith.constant 0 : index
    %get3A_13 = arith.constant 0 : index
    %get3A_14 = vector.load %arg3[%get3A_12, %get3A_13] : memref<512x1xf32, #tpu.memory_space<vmem>>, vector<512x1xf32>
    %mul3A_15 = arith.mulf %slice3A_11, %get3A_14 : vector<512x1xf32>
    %add3A_16 = arith.addf %mul3A, %mul3A_15 : vector<512x1xf32>
    %slice3A_17 = vector.extract_strided_slice %dot_general3A_5 {offsets = [0, 2], sizes = [512, 1], strides = [1, 1]} : vector<512x3xf32> to vector<512x1xf32>
    %get3A_18 = arith.constant 0 : index
    %get3A_19 = arith.constant 0 : index
    %get3A_20 = vector.load %arg4[%get3A_18, %get3A_19] : memref<512x1xf32, #tpu.memory_space<vmem>>, vector<512x1xf32>
    %mul3A_21 = arith.mulf %slice3A_17, %get3A_20 : vector<512x1xf32>
    %add3A_22 = arith.addf %add3A_16, %mul3A_21 : vector<512x1xf32>
    %get3A_23 = arith.constant 0 : index
    %get3A_24 = arith.constant 0 : index
    %get3A_25 = vector.load %arg5[%get3A_23, %get3A_24] : memref<512x1xf32, #tpu.memory_space<vmem>>, vector<512x1xf32>
    %add3A_26 = arith.addf %add3A_22, %get3A_25 : vector<512x1xf32>
    %get3A_27 = arith.constant 0 : index
    %get3A_28 = arith.constant 0 : index
    %get3A_29 = vector.load %arg7[%get3A_27, %get3A_28] : memref<1x1xf32, #tpu.memory_space<vmem>>, vector<1x1xf32>
    %get3A_30 = vector.extract %get3A_29[0, 0] : f32 from vector<1x1xf32>
    %add3A_31 = vector.broadcast %get3A_30 : f32 to vector<512x1xf32>
    %add3A_32 = arith.addf %add3A_26, %add3A_31 : vector<512x1xf32>
    %swap3A = arith.constant 0 : index
    %swap3A_33 = arith.constant 0 : index
    %swap3A_34 = vector.load %arg8[%swap3A, %swap3A_33] : memref<512x1xf32, #tpu.memory_space<vmem>>, vector<512x1xf32>
    tpu.vector_store %arg8[%swap3A, %swap3A_33], %add3A_32 {strides = array<i32>} : memref<512x1xf32, #tpu.memory_space<vmem>>, vector<512x1xf32>,
    %reduce_sum3A = vector.shape_cast %add3A_32 : vector<512x1xf32> to vector<1x512x1xf32>
    %reduce_sum3A_35 = arith.constant dense<0.000000e+00> : vector<1xf32>
    %reduce_sum3A_36 = vector.multi_reduction <add>, %reduce_sum3A, %reduce_sum3A_35 [1, 2] : vector<1x512x1xf32> to vector<1xf32>
    %reduce_sum3A_37 = vector.shape_cast %reduce_sum3A_36 : vector<1xf32> to vector<1x1x1xf32>
    %reduce_sum3A_38 = vector.extract %reduce_sum3A_37[0, 0, 0] : f32 from vector<1x1x1xf32>
    %broadcast_in_dim3A = vector.broadcast %reduce_sum3A_38 : f32 to vector<1x1x128xf32>
    %mul3A_39 = arith.mulf %add3A_32, %add3A_32 : vector<512x1xf32>
    %reduce_sum3A_40 = vector.shape_cast %mul3A_39 : vector<512x1xf32> to vector<1x512x1xf32>
    %reduce_sum3A_41 = arith.constant dense<0.000000e+00> : vector<1xf32>
    %reduce_sum3A_42 = vector.multi_reduction <add>, %reduce_sum3A_40, %reduce_sum3A_41 [1, 2] : vector<1x512x1xf32> to vector<1xf32>
    %reduce_sum3A_43 = vector.shape_cast %reduce_sum3A_42 : vector<1xf32> to vector<1x1x1xf32>
    %reduce_sum3A_44 = vector.extract %reduce_sum3A_43[0, 0, 0] : f32 from vector<1x1x1xf32>
    %broadcast_in_dim3A_45 = vector.broadcast %reduce_sum3A_44 : f32 to vector<1x1x128xf32>
    %concatenate3A = tpu.concatenate %broadcast_in_dim3A, %broadcast_in_dim3A_45 in 1 : vector<1x1x128xf32>, vector<1x1x128xf32> -> vector<1x2x128xf32>
    %swap3A_46 = arith.constant 0 : index
    %swap3A_47 = arith.constant 0 : index
    %swap3A_48 = arith.constant 0 : index
    %swap3A_49 = vector.load %arg9[%swap3A_46, %swap3A_47, %swap3A_48] : memref<1x2x128xf32, #tpu.memory_space<vmem>>, vector<1x2x128xf32>
    tpu.vector_store %arg9[%swap3A_46, %swap3A_47, %swap3A_48], %concatenate3A {strides = array<i32>} : memref<1x2x128xf32, #tpu.memory_space<vmem>>, vector<1x2x128xf32>,
    return
  }
  func.func @transform_0(%arg0: i32) -> (i32, i32) {
    %c0_i32 = arith.constant 0 : i32
    %c0_i32_0 = arith.constant 0 : i32
    return %arg0, %c0_i32 : i32, i32
  }
  func.func @transform_1(%arg0: i32) -> (i32, i32) {
    %c0_i32 = arith.constant 0 : i32
    %c0_i32_0 = arith.constant 0 : i32
    return %arg0, %c0_i32 : i32, i32
  }
  func.func @transform_2(%arg0: i32) -> (i32, i32) {
    %c0_i32 = arith.constant 0 : i32
    %c0_i32_0 = arith.constant 0 : i32
    return %arg0, %c0_i32 : i32, i32
  }
  func.func @transform_3(%arg0: i32) -> (i32, i32) {
    %c0_i32 = arith.constant 0 : i32
    %c0_i32_0 = arith.constant 0 : i32
    return %arg0, %c0_i32 : i32, i32
  }
  func.func @transform_4(%arg0: i32) -> (i32, i32) {
    %c0_i32 = arith.constant 0 : i32
    %c0_i32_0 = arith.constant 0 : i32
    return %arg0, %c0_i32 : i32, i32
  }
  func.func @transform_5(%arg0: i32) -> (i32, i32) {
    %c0_i32 = arith.constant 0 : i32
    %c0_i32_0 = arith.constant 0 : i32
    %c0_i32_1 = arith.constant 0 : i32
    return %c0_i32, %c0_i32_0 : i32, i32
  }
  func.func @transform_6(%arg0: i32) -> (i32, i32) {
    %c0_i32 = arith.constant 0 : i32
    %c0_i32_0 = arith.constant 0 : i32
    %c0_i32_1 = arith.constant 0 : i32
    return %c0_i32, %c0_i32_0 : i32, i32
  }
  func.func @transform_7(%arg0: i32) -> (i32, i32) {
    %c0_i32 = arith.constant 0 : i32
    %c0_i32_0 = arith.constant 0 : i32
    return %arg0, %c0_i32 : i32, i32
  }
  func.func @transform_8(%arg0: i32) -> (i32, i32, i32) {
    %c0_i32 = arith.constant 0 : i32
    %c0_i32_0 = arith.constant 0 : i32
    %c0_i32_1 = arith.constant 0 : i32
    return %arg0, %c0_i32, %c0_i32_0 : i32, i32, i32
  }
}

module attributes {stable_mosaic.version = 14 : i64} {
  func.func @_k4_body(%arg0: i32, %arg1: memref<512x1xf32, #tpu.memory_space<vmem>>, %arg2: memref<1x2xf32, #tpu.memory_space<vmem>>, %arg3: memref<512x1xf32, #tpu.memory_space<vmem>>) attributes {dimension_semantics = [#tpu.dimension_semantics<arbitrary>], iteration_bounds = array<i64: 32>, scalar_prefetch = 0 : i64, scratch_operands = 0 : i64, tpu.core_type = #tpu.core_type<tc>, window_params = [{transform_indices = @transform_0, window_bounds = array<i64: 512, 1>}, {pipeline_mode = #tpu.pipeline_mode<synchronous>, transform_indices = @transform_1, window_bounds = array<i64: 1, 2>}, {transform_indices = @transform_2, window_bounds = array<i64: 512, 1>}]} {
    %get3A = arith.constant 0 : index
    %get3A_0 = arith.constant 0 : index
    %get3A_1 = vector.load %arg1[%get3A, %get3A_0] : memref<512x1xf32, #tpu.memory_space<vmem>>, vector<512x1xf32>
    %get3A_2 = arith.constant 0 : index
    %get3A_3 = arith.constant 0 : index
    %get3A_4 = vector.load %arg2[%get3A_2, %get3A_3] : memref<1x2xf32, #tpu.memory_space<vmem>>, vector<1x1xf32>
    %get3A_5 = vector.extract %get3A_4[0, 0] : f32 from vector<1x1xf32>
    %mul3A = vector.broadcast %get3A_5 : f32 to vector<512x1xf32>
    %mul3A_6 = arith.mulf %get3A_1, %mul3A : vector<512x1xf32>
    %get3A_7 = arith.constant 0 : index
    %get3A_8 = arith.constant 1 : index
    %get3A_9 = vector.load %arg2[%get3A_7, %get3A_8] : memref<1x2xf32, #tpu.memory_space<vmem>>, vector<1x1xf32>
    %get3A_10 = vector.extract %get3A_9[0, 0] : f32 from vector<1x1xf32>
    %add3A = vector.broadcast %get3A_10 : f32 to vector<512x1xf32>
    %add3A_11 = arith.addf %mul3A_6, %add3A : vector<512x1xf32>
    %swap3A = arith.constant 0 : index
    %swap3A_12 = arith.constant 0 : index
    %swap3A_13 = vector.load %arg3[%swap3A, %swap3A_12] : memref<512x1xf32, #tpu.memory_space<vmem>>, vector<512x1xf32>
    tpu.vector_store %arg3[%swap3A, %swap3A_12], %add3A_11 {strides = array<i32>} : memref<512x1xf32, #tpu.memory_space<vmem>>, vector<512x1xf32>,
    return
  }
  func.func @transform_0(%arg0: i32) -> (i32, i32) {
    %c0_i32 = arith.constant 0 : i32
    %c0_i32_0 = arith.constant 0 : i32
    return %arg0, %c0_i32 : i32, i32
  }
  func.func @transform_1(%arg0: i32) -> (i32, i32) {
    %c0_i32 = arith.constant 0 : i32
    %c0_i32_0 = arith.constant 0 : i32
    %c0_i32_1 = arith.constant 0 : i32
    return %c0_i32, %c0_i32_0 : i32, i32
  }
  func.func @transform_2(%arg0: i32) -> (i32, i32) {
    %c0_i32 = arith.constant 0 : i32
    %c0_i32_0 = arith.constant 0 : i32
    return %arg0, %c0_i32 : i32, i32
  }
}

</mosaic_0001>

<sc_bundles>
// kernel: kernel.12.cloned.1.call-start
scs
__scs_entry_jumppad:
0x0: {  	(pc) =	sbr.rel $0x88, $3  }
0x1: {  	(tag) =	ssettag $0x0;
	lr =	simm.s32 $0x1  }
0x2: {  	[smem:$0x3F77] =	sst lr;
	_ =	strace $0xD0000000  }
0x3: {  	_ = 	snop  }
0x4: {  	_ = 	snop  }
0x5: {  	_ = 	snop  }
0x6: {  	_ = 	snop  }
0x7: {  	_ = 	snop  }
__scs_overlays_trampoline_lowered:
0x8: {  	[smem:$0x3F86] =	sst s0  }
0x9: {  	[smem:$0x3F87] =	sst s1  }
0xa: {  	[smem:$0x3F88] =	sst s2  }
0xb: {  	[smem:$0x3F89] =	sst s3  }
0xc: {  	[smem:$0x3F8A] =	sst s4  }
0xd: {  	[smem:$0x3F8B] =	sst s5  }
0xe: {  	[smem:$0x3F8C] =	sst s6  }
0xf: {  	[smem:$0x3F8D] =	sst s7  }
0x10: {  	[smem:$0x3F8E] =	sst s8  }
0x11: {  	[smem:$0x3F8F] =	sst s9;
	s0 =	simm.s32 @!p0 $0x0  }
0x12: {  	s1 =	sld [smem:$0x3F75];
	s0 =	simm.s32 @p0 $0x1  }
0x13: {  	[smem:$0x3F90] =	sst s0;
	s0 =	simm.s32 @!p1 $0x0  }
0x14: {  	s2 =	sld [smem:$0x3F74];
	s0 =	simm.s32 @p1 $0x1  }
0x15: {  	[smem:$0x3F91] =	sst s0;
	s0 =	simm.s32 @!p2 $0x0  }
0x16: {  	s3 =	sld [smem:$0x3FDB];
	s0 =	simm.s32 @p2 $0x1  }
0x17: {  	s4 =	simm.s32 $0x1BF5;
	[smem:$0x3F93] =	sst s0  }
0x18: {  	s0 =	sld [smem:$0x3F76];
	_ =	swait.ge [sflag:s4], $0x0  }
0x19: {  	s7 =	sld [smem:$0x3F77]  }
0x1a: {  	s8 =	sadd.s32 $0xFFFFE003, lr  }
0x1b: {  	s9 =	sadd.s32 $0xFFFFFEF7, lr;
	s5 =	simm.s32 $0xFFFFFFFF;
	p2 =	slt.u32 s8, $0xFFFFF086  }
0x1c: {  	p1 =	slt.u32 s9, $0xF7A;
	s5 =	simm.s32 @!p2 $0x0  }
0x1d: {  	s5 =	simm.s32 @p1 $0x1;
	p0 =	seq.s32 s7, s2  }
0x1e: {  	s7 =	smul.u32 @!p0 $0xF7A, s2;
	p2 =	seq.s32 @!p0 s5, $0x0  }
0x1f: {  	s9 =	smul.u32 $0xF7A, s1;
	s8 =	simm.s32 @!p0 $0x1BF5;
	p2 =	por !p2, p0  }
0x20: {  	[sflag:s8] =	ssyncset.s32 @!p0 $0xFFFFF086;
	s6 =	sadd.s32 @!p0 s3, s7;
	s7 =	simm.s32 @!p0 $0x108  }
0x21: {  	s3 =	sadd.s32 s3, s9;
	s6 =	sadd.s32 @!p0 $0x88, s6;
	s7 =	simm.s32 @p2 $0x1082  }
0x22: {  	[simem:s7], [sflag:s8] =	dma.local @!p0 [hbm:s6], $0xF7A  }
0x23: {  	s9 =	sor.u32 $0xD0000000, s2;
	s6 =	simm.s32 $0x108;
	_ =	swait.ge @!p0 [sflag:s8], $0x0  }
0x24: {  	s3 =	sadd.s32 $0x88, s3;
	s6 =	simm.s32 @!p1 $0x1082;
	[sflag:s4] =	ssyncset.s32 $0xFFFFF086  }
0x25: {  	[simem:s6], [sflag:s4] =	dma.local [hbm:s3], $0xF7A  }
0x26: {  	[smem:$0x3F77] =	sst s1;
	(tag) =	ssettag s2;
	_ =	strace s9  }
0x27: {  	s1 =	sld [smem:$0x3F87]  }
0x28: {  	s2 =	sld [smem:$0x3F88]  }
0x29: {  	s4 =	sld [smem:$0x3F8A]  }
0x2a: {  	p0 =	seq.s32 s5, $0x0;
	s5 =	sld [smem:$0x3F8B]  }
0x2b: {  	s6 =	sld [smem:$0x3F8C]  }
0x2c: {  	s7 =	sld [smem:$0x3F8D]  }
0x2d: {  	s3 =	simm.s32 $0x108;
	s8 =	sld [smem:$0x3F8E]  }
0x2e: {  	s3 =	simm.s32 @!p0 $0x1082;
	s9 =	sld [smem:$0x3F8F]  }
0x2f: {  	lr =	sadd.s32 s0, s3;
	s0 =	sld [smem:$0x3F86]  }
0x30: {  	s3 =	sld [smem:$0x3F89]  }
0x31: {  	[smem:$0x3F92] =	sst s10  }
0x32: {  	s10 =	sld [smem:$0x3F90];
	_ =	sdelay $0x3  }
0x33: {  	p0 =	seq.s32 s10, $0x1;
	s10 =	sld [smem:$0x3F92];
	_ =	sdelay $0x3  }
0x34: {  	[smem:$0x3F92] =	sst s10  }
0x35: {  	s10 =	sld [smem:$0x3F91];
	_ =	sdelay $0x3  }
0x36: {  	p1 =	seq.s32 s10, $0x1;
	s10 =	sld [smem:$0x3F92];
	_ =	sdelay $0x3  }
0x37: {  	[smem:$0x3F92] =	sst s10  }
0x38: {  	s10 =	sld [smem:$0x3F93]  }
0x39: {  	_ = 	snop;
	(pc) =	sbr.ind lr, $3  }
0x3a: {  	_ = 	snop  }
0x3b: {  	_ = 	snop  }
0x3c: {  	p2 =	seq.s32 s10, $0x1;
	s10 =	sld [smem:$0x3F92]  }
0x3d: {  	_ =	shalt  }
0x3e: {  	_ =	shalt  }
0x3f: {  	_ =	shalt  }
0x40: {  	_ =	shalt  }
0x41: {  	_ =	shalt  }
0x42: {  	_ =	shalt  }
0x43: {  	_ =	shalt  }
0x44: {  	_ =	shalt  }
0x45: {  	_ =	shalt  }
0x46: {  	_ =	shalt  }
0x47: {  	_ =	shalt  }
0x48: {  	_ =	shalt  }
0x49: {  	_ =	shalt  }
0x4a: {  	_ =	shalt  }
0x4b: {  	_ =	shalt  }
0x4c: {  	_ =	shalt  }
0x4d: {  	_ =	shalt  }
0x4e: {  	_ =	shalt  }
0x4f: {  	_ =	shalt  }
0x50: {  	_ =	shalt  }
0x51: {  	_ =	shalt  }
0x52: {  	_ =	shalt  }
0x53: {  	_ =	shalt  }
0x54: {  	_ =	shalt  }
0x55: {  	_ =	shalt  }
0x56: {  	_ =	shalt  }
0x57: {  	_ =	shalt  }
0x58: {  	_ =	shalt  }
0x59: {  	_ =	shalt  }
0x5a: {  	_ =	shalt  }
0x5b: {  	_ =	shalt  }
0x5c: {  	_ =	shalt  }
0x5d: {  	_ =	shalt  }
0x5e: {  	_ =	shalt  }
0x5f: {  	_ =	shalt  }
0x60: {  	_ =	shalt  }
0x61: {  	_ =	shalt  }
0x62: {  	_ =	shalt  }
0x63: {  	_ =	shalt  }
0x64: {  	_ =	shalt  }
0x65: {  	_ =	shalt  }
0x66: {  	_ =	shalt  }
0x67: {  	_ =	shalt  }
0x68: {  	_ =	shalt  }
0x69: {  	_ =	shalt  }
0x6a: {  	_ =	shalt  }
0x6b: {  	_ =	shalt  }
0x6c: {  	_ =	shalt  }
0x6d: {  	_ =	shalt  }
0x6e: {  	_ =	shalt  }
0x6f: {  	_ =	shalt  }
0x70: {  	_ =	shalt  }
0x71: {  	_ =	shalt  }
0x72: {  	_ =	shalt  }
0x73: {  	_ =	shalt  }
0x74: {  	_ =	shalt  }
0x75: {  	_ =	shalt  }
0x76: {  	_ =	shalt  }
0x77: {  	_ =	shalt  }
0x78: {  	_ =	shalt  }
0x79: {  	_ =	shalt  }
0x7a: {  	_ =	shalt  }
0x7b: {  	_ =	shalt  }
0x7c: {  	_ =	shalt  }
0x7d: {  	_ =	shalt  }
0x7e: {  	_ =	shalt  }
0x7f: {  	_ =	shalt  }
0x80: {  	_ =	shalt  }
0x81: {  	_ =	shalt  }
0x82: {  	_ =	shalt  }
0x83: {  	_ =	shalt  }
0x84: {  	_ =	shalt  }
0x85: {  	_ =	shalt  }
0x86: {  	_ =	shalt  }
0x87: {  	_ =	shalt  }
.Lfunc_end0:
.L_simem_size_0:
called_computation.1_lowered:
.L_overlay_start_0:
0x88: {  	s2 =	sld [smem:$0x3FD9]  }
0x89: {  	s3 =	sld [smem:$0x3FFE];
	_ =	sdelay $0x1  }
0x8a: {  	s1 =	srdreg.scid  }
0x8b: {  	s0 =	sand.u32 $0x1, s1  }
0x8c: {  	s17 =	sshll.u32 s0, $0xA;
	s2 =	sadd.s32 s3, s2  }
0x8d: {  	s2 =	sadd.s32 s2, s17  }
0x8e: {  	[smem:$0x3F9E] =	sst s2  }
0x8f: {  	_ = 	snop  }
0x90: {  	s18 =	sld [smem:$0x3FBA];
	(tm) =	ssettm $0x1  }
0x91: {  	s19 =	sld [smem:$0x3FFB];
	_ =	sdelay $0x3  }
0x92: {  	_ =	strace s19  }
0x93: {  	s2 =	sld [smem:$0x3FFC];
	_ =	sdelay $0x3  }
0x94: {  	_ =	strace s2  }
0x95: {  	s2 =	sld [smem:$0x3FFD];
	_ =	sdelay $0x3  }
0x96: {  	_ =	strace s2  }
0x97: {  	_ =	strace $0x8FFFFFFF  }
0x98: {  	s20 =	sld [smem:$0x3FDB];
	_ =	sdelay $0x1  }
0x99: {  	s4 =	simm.s32 $_scs_section_size  }
0x9a: {  	s5 =	simm.s32 $_size__tile_overlayer_lowered;
	s6 =	simm.s32 $_tile_overlayer_lowered  }
0x9b: {  	s7 =	simm.s32 $0x1BFF;
	s21 =	sshll.u32 s6, $0x1;
	s4 =	sadd.s32 s4, s20  }
0x9c: {  	s22 =	simm.s32 $0x0;
	s5 =	sshll.u32 s5, $0x1;
	s6 =	sadd.s32 s21, s4  }
0x9d: {  	[timem:s22], [sflag:s7] =	dma.local [hbm:s6], s5  }
0x9e: {  	_ =	swait.ge [sflag:s7], s5  }
0x9f: {  	s5 =	ssub.s32 $0x0, s5;
	[sflag:s7] =	ssyncset.done $0x0  }
0xa0: {  	[sflag:s7] =	ssyncadd.s32 s5;
	_ =	sdelay $0x1  }
0xa1: {  	s23 =	simm.s32 $0x1B8B  }
0xa2: {  	_ =	swait.ge [sflag:s23], $0x1  }
0xa3: {  	[sflag:s23] =	ssyncset.done $0x0  }
0xa4: {  	[sflag:s23] =	ssyncadd.s32 $0xFFFFFFFF  }
0xa5: {  	s5 =	sld [smem:$0x0]  }
0xa6: {  	s6 =	sand.u32 $0xFFFFFFFE, s1  }
0xa7: {  	p0 =	sne.s32 s1, s6  }
0xa8: {  	s6 =	sshll.u32 @p0 s6, $0xE  }
0xa9: {  	s6 =	sadd.s32 @p0 $0x11B8D, s6;
	s7 =	sshll.u32 @p0 s5, $0x11  }
0xaa: {  	s6 =	sor.u32 @p0 s7, s6  }
0xab: {  	[sflag:s6] =	ssyncadd.remote.s32 @p0 $0x1;
	_ =	sdelay $0x1  }
0xac: {  	s6 =	simm.s32 @p0 $0x1B8D  }
0xad: {  	_ =	swait.eq @p0 [sflag:s6], $0x1  }
0xae: {  	[sflag:s6] =	ssyncadd.s32 @p0 $0xFFFFFFFF  }
0xaf: {  	s7 =	sshll.u32 @!p0 s1, $0xE  }
0xb0: {  	s7 =	sor.u32 @!p0 $0x4000, s7;
	s6 =	simm.s32 @!p0 $0x1B8D  }
0xb1: {  	s5 =	sshll.u32 @!p0 s5, $0x11;
	s7 =	sadd.s32 @!p0 $0x11B8D, s7;
	_ =	swait.eq @!p0 [sflag:s6], $0x1  }
0xb2: {  	s5 =	sor.u32 @!p0 s5, s7;
	[sflag:s6] =	ssyncadd.s32 @!p0 $0xFFFFFFFF  }
0xb3: {  	s25 =	simm.s32 $0x1B8E;
	s24 =	sld [smem:$0x3FFE];
	[sflag:s5] =	ssyncadd.remote.s32 @!p0 $0x1  }
0xb4: {  	s26 =	simm.s32 $execute0_lowered;
	[smem:$0x3FD2] =	sst s25  }
0xb5: {  	s6 =	sshll.u32 s26, $0x1;
	_ =	strace $0x80000049;
	[dreg:$0x1] =	wrdreg $0xFFFFFFFF  }
0xb6: {  	s28 =	simm.s32 $_size_execute0_lowered;
	s4 =	sadd.s32 s4, s6;
	[dreg:$0x0] =	wrdreg $0x0  }
0xb7: {  	s6 =	sshll.u32 s28, $0x1;
	[dreg:$0x2] =	wrdreg s4  }
0xb8: {  	[dreg:$0x3] =	wrdreg s6  }
0xb9: {  	[dreg:$0x4] =	wrdreg $0xC0  }
0xba: {  	_ =	task [dreg:s22], $0x5FFFF  }
0xbb: {  	[dreg:$0x1] =	wrdreg $0xFFFFFFFF  }
0xbc: {  	[dreg:$0x0] =	wrdreg $0x60  }
0xbd: {  	[dreg:$0x2] =	wrdreg s24  }
0xbe: {  	[dreg:$0x3] =	wrdreg s18  }
0xbf: {  	[dreg:$0x4] =	wrdreg $0xA  }
0xc0: {  	_ =	task.clear_ibuf [dreg:s22], $0x5FFFF;
	_ =	strace $0x90000049  }
0xc1: {  	s29 =	simm.s32 $0xA;
	_ =	strace $0x8000004B  }
0xc2: {  	_ =	swait.ge [sflag:s29], $0x1  }
0xc3: {  	[sflag:s29] =	ssyncadd.s32 $0xFFFFFFFF  }
0xc4: {  	_ =	strace $0x9000004B  }
0xc5: {  	_ =	sfence  }
0xc6: {  	s30 =	sld [smem:$0x0];
	_ =	sdelay $0x2  }
0xc7: {  	s31 =	sshll.u32 s1, $0xD;
	s1 =	sshrl.u32 s1, $0x2  }
0xc8: {  	s4 =	sand.u32 $0x4000, s31;
	s1 =	sadd.s32 s1, s30  }
0xc9: {  	s0 =	sor.u32 s4, s0;
	s1 =	sshll.u32 s1, $0x11  }
0xca: {  	s0 =	sor.u32 s1, s0  }
0xcb: {  	s0 =	sadd.s32 $0x8F2B, s0  }
0xcc: {  	[sflag:s0] =	ssyncadd.remote.s32 $0x1  }
0xcd: {  	_ =	sfence.sel $0xFFFF  }
0xce: {  	[dreg:$0x0] =	wrdreg $0xFFFFFFFF;
	(pc) =	sbr.abs _section_cstart, $3  }
0xcf: {  	[dreg:$0x1] =	wrdreg $0xFFFFFFFF  }
0xd0: {  	_ =	task.clear_ibuf [dreg:s22], $0x2FFFF;
	_ =	strace $0x9FFFFFFF  }
0xd1: {  	(tm) =	ssettm $0x7FFFFFFF  }
tec
execute0_lowered:
.L_overlay_start_1:
0x0: {  	(tag) =	ssettag $0x1  }
0x1: {  	s0 =	rddreg [dreg:$0x0]  }
0x2: {  	s1 =	rddreg [dreg:$0x1]  }
0x3: {  	s2 =	simm.s32 $0x0;
	s3 =	srdreg.scid;
	s5 =	stileid.u32  }
0x4: {  	s19 =	simm.s32 $0x80;
	s12 =	simm.s32 $0x15D00;
	s13 =	simm.s32 $0x1B00  }
0x5: {  	s17 =	simm.s32 $0x16D00;
	s14 =	simm.s32 $0x1B80;
	s15 =	simm.s32 $0x17D00  }
0x6: {  	s16 =	simm.s32 $0x1C00;
	s18 =	simm.s32 $0x18D00;
	[smem:$0x7FF] =	sst s2  }
0x7: {  	s4 =	sand.u32 $0x1, s3;
	s5 =	sshll.u32 s5, $0x1;
	s3 =	sadd.s32 $0x1ED5800, s0  }
0x8: {  	_ =	strace $0x8000004A;
	s5 =	sor.u32 s4, s5;
	s6 =	ssub.s32 $0x2, s4  }
0x9: {  	s4 =	sadd.s32 $0x8FA00, s0;
	s8 =	sshll.u32 s5, $0xB;
	s7 =	smul.u32 $0x3200, s5  }
0xa: {  	s10 =	sshrl.u32 s6, $0x1;
	s11 =	sshll.u32 s5, $0x9;
	s21 =	sshll.u32 s5, $0x5  }
0xb: {  	s5 =	sshll.u32 s5, $0x6;
	s9 =	sadd.s32 s8, s0;
	s0 =	sadd.s32 $0x103A00, s0  }
0xc: {  	s10 =	ssub.s32 s6, s10;
	s5 =	sadd.s32 s1, s5;
	s24 =	sor.u32 $0x80, s11  }
0xd: {  	s26 =	sor.u32 $0x100, s11;
	s30 =	sor.u32 $0x180, s11;
	s11 =	simm.s32 $0x1A80  }
0xe: {  	s20 =	sadd.s32 s4, s7;
	s6 =	sadd.s32 $0xF3A00, s9;
	s7 =	sor.u32 $0x1, s21  }
0xf: {  	s22 =	smax.u32 s10, $0x1;
	[dreg:$0x5] =	wrdreg s5;
	s23 =	sadd.s32 s0, s8  }
0x10: {  	s25 =	sshrl.u32 s24, $0x3;
	s5 =	sshll.u32 s24, $0x2;
	s28 =	sshrl.u32 s26, $0x3  }
0x11: {  	s29 =	sshll.u32 s26, $0x2;
	s31 =	sshrl.u32 s30, $0x3;
	s9 =	simm.s32 $0x1A00  }
0x12: {  	s10 =	simm.s32 $0x14D00;
	s21 =	simm.s32 $0x19D00;
	[dreg:$0x3] =	wrdreg s20  }
0x13: {  	s24 =	simm.s32 $0x4;
	s26 =	simm.s32 $0x6;
	[dreg:$0x4] =	wrdreg s22  }
0x14: {  	[dreg:$0x6] =	wrdreg s23;
	s8 =	sadd.s32 s1, s25;
	s5 =	sadd.s32 s0, s5  }
0x15: {  	s20 =	simm.s32 $0x1C80;
	s22 =	simm.s32 $0x3;
	[dreg:$0x7] =	wrdreg s8  }
.Ltmp0:
0x16: {  	[dreg:$0x8] =	wrdreg s5;
	s5 =	sadd.s32 s1, s28;
	(pc) =	sbr.rel .LBB2_1-.Ltmp0, $4  }
0x17: {  	s23 =	simm.s32 $0x1AD00;
	s1 =	sadd.s32 s1, s31;
	[dreg:$0x9] =	wrdreg s5  }
0x18: {  	s8 =	sshll.u32 s30, $0x2;
	s5 =	sadd.s32 s0, s29;
	[dreg:$0xb] =	wrdreg s1  }
0x19: {  	s25 =	simm.s32 $0x1AE00;
	s0 =	sadd.s32 s0, s8;
	[dreg:$0xa] =	wrdreg s5  }
0x1a: {  	s8 =	simm.s32 $0x13D00;
	s1 =	simm.s32 $0x0;
	[dreg:$0xc] =	wrdreg s0  }
.LBB2_12:
0x1b: {  	s0 =	simm.s32 $0x5  }
0x1c: {  	_ =	swait.ge [sflag:s0], $0x100  }
0x1d: {  	[sflag:s0] =	ssyncset.done $0x0  }
0x1e: {  	[sflag:s0] =	ssyncadd.s32 $0xFFFFFF00  }
0x1f: {  	_ =	swait.ge [sflag:s26], $0x100  }
0x20: {  	s1 =	rddreg [dreg:$0xd]  }
0x21: {  	s31 =	rddreg [dreg:$0x4];
	s1 =	sadd.s32 $0x1, s1  }
0x22: {  	p0 =	sne.s32 s1, s31  }
.Ltmp1:
0x23: {  	_ = 	snop;
	(pc) =	sbr.rel @!p0 .LBB2_13-.Ltmp1, $3  }
0x24: {  	_ =	sdelay $0x1  }
0x25: {  	[sflag:s26] =	ssyncset.done $0x0  }
0x26: {  	[sflag:s26] =	ssyncadd.s32 $0xFFFFFF00  }
.LBB2_1:
0x27: {  	[dreg:$0xd] =	wrdreg s1  }
0x28: {  	s0 =	rddreg [dreg:$0x3];
	s30 =	simm.s32 $0x1080;
	s28 =	simm.s32 $0x7  }
0x29: {  	[tilespmem:s30], [sflag:$0x7] =	stream.linear.gather [hbm4b:s0+s2], $0xC80, $0x38;
	[tilespmem:$0x1AF00] =	vst v63  }
0x2a: {  	_ =	swait.ge [sflag:s28], $0xC80  }
0x2b: {  	[sflag:s28] =	ssyncset.done $0x0  }
0x2c: {  	s31 =	simm.s32 $0x1D00;
	[sflag:s28] =	ssyncadd.s32 $0xFFFFF380  }
0x2d: {  	[tilespmem:s31], [sflag:$0x3] =	stream.indirect.gather [hbm4b:s3+s19], $0x20, s30, s19, $0xb8;
	[tilespmem:$0x1AF00] =	vst v63  }
0x2e: {  	s5 =	simm.s32 $0x1100;
	s29 =	simm.s32 $0x2D00  }
0x2f: {  	[tilespmem:s29], [sflag:$0x3] =	stream.indirect.gather [hbm4b:s3+s19], $0x20, s5, s19, $0xb8;
	[tilespmem:$0x1AF00] =	vst v63  }
0x30: {  	s30 =	simm.s32 $0x1180;
	s31 =	simm.s32 $0x3D00  }
0x31: {  	[tilespmem:s31], [sflag:$0x3] =	stream.indirect.gather [hbm4b:s3+s19], $0x20, s30, s19, $0xb8;
	[tilespmem:$0x1AF00] =	vst v63  }
0x32: {  	s5 =	simm.s32 $0x1200;
	s29 =	simm.s32 $0x4D00  }
0x33: {  	[tilespmem:s29], [sflag:$0x3] =	stream.indirect.gather [hbm4b:s3+s19], $0x20, s5, s19, $0xb8;
	[tilespmem:$0x1AF00] =	vst v63  }
0x34: {  	s30 =	simm.s32 $0x1280;
	s31 =	simm.s32 $0x5D00  }
0x35: {  	[tilespmem:s31], [sflag:$0x3] =	stream.indirect.gather [hbm4b:s3+s19], $0x20, s30, s19, $0xb8;
	[tilespmem:$0x1AF00] =	vst v63  }
0x36: {  	s5 =	simm.s32 $0x1300;
	s29 =	simm.s32 $0x6D00  }
0x37: {  	[tilespmem:s29], [sflag:$0x3] =	stream.indirect.gather [hbm4b:s3+s19], $0x20, s5, s19, $0xb8;
	[tilespmem:$0x1AF00] =	vst v63  }
0x38: {  	s30 =	simm.s32 $0x1380;
	s31 =	simm.s32 $0x7D00  }
0x39: {  	[tilespmem:s31], [sflag:$0x3] =	stream.indirect.gather [hbm4b:s3+s19], $0x20, s30, s19, $0xb8;
	[tilespmem:$0x1AF00] =	vst v63  }
0x3a: {  	s5 =	simm.s32 $0x1400;
	s29 =	simm.s32 $0x8D00  }
0x3b: {  	[tilespmem:s29], [sflag:$0x3] =	stream.indirect.gather [hbm4b:s3+s19], $0x20, s5, s19, $0xb8;
	[tilespmem:$0x1AF00] =	vst v63  }
0x3c: {  	s30 =	simm.s32 $0x1480;
	s31 =	simm.s32 $0x9D00  }
0x3d: {  	[tilespmem:s31], [sflag:$0x3] =	stream.indirect.gather [hbm4b:s3+s19], $0x20, s30, s19, $0xb8;
	[tilespmem:$0x1AF00] =	vst v63  }
0x3e: {  	s5 =	simm.s32 $0x1500;
	s29 =	simm.s32 $0xAD00  }
0x3f: {  	[tilespmem:s29], [sflag:$0x3] =	stream.indirect.gather [hbm4b:s3+s19], $0x20, s5, s19, $0xb8;
	[tilespmem:$0x1AF00] =	vst v63  }
0x40: {  	s30 =	simm.s32 $0x1580;
	s31 =	simm.s32 $0xBD00  }
0x41: {  	[tilespmem:s31], [sflag:$0x3] =	stream.indirect.gather [hbm4b:s3+s19], $0x20, s30, s19, $0xb8;
	[tilespmem:$0x1AF00] =	vst v63  }
0x42: {  	s5 =	simm.s32 $0x1600;
	s29 =	simm.s32 $0xCD00  }
0x43: {  	[tilespmem:s29], [sflag:$0x3] =	stream.indirect.gather [hbm4b:s3+s19], $0x20, s5, s19, $0xb8;
	[tilespmem:$0x1AF00] =	vst v63  }
0x44: {  	s0 =	simm.s32 $0x40;
	s30 =	simm.s32 $0x1680;
	s5 =	simm.s32 $0xDD00  }
0x45: {  	[tilespmem:s5], [sflag:$0x3] =	stream.indirect.gather [hbm4b:s3+s0], $0x20, s30, s0, $0xb8;
	[tilespmem:$0x1AF00] =	vst v63  }
0x46: {  	s31 =	simm.s32 $0x16C0;
	s29 =	simm.s32 $0xE500  }
0x47: {  	[tilespmem:s29], [sflag:$0x4] =	stream.indirect.gather [hbm4b:s3+s0], $0x20, s31, s0, $0xb8;
	[tilespmem:$0x1AF00] =	vst v63  }
0x48: {  	s1 =	simm.s32 $0x1700;
	s29 =	simm.s32 $0xED00  }
0x49: {  	[tilespmem:s29], [sflag:$0x4] =	stream.indirect.gather [hbm4b:s3+s19], $0x20, s1, s19, $0xb8;
	[tilespmem:$0x1AF00] =	vst v63  }
0x4a: {  	s30 =	simm.s32 $0x1780;
	s31 =	simm.s32 $0xFD00  }
0x4b: {  	[tilespmem:s31], [sflag:$0x4] =	stream.indirect.gather [hbm4b:s3+s19], $0x20, s30, s19, $0xb8;
	[tilespmem:$0x1AF00] =	vst v63  }
0x4c: {  	s1 =	simm.s32 $0x1800;
	s29 =	simm.s32 $0x10D00  }
0x4d: {  	[tilespmem:s29], [sflag:$0x4] =	stream.indirect.gather [hbm4b:s3+s19], $0x20, s1, s19, $0xb8;
	[tilespmem:$0x1AF00] =	vst v63  }
0x4e: {  	s30 =	simm.s32 $0x1880;
	s31 =	simm.s32 $0x11D00  }
0x4f: {  	[tilespmem:s31], [sflag:$0x4] =	stream.indirect.gather [hbm4b:s3+s19], $0x20, s30, s19, $0xb8;
	[tilespmem:$0x1AF00] =	vst v63  }
0x50: {  	s29 =	simm.s32 $0x1900;
	s30 =	simm.s32 $0x12D00  }
0x51: {  	[tilespmem:s30], [sflag:$0x4] =	stream.indirect.gather [hbm4b:s3+s19], $0x20, s29, s19, $0xb8;
	[tilespmem:$0x1AF00] =	vst v63  }
0x52: {  	s31 =	simm.s32 $0x1980  }
0x53: {  	[tilespmem:s8], [sflag:$0x4] =	stream.indirect.gather [hbm4b:s3+s19], $0x20, s31, s19, $0xb8;
	[tilespmem:$0x1AF00] =	vst v63  }
0x54: {  	_ = 	snop  }
0x55: {  	[tilespmem:s10], [sflag:$0x4] =	stream.indirect.gather [hbm4b:s3+s19], $0x20, s9, s19, $0xb8;
	[tilespmem:$0x1AF00] =	vst v63  }
0x56: {  	_ = 	snop  }
0x57: {  	[tilespmem:s12], [sflag:$0x4] =	stream.indirect.gather [hbm4b:s3+s19], $0x20, s11, s19, $0xb8;
	[tilespmem:$0x1AF00] =	vst v63  }
0x58: {  	_ = 	snop  }
0x59: {  	[tilespmem:s17], [sflag:$0x4] =	stream.indirect.gather [hbm4b:s3+s19], $0x20, s13, s19, $0xb8;
	[tilespmem:$0x1AF00] =	vst v63  }
0x5a: {  	_ = 	snop  }
0x5b: {  	[tilespmem:s15], [sflag:$0x4] =	stream.indirect.gather [hbm4b:s3+s19], $0x20, s14, s19, $0xb8;
	[tilespmem:$0x1AF00] =	vst v63  }
0x5c: {  	_ = 	snop  }
0x5d: {  	[tilespmem:s18], [sflag:$0x4] =	stream.indirect.gather [hbm4b:s3+s19], $0x20, s16, s19, $0xb8;
	[tilespmem:$0x1AF00] =	vst v63  }
0x5e: {  	_ = 	snop  }
0x5f: {  	[tilespmem:s21], [sflag:$0x4] =	stream.indirect.gather [hbm4b:s3+s19], $0x20, s20, s19, $0xb8;
	[tilespmem:$0x1AF00] =	vst v63  }
0x60: {  	s1 =	rddreg [dreg:$0x5]  }
0x61: {  	[tilespmem:s2], [sflag:$0x7] =	stream.linear.gather [hbm4b:s1+s2], $0x80, $0x38;
	[tilespmem:$0x1AF00] =	vst v63  }
0x62: {  	_ =	swait.ge [sflag:s28], $0x80  }
0x63: {  	[sflag:s28] =	ssyncset.done $0x0  }
0x64: {  	s1 =	simm.s32 $0x1;
	[sflag:s28] =	ssyncadd.s32 $0xFFFFFF80  }
0x65: {  	[tilespmem:s19], [sflag:$0x1] =	stream.indirect.gather [hbm4b:s3+s19], $0x20, s2, s19, $0xb8;
	[tilespmem:$0x1AF00] =	vst v63  }
0x66: {  	_ =	swait.ge [sflag:s1], $0x1000  }
0x67: {  	[sflag:s1] =	ssyncset.done $0x0  }
0x68: {  	s29 =	rddreg [dreg:$0x6];
	[sflag:s1] =	ssyncadd.s32 $0xFFFFF000  }
0x69: {  	[hbm4b:s29+s2] =	stream.linear.scatter [tilespmem:s19], [sflag:$0x2], $0x1000, $0x38;
	[tilespmem:$0x1AF00] =	vst v63  }
0x6a: {  	s30 =	rddreg [dreg:$0x7]  }
0x6b: {  	[tilespmem:s2], [sflag:$0x7] =	stream.linear.gather [hbm4b:s30+s2], $0x80, $0x38;
	[tilespmem:$0x1AF00] =	vst v63  }
0x6c: {  	_ =	swait.ge [sflag:s28], $0x80  }
0x6d: {  	[sflag:s28] =	ssyncset.done $0x0  }
0x6e: {  	s29 =	simm.s32 $0x2;
	[sflag:s28] =	ssyncadd.s32 $0xFFFFFF80  }
0x6f: {  	_ =	swait.ge [sflag:s29], $0x1000  }
0x70: {  	[sflag:s29] =	ssyncset.done $0x0  }
0x71: {  	[sflag:s29] =	ssyncadd.s32 $0xFFFFF000  }
0x72: {  	[tilespmem:s19], [sflag:$0x1] =	stream.indirect.gather [hbm4b:s3+s19], $0x20, s2, s19, $0xb8;
	[tilespmem:$0x1AF00] =	vst v63  }
0x73: {  	_ =	swait.ge [sflag:s1], $0x1000  }
0x74: {  	[sflag:s1] =	ssyncset.done $0x0  }
0x75: {  	s31 =	rddreg [dreg:$0x8];
	[sflag:s1] =	ssyncadd.s32 $0xFFFFF000  }
0x76: {  	[hbm4b:s31+s2] =	stream.linear.scatter [tilespmem:s19], [sflag:$0x2], $0x1000, $0x38;
	[tilespmem:$0x1AF00] =	vst v63  }
0x77: {  	s30 =	rddreg [dreg:$0x9]  }
0x78: {  	[tilespmem:s2], [sflag:$0x7] =	stream.linear.gather [hbm4b:s30+s2], $0x80, $0x38;
	[tilespmem:$0x1AF00] =	vst v63  }
0x79: {  	_ =	swait.ge [sflag:s28], $0x80  }
0x7a: {  	[sflag:s28] =	ssyncset.done $0x0  }
0x7b: {  	[sflag:s28] =	ssyncadd.s32 $0xFFFFFF80  }
0x7c: {  	_ =	swait.ge [sflag:s29], $0x1000  }
0x7d: {  	[sflag:s29] =	ssyncset.done $0x0  }
0x7e: {  	[sflag:s29] =	ssyncadd.s32 $0xFFFFF000  }
0x7f: {  	[tilespmem:s19], [sflag:$0x1] =	stream.indirect.gather [hbm4b:s3+s19], $0x20, s2, s19, $0xb8;
	[tilespmem:$0x1AF00] =	vst v63  }
0x80: {  	_ =	swait.ge [sflag:s1], $0x1000  }
0x81: {  	[sflag:s1] =	ssyncset.done $0x0  }
0x82: {  	s31 =	rddreg [dreg:$0xa];
	[sflag:s1] =	ssyncadd.s32 $0xFFFFF000  }
0x83: {  	[hbm4b:s31+s2] =	stream.linear.scatter [tilespmem:s19], [sflag:$0x2], $0x1000, $0x38;
	[tilespmem:$0x1AF00] =	vst v63  }
0x84: {  	s30 =	rddreg [dreg:$0xb]  }
0x85: {  	[tilespmem:s2], [sflag:$0x7] =	stream.linear.gather [hbm4b:s30+s2], $0x80, $0x38;
	[tilespmem:$0x1AF00] =	vst v63  }
0x86: {  	_ =	swait.ge [sflag:s28], $0x80  }
0x87: {  	[sflag:s28] =	ssyncset.done $0x0  }
0x88: {  	[sflag:s28] =	ssyncadd.s32 $0xFFFFFF80  }
0x89: {  	_ =	swait.ge [sflag:s29], $0x1000  }
0x8a: {  	[sflag:s29] =	ssyncset.done $0x0  }
0x8b: {  	[sflag:s29] =	ssyncadd.s32 $0xFFFFF000  }
0x8c: {  	[tilespmem:s19], [sflag:$0x1] =	stream.indirect.gather [hbm4b:s3+s19], $0x20, s2, s19, $0xb8;
	[tilespmem:$0x1AF00] =	vst v63  }
0x8d: {  	_ =	swait.ge [sflag:s1], $0x1000  }
0x8e: {  	[sflag:s1] =	ssyncset.done $0x0  }
0x8f: {  	s31 =	rddreg [dreg:$0xc];
	[sflag:s1] =	ssyncadd.s32 $0xFFFFF000  }
0x90: {  	[hbm4b:s31+s2] =	stream.linear.scatter [tilespmem:s19], [sflag:$0x2], $0x1000, $0x38;
	[tilespmem:$0x1AF00] =	vst v63  }
0x91: {  	_ =	swait.ge [sflag:s29], $0x1000  }
0x92: {  	[sflag:s29] =	ssyncset.done $0x0  }
0x93: {  	s5 =	simm.s32 $0x40;
	s28 =	simm.s32 $0x0;
	[sflag:s29] =	ssyncadd.s32 $0xFFFFF000  }
.LBB2_2:
0x94: {  	_ =	swait.ge [sflag:s22], $0xC800  }
0x95: {  	p0 =	seq.s32 s28, $0x0;
	[sflag:s22] =	ssyncset.done $0x0  }
0x96: {  	s0 =	simm.s32 @!p0 $0x5;
	[sflag:s22] =	ssyncadd.s32 $0xFFFF3800  }
0x97: {  	_ =	swait.ge @!p0 [sflag:s0], $0x100  }
0x98: {  	[sflag:s0] =	ssyncset.done @!p0 $0x0  }
0x99: {  	s29 =	simm.s32 $0x0;
	s30 =	simm.s32 $0x1D80;
	[sflag:s0] =	ssyncadd.s32 @!p0 $0xFFFFFF00  }
.LBB2_3:
0x9a: {  	v0 =	vmov s30;
	_ =	sdelay $0x3  }
0x9b: {  	s0 =	simm.s32 $0x0  }
0x9c: {  	v3 =	vld.idx.msk [tilespmem:v0+s0+$0x40 ss:$0x1], $0xffff  }
0x9d: {  	v4 =	vld.idx.msk [tilespmem:v0+s0+$0x50 ss:$0x1], $0xffff  }
0x9e: {  	v1 =	vld.idx.msk [tilespmem:v0+s0+$0x0 ss:$0x1], $0xffff  }
0x9f: {  	v2 =	vld.idx.msk [tilespmem:v0+s0+$0x10 ss:$0x1], $0xffff  }
0xa0: {  	v5 =	vld.idx.msk [tilespmem:v0+s0+$0xFFFFFFC0 ss:$0x1], $0xffff  }
0xa1: {  	v6 =	vld.idx.msk [tilespmem:v0+s0+$0xFFFFFFD0 ss:$0x1], $0xffff  }
0xa2: {  	v11 =	vld.idx.msk [tilespmem:v0+s0+$0xFFFFFF80 ss:$0x1], $0xffff  }
0xa3: {  	v7 =	vimm.f32 $0.0e+00;
	v12 =	vld.idx.msk [tilespmem:v0+s0+$0xFFFFFF90 ss:$0x1], $0xffff  }
0xa4: {  	s1 =	simm.s32 $0x400;
	v8 =	vimm.f32 $0.0e+00;
	v10 =	vimm.f32 $0.0e+00;
	v9 =	vimm.f32 $0.0e+00;
	v13 =	vld.idx.msk [tilespmem:v0+s0+$0xFFFFFFA0 ss:$0x1], $0xffff  }
.LBB2_4:
0xa5: {  	p0 =	sne.s32 s1, $0x6000;
	v14 =	vld.idx.msk [tilespmem:v0+s0+$0xFFFFFFB0 ss:$0x1], $0xffff  }
0xa6: {  	v15 =	vld.idx.msk [tilespmem:v0+s0+$0xFFFFFFE0 ss:$0x1], $0xffff  }
0xa7: {  	v16 =	vld.idx.msk [tilespmem:v0+s0+$0xFFFFFFF0 ss:$0x1], $0xffff  }
0xa8: {  	v17 =	vld.idx.msk [tilespmem:v0+s0+$0x20 ss:$0x1], $0xffff  }
0xa9: {  	v18 =	vld.idx.msk [tilespmem:v0+s0+$0x30 ss:$0x1], $0xffff  }
0xaa: {  	v7 =	vadd.f32 v11, v7;
	v8 =	vadd.f32 v12, v8;
	v11 =	vld.idx.msk [tilespmem:v0+s0+$0x60 ss:$0x1], $0xffff  }
0xab: {  	v10 =	vadd.f32 v13, v10;
	v9 =	vadd.f32 v14, v9;
	v12 =	vld.idx.msk [tilespmem:v0+s0+$0x70 ss:$0x1], $0xffff;
	s0 =	sshra.s32 s1, $0x2  }
0xac: {  	v5 =	vadd.f32 v5, v7;
	v6 =	vadd.f32 v6, v8;
	v13 =	vld.idx.msk [tilespmem:v0+s0+$0x40 ss:$0x1], $0xffff  }
0xad: {  	v7 =	vadd.f32 v15, v10;
	v8 =	vadd.f32 v16, v9;
	v14 =	vld.idx.msk [tilespmem:v0+s0+$0x50 ss:$0x1], $0xffff  }
0xae: {  	v9 =	vadd.f32 v1, v5;
	v6 =	vadd.f32 v2, v6;
	v1 =	vld.idx.msk [tilespmem:v0+s0+$0x0 ss:$0x1], $0xffff  }
0xaf: {  	v10 =	vadd.f32 v17, v7;
	v15 =	vadd.f32 v18, v8;
	v2 =	vld.idx.msk [tilespmem:v0+s0+$0x10 ss:$0x1], $0xffff  }
.Ltmp2:
0xb0: {  	v7 =	vadd.f32 v3, v9;
	v8 =	vadd.f32 v4, v6;
	v5 =	vld.idx.msk [tilespmem:v0+s0+$0xFFFFFFC0 ss:$0x1], $0xffff;
	(pc) =	sbr.rel @p0 .LBB2_4-.Ltmp2, $4  }
0xb1: {  	v10 =	vadd.f32 v11, v10;
	v9 =	vadd.f32 v12, v15;
	v6 =	vld.idx.msk [tilespmem:v0+s0+$0xFFFFFFD0 ss:$0x1], $0xffff  }
0xb2: {  	v3 =	vmov v13;
	v11 =	vld.idx.msk [tilespmem:v0+s0+$0xFFFFFF80 ss:$0x1], $0xffff  }
0xb3: {  	v4 =	vmov v14;
	v12 =	vld.idx.msk [tilespmem:v0+s0+$0xFFFFFF90 ss:$0x1], $0xffff  }
0xb4: {  	s1 =	sadd.s32 $0x400, s1;
	v13 =	vld.idx.msk [tilespmem:v0+s0+$0xFFFFFFA0 ss:$0x1], $0xffff  }
0xb5: {  	_ =	sdelay $0x3  }
0xb6: {  	v14 =	vld.idx.msk [tilespmem:v0+s0+$0xFFFFFFB0 ss:$0x1], $0xffff  }
0xb7: {  	v15 =	vld.idx.msk [tilespmem:v0+s0+$0xFFFFFFE0 ss:$0x1], $0xffff  }
0xb8: {  	v16 =	vld.idx.msk [tilespmem:v0+s0+$0xFFFFFFF0 ss:$0x1], $0xffff  }
0xb9: {  	v17 =	vld.idx.msk [tilespmem:v0+s0+$0x20 ss:$0x1], $0xffff  }
0xba: {  	v18 =	vld.idx.msk [tilespmem:v0+s0+$0x30 ss:$0x1], $0xffff;
	v7 =	vadd.f32 v11, v7;
	v10 =	vadd.f32 v13, v10  }
0xbb: {  	v57 =	vld.idx.msk [tilespmem:v0+s0+$0x60 ss:$0x1], $0xffff;
	v8 =	vadd.f32 v12, v8;
	v9 =	vadd.f32 v14, v9  }
0xbc: {  	v58 =	vld.idx.msk [tilespmem:v0+s0+$0x70 ss:$0x1], $0xffff;
	v5 =	vadd.f32 v5, v7;
	v59 =	vadd.f32 v15, v10  }
0xbd: {  	v6 =	vadd.f32 v6, v8;
	v60 =	vadd.f32 v16, v9  }
0xbe: {  	v1 =	vadd.f32 v1, v5;
	v61 =	vadd.f32 v17, v59  }
0xbf: {  	v2 =	vadd.f32 v2, v6;
	v62 =	vadd.f32 v18, v60  }
0xc0: {  	v1 =	vadd.f32 v3, v1;
	v63 =	vadd.f32 v57, v61  }
0xc1: {  	s31 =	sshll.u32 s29, $0x5;
	s29 =	sadd.s32 $0x1, s29;
	v2 =	vadd.f32 v4, v2;
	v0 =	vadd.f32 v58, v62  }
0xc2: {  	p0 =	sne.s32 s29, $0x8;
	v1 =	vadd.f32 v63, v1  }
.Ltmp3:
0xc3: {  	v0 =	vadd.f32 v0, v2;
	(pc) =	sbr.rel @p0 .LBB2_3-.Ltmp3, $4  }
0xc4: {  	v1 =	vmul.f32 $4.999999890e-03, v1  }
0xc5: {  	s0 =	sand.u32 $0x3FFFFFE0, s31;
	v0 =	vmul.f32 $4.999999890e-03, v0  }
0xc6: {  	[tilespmem:s0+$0x1AD00] =	vst v1  }
0xc7: {  	s30 =	sadd.s32 $0x1900, s30;
	[tilespmem:s0+$0x1AD10] =	vst v0  }
0xc8: {  	s0 =	sshll.u32 s28, $0x6;
	p0 =	seq.s32 s28, $0x1F  }
0xc9: {  	s29 =	sadd.s32 s0, s6;
	s0 =	sadd.s32 @!p0 s28, s7  }
0xca: {  	[hbm4b:s29+s2] =	stream.linear.scatter [tilespmem:s23], [sflag:$0x5], $0x100, $0x38;
	[tilespmem:$0x1AF00] =	vst v63  }
0xcb: {  	s0 =	smul.u32 @!p0 $0x190, s0;
	_ =	swait.ge [sflag:s24], $0xC800  }
0xcc: {  	s1 =	simm.s32 @!p0 $0x0;
	[sflag:s24] =	ssyncset.done $0x0  }
0xcd: {  	s30 =	simm.s32 @!p0 $0x1080;
	s0 =	sadd.s32 @!p0 s4, s0;
	[sflag:s24] =	ssyncadd.s32 $0xFFFF3800  }
0xce: {  	[tilespmem:s30], [sflag:$0x7] =	stream.linear.gather @!p0 [hbm4b:s0+s1], $0xC80, $0x38;
	[tilespmem:$0x1AF00] =	vst v63  }
0xcf: {  	s0 =	simm.s32 @!p0 $0x7  }
0xd0: {  	_ =	swait.ge @!p0 [sflag:s0], $0xC80  }
0xd1: {  	[sflag:s0] =	ssyncset.done @!p0 $0x0  }
0xd2: {  	s1 =	simm.s32 @!p0 $0x1D00;
	[sflag:s0] =	ssyncadd.s32 @!p0 $0xFFFFF380;
	s0 =	simm.s32 @!p0 $0x80  }
0xd3: {  	[tilespmem:s1], [sflag:$0x3] =	stream.indirect.gather @!p0 [hbm4b:s3+s0], $0x20, s30, s0, $0xb8;
	[tilespmem:$0x1AF00] =	vst v63  }
0xd4: {  	s1 =	simm.s32 @!p0 $0x1100;
	s30 =	simm.s32 @!p0 $0x2D00  }
0xd5: {  	[tilespmem:s30], [sflag:$0x3] =	stream.indirect.gather @!p0 [hbm4b:s3+s0], $0x20, s1, s0, $0xb8;
	[tilespmem:$0x1AF00] =	vst v63  }
0xd6: {  	s1 =	simm.s32 @!p0 $0x1180;
	s30 =	simm.s32 @!p0 $0x3D00  }
0xd7: {  	[tilespmem:s30], [sflag:$0x3] =	stream.indirect.gather @!p0 [hbm4b:s3+s0], $0x20, s1, s0, $0xb8;
	[tilespmem:$0x1AF00] =	vst v63  }
0xd8: {  	s1 =	simm.s32 @!p0 $0x1200;
	s30 =	simm.s32 @!p0 $0x4D00  }
0xd9: {  	[tilespmem:s30], [sflag:$0x3] =	stream.indirect.gather @!p0 [hbm4b:s3+s0], $0x20, s1, s0, $0xb8;
	[tilespmem:$0x1AF00] =	vst v63  }
0xda: {  	s1 =	simm.s32 @!p0 $0x1280;
	s30 =	simm.s32 @!p0 $0x5D00  }
0xdb: {  	[tilespmem:s30], [sflag:$0x3] =	stream.indirect.gather @!p0 [hbm4b:s3+s0], $0x20, s1, s0, $0xb8;
	[tilespmem:$0x1AF00] =	vst v63  }
0xdc: {  	s1 =	simm.s32 @!p0 $0x1300;
	s30 =	simm.s32 @!p0 $0x6D00  }
0xdd: {  	[tilespmem:s30], [sflag:$0x3] =	stream.indirect.gather @!p0 [hbm4b:s3+s0], $0x20, s1, s0, $0xb8;
	[tilespmem:$0x1AF00] =	vst v63  }
0xde: {  	s1 =	simm.s32 @!p0 $0x1380;
	s30 =	simm.s32 @!p0 $0x7D00  }
0xdf: {  	[tilespmem:s30], [sflag:$0x3] =	stream.indirect.gather @!p0 [hbm4b:s3+s0], $0x20, s1, s0, $0xb8;
	[tilespmem:$0x1AF00] =	vst v63  }
0xe0: {  	s1 =	simm.s32 @!p0 $0x1400;
	s30 =	simm.s32 @!p0 $0x8D00  }
0xe1: {  	[tilespmem:s30], [sflag:$0x3] =	stream.indirect.gather @!p0 [hbm4b:s3+s0], $0x20, s1, s0, $0xb8;
	[tilespmem:$0x1AF00] =	vst v63  }
0xe2: {  	s1 =	simm.s32 @!p0 $0x1480;
	s30 =	simm.s32 @!p0 $0x9D00  }
0xe3: {  	[tilespmem:s30], [sflag:$0x3] =	stream.indirect.gather @!p0 [hbm4b:s3+s0], $0x20, s1, s0, $0xb8;
	[tilespmem:$0x1AF00] =	vst v63  }
0xe4: {  	s1 =	simm.s32 @!p0 $0x1500;
	s30 =	simm.s32 @!p0 $0xAD00  }
0xe5: {  	[tilespmem:s30], [sflag:$0x3] =	stream.indirect.gather @!p0 [hbm4b:s3+s0], $0x20, s1, s0, $0xb8;
	[tilespmem:$0x1AF00] =	vst v63  }
0xe6: {  	p1 =	seq.s32 @!p0 s28, $0x0;
	s1 =	simm.s32 @!p0 $0x1580;
	s30 =	simm.s32 @!p0 $0xBD00  }
0xe7: {  	[tilespmem:s30], [sflag:$0x3] =	stream.indirect.gather @!p0 [hbm4b:s3+s0], $0x20, s1, s0, $0xb8;
	[tilespmem:$0x1AF00] =	vst v63  }
0xe8: {  	p1 =	por p0, !p1;
	s1 =	simm.s32 @!p0 $0x1600;
	s30 =	simm.s32 @!p0 $0xCD00  }
0xe9: {  	[tilespmem:s30], [sflag:$0x3] =	stream.indirect.gather @!p0 [hbm4b:s3+s0], $0x20, s1, s0, $0xb8;
	[tilespmem:$0x1AF00] =	vst v63  }
0xea: {  	s0 =	simm.s32 @!p0 $0x40;
	s1 =	simm.s32 @!p0 $0x1680;
	s30 =	simm.s32 @!p0 $0xDD00  }
0xeb: {  	[tilespmem:s30], [sflag:$0x3] =	stream.indirect.gather @!p0 [hbm4b:s3+s0], $0x20, s1, s0, $0xb8;
	[tilespmem:$0x1AF00] =	vst v63  }
0xec: {  	_ =	swait.ge @p1 [sflag:s26], $0x100  }
0xed: {  	[sflag:s26] =	ssyncset.done @p1 $0x0  }
0xee: {  	s30 =	simm.s32 $0x0;
	s0 =	simm.s32 $0xE580;
	[sflag:s26] =	ssyncadd.s32 @p1 $0xFFFFFF00  }
.LBB2_7:
0xef: {  	v0 =	vmov s0;
	_ =	sdelay $0x3  }
0xf0: {  	s1 =	simm.s32 $0x0  }
0xf1: {  	v3 =	vld.idx.msk [tilespmem:v0+s1+$0x40 ss:$0x1], $0xffff  }
0xf2: {  	v4 =	vld.idx.msk [tilespmem:v0+s1+$0x50 ss:$0x1], $0xffff  }
0xf3: {  	v1 =	vld.idx.msk [tilespmem:v0+s1+$0x0 ss:$0x1], $0xffff  }
0xf4: {  	v2 =	vld.idx.msk [tilespmem:v0+s1+$0x10 ss:$0x1], $0xffff  }
0xf5: {  	v5 =	vld.idx.msk [tilespmem:v0+s1+$0xFFFFFFC0 ss:$0x1], $0xffff  }
0xf6: {  	v6 =	vld.idx.msk [tilespmem:v0+s1+$0xFFFFFFD0 ss:$0x1], $0xffff  }
0xf7: {  	v11 =	vld.idx.msk [tilespmem:v0+s1+$0xFFFFFF80 ss:$0x1], $0xffff  }
0xf8: {  	v7 =	vimm.f32 $0.0e+00;
	v12 =	vld.idx.msk [tilespmem:v0+s1+$0xFFFFFF90 ss:$0x1], $0xffff  }
0xf9: {  	s31 =	simm.s32 $0x400;
	v8 =	vimm.f32 $0.0e+00;
	v10 =	vimm.f32 $0.0e+00;
	v9 =	vimm.f32 $0.0e+00;
	v13 =	vld.idx.msk [tilespmem:v0+s1+$0xFFFFFFA0 ss:$0x1], $0xffff  }
.LBB2_8:
0xfa: {  	p1 =	sne.s32 s31, $0x6000;
	v14 =	vld.idx.msk [tilespmem:v0+s1+$0xFFFFFFB0 ss:$0x1], $0xffff  }
0xfb: {  	v15 =	vld.idx.msk [tilespmem:v0+s1+$0xFFFFFFE0 ss:$0x1], $0xffff  }
0xfc: {  	v16 =	vld.idx.msk [tilespmem:v0+s1+$0xFFFFFFF0 ss:$0x1], $0xffff  }
0xfd: {  	v17 =	vld.idx.msk [tilespmem:v0+s1+$0x20 ss:$0x1], $0xffff  }
0xfe: {  	v18 =	vld.idx.msk [tilespmem:v0+s1+$0x30 ss:$0x1], $0xffff  }
0xff: {  	v7 =	vadd.f32 v11, v7;
	v8 =	vadd.f32 v12, v8;
	v11 =	vld.idx.msk [tilespmem:v0+s1+$0x60 ss:$0x1], $0xffff  }
0x100: {  	v10 =	vadd.f32 v13, v10;
	v9 =	vadd.f32 v14, v9;
	v12 =	vld.idx.msk [tilespmem:v0+s1+$0x70 ss:$0x1], $0xffff;
	s1 =	sshra.s32 s31, $0x2  }
0x101: {  	v5 =	vadd.f32 v5, v7;
	v6 =	vadd.f32 v6, v8;
	v13 =	vld.idx.msk [tilespmem:v0+s1+$0x40 ss:$0x1], $0xffff  }
0x102: {  	v7 =	vadd.f32 v15, v10;
	v8 =	vadd.f32 v16, v9;
	v14 =	vld.idx.msk [tilespmem:v0+s1+$0x50 ss:$0x1], $0xffff  }
0x103: {  	v9 =	vadd.f32 v1, v5;
	v6 =	vadd.f32 v2, v6;
	v1 =	vld.idx.msk [tilespmem:v0+s1+$0x0 ss:$0x1], $0xffff  }
0x104: {  	v10 =	vadd.f32 v17, v7;
	v15 =	vadd.f32 v18, v8;
	v2 =	vld.idx.msk [tilespmem:v0+s1+$0x10 ss:$0x1], $0xffff  }
.Ltmp4:
0x105: {  	v7 =	vadd.f32 v3, v9;
	v8 =	vadd.f32 v4, v6;
	v5 =	vld.idx.msk [tilespmem:v0+s1+$0xFFFFFFC0 ss:$0x1], $0xffff;
	(pc) =	sbr.rel @p1 .LBB2_8-.Ltmp4, $4  }
0x106: {  	v10 =	vadd.f32 v11, v10;
	v9 =	vadd.f32 v12, v15;
	v6 =	vld.idx.msk [tilespmem:v0+s1+$0xFFFFFFD0 ss:$0x1], $0xffff  }
0x107: {  	v3 =	vmov v13;
	v11 =	vld.idx.msk [tilespmem:v0+s1+$0xFFFFFF80 ss:$0x1], $0xffff  }
0x108: {  	v4 =	vmov v14;
	v12 =	vld.idx.msk [tilespmem:v0+s1+$0xFFFFFF90 ss:$0x1], $0xffff  }
0x109: {  	s31 =	sadd.s32 $0x400, s31;
	v13 =	vld.idx.msk [tilespmem:v0+s1+$0xFFFFFFA0 ss:$0x1], $0xffff  }
0x10a: {  	_ =	sdelay $0x3  }
0x10b: {  	v14 =	vld.idx.msk [tilespmem:v0+s1+$0xFFFFFFB0 ss:$0x1], $0xffff  }
0x10c: {  	v15 =	vld.idx.msk [tilespmem:v0+s1+$0xFFFFFFE0 ss:$0x1], $0xffff  }
0x10d: {  	v16 =	vld.idx.msk [tilespmem:v0+s1+$0xFFFFFFF0 ss:$0x1], $0xffff  }
0x10e: {  	v17 =	vld.idx.msk [tilespmem:v0+s1+$0x20 ss:$0x1], $0xffff  }
0x10f: {  	v18 =	vld.idx.msk [tilespmem:v0+s1+$0x30 ss:$0x1], $0xffff;
	v7 =	vadd.f32 v11, v7;
	v10 =	vadd.f32 v13, v10  }
0x110: {  	v57 =	vld.idx.msk [tilespmem:v0+s1+$0x60 ss:$0x1], $0xffff;
	v8 =	vadd.f32 v12, v8;
	v9 =	vadd.f32 v14, v9  }
0x111: {  	v58 =	vld.idx.msk [tilespmem:v0+s1+$0x70 ss:$0x1], $0xffff;
	v5 =	vadd.f32 v5, v7;
	v59 =	vadd.f32 v15, v10  }
0x112: {  	v6 =	vadd.f32 v6, v8;
	v60 =	vadd.f32 v16, v9  }
0x113: {  	v1 =	vadd.f32 v1, v5;
	v61 =	vadd.f32 v17, v59  }
0x114: {  	v2 =	vadd.f32 v2, v6;
	v62 =	vadd.f32 v18, v60  }
0x115: {  	v1 =	vadd.f32 v3, v1;
	v63 =	vadd.f32 v57, v61  }
0x116: {  	s31 =	sshll.u32 s30, $0x5;
	s30 =	sadd.s32 $0x1, s30;
	v2 =	vadd.f32 v4, v2;
	v0 =	vadd.f32 v58, v62  }
0x117: {  	p1 =	sne.s32 s30, $0x8;
	v1 =	vadd.f32 v63, v1  }
.Ltmp5:
0x118: {  	v0 =	vadd.f32 v0, v2;
	(pc) =	sbr.rel @p1 .LBB2_7-.Ltmp5, $4  }
0x119: {  	v1 =	vmul.f32 $4.999999890e-03, v1  }
0x11a: {  	s1 =	sand.u32 $0x3FFFFFE0, s31;
	v0 =	vmul.f32 $4.999999890e-03, v0  }
0x11b: {  	[tilespmem:s1+$0x1AE00] =	vst v1  }
0x11c: {  	s0 =	sadd.s32 $0x1900, s0;
	[tilespmem:s1+$0x1AE10] =	vst v0  }
.Ltmp6:
0x11d: {  	(pc) =	sbr.rel @p0 .LBB2_12-.Ltmp6, $3  }
0x11e: {  	_ =	sdelay $0x1  }
0x11f: {  	s0 =	sadd.s32 $0x20, s29  }
0x120: {  	[hbm4b:s0+s2] =	stream.linear.scatter [tilespmem:s25], [sflag:$0x6], $0x100, $0x38;
	[tilespmem:$0x1AF00] =	vst v63  }
0x121: {  	s0 =	simm.s32 $0x16C0;
	s1 =	simm.s32 $0xE500  }
0x122: {  	[tilespmem:s1], [sflag:$0x4] =	stream.indirect.gather [hbm4b:s3+s5], $0x20, s0, s5, $0xb8;
	[tilespmem:$0x1AF00] =	vst v63  }
0x123: {  	s29 =	simm.s32 $0xED00;
	s1 =	simm.s32 $0x1700  }
0x124: {  	[tilespmem:s29], [sflag:$0x4] =	stream.indirect.gather [hbm4b:s3+s19], $0x20, s1, s19, $0xb8;
	[tilespmem:$0x1AF00] =	vst v63  }
0x125: {  	s30 =	simm.s32 $0x1780;
	s31 =	simm.s32 $0xFD00  }
0x126: {  	[tilespmem:s31], [sflag:$0x4] =	stream.indirect.gather [hbm4b:s3+s19], $0x20, s30, s19, $0xb8;
	[tilespmem:$0x1AF00] =	vst v63  }
0x127: {  	s1 =	simm.s32 $0x1800;
	s29 =	simm.s32 $0x10D00  }
0x128: {  	[tilespmem:s29], [sflag:$0x4] =	stream.indirect.gather [hbm4b:s3+s19], $0x20, s1, s19, $0xb8;
	[tilespmem:$0x1AF00] =	vst v63  }
0x129: {  	s30 =	simm.s32 $0x1880;
	s31 =	simm.s32 $0x11D00  }
0x12a: {  	[tilespmem:s31], [sflag:$0x4] =	stream.indirect.gather [hbm4b:s3+s19], $0x20, s30, s19, $0xb8;
	[tilespmem:$0x1AF00] =	vst v63  }
0x12b: {  	s29 =	simm.s32 $0x1900;
	s30 =	simm.s32 $0x12D00  }
0x12c: {  	[tilespmem:s30], [sflag:$0x4] =	stream.indirect.gather [hbm4b:s3+s19], $0x20, s29, s19, $0xb8;
	[tilespmem:$0x1AF00] =	vst v63  }
0x12d: {  	s31 =	simm.s32 $0x1980  }
0x12e: {  	[tilespmem:s8], [sflag:$0x4] =	stream.indirect.gather [hbm4b:s3+s19], $0x20, s31, s19, $0xb8;
	[tilespmem:$0x1AF00] =	vst v63  }
0x12f: {  	_ = 	snop  }
0x130: {  	[tilespmem:s10], [sflag:$0x4] =	stream.indirect.gather [hbm4b:s3+s19], $0x20, s9, s19, $0xb8;
	[tilespmem:$0x1AF00] =	vst v63  }
0x131: {  	_ = 	snop  }
0x132: {  	[tilespmem:s12], [sflag:$0x4] =	stream.indirect.gather [hbm4b:s3+s19], $0x20, s11, s19, $0xb8;
	[tilespmem:$0x1AF00] =	vst v63  }
0x133: {  	_ = 	snop  }
0x134: {  	[tilespmem:s17], [sflag:$0x4] =	stream.indirect.gather [hbm4b:s3+s19], $0x20, s13, s19, $0xb8;
	[tilespmem:$0x1AF00] =	vst v63  }
0x135: {  	_ = 	snop  }
0x136: {  	[tilespmem:s15], [sflag:$0x4] =	stream.indirect.gather [hbm4b:s3+s19], $0x20, s14, s19, $0xb8;
	[tilespmem:$0x1AF00] =	vst v63  }
.Ltmp7:
0x137: {  	_ = 	snop;
	(pc) =	sbr.rel .LBB2_2-.Ltmp7, $4  }
0x138: {  	_ = 	snop  }
0x139: {  	[tilespmem:s18], [sflag:$0x4] =	stream.indirect.gather [hbm4b:s3+s19], $0x20, s16, s19, $0xb8;
	[tilespmem:$0x1AF00] =	vst v63  }
0x13a: {  	s28 =	sadd.s32 $0x1, s28  }
0x13b: {  	[tilespmem:s21], [sflag:$0x4] =	stream.indirect.gather [hbm4b:s3+s19], $0x20, s20, s19, $0xb8;
	[tilespmem:$0x1AF00] =	vst v63  }
.LBB2_13:
0x13c: {  	_ =	sfence.sel $0x180000  }
0x13d: {  	[bflag:$0x0] =	sbarrier.arrive $0xFFFF  }
0x13e: {  	_ =	strace $0x9000004A  }
0x13f: {  	s0 =	stileid.u32;
	[bflag:$0x2] =	sbarrier.arrive $0xFFFF  }
0x140: {  	p0 =	sne.s32 s0, $0x0;
	s0 =	rddreg [dreg:$0x2]  }
0x141: {  	s0 =	sadd.s32 @!p0 $0x100000, s0  }
0x142: {  	[sflag:s0] =	ssyncadd.tile.s32 @!p0 $0x1;
	_ =	shalt  }
.Lfunc_end2:
_tile_overlayer_lowered:
.L_overlay_start_2:
0x143: {  	(tag) =	ssettag $0x2  }
0x144: {  	s0 =	rddreg [dreg:$0x0];
	s2 =	stileid.u32  }
0x145: {  	s1 =	rddreg [dreg:$0x1];
	p0 =	sne.s32 s2, $0x0  }
0x146: {  	s3 =	rddreg [dreg:$0x2];
	[bflag:$0x3] =	sbarrier.arrive $0xFFFF;
	s2 =	simm.s32 @!p0 $0x1C07  }
0x147: {  	[timem:s3], [sflag:s2] =	dma.local @!p0 [hbm:s0], s1  }
0x148: {  	s0 =	simm.s32 @!p0 $0x7  }
0x149: {  	_ =	swait.ge @!p0 [sflag:s0], s1  }
0x14a: {  	s1 =	ssub.s32 @!p0 $0x0, s1;
	[sflag:s0] =	ssyncset.done @!p0 $0x0  }
0x14b: {  	[sflag:s0] =	ssyncadd.s32 @!p0 s1  }
0x14c: {  	[bflag:$0x3] =	sbarrier.arrive $0xFFFF  }
0x14d: {  	_ =	shalt  }

// kernel: kernel.9.cloned.1.call-start
scs
__scs_entry_jumppad:
0x0: {  	(pc) =	sbr.rel $0x88, $3  }
0x1: {  	(tag) =	ssettag $0x0;
	lr =	simm.s32 $0x1  }
0x2: {  	[smem:$0x3F77] =	sst lr;
	_ =	strace $0xD0000000  }
0x3: {  	_ = 	snop  }
0x4: {  	_ = 	snop  }
0x5: {  	_ = 	snop  }
0x6: {  	_ = 	snop  }
0x7: {  	_ = 	snop  }
__scs_overlays_trampoline_lowered:
0x8: {  	[smem:$0x3F86] =	sst s0  }
0x9: {  	[smem:$0x3F87] =	sst s1  }
0xa: {  	[smem:$0x3F88] =	sst s2  }
0xb: {  	[smem:$0x3F89] =	sst s3  }
0xc: {  	[smem:$0x3F8A] =	sst s4  }
0xd: {  	[smem:$0x3F8B] =	sst s5  }
0xe: {  	[smem:$0x3F8C] =	sst s6  }
0xf: {  	[smem:$0x3F8D] =	sst s7  }
0x10: {  	[smem:$0x3F8E] =	sst s8  }
0x11: {  	[smem:$0x3F8F] =	sst s9;
	s0 =	simm.s32 @!p0 $0x0  }
0x12: {  	s1 =	sld [smem:$0x3F75];
	s0 =	simm.s32 @p0 $0x1  }
0x13: {  	[smem:$0x3F90] =	sst s0;
	s0 =	simm.s32 @!p1 $0x0  }
0x14: {  	s2 =	sld [smem:$0x3F74];
	s0 =	simm.s32 @p1 $0x1  }
0x15: {  	[smem:$0x3F91] =	sst s0;
	s0 =	simm.s32 @!p2 $0x0  }
0x16: {  	s3 =	sld [smem:$0x3FDB];
	s0 =	simm.s32 @p2 $0x1  }
0x17: {  	s4 =	simm.s32 $0x1BF5;
	[smem:$0x3F93] =	sst s0  }
0x18: {  	s0 =	sld [smem:$0x3F76];
	_ =	swait.ge [sflag:s4], $0x0  }
0x19: {  	s7 =	sld [smem:$0x3F77]  }
0x1a: {  	s8 =	sadd.s32 $0xFFFFE003, lr  }
0x1b: {  	s9 =	sadd.s32 $0xFFFFFEF7, lr;
	s5 =	simm.s32 $0xFFFFFFFF;
	p2 =	slt.u32 s8, $0xFFFFF086  }
0x1c: {  	p1 =	slt.u32 s9, $0xF7A;
	s5 =	simm.s32 @!p2 $0x0  }
0x1d: {  	s5 =	simm.s32 @p1 $0x1;
	p0 =	seq.s32 s7, s2  }
0x1e: {  	s7 =	smul.u32 @!p0 $0xF7A, s2;
	p2 =	seq.s32 @!p0 s5, $0x0  }
0x1f: {  	s9 =	smul.u32 $0xF7A, s1;
	s8 =	simm.s32 @!p0 $0x1BF5;
	p2 =	por !p2, p0  }
0x20: {  	[sflag:s8] =	ssyncset.s32 @!p0 $0xFFFFF086;
	s6 =	sadd.s32 @!p0 s3, s7;
	s7 =	simm.s32 @!p0 $0x108  }
0x21: {  	s3 =	sadd.s32 s3, s9;
	s6 =	sadd.s32 @!p0 $0x88, s6;
	s7 =	simm.s32 @p2 $0x1082  }
0x22: {  	[simem:s7], [sflag:s8] =	dma.local @!p0 [hbm:s6], $0xF7A  }
0x23: {  	s9 =	sor.u32 $0xD0000000, s2;
	s6 =	simm.s32 $0x108;
	_ =	swait.ge @!p0 [sflag:s8], $0x0  }
0x24: {  	s3 =	sadd.s32 $0x88, s3;
	s6 =	simm.s32 @!p1 $0x1082;
	[sflag:s4] =	ssyncset.s32 $0xFFFFF086  }
0x25: {  	[simem:s6], [sflag:s4] =	dma.local [hbm:s3], $0xF7A  }
0x26: {  	[smem:$0x3F77] =	sst s1;
	(tag) =	ssettag s2;
	_ =	strace s9  }
0x27: {  	s1 =	sld [smem:$0x3F87]  }
0x28: {  	s2 =	sld [smem:$0x3F88]  }
0x29: {  	s4 =	sld [smem:$0x3F8A]  }
0x2a: {  	p0 =	seq.s32 s5, $0x0;
	s5 =	sld [smem:$0x3F8B]  }
0x2b: {  	s6 =	sld [smem:$0x3F8C]  }
0x2c: {  	s7 =	sld [smem:$0x3F8D]  }
0x2d: {  	s3 =	simm.s32 $0x108;
	s8 =	sld [smem:$0x3F8E]  }
0x2e: {  	s3 =	simm.s32 @!p0 $0x1082;
	s9 =	sld [smem:$0x3F8F]  }
0x2f: {  	lr =	sadd.s32 s0, s3;
	s0 =	sld [smem:$0x3F86]  }
0x30: {  	s3 =	sld [smem:$0x3F89]  }
0x31: {  	[smem:$0x3F92] =	sst s10  }
0x32: {  	s10 =	sld [smem:$0x3F90];
	_ =	sdelay $0x3  }
0x33: {  	p0 =	seq.s32 s10, $0x1;
	s10 =	sld [smem:$0x3F92];
	_ =	sdelay $0x3  }
0x34: {  	[smem:$0x3F92] =	sst s10  }
0x35: {  	s10 =	sld [smem:$0x3F91];
	_ =	sdelay $0x3  }
0x36: {  	p1 =	seq.s32 s10, $0x1;
	s10 =	sld [smem:$0x3F92];
	_ =	sdelay $0x3  }
0x37: {  	[smem:$0x3F92] =	sst s10  }
0x38: {  	s10 =	sld [smem:$0x3F93]  }
0x39: {  	_ = 	snop;
	(pc) =	sbr.ind lr, $3  }
0x3a: {  	_ = 	snop  }
0x3b: {  	_ = 	snop  }
0x3c: {  	p2 =	seq.s32 s10, $0x1;
	s10 =	sld [smem:$0x3F92]  }
0x3d: {  	_ =	shalt  }
0x3e: {  	_ =	shalt  }
0x3f: {  	_ =	shalt  }
0x40: {  	_ =	shalt  }
0x41: {  	_ =	shalt  }
0x42: {  	_ =	shalt  }
0x43: {  	_ =	shalt  }
0x44: {  	_ =	shalt  }
0x45: {  	_ =	shalt  }
0x46: {  	_ =	shalt  }
0x47: {  	_ =	shalt  }
0x48: {  	_ =	shalt  }
0x49: {  	_ =	shalt  }
0x4a: {  	_ =	shalt  }
0x4b: {  	_ =	shalt  }
0x4c: {  	_ =	shalt  }
0x4d: {  	_ =	shalt  }
0x4e: {  	_ =	shalt  }
0x4f: {  	_ =	shalt  }
0x50: {  	_ =	shalt  }
0x51: {  	_ =	shalt  }
0x52: {  	_ =	shalt  }
0x53: {  	_ =	shalt  }
0x54: {  	_ =	shalt  }
0x55: {  	_ =	shalt  }
0x56: {  	_ =	shalt  }
0x57: {  	_ =	shalt  }
0x58: {  	_ =	shalt  }
0x59: {  	_ =	shalt  }
0x5a: {  	_ =	shalt  }
0x5b: {  	_ =	shalt  }
0x5c: {  	_ =	shalt  }
0x5d: {  	_ =	shalt  }
0x5e: {  	_ =	shalt  }
0x5f: {  	_ =	shalt  }
0x60: {  	_ =	shalt  }
0x61: {  	_ =	shalt  }
0x62: {  	_ =	shalt  }
0x63: {  	_ =	shalt  }
0x64: {  	_ =	shalt  }
0x65: {  	_ =	shalt  }
0x66: {  	_ =	shalt  }
0x67: {  	_ =	shalt  }
0x68: {  	_ =	shalt  }
0x69: {  	_ =	shalt  }
0x6a: {  	_ =	shalt  }
0x6b: {  	_ =	shalt  }
0x6c: {  	_ =	shalt  }
0x6d: {  	_ =	shalt  }
0x6e: {  	_ =	shalt  }
0x6f: {  	_ =	shalt  }
0x70: {  	_ =	shalt  }
0x71: {  	_ =	shalt  }
0x72: {  	_ =	shalt  }
0x73: {  	_ =	shalt  }
0x74: {  	_ =	shalt  }
0x75: {  	_ =	shalt  }
0x76: {  	_ =	shalt  }
0x77: {  	_ =	shalt  }
0x78: {  	_ =	shalt  }
0x79: {  	_ =	shalt  }
0x7a: {  	_ =	shalt  }
0x7b: {  	_ =	shalt  }
0x7c: {  	_ =	shalt  }
0x7d: {  	_ =	shalt  }
0x7e: {  	_ =	shalt  }
0x7f: {  	_ =	shalt  }
0x80: {  	_ =	shalt  }
0x81: {  	_ =	shalt  }
0x82: {  	_ =	shalt  }
0x83: {  	_ =	shalt  }
0x84: {  	_ =	shalt  }
0x85: {  	_ =	shalt  }
0x86: {  	_ =	shalt  }
0x87: {  	_ =	shalt  }
.Lfunc_end0:
.L_simem_size_0:
called_computation_lowered:
.L_overlay_start_0:
0x88: {  	s2 =	sld [smem:$0x3FD9]  }
0x89: {  	s3 =	sld [smem:$0x3FFE];
	_ =	sdelay $0x1  }
0x8a: {  	s1 =	srdreg.scid  }
0x8b: {  	s0 =	sand.u32 $0x1, s1  }
0x8c: {  	s17 =	sshll.u32 s0, $0xA;
	s2 =	sadd.s32 s3, s2  }
0x8d: {  	s2 =	sadd.s32 s2, s17  }
0x8e: {  	[smem:$0x3F9E] =	sst s2  }
0x8f: {  	_ = 	snop  }
0x90: {  	s2 =	sld [smem:$0x3FD0];
	(tm) =	ssettm $0x1  }
0x91: {  	s18 =	sld [smem:$0x3FFB];
	_ =	sdelay $0x3  }
0x92: {  	_ =	strace s18  }
0x93: {  	s3 =	sld [smem:$0x3FFC];
	_ =	sdelay $0x3  }
0x94: {  	_ =	strace s3  }
0x95: {  	s3 =	sld [smem:$0x3FFD];
	_ =	sdelay $0x3  }
0x96: {  	_ =	strace s3  }
0x97: {  	_ =	strace $0x8FFFFFFF  }
0x98: {  	s19 =	sld [smem:$0x3FDB];
	_ =	sdelay $0x1  }
0x99: {  	s4 =	simm.s32 $_scs_section_size  }
0x9a: {  	s5 =	simm.s32 $_size__tile_overlayer_lowered;
	s6 =	simm.s32 $_tile_overlayer_lowered  }
0x9b: {  	s22 =	simm.s32 $0x1BFF;
	s21 =	sshll.u32 s6, $0x1;
	s3 =	sadd.s32 s4, s19  }
0x9c: {  	s7 =	simm.s32 $0x0;
	s20 =	sshll.u32 s5, $0x1;
	s5 =	sadd.s32 s21, s3  }
0x9d: {  	[timem:s7], [sflag:s22] =	dma.local [hbm:s5], s20  }
0x9e: {  	_ =	swait.ge [sflag:s22], s20  }
0x9f: {  	s4 =	ssub.s32 $0x0, s20;
	[sflag:s22] =	ssyncset.done $0x0  }
0xa0: {  	[sflag:s22] =	ssyncadd.s32 s4;
	_ =	sdelay $0x1  }
0xa1: {  	s23 =	simm.s32 $0x1B8B  }
0xa2: {  	_ =	swait.ge [sflag:s23], $0x1  }
0xa3: {  	[sflag:s23] =	ssyncset.done $0x0  }
0xa4: {  	s25 =	simm.s32 $0x1B8E;
	s24 =	sld [smem:$0x3FFE];
	[sflag:s23] =	ssyncadd.s32 $0xFFFFFFFF  }
0xa5: {  	s26 =	simm.s32 $execute0_lowered;
	[smem:$0x3FD2] =	sst s25  }
0xa6: {  	s5 =	sshll.u32 s26, $0x1;
	_ =	strace $0x80000046;
	[dreg:$0x1] =	wrdreg $0xFFFFFFFF  }
0xa7: {  	s28 =	simm.s32 $_size_execute0_lowered;
	s3 =	sadd.s32 s3, s5;
	[dreg:$0x0] =	wrdreg $0x0  }
0xa8: {  	s5 =	sshll.u32 s28, $0x1;
	[dreg:$0x2] =	wrdreg s3  }
0xa9: {  	[dreg:$0x3] =	wrdreg s5  }
0xaa: {  	[dreg:$0x4] =	wrdreg $0xC0  }
0xab: {  	_ =	task [dreg:s7], $0x5FFFF  }
0xac: {  	[dreg:$0x1] =	wrdreg $0xFFFFFFFF  }
0xad: {  	[dreg:$0x0] =	wrdreg $0x60  }
0xae: {  	[dreg:$0x2] =	wrdreg s24  }
0xaf: {  	[dreg:$0x3] =	wrdreg s2  }
0xb0: {  	[dreg:$0x4] =	wrdreg $0x9  }
0xb1: {  	_ =	task.clear_ibuf [dreg:s7], $0x5FFFF;
	_ =	strace $0x90000046  }
0xb2: {  	s29 =	simm.s32 $0x9;
	_ =	strace $0x80000048  }
0xb3: {  	_ =	swait.ge [sflag:s29], $0x1  }
0xb4: {  	[sflag:s29] =	ssyncadd.s32 $0xFFFFFFFF  }
0xb5: {  	_ =	strace $0x90000048  }
0xb6: {  	_ =	sfence  }
0xb7: {  	s30 =	sld [smem:$0x0];
	_ =	sdelay $0x2  }
0xb8: {  	s31 =	sshll.u32 s1, $0xD;
	s1 =	sshrl.u32 s1, $0x2  }
0xb9: {  	s3 =	sand.u32 $0x4000, s31;
	s1 =	sadd.s32 s1, s30  }
0xba: {  	s0 =	sor.u32 s3, s0;
	s1 =	sshll.u32 s1, $0x11  }
0xbb: {  	s0 =	sor.u32 s1, s0  }
0xbc: {  	s0 =	sadd.s32 $0x8F2B, s0  }
0xbd: {  	[sflag:s0] =	ssyncadd.remote.s32 $0x1  }
0xbe: {  	_ =	sfence.sel $0xFFFF  }
0xbf: {  	[dreg:$0x0] =	wrdreg $0xFFFFFFFF;
	(pc) =	sbr.abs _section_cstart, $3  }
0xc0: {  	[dreg:$0x1] =	wrdreg $0xFFFFFFFF  }
0xc1: {  	_ =	task.clear_ibuf [dreg:s7], $0x2FFFF;
	_ =	strace $0x9FFFFFFF  }
0xc2: {  	(tm) =	ssettm $0x7FFFFFFF  }
0xc3: {  	_ =	shalt  }
tec
execute0_lowered:
.L_overlay_start_1:
0x0: {  	(tag) =	ssettag $0x1  }
0x1: {  	s0 =	rddreg [dreg:$0x0]  }
0x2: {  	s1 =	rddreg [dreg:$0x1]  }
0x3: {  	s30 =	simm.s32 $0x0;
	[dreg:$0xc] =	wrdreg s1  }
0x4: {  	[smem:$0x7FF] =	sst s30;
	s2 =	sadd.s32 $0x16A00, s0  }
0x5: {  	s31 =	sadd.s32 $0x4800, s0;
	_ =	strace $0x80000047;
	[dreg:$0x3] =	wrdreg s2  }
0x6: {  	s1 =	sadd.s32 $0x4A00, s0;
	[dreg:$0x4] =	wrdreg s31  }
0x7: {  	s3 =	sadd.s32 $0x4C00, s0;
	[dreg:$0x5] =	wrdreg s1  }
0x8: {  	s4 =	sadd.s32 $0x4E00, s0;
	[dreg:$0x6] =	wrdreg s3  }
0x9: {  	s5 =	sadd.s32 $0x5000, s0;
	[dreg:$0x7] =	wrdreg s4  }
0xa: {  	s6 =	sadd.s32 $0x6200, s0;
	[dreg:$0x8] =	wrdreg s5  }
0xb: {  	s7 =	sadd.s32 $0x15400, s0;
	[dreg:$0x9] =	wrdreg s6  }
0xc: {  	s8 =	sadd.s32 $0x15600, s0;
	[dreg:$0xa] =	wrdreg s7  }
0xd: {  	s9 =	sadd.s32 $0x15800, s0;
	[dreg:$0xb] =	wrdreg s8  }
0xe: {  	s19 =	simm.s32 $0xFFFFFFFF;
	[dreg:$0xd] =	wrdreg s9  }
0xf: {  	s21 =	simm.s32 $0x4000;
	[dreg:$0x11] =	wrdreg s19  }
0x10: {  	s23 =	simm.s32 $0x80;
	[dreg:$0x12] =	wrdreg s21  }
0x11: {  	s24 =	simm.s32 $0xC0;
	[dreg:$0x13] =	wrdreg s23  }
0x12: {  	s25 =	simm.s32 $0x100;
	[dreg:$0x14] =	wrdreg s24  }
0x13: {  	s26 =	simm.s32 $0x140;
	[dreg:$0x15] =	wrdreg s25  }
0x14: {  	s28 =	simm.s32 $0x180;
	[dreg:$0x16] =	wrdreg s26  }
0x15: {  	s29 =	simm.s32 $0x1C0;
	s8 =	stileid.u32;
	[dreg:$0x17] =	wrdreg s28  }
0x16: {  	s30 =	simm.s32 $0x200;
	s4 =	srdreg.scid;
	[dreg:$0x18] =	wrdreg s29  }
0x17: {  	s19 =	simm.s32 $0x2080;
	[dreg:$0x19] =	wrdreg s30;
	s31 =	simm.s32 $0x240  }
0x18: {  	s21 =	simm.s32 $0x2C80;
	s25 =	simm.s32 $0x1;
	s10 =	sshll.u32 s8, $0xB  }
0x19: {  	s3 =	sshll.u32 s8, $0xC;
	s4 =	sand.u32 $0x1, s4;
	s5 =	sshll.u32 s8, $0xA  }
0x1a: {  	s11 =	sshll.u32 s8, $0xD;
	[dreg:$0x1a] =	wrdreg s31;
	s2 =	sadd.s32 s10, s0  }
0x1b: {  	s3 =	sadd.s32 s3, s0;
	s6 =	sshll.u32 s4, $0x9;
	s7 =	ssub.s32 $0x2, s4  }
0x1c: {  	s13 =	sshll.u32 s4, $0xC;
	s22 =	sshll.u32 s4, $0xB;
	s9 =	sor.u32 s6, s5  }
0x1d: {  	s4 =	sshll.u32 s4, $0xA;
	s14 =	sadd.s32 $0x5FA00, s3;
	[dreg:$0x1b] =	wrdreg s9  }
0x1e: {  	s12 =	sshrl.u32 s7, $0x1;
	s15 =	sadd.s32 $0x43A00, s3;
	[dreg:$0x1f] =	wrdreg s14  }
0x1f: {  	s3 =	sadd.s32 $0x33A00, s3;
	s2 =	sadd.s32 s4, s2;
	[smem:$0x7F9] =	sst s15  }
0x20: {  	s5 =	sadd.s32 s11, s0;
	[smem:$0x7FA] =	sst s3;
	s18 =	sadd.s32 $0x57A00, s2  }
0x21: {  	s6 =	ssub.s32 s7, s12;
	s20 =	sadd.s32 $0x2BA00, s2;
	[smem:$0x7FB] =	sst s18  }
0x22: {  	s0 =	sadd.s32 s9, s0;
	s2 =	sadd.s32 $0x1BA00, s2;
	[smem:$0x7FC] =	sst s20  }
0x23: {  	s5 =	sadd.s32 s13, s5;
	s6 =	smax.u32 s6, $0x1;
	[smem:$0x7FD] =	sst s2  }
0x24: {  	s13 =	simm.s32 $0x680;
	s5 =	sadd.s32 $0x6FA00, s5;
	[dreg:$0x1d] =	wrdreg s6  }
0x25: {  	s14 =	simm.s32 $0x880;
	s16 =	sadd.s32 $0x23A00, s0;
	[dreg:$0x1e] =	wrdreg s5  }
0x26: {  	s15 =	simm.s32 $0xA80;
	s17 =	sadd.s32 $0x27A00, s0;
	[dreg:$0xe] =	wrdreg s16  }
0x27: {  	s0 =	sadd.s32 $0x53A00, s0;
	s18 =	simm.s32 $0x1E80;
	[dreg:$0xf] =	wrdreg s17  }
0x28: {  	s20 =	simm.s32 $0x2480;
	s2 =	simm.s32 $0x0;
	[dreg:$0x10] =	wrdreg s0  }
0x29: {  	s6 =	simm.s32 $0x280;
	s16 =	simm.s32 $0xE80;
	s17 =	simm.s32 $0x1680  }
.LBB2_1:
0x2a: {  	s0 =	simm.s32 $0x0;
	s8 =	rddreg [dreg:$0x1b]  }
0x2b: {  	[smem:$0x7F8] =	sst s2;
	s0 =	sand.u32 $0x1, s0;
	s2 =	sadd.s32 $0x0, s8  }
0x2c: {  	p0 =	seq.s32 s0, $0x1;
	p1 =	seq.s32 s2, $0x0  }
0x2d: {  	p0 =	por !p1, !p0  }
0x2e: {  	s0 =	rddreg [dreg:$0x11];
	p0 =	por !p0, !p0  }
0x2f: {  	s0 =	simm.s32 @!p0 $0x0  }
0x30: {  	s0 =	sshll.u32 s0, $0x7  }
0x31: {  	s1 =	simm.s32 $0x0;
	s0 =	sadd.s32 s0, s2  }
0x32: {  	s9 =	sand.u32 $0x40, s1;
	s0 =	sand.u32 $0xFFFFFF80, s0  }
0x33: {  	s3 =	rddreg [dreg:$0x3];
	s0 =	sor.u32 s9, s0  }
0x34: {  	s10 =	rddreg [dreg:$0x12];
	s0 =	sshrl.u32 s0, $0x3  }
0x35: {  	s12 =	simm.s32 $0x40;
	s11 =	simm.s32 $0x3;
	s0 =	sadd.s32 s3, s0  }
0x36: {  	[tilespmem:s1], [sflag:$0x3] =	stream.strided.gather [hbm4b:s0+s12], $0x280, s10, s12, $0x38;
	[tilespmem:$0x3C80] =	vst v63  }
0x37: {  	_ =	swait.ge [sflag:s11], $0x280  }
0x38: {  	p0 =	por $0x1, $0x1;
	[sflag:s11] =	ssyncset.done $0x0  }
0x39: {  	s0 =	simm.s32 @!p0 $0x2;
	[sflag:s11] =	ssyncadd.s32 $0xFFFFFD80  }
0x3a: {  	_ =	swait.ge @!p0 [sflag:s0], $0x400  }
0x3b: {  	[sflag:s0] =	ssyncset.done @!p0 $0x0  }
0x3c: {  	[sflag:s0] =	ssyncadd.s32 @!p0 $0xFFFFFC00  }
0x3d: {  	_ =	swait.ge @!p0 [sflag:s0], $0x200  }
0x3e: {  	[sflag:s0] =	ssyncset.done @!p0 $0x0  }
0x3f: {  	[sflag:s0] =	ssyncadd.s32 @!p0 $0xFFFFFE00  }
0x40: {  	_ =	swait.ge @!p0 [sflag:s0], $0x200  }
0x41: {  	[sflag:s0] =	ssyncset.done @!p0 $0x0  }
0x42: {  	[sflag:s0] =	ssyncadd.s32 @!p0 $0xFFFFFE00  }
0x43: {  	_ =	swait.ge @!p0 [sflag:s0], $0x400  }
0x44: {  	[sflag:s0] =	ssyncset.done @!p0 $0x0  }
0x45: {  	[sflag:s0] =	ssyncadd.s32 @!p0 $0xFFFFFC00  }
0x46: {  	_ =	swait.ge @!p0 [sflag:s0], $0x800  }
0x47: {  	[sflag:s0] =	ssyncset.done @!p0 $0x0  }
0x48: {  	[sflag:s0] =	ssyncadd.s32 @!p0 $0xFFFFF800  }
0x49: {  	_ =	swait.ge @!p0 [sflag:s0], $0x800  }
0x4a: {  	[sflag:s0] =	ssyncset.done @!p0 $0x0  }
0x4b: {  	[sflag:s0] =	ssyncadd.s32 @!p0 $0xFFFFF800  }
0x4c: {  	_ =	swait.ge @!p0 [sflag:s0], $0x200  }
0x4d: {  	[sflag:s0] =	ssyncset.done @!p0 $0x0  }
0x4e: {  	[sflag:s0] =	ssyncadd.s32 @!p0 $0xFFFFFE00  }
0x4f: {  	_ =	swait.ge @!p0 [sflag:s0], $0x400  }
0x50: {  	[sflag:s0] =	ssyncset.done @!p0 $0x0  }
0x51: {  	[sflag:s0] =	ssyncadd.s32 @!p0 $0xFFFFFC00  }
0x52: {  	_ =	swait.ge @!p0 [sflag:s0], $0x800  }
0x53: {  	[sflag:s0] =	ssyncset.done @!p0 $0x0  }
0x54: {  	[sflag:s0] =	ssyncadd.s32 @!p0 $0xFFFFF800  }
0x55: {  	_ =	swait.ge @!p0 [sflag:s0], $0x1000  }
0x56: {  	s23 =	rddreg [dreg:$0x5]  }
0x57: {  	s24 =	rddreg [dreg:$0x15]  }
0x58: {  	s4 =	rddreg [dreg:$0x16]  }
0x59: {  	s5 =	rddreg [dreg:$0x7]  }
0x5a: {  	s7 =	rddreg [dreg:$0x13]  }
0x5b: {  	s8 =	rddreg [dreg:$0x18]  }
0x5c: {  	s9 =	rddreg [dreg:$0x6]  }
0x5d: {  	s10 =	rddreg [dreg:$0x4];
	[sflag:s0] =	ssyncset.done @!p0 $0x0  }
0x5e: {  	s11 =	rddreg [dreg:$0x17];
	[sflag:s0] =	ssyncadd.s32 @!p0 $0xFFFFF000  }
0x5f: {  	[tilespmem:s6], [sflag:$0x1] =	stream.indirect.gather [hbm4b:s10+s12], $0x10, s1, s12, $0xb8;
	[tilespmem:$0x3C80] =	vst v63  }
0x60: {  	s26 =	rddreg [dreg:$0x1a]  }
0x61: {  	[tilespmem:s13], [sflag:$0x1] =	stream.indirect.gather [hbm4b:s23+s12], $0x8, s12, s12, $0xb8;
	[tilespmem:$0x3C80] =	vst v63  }
0x62: {  	s6 =	rddreg [dreg:$0x19]  }
0x63: {  	[tilespmem:s14], [sflag:$0x1] =	stream.indirect.gather [hbm4b:s9+s12], $0x8, s7, s12, $0xb8;
	[tilespmem:$0x3C80] =	vst v63  }
0x64: {  	s13 =	rddreg [dreg:$0x14]  }
0x65: {  	[tilespmem:s15], [sflag:$0x1] =	stream.indirect.gather [hbm4b:s5+s12], $0x10, s13, s12, $0xb8;
	[tilespmem:$0x3C80] =	vst v63  }
0x66: {  	s14 =	rddreg [dreg:$0x8]  }
0x67: {  	[tilespmem:s16], [sflag:$0x1] =	stream.indirect.gather [hbm4b:s14+s12], $0x20, s24, s12, $0xb8;
	[tilespmem:$0x3C80] =	vst v63  }
0x68: {  	s15 =	rddreg [dreg:$0x9]  }
0x69: {  	[tilespmem:s17], [sflag:$0x1] =	stream.indirect.gather [hbm4b:s15+s12], $0x20, s4, s12, $0xb8;
	[tilespmem:$0x3C80] =	vst v63  }
0x6a: {  	s16 =	rddreg [dreg:$0xa]  }
0x6b: {  	[tilespmem:s18], [sflag:$0x1] =	stream.indirect.gather [hbm4b:s16+s12], $0x8, s11, s12, $0xb8;
	[tilespmem:$0x3C80] =	vst v63  }
0x6c: {  	s17 =	rddreg [dreg:$0xb]  }
0x6d: {  	[tilespmem:s19], [sflag:$0x1] =	stream.indirect.gather [hbm4b:s17+s12], $0x10, s8, s12, $0xb8;
	[tilespmem:$0x3C80] =	vst v63  }
0x6e: {  	s18 =	rddreg [dreg:$0xc]  }
0x6f: {  	[tilespmem:s20], [sflag:$0x1] =	stream.indirect.gather [hbm4b:s18+s12], $0x20, s6, s12, $0xb8;
	[tilespmem:$0x3C80] =	vst v63  }
0x70: {  	s23 =	rddreg [dreg:$0xd]  }
0x71: {  	[tilespmem:s21], [sflag:$0x1] =	stream.indirect.gather [hbm4b:s23+s12], $0x40, s26, s12, $0xb8;
	[tilespmem:$0x3C80] =	vst v63  }
0x72: {  	_ =	swait.ge [sflag:s25], $0x400  }
0x73: {  	[sflag:s25] =	ssyncset.done $0x0  }
0x74: {  	[sflag:s25] =	ssyncadd.s32 $0xFFFFFC00  }
0x75: {  	_ =	swait.ge [sflag:s25], $0x200  }
0x76: {  	[sflag:s25] =	ssyncset.done $0x0  }
0x77: {  	[sflag:s25] =	ssyncadd.s32 $0xFFFFFE00  }
0x78: {  	_ =	swait.ge [sflag:s25], $0x200  }
0x79: {  	s26 =	sld [smem:$0x7FC]  }
0x7a: {  	s3 =	sld [smem:$0x7FD]  }
0x7b: {  	s28 =	sld [smem:$0x7FA]  }
0x7c: {  	s10 =	sld [smem:$0x7FB]  }
0x7d: {  	s9 =	rddreg [dreg:$0x1f]  }
0x7e: {  	s29 =	simm.s32 $0x40;
	s15 =	simm.s32 $0x80;
	s12 =	sld [smem:$0x7F9]  }
0x7f: {  	s11 =	simm.s32 $0x0;
	[sflag:s25] =	ssyncset.done $0x0;
	s24 =	rddreg [dreg:$0x1e]  }
0x80: {  	[sflag:s25] =	ssyncadd.s32 $0xFFFFFE00;
	s0 =	sadd.s32 $0x100, s9;
	s31 =	smov.u32 s24  }
0x81: {  	s6 =	smov.u32 s24;
	s2 =	sadd.s32 $0x80, s26;
	s7 =	sadd.s32 $0x80, s3  }
0x82: {  	s4 =	sadd.s32 $0x100, s28;
	s30 =	sadd.s32 $0x80, s10;
	s5 =	sadd.s32 $0x100, s12  }
.LBB2_2:
0x83: {  	_ =	swait.ge [sflag:s25], $0x400  }
0x84: {  	[sflag:s25] =	ssyncset.done $0x0  }
0x85: {  	[sflag:s25] =	ssyncadd.s32 $0xFFFFFC00  }
0x86: {  	_ =	swait.ge [sflag:s25], $0x800  }
0x87: {  	[sflag:s25] =	ssyncset.done $0x0  }
0x88: {  	[sflag:s25] =	ssyncadd.s32 $0xFFFFF800  }
0x89: {  	s14 =	rddreg [dreg:$0x1b];
	_ =	swait.ge [sflag:s25], $0x800  }
0x8a: {  	[sflag:s25] =	ssyncset.done $0x0  }
0x8b: {  	[sflag:s25] =	ssyncadd.s32 $0xFFFFF800  }
0x8c: {  	_ =	swait.ge [sflag:s25], $0x200  }
0x8d: {  	[sflag:s25] =	ssyncset.done $0x0  }
0x8e: {  	[sflag:s25] =	ssyncadd.s32 $0xFFFFFE00  }
0x8f: {  	_ =	swait.ge [sflag:s25], $0x400  }
0x90: {  	s16 =	smov.u32 s15;
	[sflag:s25] =	ssyncset.done $0x0  }
0x91: {  	s17 =	sshrl.u32 s29, $0x6;
	s1 =	simm.s32 $0x280;
	[sflag:s25] =	ssyncadd.s32 $0xFFFFFC00  }
0x92: {  	s13 =	simm.s32 $0x0;
	s23 =	simm.s32 $0x880;
	_ =	swait.ge [sflag:s25], $0x800  }
0x93: {  	s24 =	simm.s32 $0xA80;
	s18 =	sand.u32 $0x1, s17;
	[sflag:s25] =	ssyncset.done $0x0  }
0x94: {  	s9 =	sadd.s32 s9, s22;
	p1 =	seq.s32 s18, $0x1;
	[sflag:s25] =	ssyncadd.s32 $0xFFFFF800  }
0x95: {  	s17 =	sadd.s32 s29, s14;
	s14 =	simm.s32 $0x680;
	_ =	swait.ge [sflag:s25], $0x1000  }
0x96: {  	p2 =	seq.s32 s17, $0x0;
	[sflag:s25] =	ssyncset.done $0x0;
	s8 =	rddreg [dreg:$0xe]  }
0x97: {  	p1 =	por !p2, !p1;
	s19 =	rddreg [dreg:$0x11];
	[sflag:s25] =	ssyncadd.s32 $0xFFFFF000  }
0x98: {  	[hbm4b:s3+s13] =	stream.linear.scatter [tilespmem:s1], [sflag:$0x2], $0x400, $0x38;
	[tilespmem:$0x3C80] =	vst v63  }
0x99: {  	p1 =	por !p1, !p1;
	s20 =	rddreg [dreg:$0xf];
	s18 =	sadd.s32 s11, s8  }
0x9a: {  	[hbm4b:s18+s13] =	stream.linear.scatter [tilespmem:s14], [sflag:$0x2], $0x200, $0x38;
	[tilespmem:$0x3C80] =	vst v63  }
0x9b: {  	s21 =	rddreg [dreg:$0x10];
	s20 =	sadd.s32 s11, s20;
	s14 =	smov.u32 s4  }
0x9c: {  	[hbm4b:s20+s13] =	stream.linear.scatter [tilespmem:s23], [sflag:$0x2], $0x200, $0x38;
	[tilespmem:$0x3C80] =	vst v63  }
0x9d: {  	s19 =	simm.s32 @!p1 $0x0;
	s8 =	sadd.s32 s28, s22;
	[dreg:$0x1c] =	wrdreg s14  }
0x9e: {  	[hbm4b:s26+s13] =	stream.linear.scatter [tilespmem:s24], [sflag:$0x2], $0x400, $0x38;
	[tilespmem:$0x3C80] =	vst v63  }
0x9f: {  	s14 =	simm.s32 $0x1E80;
	s20 =	simm.s32 $0xE80;
	s23 =	sadd.s32 s12, s22  }
0xa0: {  	[hbm4b:s8+s13] =	stream.linear.scatter [tilespmem:s20], [sflag:$0x2], $0x800, $0x38;
	[tilespmem:$0x3C80] =	vst v63  }
0xa1: {  	s12 =	sadd.s32 s11, s21;
	s24 =	simm.s32 $0x1680;
	s8 =	sshll.u32 s19, $0x7  }
0xa2: {  	[hbm4b:s23+s13] =	stream.linear.scatter [tilespmem:s24], [sflag:$0x2], $0x800, $0x38;
	[tilespmem:$0x3C80] =	vst v63  }
0xa3: {  	s11 =	smov.u32 s29;
	s29 =	smov.u32 s16;
	s17 =	sadd.s32 s8, s17  }
0xa4: {  	[hbm4b:s12+s13] =	stream.linear.scatter [tilespmem:s14], [sflag:$0x2], $0x200, $0x38;
	[tilespmem:$0x3C80] =	vst v63  }
0xa5: {  	s18 =	sand.u32 $0x40, s11;
	s19 =	simm.s32 $0x2080;
	s17 =	sand.u32 $0xFFFFFF80, s17  }
0xa6: {  	[hbm4b:s10+s13] =	stream.linear.scatter [tilespmem:s19], [sflag:$0x2], $0x400, $0x38;
	[tilespmem:$0x3C80] =	vst v63  }
0xa7: {  	s21 =	simm.s32 $0x2480;
	s20 =	rddreg [dreg:$0x3];
	s16 =	sor.u32 s18, s17  }
0xa8: {  	[hbm4b:s9+s13] =	stream.linear.scatter [tilespmem:s21], [sflag:$0x2], $0x800, $0x38;
	[tilespmem:$0x3C80] =	vst v63  }
0xa9: {  	s8 =	simm.s32 $0x40;
	s24 =	simm.s32 $0x2C80;
	s16 =	sshrl.u32 s16, $0x3  }
0xaa: {  	[hbm4b:s6+s13] =	stream.linear.scatter [tilespmem:s24], [sflag:$0x2], $0x1000, $0x38;
	[tilespmem:$0x3C80] =	vst v63  }
0xab: {  	s23 =	rddreg [dreg:$0x12];
	s16 =	sadd.s32 s20, s16;
	s6 =	simm.s32 $0x3  }
0xac: {  	[tilespmem:s13], [sflag:$0x3] =	stream.strided.gather [hbm4b:s16+s8], $0x280, s23, s8, $0x38;
	[tilespmem:$0x3C80] =	vst v63  }
0xad: {  	_ =	swait.ge [sflag:s6], $0x280  }
0xae: {  	p1 =	seq.s32 s11, $0x0;
	[sflag:s6] =	ssyncset.done $0x0  }
0xaf: {  	s16 =	simm.s32 @!p1 $0x2;
	[sflag:s6] =	ssyncadd.s32 $0xFFFFFD80  }
0xb0: {  	_ =	swait.ge @!p1 [sflag:s16], $0x400  }
0xb1: {  	[sflag:s16] =	ssyncset.done @!p1 $0x0  }
0xb2: {  	[sflag:s16] =	ssyncadd.s32 @!p1 $0xFFFFFC00  }
0xb3: {  	_ =	swait.ge @!p1 [sflag:s16], $0x200  }
0xb4: {  	[sflag:s16] =	ssyncset.done @!p1 $0x0  }
0xb5: {  	[sflag:s16] =	ssyncadd.s32 @!p1 $0xFFFFFE00  }
0xb6: {  	_ =	swait.ge @!p1 [sflag:s16], $0x200  }
0xb7: {  	[sflag:s16] =	ssyncset.done @!p1 $0x0  }
0xb8: {  	[sflag:s16] =	ssyncadd.s32 @!p1 $0xFFFFFE00  }
0xb9: {  	_ =	swait.ge @!p1 [sflag:s16], $0x400  }
0xba: {  	[sflag:s16] =	ssyncset.done @!p1 $0x0  }
0xbb: {  	[sflag:s16] =	ssyncadd.s32 @!p1 $0xFFFFFC00  }
0xbc: {  	_ =	swait.ge @!p1 [sflag:s16], $0x800  }
0xbd: {  	[sflag:s16] =	ssyncset.done @!p1 $0x0  }
0xbe: {  	[sflag:s16] =	ssyncadd.s32 @!p1 $0xFFFFF800  }
0xbf: {  	_ =	swait.ge @!p1 [sflag:s16], $0x800  }
0xc0: {  	[sflag:s16] =	ssyncset.done @!p1 $0x0  }
0xc1: {  	[sflag:s16] =	ssyncadd.s32 @!p1 $0xFFFFF800  }
0xc2: {  	_ =	swait.ge @!p1 [sflag:s16], $0x200  }
0xc3: {  	[sflag:s16] =	ssyncset.done @!p1 $0x0  }
0xc4: {  	[sflag:s16] =	ssyncadd.s32 @!p1 $0xFFFFFE00  }
0xc5: {  	_ =	swait.ge @!p1 [sflag:s16], $0x400  }
0xc6: {  	[sflag:s16] =	ssyncset.done @!p1 $0x0  }
0xc7: {  	[sflag:s16] =	ssyncadd.s32 @!p1 $0xFFFFFC00  }
0xc8: {  	_ =	swait.ge @!p1 [sflag:s16], $0x800  }
0xc9: {  	[sflag:s16] =	ssyncset.done @!p1 $0x0  }
0xca: {  	[sflag:s16] =	ssyncadd.s32 @!p1 $0xFFFFF800  }
0xcb: {  	_ =	swait.ge @!p1 [sflag:s16], $0x1000  }
0xcc: {  	s17 =	rddreg [dreg:$0x5]  }
0xcd: {  	s18 =	rddreg [dreg:$0x15]  }
0xce: {  	s19 =	rddreg [dreg:$0x16]  }
0xcf: {  	s20 =	rddreg [dreg:$0x7]  }
0xd0: {  	s21 =	rddreg [dreg:$0x18]  }
0xd1: {  	s1 =	smov.u32 s22;
	s22 =	rddreg [dreg:$0x6]  }
0xd2: {  	s23 =	rddreg [dreg:$0x4]  }
0xd3: {  	[sflag:s16] =	ssyncset.done @!p1 $0x0;
	s24 =	rddreg [dreg:$0x17]  }
0xd4: {  	s6 =	simm.s32 $0x280;
	s14 =	rddreg [dreg:$0x1a];
	[sflag:s16] =	ssyncadd.s32 @!p1 $0xFFFFF000  }
0xd5: {  	[tilespmem:s6], [sflag:$0x1] =	stream.indirect.gather [hbm4b:s23+s8], $0x10, s13, s8, $0xb8;
	[tilespmem:$0x3C80] =	vst v63  }
0xd6: {  	s16 =	rddreg [dreg:$0x13];
	s13 =	simm.s32 $0x680  }
0xd7: {  	[tilespmem:s13], [sflag:$0x1] =	stream.indirect.gather [hbm4b:s17+s8], $0x8, s8, s8, $0xb8;
	[tilespmem:$0x3C80] =	vst v63  }
0xd8: {  	s31 =	sadd.s32 $0x200, s31;
	s23 =	rddreg [dreg:$0x19];
	s13 =	simm.s32 $0x880  }
0xd9: {  	[tilespmem:s13], [sflag:$0x1] =	stream.indirect.gather [hbm4b:s22+s8], $0x8, s16, s8, $0xb8;
	[tilespmem:$0x3C80] =	vst v63  }
0xda: {  	s28 =	smov.u32 s5;
	s17 =	rddreg [dreg:$0x14];
	s13 =	simm.s32 $0xA80  }
0xdb: {  	[tilespmem:s13], [sflag:$0x1] =	stream.indirect.gather [hbm4b:s20+s8], $0x10, s17, s8, $0xb8;
	[tilespmem:$0x3C80] =	vst v63  }
0xdc: {  	s12 =	smov.u32 s30;
	s16 =	rddreg [dreg:$0x8];
	s13 =	simm.s32 $0xE80  }
0xdd: {  	[tilespmem:s13], [sflag:$0x1] =	stream.indirect.gather [hbm4b:s16+s8], $0x20, s18, s8, $0xb8;
	[tilespmem:$0x3C80] =	vst v63  }
0xde: {  	s10 =	smov.u32 s0;
	s20 =	rddreg [dreg:$0x9];
	s18 =	simm.s32 $0x1680  }
0xdf: {  	[tilespmem:s18], [sflag:$0x1] =	stream.indirect.gather [hbm4b:s20+s8], $0x20, s19, s8, $0xb8;
	[tilespmem:$0x3C80] =	vst v63  }
0xe0: {  	s9 =	smov.u32 s31;
	s16 =	rddreg [dreg:$0xa];
	s13 =	simm.s32 $0x1E80  }
0xe1: {  	[tilespmem:s13], [sflag:$0x1] =	stream.indirect.gather [hbm4b:s16+s8], $0x8, s24, s8, $0xb8;
	[tilespmem:$0x3C80] =	vst v63  }
0xe2: {  	s6 =	smov.u32 s9;
	s20 =	rddreg [dreg:$0xb];
	s19 =	simm.s32 $0x2080  }
0xe3: {  	[tilespmem:s19], [sflag:$0x1] =	stream.indirect.gather [hbm4b:s20+s8], $0x10, s21, s8, $0xb8;
	[tilespmem:$0x3C80] =	vst v63  }
0xe4: {  	s9 =	smov.u32 s10;
	s18 =	rddreg [dreg:$0xc];
	s21 =	simm.s32 $0x2480  }
0xe5: {  	[tilespmem:s21], [sflag:$0x1] =	stream.indirect.gather [hbm4b:s18+s8], $0x20, s23, s8, $0xb8;
	[tilespmem:$0x3C80] =	vst v63  }
0xe6: {  	s10 =	smov.u32 s12;
	s24 =	simm.s32 $0x2C80;
	s20 =	rddreg [dreg:$0xd]  }
0xe7: {  	[tilespmem:s24], [sflag:$0x1] =	stream.indirect.gather [hbm4b:s20+s8], $0x40, s14, s8, $0xb8;
	[tilespmem:$0x3C80] =	vst v63  }
0xe8: {  	s12 =	smov.u32 s28;
	s28 =	rddreg [dreg:$0x1c];
	_ =	swait.ge [sflag:s25], $0x400  }
0xe9: {  	[sflag:s25] =	ssyncset.done $0x0  }
0xea: {  	s15 =	sadd.s32 $0x40, s15;
	[sflag:s25] =	ssyncadd.s32 $0xFFFFFC00  }
0xeb: {  	p0 =	sne.s32 s15, $0x200;
	_ =	swait.ge [sflag:s25], $0x200  }
.Ltmp0:
0xec: {  	s5 =	sadd.s32 $0x100, s5;
	[sflag:s25] =	ssyncset.done $0x0;
	(pc) =	sbr.rel @p0 .LBB2_2-.Ltmp0, $4  }
0xed: {  	s3 =	smov.u32 s7;
	s7 =	sadd.s32 $0x80, s7;
	[sflag:s25] =	ssyncadd.s32 $0xFFFFFE00  }
0xee: {  	s4 =	sadd.s32 $0x100, s4;
	s26 =	smov.u32 s2;
	_ =	swait.ge [sflag:s25], $0x200  }
0xef: {  	s2 =	sadd.s32 $0x80, s2;
	s30 =	sadd.s32 $0x80, s30;
	[sflag:s25] =	ssyncset.done $0x0  }
0xf0: {  	s0 =	sadd.s32 $0x100, s0;
	s22 =	smov.u32 s1;
	[sflag:s25] =	ssyncadd.s32 $0xFFFFFE00  }
0xf1: {  	_ =	swait.ge [sflag:s25], $0x400  }
0xf2: {  	[sflag:s25] =	ssyncset.done $0x0  }
0xf3: {  	[sflag:s25] =	ssyncadd.s32 $0xFFFFFC00  }
0xf4: {  	_ =	swait.ge [sflag:s25], $0x800  }
0xf5: {  	[sflag:s25] =	ssyncset.done $0x0  }
0xf6: {  	[sflag:s25] =	ssyncadd.s32 $0xFFFFF800  }
0xf7: {  	_ =	swait.ge [sflag:s25], $0x800  }
0xf8: {  	[sflag:s25] =	ssyncset.done $0x0  }
0xf9: {  	[sflag:s25] =	ssyncadd.s32 $0xFFFFF800  }
0xfa: {  	_ =	swait.ge [sflag:s25], $0x200  }
0xfb: {  	[sflag:s25] =	ssyncset.done $0x0  }
0xfc: {  	[sflag:s25] =	ssyncadd.s32 $0xFFFFFE00  }
0xfd: {  	_ =	swait.ge [sflag:s25], $0x400  }
0xfe: {  	[sflag:s25] =	ssyncset.done $0x0  }
0xff: {  	[sflag:s25] =	ssyncadd.s32 $0xFFFFFC00  }
0x100: {  	_ =	swait.ge [sflag:s25], $0x800  }
0x101: {  	[sflag:s25] =	ssyncset.done $0x0  }
0x102: {  	[sflag:s25] =	ssyncadd.s32 $0xFFFFF800  }
0x103: {  	_ =	swait.ge [sflag:s25], $0x1000  }
0x104: {  	s15 =	simm.s32 $0x280;
	[sflag:s25] =	ssyncset.done $0x0  }
0x105: {  	s1 =	simm.s32 $0x0;
	s14 =	rddreg [dreg:$0xe];
	[sflag:s25] =	ssyncadd.s32 $0xFFFFF000  }
0x106: {  	[hbm4b:s3+s1] =	stream.linear.scatter [tilespmem:s15], [sflag:$0x2], $0x400, $0x38;
	[tilespmem:$0x3C80] =	vst v63  }
0x107: {  	s16 =	simm.s32 $0x680;
	s19 =	rddreg [dreg:$0xf];
	s14 =	sadd.s32 s11, s14  }
0x108: {  	[hbm4b:s14+s1] =	stream.linear.scatter [tilespmem:s16], [sflag:$0x2], $0x200, $0x38;
	[tilespmem:$0x3C80] =	vst v63  }
0x109: {  	s17 =	simm.s32 $0x880;
	s18 =	simm.s32 $0xA80;
	s3 =	sadd.s32 s11, s19  }
0x10a: {  	[hbm4b:s3+s1] =	stream.linear.scatter [tilespmem:s17], [sflag:$0x2], $0x200, $0x38;
	[tilespmem:$0x3C80] =	vst v63  }
0x10b: {  	s20 =	sadd.s32 s28, s22;
	s23 =	sshrl.u32 s29, $0x6;
	s21 =	rddreg [dreg:$0x10]  }
0x10c: {  	[hbm4b:s26+s1] =	stream.linear.scatter [tilespmem:s18], [sflag:$0x2], $0x400, $0x38;
	[tilespmem:$0x3C80] =	vst v63  }
0x10d: {  	s12 =	sadd.s32 s12, s22;
	s24 =	sand.u32 $0x1, s23;
	s26 =	rddreg [dreg:$0x1b]  }
0x10e: {  	s19 =	simm.s32 $0xE80;
	s3 =	sadd.s32 s11, s21;
	s11 =	sadd.s32 s29, s26  }
0x10f: {  	[hbm4b:s20+s1] =	stream.linear.scatter [tilespmem:s19], [sflag:$0x2], $0x800, $0x38;
	[tilespmem:$0x3C80] =	vst v63  }
0x110: {  	p0 =	seq.s32 s24, $0x1;
	s20 =	simm.s32 $0x1680;
	p1 =	seq.s32 s11, $0x0  }
0x111: {  	[hbm4b:s12+s1] =	stream.linear.scatter [tilespmem:s20], [sflag:$0x2], $0x800, $0x38;
	[tilespmem:$0x3C80] =	vst v63  }
0x112: {  	p0 =	por !p1, !p0;
	s12 =	simm.s32 $0x1E80  }
0x113: {  	[hbm4b:s3+s1] =	stream.linear.scatter [tilespmem:s12], [sflag:$0x2], $0x200, $0x38;
	[tilespmem:$0x3C80] =	vst v63  }
0x114: {  	p0 =	por !p0, !p0;
	s3 =	rddreg [dreg:$0x11]  }
0x115: {  	s3 =	simm.s32 @!p0 $0x0  }
0x116: {  	s3 =	sshll.u32 s3, $0x7  }
0x117: {  	s3 =	sadd.s32 s3, s11;
	s11 =	simm.s32 $0x2080  }
0x118: {  	[hbm4b:s10+s1] =	stream.linear.scatter [tilespmem:s11], [sflag:$0x2], $0x400, $0x38;
	[tilespmem:$0x3C80] =	vst v63  }
0x119: {  	s28 =	sand.u32 $0x40, s29;
	s9 =	sadd.s32 s9, s22;
	s3 =	sand.u32 $0xFFFFFF80, s3  }
0x11a: {  	s8 =	rddreg [dreg:$0x3];
	s21 =	simm.s32 $0x2480;
	s3 =	sor.u32 s28, s3  }
0x11b: {  	[hbm4b:s9+s1] =	stream.linear.scatter [tilespmem:s21], [sflag:$0x2], $0x800, $0x38;
	[tilespmem:$0x3C80] =	vst v63  }
0x11c: {  	s23 =	simm.s32 $0x2C80;
	s13 =	rddreg [dreg:$0x12];
	s3 =	sshrl.u32 s3, $0x3  }
0x11d: {  	[hbm4b:s6+s1] =	stream.linear.scatter [tilespmem:s23], [sflag:$0x2], $0x1000, $0x38;
	[tilespmem:$0x3C80] =	vst v63  }
0x11e: {  	s14 =	simm.s32 $0x3;
	s3 =	sadd.s32 s8, s3;
	s6 =	simm.s32 $0x40  }
0x11f: {  	[tilespmem:s1], [sflag:$0x3] =	stream.strided.gather [hbm4b:s3+s6], $0x280, s13, s6, $0x38;
	[tilespmem:$0x3C80] =	vst v63  }
0x120: {  	_ =	swait.ge [sflag:s14], $0x280  }
0x121: {  	p0 =	seq.s32 s29, $0x0;
	[sflag:s14] =	ssyncset.done $0x0  }
0x122: {  	s3 =	simm.s32 @!p0 $0x2;
	[sflag:s14] =	ssyncadd.s32 $0xFFFFFD80  }
0x123: {  	_ =	swait.ge @!p0 [sflag:s3], $0x400  }
0x124: {  	[sflag:s3] =	ssyncset.done @!p0 $0x0  }
0x125: {  	[sflag:s3] =	ssyncadd.s32 @!p0 $0xFFFFFC00  }
0x126: {  	_ =	swait.ge @!p0 [sflag:s3], $0x200  }
0x127: {  	[sflag:s3] =	ssyncset.done @!p0 $0x0  }
0x128: {  	[sflag:s3] =	ssyncadd.s32 @!p0 $0xFFFFFE00  }
0x129: {  	_ =	swait.ge @!p0 [sflag:s3], $0x200  }
0x12a: {  	[sflag:s3] =	ssyncset.done @!p0 $0x0  }
0x12b: {  	[sflag:s3] =	ssyncadd.s32 @!p0 $0xFFFFFE00  }
0x12c: {  	_ =	swait.ge @!p0 [sflag:s3], $0x400  }
0x12d: {  	[sflag:s3] =	ssyncset.done @!p0 $0x0  }
0x12e: {  	[sflag:s3] =	ssyncadd.s32 @!p0 $0xFFFFFC00  }
0x12f: {  	_ =	swait.ge @!p0 [sflag:s3], $0x800  }
0x130: {  	[sflag:s3] =	ssyncset.done @!p0 $0x0  }
0x131: {  	[sflag:s3] =	ssyncadd.s32 @!p0 $0xFFFFF800  }
0x132: {  	_ =	swait.ge @!p0 [sflag:s3], $0x800  }
0x133: {  	[sflag:s3] =	ssyncset.done @!p0 $0x0  }
0x134: {  	[sflag:s3] =	ssyncadd.s32 @!p0 $0xFFFFF800  }
0x135: {  	_ =	swait.ge @!p0 [sflag:s3], $0x200  }
0x136: {  	[sflag:s3] =	ssyncset.done @!p0 $0x0  }
0x137: {  	[sflag:s3] =	ssyncadd.s32 @!p0 $0xFFFFFE00  }
0x138: {  	_ =	swait.ge @!p0 [sflag:s3], $0x400  }
0x139: {  	[sflag:s3] =	ssyncset.done @!p0 $0x0  }
0x13a: {  	[sflag:s3] =	ssyncadd.s32 @!p0 $0xFFFFFC00  }
0x13b: {  	_ =	swait.ge @!p0 [sflag:s3], $0x800  }
0x13c: {  	[sflag:s3] =	ssyncset.done @!p0 $0x0  }
0x13d: {  	[sflag:s3] =	ssyncadd.s32 @!p0 $0xFFFFF800  }
0x13e: {  	_ =	swait.ge @!p0 [sflag:s3], $0x1000  }
0x13f: {  	s8 =	rddreg [dreg:$0x5]  }
0x140: {  	s24 =	rddreg [dreg:$0x4]  }
0x141: {  	s10 =	rddreg [dreg:$0x7]  }
0x142: {  	s26 =	rddreg [dreg:$0x13]  }
0x143: {  	s28 =	rddreg [dreg:$0x6]  }
0x144: {  	[sflag:s3] =	ssyncset.done @!p0 $0x0;
	s13 =	rddreg [dreg:$0x14]  }
0x145: {  	s14 =	rddreg [dreg:$0x15];
	[sflag:s3] =	ssyncadd.s32 @!p0 $0xFFFFF000  }
0x146: {  	[tilespmem:s15], [sflag:$0x1] =	stream.indirect.gather [hbm4b:s24+s6], $0x10, s1, s6, $0xb8;
	[tilespmem:$0x3C80] =	vst v63  }
0x147: {  	s9 =	rddreg [dreg:$0x17]  }
0x148: {  	[tilespmem:s16], [sflag:$0x1] =	stream.indirect.gather [hbm4b:s8+s6], $0x8, s6, s6, $0xb8;
	[tilespmem:$0x3C80] =	vst v63  }
0x149: {  	s24 =	rddreg [dreg:$0x8]  }
0x14a: {  	[tilespmem:s17], [sflag:$0x1] =	stream.indirect.gather [hbm4b:s28+s6], $0x8, s26, s6, $0xb8;
	[tilespmem:$0x3C80] =	vst v63  }
0x14b: {  	s26 =	rddreg [dreg:$0x16]  }
0x14c: {  	s28 =	rddreg [dreg:$0x9]  }
0x14d: {  	[tilespmem:s18], [sflag:$0x1] =	stream.indirect.gather [hbm4b:s10+s6], $0x10, s13, s6, $0xb8;
	[tilespmem:$0x3C80] =	vst v63  }
0x14e: {  	s13 =	rddreg [dreg:$0xa]  }
0x14f: {  	s10 =	rddreg [dreg:$0x1a]  }
0x150: {  	[tilespmem:s19], [sflag:$0x1] =	stream.indirect.gather [hbm4b:s24+s6], $0x20, s14, s6, $0xb8;
	[tilespmem:$0x3C80] =	vst v63  }
0x151: {  	s14 =	rddreg [dreg:$0x18]  }
0x152: {  	[tilespmem:s20], [sflag:$0x1] =	stream.indirect.gather [hbm4b:s28+s6], $0x20, s26, s6, $0xb8;
	[tilespmem:$0x3C80] =	vst v63  }
0x153: {  	s24 =	rddreg [dreg:$0xb]  }
0x154: {  	[tilespmem:s12], [sflag:$0x1] =	stream.indirect.gather [hbm4b:s13+s6], $0x8, s9, s6, $0xb8;
	[tilespmem:$0x3C80] =	vst v63  }
0x155: {  	s26 =	rddreg [dreg:$0x19]  }
0x156: {  	[tilespmem:s11], [sflag:$0x1] =	stream.indirect.gather [hbm4b:s24+s6], $0x10, s14, s6, $0xb8;
	[tilespmem:$0x3C80] =	vst v63  }
0x157: {  	s28 =	rddreg [dreg:$0xc]  }
0x158: {  	[tilespmem:s21], [sflag:$0x1] =	stream.indirect.gather [hbm4b:s28+s6], $0x20, s26, s6, $0xb8;
	[tilespmem:$0x3C80] =	vst v63  }
0x159: {  	s13 =	rddreg [dreg:$0xd]  }
0x15a: {  	[tilespmem:s23], [sflag:$0x1] =	stream.indirect.gather [hbm4b:s13+s6], $0x40, s10, s6, $0xb8;
	[tilespmem:$0x3C80] =	vst v63  }
0x15b: {  	_ =	swait.ge [sflag:s25], $0x400  }
0x15c: {  	[sflag:s25] =	ssyncset.done $0x0  }
0x15d: {  	[sflag:s25] =	ssyncadd.s32 $0xFFFFFC00  }
0x15e: {  	_ =	swait.ge [sflag:s25], $0x200  }
0x15f: {  	[sflag:s25] =	ssyncset.done $0x0  }
0x160: {  	[sflag:s25] =	ssyncadd.s32 $0xFFFFFE00  }
0x161: {  	_ =	swait.ge [sflag:s25], $0x200  }
0x162: {  	[sflag:s25] =	ssyncset.done $0x0  }
0x163: {  	[sflag:s25] =	ssyncadd.s32 $0xFFFFFE00  }
0x164: {  	_ =	swait.ge [sflag:s25], $0x400  }
0x165: {  	[sflag:s25] =	ssyncset.done $0x0  }
0x166: {  	[sflag:s25] =	ssyncadd.s32 $0xFFFFFC00  }
0x167: {  	_ =	swait.ge [sflag:s25], $0x800  }
0x168: {  	[sflag:s25] =	ssyncset.done $0x0  }
0x169: {  	[sflag:s25] =	ssyncadd.s32 $0xFFFFF800  }
0x16a: {  	_ =	swait.ge [sflag:s25], $0x800  }
0x16b: {  	[sflag:s25] =	ssyncset.done $0x0  }
0x16c: {  	[sflag:s25] =	ssyncadd.s32 $0xFFFFF800  }
0x16d: {  	_ =	swait.ge [sflag:s25], $0x200  }
0x16e: {  	[sflag:s25] =	ssyncset.done $0x0  }
0x16f: {  	[sflag:s25] =	ssyncadd.s32 $0xFFFFFE00  }
0x170: {  	_ =	swait.ge [sflag:s25], $0x400  }
0x171: {  	[sflag:s25] =	ssyncset.done $0x0  }
0x172: {  	[sflag:s25] =	ssyncadd.s32 $0xFFFFFC00  }
0x173: {  	_ =	swait.ge [sflag:s25], $0x800  }
0x174: {  	[sflag:s25] =	ssyncset.done $0x0  }
0x175: {  	[sflag:s25] =	ssyncadd.s32 $0xFFFFF800  }
0x176: {  	_ =	swait.ge [sflag:s25], $0x1000  }
0x177: {  	[sflag:s25] =	ssyncset.done $0x0  }
0x178: {  	s14 =	rddreg [dreg:$0xe];
	[sflag:s25] =	ssyncadd.s32 $0xFFFFF000  }
0x179: {  	[hbm4b:s7+s1] =	stream.linear.scatter [tilespmem:s15], [sflag:$0x2], $0x400, $0x38;
	[tilespmem:$0x3C80] =	vst v63  }
0x17a: {  	s3 =	sadd.s32 s29, s14;
	s15 =	rddreg [dreg:$0xf]  }
0x17b: {  	[hbm4b:s3+s1] =	stream.linear.scatter [tilespmem:s16], [sflag:$0x2], $0x200, $0x38;
	[tilespmem:$0x3C80] =	vst v63  }
0x17c: {  	s16 =	sadd.s32 s29, s15  }
0x17d: {  	[hbm4b:s16+s1] =	stream.linear.scatter [tilespmem:s17], [sflag:$0x2], $0x200, $0x38;
	[tilespmem:$0x3C80] =	vst v63  }
0x17e: {  	_ = 	snop  }
0x17f: {  	[hbm4b:s2+s1] =	stream.linear.scatter [tilespmem:s18], [sflag:$0x2], $0x400, $0x38;
	[tilespmem:$0x3C80] =	vst v63  }
0x180: {  	s18 =	sadd.s32 s4, s22  }
0x181: {  	[hbm4b:s18+s1] =	stream.linear.scatter [tilespmem:s19], [sflag:$0x2], $0x800, $0x38;
	[tilespmem:$0x3C80] =	vst v63  }
0x182: {  	s26 =	sadd.s32 s5, s22;
	s24 =	rddreg [dreg:$0x10]  }
0x183: {  	[hbm4b:s26+s1] =	stream.linear.scatter [tilespmem:s20], [sflag:$0x2], $0x800, $0x38;
	[tilespmem:$0x3C80] =	vst v63  }
0x184: {  	s2 =	sadd.s32 s29, s24  }
0x185: {  	[hbm4b:s2+s1] =	stream.linear.scatter [tilespmem:s12], [sflag:$0x2], $0x200, $0x38;
	[tilespmem:$0x3C80] =	vst v63  }
0x186: {  	_ = 	snop  }
0x187: {  	[hbm4b:s30+s1] =	stream.linear.scatter [tilespmem:s11], [sflag:$0x2], $0x400, $0x38;
	[tilespmem:$0x3C80] =	vst v63  }
0x188: {  	s0 =	sadd.s32 s0, s22  }
0x189: {  	[hbm4b:s0+s1] =	stream.linear.scatter [tilespmem:s21], [sflag:$0x2], $0x800, $0x38;
	[tilespmem:$0x3C80] =	vst v63  }
0x18a: {  	s28 =	sadd.s32 $0x200, s31;
	s29 =	simm.s32 $0x2  }
0x18b: {  	[hbm4b:s28+s1] =	stream.linear.scatter [tilespmem:s23], [sflag:$0x2], $0x1000, $0x38;
	[tilespmem:$0x3C80] =	vst v63  }
0x18c: {  	_ =	swait.ge [sflag:s29], $0x400  }
0x18d: {  	[sflag:s29] =	ssyncset.done $0x0  }
0x18e: {  	[sflag:s29] =	ssyncadd.s32 $0xFFFFFC00  }
0x18f: {  	_ =	swait.ge [sflag:s29], $0x200  }
0x190: {  	[sflag:s29] =	ssyncset.done $0x0  }
0x191: {  	[sflag:s29] =	ssyncadd.s32 $0xFFFFFE00  }
0x192: {  	_ =	swait.ge [sflag:s29], $0x200  }
0x193: {  	[sflag:s29] =	ssyncset.done $0x0  }
0x194: {  	[sflag:s29] =	ssyncadd.s32 $0xFFFFFE00  }
0x195: {  	_ =	swait.ge [sflag:s29], $0x400  }
0x196: {  	[sflag:s29] =	ssyncset.done $0x0  }
0x197: {  	[sflag:s29] =	ssyncadd.s32 $0xFFFFFC00  }
0x198: {  	_ =	swait.ge [sflag:s29], $0x800  }
0x199: {  	[sflag:s29] =	ssyncset.done $0x0  }
0x19a: {  	[sflag:s29] =	ssyncadd.s32 $0xFFFFF800  }
0x19b: {  	_ =	swait.ge [sflag:s29], $0x800  }
0x19c: {  	[sflag:s29] =	ssyncset.done $0x0  }
0x19d: {  	[sflag:s29] =	ssyncadd.s32 $0xFFFFF800  }
0x19e: {  	_ =	swait.ge [sflag:s29], $0x200  }
0x19f: {  	[sflag:s29] =	ssyncset.done $0x0  }
0x1a0: {  	[sflag:s29] =	ssyncadd.s32 $0xFFFFFE00  }
0x1a1: {  	_ =	swait.ge [sflag:s29], $0x400  }
0x1a2: {  	[sflag:s29] =	ssyncset.done $0x0  }
0x1a3: {  	[sflag:s29] =	ssyncadd.s32 $0xFFFFFC00  }
0x1a4: {  	_ =	swait.ge [sflag:s29], $0x800  }
0x1a5: {  	[sflag:s29] =	ssyncset.done $0x0  }
0x1a6: {  	[sflag:s29] =	ssyncadd.s32 $0xFFFFF800  }
0x1a7: {  	_ =	swait.ge [sflag:s29], $0x1000  }
0x1a8: {  	s30 =	sld [smem:$0x7F8];
	_ =	sdelay $0x2  }
0x1a9: {  	s31 =	rddreg [dreg:$0x1d];
	s2 =	sadd.s32 $0x1, s30  }
0x1aa: {  	p0 =	sne.s32 s2, s31  }
.Ltmp1:
0x1ab: {  	_ = 	snop;
	(pc) =	sbr.rel @p0 .LBB2_1-.Ltmp1, $4  }
0x1ac: {  	s6 =	simm.s32 $0x280;
	s13 =	simm.s32 $0x680;
	s14 =	simm.s32 $0x880  }
0x1ad: {  	s15 =	simm.s32 $0xA80;
	s16 =	simm.s32 $0xE80;
	s17 =	simm.s32 $0x1680  }
0x1ae: {  	s18 =	simm.s32 $0x1E80;
	s19 =	simm.s32 $0x2080;
	[sflag:s29] =	ssyncset.done $0x0  }
0x1af: {  	s20 =	simm.s32 $0x2480;
	s21 =	simm.s32 $0x2C80;
	[sflag:s29] =	ssyncadd.s32 $0xFFFFF000  }
0x1b0: {  	_ =	sfence.sel $0x180000  }
0x1b1: {  	[bflag:$0x0] =	sbarrier.arrive $0xFFFF  }
0x1b2: {  	_ =	strace $0x90000047  }
0x1b3: {  	s0 =	stileid.u32;
	[bflag:$0x2] =	sbarrier.arrive $0xFFFF  }
0x1b4: {  	p0 =	sne.s32 s0, $0x0;
	s0 =	rddreg [dreg:$0x2]  }
0x1b5: {  	s0 =	sadd.s32 @!p0 $0x100000, s0  }
0x1b6: {  	[sflag:s0] =	ssyncadd.tile.s32 @!p0 $0x1;
	_ =	shalt  }
.Lfunc_end2:
_tile_overlayer_lowered:
.L_overlay_start_2:
0x1b7: {  	(tag) =	ssettag $0x2  }
0x1b8: {  	s0 =	rddreg [dreg:$0x0];
	s2 =	stileid.u32  }
0x1b9: {  	s1 =	rddreg [dreg:$0x1];
	p0 =	sne.s32 s2, $0x0  }
0x1ba: {  	s3 =	rddreg [dreg:$0x2];
	[bflag:$0x3] =	sbarrier.arrive $0xFFFF;
	s2 =	simm.s32 @!p0 $0x1C03  }
0x1bb: {  	[timem:s3], [sflag:s2] =	dma.local @!p0 [hbm:s0], s1  }
0x1bc: {  	s0 =	simm.s32 @!p0 $0x3  }
0x1bd: {  	_ =	swait.ge @!p0 [sflag:s0], s1  }
0x1be: {  	s1 =	ssub.s32 @!p0 $0x0, s1;
	[sflag:s0] =	ssyncset.done @!p0 $0x0  }
0x1bf: {  	[sflag:s0] =	ssyncadd.s32 @!p0 s1  }
0x1c0: {  	[bflag:$0x3] =	sbarrier.arrive $0xFFFF  }
0x1c1: {  	_ =	shalt  }

</sc_bundles>
